<compile_context>
chip_gen: v7x
topology: tpu7x:2x2x1
jax: 0.10.2.dev20260603
libtpu: 0.0.44.dev20260713+nightly
codegen_flags: <defaults>
</compile_context>

<pallas_src>
import functools

import jax
import jax.numpy as jnp
from jax import lax
from jax.experimental import pallas as pl
from jax.experimental.pallas import tpu as pltpu
from jax.experimental.pallas import tpu_sc as plsc

N = 10000
E = 320000
D = 128
H = 64
WID = 128

NC = 2
NS = 16
NW = NC * NS
EPW = E // NW
CH = 80
NCHUNK = EPW // CH
NBUF = 5
CHS = 40
NCHUNKS = EPW // CHS

BE = 3200
NSLICE = 3


def _silu(x):
    return x * jax.nn.sigmoid(x)


def _prep_body(f_ref, c64_ref, w1a_ref, w1b_ref, b1_ref, rr_ref, rc_ref):
    f = f_ref[...]
    rr_ref[:, :H] = (jnp.dot(f, w1a_ref[...], preferred_element_type=jnp.float32)
                     + b1_ref[...])
    rr_ref[:, H:] = c64_ref[...]
    rc_ref[:, :H] = jnp.dot(f, w1b_ref[...], preferred_element_type=jnp.float32)
    rc_ref[:, H:] = -c64_ref[...]


def _prep(features, coords64, w1a, w1b, b1):
    return pl.pallas_call(
        _prep_body,
        out_shape=[
            jax.ShapeDtypeStruct((N, WID), jnp.float32),
            jax.ShapeDtypeStruct((N, WID), jnp.float32),
        ],
    )(features, coords64, w1a, w1b, b1)


def _make_gather(epw, nchunk, ch, nbuf):
    es = epw * NW

    def _gather_body(rr_hbm, rc_hbm, row3_hbm, col3_hbm, z_hbm, *scr):
        idxr_v, idxc_v = scr[0], scr[1]
        bufs = scr[2:2 + nbuf]
        sems = scr[2 + nbuf:2 + 2 * nbuf]
        wsem = scr[2 + 2 * nbuf]
        wid = lax.axis_index("s") * NC + lax.axis_index("c")
        base = wid * epw

        pltpu.sync_copy(row3_hbm.at[wid], idxr_v)
        pltpu.sync_copy(col3_hbm.at[wid], idxc_v)

        def body(g, carry):
            i0 = g * nbuf
            gds = []
            for b in range(nbuf):
                gd = pltpu.make_async_copy(
                    rr_hbm.at[idxr_v.at[i0 + b]], bufs[b], sems[b])
                gd.start()
                gds.append(gd)
            ads = []
            for b in range(nbuf):
                gds[b].wait()
                ad = pltpu.make_async_copy(
                    rc_hbm.at[idxc_v.at[i0 + b]], bufs[b], sems[b])
                ad.start(add=True)
                ads.append(ad)
            wds = []
            for b in range(nbuf):
                ads[b].wait()
                wd = pltpu.make_async_copy(
                    bufs[b], z_hbm.at[pl.ds(base + (i0 + b) * ch, ch)], wsem)
                wd.start()
                wds.append(wd)
            for b in range(nbuf):
                wds[b].wait()
            return carry

        lax.fori_loop(0, nchunk // nbuf, body, 0)

    mesh = plsc.VectorSubcoreMesh(
        core_axis_name="c", subcore_axis_name="s", num_cores=NC, num_subcores=NS)
    return functools.partial(
        pl.kernel,
        out_type=jax.ShapeDtypeStruct((es, WID), jnp.float32),
        mesh=mesh,
        scratch_types=[
            pltpu.VMEM((nchunk, ch), jnp.int32),
            pltpu.VMEM((nchunk, ch), jnp.int32),
        ] + [pltpu.VMEM((ch, WID), jnp.float32)] * nbuf
          + [pltpu.SemaphoreType.DMA] * (nbuf + 1),
    )(_gather_body)


def _edge_body(z_ref, w1c_ref, w2_ref, b2_ref,
               w3_ref, b3_ref, w4_ref, b4_ref, out_ref):
    zs = z_ref[:, :H]
    diff16 = z_ref[:, H:]
    dist = jnp.sum(diff16 * diff16, axis=1, keepdims=True)
    m = _silu(zs + dist * w1c_ref[...])
    msg = _silu(jnp.dot(m, w2_ref[...], preferred_element_type=jnp.float32)
                + b2_ref[...])
    c3 = _silu(jnp.dot(msg, w3_ref[...], preferred_element_type=jnp.float32)
               + b3_ref[...])
    cw = jnp.sum(c3 * w4_ref[...], axis=1, keepdims=True) + b4_ref[...]
    out_ref[:, :H] = msg
    out_ref[:, H:] = cw * diff16


def _edge_mlp(z, w1c, w2, b2, w3, b3, w4r, b4):
    nblk = z.shape[0] // BE
    blk = lambda i: (i, 0)
    fixed = lambda i: (0, 0)
    return pl.pallas_call(
        _edge_body,
        grid=(nblk,),
        in_specs=[
            pl.BlockSpec((BE, WID), blk),
            pl.BlockSpec((1, H), fixed),
            pl.BlockSpec((H, H), fixed),
            pl.BlockSpec((1, H), fixed),
            pl.BlockSpec((H, H), fixed),
            pl.BlockSpec((1, H), fixed),
            pl.BlockSpec((1, H), fixed),
            pl.BlockSpec((1, 1), fixed),
        ],
        out_specs=pl.BlockSpec((BE, WID), blk),
        out_shape=jax.ShapeDtypeStruct((z.shape[0], WID), jnp.float32),
    )(z, w1c, w2, b2, w3, b3, w4r, b4)


def _make_scatter(epw, nchunks, chs):
    es = epw * NW

    def _scatter_body(u_hbm, row2s_hbm, zeros_hbm, out_hbm,
                      i0, i1, i2, i3, i4, b0, b1, b2, b3, b4,
                      t0, t1, t2, t3, t4, s0, s1, s2, s3, s4, acc_sh):
        cid = lax.axis_index("c")
        sid = lax.axis_index("s")
        wid = sid * NC + cid
        base = wid * epw
        ibufs = (i0, i1, i2, i3, i4)
        bufs = (b0, b1, b2, b3, b4)
        isems = (t0, t1, t2, t3, t4)
        sems = (s0, s1, s2, s3, s4)

        @pl.when(sid == 0)
        def _():
            pltpu.sync_copy(zeros_hbm, acc_sh)

        plsc.subcore_barrier()

        def body(g, carry):
            i0_ = g * NBUF
            ids = []
            pds = []
            for b in range(NBUF):
                idd = pltpu.make_async_copy(
                    row2s_hbm.at[wid * nchunks + i0_ + b], ibufs[b], isems[b])
                idd.start()
                ids.append(idd)
                pd = pltpu.make_async_copy(
                    u_hbm.at[pl.ds(base + (i0_ + b) * chs, chs)], bufs[b], sems[b])
                pd.start()
                pds.append(pd)
            sds = []
            for b in range(NBUF):
                ids[b].wait()
                pds[b].wait()
                sd = pltpu.make_async_copy(bufs[b], acc_sh.at[ibufs[b]], sems[b])
                sd.start(add=True)
                sds.append(sd)
            for b in range(NBUF):
                sds[b].wait()
            return carry

        lax.fori_loop(0, nchunks // NBUF, body, 0)
        plsc.subcore_barrier()

        @pl.when(sid == 0)
        def _():
            pltpu.sync_copy(acc_sh, out_hbm.at[cid])

    mesh = plsc.VectorSubcoreMesh(
        core_axis_name="c", subcore_axis_name="s", num_cores=NC, num_subcores=NS)
    return functools.partial(
        pl.kernel,
        out_type=jax.ShapeDtypeStruct((NC, N, WID), jnp.float32),
        mesh=mesh,
        scratch_types=[pltpu.VMEM((chs,), jnp.int32)] * NBUF
          + [pltpu.VMEM((chs, WID), jnp.float32)] * NBUF
          + [pltpu.SemaphoreType.DMA] * (2 * NBUF)
          + [pltpu.VMEM_SHARED((N, WID), jnp.float32)],
    )(_scatter_body)


def _final_body(*refs):
    f_ref, c64_ref = refs[0], refs[1]
    scat_refs = refs[2:2 + NSLICE]
    w5a_ref, w5b_ref, b5_ref, nf_ref, nc64_ref = refs[2 + NSLICE:]
    f = f_ref[...]
    agg = scat_refs[0][0, :, :H] + scat_refs[0][1, :, :H]
    cupd = scat_refs[0][0, :, H:] + scat_refs[0][1, :, H:]
    for s_ref in scat_refs[1:]:
        agg = agg + s_ref[0, :, :H] + s_ref[1, :, :H]
        cupd = cupd + s_ref[0, :, H:] + s_ref[1, :, H:]
    pre = (jnp.dot(f, w5a_ref[...], preferred_element_type=jnp.float32)
           + jnp.dot(agg, w5b_ref[...], preferred_element_type=jnp.float32)
           + b5_ref[...])
    nf_ref[...] = _silu(pre)
    nc64_ref[...] = c64_ref[...] + cupd


def _final(features, coords64, scats, w5a, w5b, b5):
    bn = 2000
    nblk = N // bn
    blk2 = lambda i: (i, 0)
    blk3 = lambda i: (0, i, 0)
    fixed = lambda i: (0, 0)
    return pl.pallas_call(
        _final_body,
        grid=(nblk,),
        in_specs=[
            pl.BlockSpec((bn, D), blk2),
            pl.BlockSpec((bn, H), blk2),
        ] + [pl.BlockSpec((NC, bn, WID), blk3)] * NSLICE + [
            pl.BlockSpec((D, D), fixed),
            pl.BlockSpec((H, D), fixed),
            pl.BlockSpec((1, D), fixed),
        ],
        out_specs=[
            pl.BlockSpec((bn, D), blk2),
            pl.BlockSpec((bn, H), blk2),
        ],
        out_shape=[
            jax.ShapeDtypeStruct((N, D), jnp.float32),
            jax.ShapeDtypeStruct((N, H), jnp.float32),
        ],
    )(features, coords64, *scats, w5a, w5b, b5)


def kernel(features, coords, edge_index, W1, b1, W2, b2, W3, b3, W4, b4, W5, b5):
    row = edge_index[0].astype(jnp.int32)
    col = edge_index[1].astype(jnp.int32)
    coords64 = jnp.pad(coords, ((0, 0), (0, 61)))

    w1a = W1[:D]
    w1b = W1[D:2 * D]
    w1c = W1[2 * D].reshape(1, H)

    rr, rc = _prep(features, coords64, w1a, w1b, b1.reshape(1, H))

    row_g = row.reshape(NW, NCHUNK, CH)
    col_g = col.reshape(NW, NCHUNK, CH)
    row_s = row.reshape(NW, NCHUNKS, CHS)
    bounds_g = (0, 40, 80, NCHUNK)
    bounds_s = (0, 80, 160, NCHUNKS)
    zeros = jnp.zeros((N, WID), jnp.float32)

    scats = []
    for si in range(NSLICE):
        ncg = bounds_g[si + 1] - bounds_g[si]
        ncs = bounds_s[si + 1] - bounds_s[si]
        epw = ncg * CH
        gather = _make_gather(epw, ncg, CH, NBUF)
        scatter = _make_scatter(epw, ncs, CHS)
        r3 = row_g[:, bounds_g[si]:bounds_g[si + 1]]
        c3 = col_g[:, bounds_g[si]:bounds_g[si + 1]]
        r2s = row_s[:, bounds_s[si]:bounds_s[si + 1]].reshape(NW * ncs, CHS)
        z = gather(rr, rc, r3, c3)
        payload = _edge_mlp(
            z, w1c, W2, b2.reshape(1, H),
            W3, b3.reshape(1, H), W4.reshape(1, H), b4.reshape(1, 1))
        scats.append(scatter(payload, r2s, zeros))

    new_features, nc64 = _final(features, coords64, scats,
                                W5[:D], W5[D:], b5.reshape(1, D))
    return (new_features, nc64[:, :3])

# --- scband reference (transcript-rebuilt; emitter-appended) ---
"""Pipeline reference for scband-se3-equivariant-layer-83270825935544 (READ-ONLY COPY).

The authoritative reference and input builder live on the scoring server;
editing this copy changes nothing except your own understanding.
"""

import jax, jax.numpy as jnp
import numpy as np

N_NODES = 10000
N_EDGES = 320000
D_IN = 128
D_OUT = 128
H = 64
EDGE_IN = D_IN * 2 + 1  # 257

def silu(x):
    return x * jax.nn.sigmoid(x)

def setup_inputs(seed: int = 0) -> dict:
    key = jax.random.key(seed)
    ks = jax.random.split(key, 16)
    features = jax.random.normal(ks[0], (N_NODES, D_IN), dtype=jnp.float32)
    coords = jax.random.normal(ks[1], (N_NODES, 3), dtype=jnp.float32)
    edge_index = jax.random.randint(ks[2], (2, N_EDGES), 0, N_NODES, dtype=jnp.int64)
    def lin(k, fan_in, fan_out):
        kw, kb = jax.random.split(k)
        bound = 1.0 / np.sqrt(fan_in)
        W = jax.random.uniform(kw, (fan_in, fan_out), minval=-bound, maxval=bound, dtype=jnp.float32)
        b = jax.random.uniform(kb, (fan_out,), minval=-bound, maxval=bound, dtype=jnp.float32)
        return W, b
    W1, b1 = lin(ks[3], EDGE_IN, H)
    W2, b2 = lin(ks[4], H, H)
    W3, b3 = lin(ks[5], H, H)
    W4, b4 = lin(ks[6], H, 1)
    W5, b5 = lin(ks[7], D_IN + H, D_OUT)
    return {"features": features, "coords": coords, "edge_index": edge_index,
            "W1": W1, "b1": b1, "W2": W2, "b2": b2, "W3": W3, "b3": b3,
            "W4": W4, "b4": b4, "W5": W5, "b5": b5}

def reference(features, coords, edge_index, W1, b1, W2, b2, W3, b3, W4, b4, W5, b5):
    row = edge_index[0]
    col = edge_index[1]
    edge_diff = coords[row] - coords[col]                       # [E, 3]
    edge_dist = jnp.sum(edge_diff ** 2, axis=-1, keepdims=True)  # [E, 1]
    edge_features = jnp.concatenate([features[row], features[col], edge_dist], axis=-1)  # [E, 257]
    m = silu(edge_features @ W1 + b1)
    messages = silu(m @ W2 + b2)                                # [E, H]
    c = silu(messages @ W3 + b3)
    coord_weights = c @ W4 + b4                                 # [E, 1]
    coord_update = coord_weights * edge_diff                    # [E, 3]
    new_coords = coords + jax.ops.segment_sum(coord_update, row, num_segments=N_NODES)
    aggregated = jax.ops.segment_sum(messages, row, num_segments=N_NODES)  # [N, H]
    new_features = silu(jnp.concatenate([features, aggregated], axis=-1) @ W5 + b5)
    return (new_features, new_coords)

if __name__ == "__main__":
    import jax
    _d = setup_inputs()
    print(jax.jit(kernel)(*tuple(_d.values())))

</pallas_src>

<mosaic_0001>
#map = affine_map<(d0, d1) -> (0, 0)>
#map1 = affine_map<(d0, d1) -> (0, 0, 0)>
module attributes {stable_mosaic.version = 14 : i64} {
  func.func @_gather_body(%arg0: i32, %arg1: i32, %arg2: memref<10000x128xf32, #tpu.memory_space<hbm>>, %arg3: memref<10000x128xf32, #tpu.memory_space<hbm>>, %arg4: memref<32x45x80xi32, #tpu.memory_space<hbm>>, %arg5: memref<32x45x80xi32, #tpu.memory_space<hbm>>, %arg6: memref<115200x128xf32, #tpu.memory_space<hbm>>, %arg7: memref<45x80xi32, #tpu.memory_space<vmem>>, %arg8: memref<45x80xi32, #tpu.memory_space<vmem>>, %arg9: memref<80x128xf32, #tpu.memory_space<vmem>>, %arg10: memref<80x128xf32, #tpu.memory_space<vmem>>, %arg11: memref<80x128xf32, #tpu.memory_space<vmem>>, %arg12: memref<80x128xf32, #tpu.memory_space<vmem>>, %arg13: memref<80x128xf32, #tpu.memory_space<vmem>>, %arg14: memref<!tpu.dma_semaphore, #tpu.memory_space<semaphore_mem>>, %arg15: memref<!tpu.dma_semaphore, #tpu.memory_space<semaphore_mem>>, %arg16: memref<!tpu.dma_semaphore, #tpu.memory_space<semaphore_mem>>, %arg17: memref<!tpu.dma_semaphore, #tpu.memory_space<semaphore_mem>>, %arg18: memref<!tpu.dma_semaphore, #tpu.memory_space<semaphore_mem>>, %arg19: memref<!tpu.dma_semaphore, #tpu.memory_space<semaphore_mem>>) attributes {dimension_semantics = [#tpu.dimension_semantics<core_parallel>, #tpu.dimension_semantics<subcore_parallel>], iteration_bounds = array<i64: 2, 16>, scalar_prefetch = 0 : i64, scratch_operands = 13 : i64, tpu.core_type = #tpu.core_type<sc_vector_subcore>, window_params = [{transform_indices = #map}, {transform_indices = #map}, {transform_indices = #map1}, {transform_indices = #map1}, {transform_indices = #map}]} {
    %mul3A = arith.constant 2 : i32
    %mul3A_0 = arith.muli %arg1, %mul3A : i32
    %add3A = arith.addi %mul3A_0, %arg0 : i32
    %mul3A_1 = arith.constant 3600 : i32
    %mul3A_2 = arith.muli %add3A, %mul3A_1 : i32
    "tpu.region"() ({
      %run_scoped3A = tpu.sem_alloc : memref<!tpu.dma_semaphore, #tpu.memory_space<semaphore_mem>>
      %dma_start3A = arith.constant 0 : i32
      %dma_start3A_8 = arith.constant 0 : i32
      %dma_start3A_9 = tpu.memref_slice %arg4[%add3A, %dma_start3A, %dma_start3A_8] : memref<32x45x80xi32, #tpu.memory_space<hbm>> -> memref<1x45x80xi32, #tpu.memory_space<hbm>>
      %dma_start3A_10 = tpu.memref_squeeze %dma_start3A_9 : memref<1x45x80xi32, #tpu.memory_space<hbm>> -> memref<45x80xi32, #tpu.memory_space<hbm>>
      %dma_start3A_11 = arith.constant 0 : i32
      %dma_start3A_12 = arith.constant 0 : i32
      %dma_start3A_13 = tpu.memref_slice %arg4[%add3A, %dma_start3A_11, %dma_start3A_12] : memref<32x45x80xi32, #tpu.memory_space<hbm>> -> memref<1x45x80xi32, #tpu.memory_space<hbm>>
      %dma_start3A_14 = tpu.memref_squeeze %dma_start3A_13 : memref<1x45x80xi32, #tpu.memory_space<hbm>> -> memref<45x80xi32, #tpu.memory_space<hbm>>
      tpu.enqueue_dma source(%dma_start3A_14 : memref<45x80xi32, #tpu.memory_space<hbm>>) target(%arg7 : memref<45x80xi32, #tpu.memory_space<vmem>>) target_semaphore(%run_scoped3A : memref<!tpu.dma_semaphore, #tpu.memory_space<semaphore_mem>>)
      %dma_wait3A = arith.constant 0 : i32
      %dma_wait3A_15 = arith.constant 0 : i32
      %dma_wait3A_16 = tpu.memref_slice %arg4[%add3A, %dma_wait3A, %dma_wait3A_15] : memref<32x45x80xi32, #tpu.memory_space<hbm>> -> memref<1x45x80xi32, #tpu.memory_space<hbm>>
      %dma_wait3A_17 = tpu.memref_squeeze %dma_wait3A_16 : memref<1x45x80xi32, #tpu.memory_space<hbm>> -> memref<45x80xi32, #tpu.memory_space<hbm>>
      %dma_wait3A_18 = arith.constant 0 : i32
      %dma_wait3A_19 = arith.constant 0 : i32
      %dma_wait3A_20 = tpu.memref_slice %arg4[%add3A, %dma_wait3A_18, %dma_wait3A_19] : memref<32x45x80xi32, #tpu.memory_space<hbm>> -> memref<1x45x80xi32, #tpu.memory_space<hbm>>
      %dma_wait3A_21 = tpu.memref_squeeze %dma_wait3A_20 : memref<1x45x80xi32, #tpu.memory_space<hbm>> -> memref<45x80xi32, #tpu.memory_space<hbm>>
      tpu.wait_dma2 semaphore(%run_scoped3A : memref<!tpu.dma_semaphore, #tpu.memory_space<semaphore_mem>>) src(%dma_wait3A_21 : memref<45x80xi32, #tpu.memory_space<hbm>>) dst(%arg7 : memref<45x80xi32, #tpu.memory_space<vmem>>)
      tpu.yield
    }) : () -> ()
    "tpu.region"() ({
      %run_scoped3A = tpu.sem_alloc : memref<!tpu.dma_semaphore, #tpu.memory_space<semaphore_mem>>
      %dma_start3A = arith.constant 0 : i32
      %dma_start3A_8 = arith.constant 0 : i32
      %dma_start3A_9 = tpu.memref_slice %arg5[%add3A, %dma_start3A, %dma_start3A_8] : memref<32x45x80xi32, #tpu.memory_space<hbm>> -> memref<1x45x80xi32, #tpu.memory_space<hbm>>
      %dma_start3A_10 = tpu.memref_squeeze %dma_start3A_9 : memref<1x45x80xi32, #tpu.memory_space<hbm>> -> memref<45x80xi32, #tpu.memory_space<hbm>>
      %dma_start3A_11 = arith.constant 0 : i32
      %dma_start3A_12 = arith.constant 0 : i32
      %dma_start3A_13 = tpu.memref_slice %arg5[%add3A, %dma_start3A_11, %dma_start3A_12] : memref<32x45x80xi32, #tpu.memory_space<hbm>> -> memref<1x45x80xi32, #tpu.memory_space<hbm>>
      %dma_start3A_14 = tpu.memref_squeeze %dma_start3A_13 : memref<1x45x80xi32, #tpu.memory_space<hbm>> -> memref<45x80xi32, #tpu.memory_space<hbm>>
      tpu.enqueue_dma source(%dma_start3A_14 : memref<45x80xi32, #tpu.memory_space<hbm>>) target(%arg8 : memref<45x80xi32, #tpu.memory_space<vmem>>) target_semaphore(%run_scoped3A : memref<!tpu.dma_semaphore, #tpu.memory_space<semaphore_mem>>)
      %dma_wait3A = arith.constant 0 : i32
      %dma_wait3A_15 = arith.constant 0 : i32
      %dma_wait3A_16 = tpu.memref_slice %arg5[%add3A, %dma_wait3A, %dma_wait3A_15] : memref<32x45x80xi32, #tpu.memory_space<hbm>> -> memref<1x45x80xi32, #tpu.memory_space<hbm>>
      %dma_wait3A_17 = tpu.memref_squeeze %dma_wait3A_16 : memref<1x45x80xi32, #tpu.memory_space<hbm>> -> memref<45x80xi32, #tpu.memory_space<hbm>>
      %dma_wait3A_18 = arith.constant 0 : i32
      %dma_wait3A_19 = arith.constant 0 : i32
      %dma_wait3A_20 = tpu.memref_slice %arg5[%add3A, %dma_wait3A_18, %dma_wait3A_19] : memref<32x45x80xi32, #tpu.memory_space<hbm>> -> memref<1x45x80xi32, #tpu.memory_space<hbm>>
      %dma_wait3A_21 = tpu.memref_squeeze %dma_wait3A_20 : memref<1x45x80xi32, #tpu.memory_space<hbm>> -> memref<45x80xi32, #tpu.memory_space<hbm>>
      tpu.wait_dma2 semaphore(%run_scoped3A : memref<!tpu.dma_semaphore, #tpu.memory_space<semaphore_mem>>) src(%dma_wait3A_21 : memref<45x80xi32, #tpu.memory_space<hbm>>) dst(%arg8 : memref<45x80xi32, #tpu.memory_space<vmem>>)
      tpu.yield
    }) : () -> ()
    %scan3A = arith.constant 0 : i32
    %scan3A_3 = arith.constant 0 : i32
    %scan3A_4 = arith.constant 9 : i32
    %scan3A_5 = arith.addi %scan3A_3, %scan3A_4 : i32
    %scan3A_6 = arith.constant 1 : i32
    scf.for %scan3A_8 = %scan3A_3 to %scan3A_5 step %scan3A_6  : i32 {
      %mul3A_9 = arith.constant 5 : i32
      %mul3A_10 = arith.muli %scan3A_8, %mul3A_9 : i32
      %add3A_11 = arith.constant 0 : i32
      %add3A_12 = arith.addi %mul3A_10, %add3A_11 : i32
      %dma_start3A = arith.constant 0 : i32
      %dma_start3A_13 = tpu.memref_slice %arg7[%add3A_12, %dma_start3A] : memref<45x80xi32, #tpu.memory_space<vmem>> -> memref<1x80xi32, #tpu.memory_space<vmem>>
      %dma_start3A_14 = tpu.memref_squeeze %dma_start3A_13 : memref<1x80xi32, #tpu.memory_space<vmem>> -> memref<80xi32, #tpu.memory_space<vmem>>
      %dma_start3A_15 = arith.constant 0 : i32
      %dma_start3A_16 = arith.constant 0 : i32
      %dma_start3A_17 = tpu.memref_slice %arg2[%dma_start3A_15, %dma_start3A_16] : memref<10000x128xf32, #tpu.memory_space<hbm>> -> memref<10000x128xf32, #tpu.memory_space<hbm>>
      tpu.enqueue_indirect_dma source(%dma_start3A_17 : memref<10000x128xf32, #tpu.memory_space<hbm>>) target(%arg9 : memref<80x128xf32, #tpu.memory_space<vmem>>) offsets(%dma_start3A_14 : memref<80xi32, #tpu.memory_space<vmem>>) semaphore(%arg14 : memref<!tpu.dma_semaphore, #tpu.memory_space<semaphore_mem>>)
      %add3A_18 = arith.constant 1 : i32
      %add3A_19 = arith.addi %mul3A_10, %add3A_18 : i32
      %dma_start3A_20 = arith.constant 0 : i32
      %dma_start3A_21 = tpu.memref_slice %arg7[%add3A_19, %dma_start3A_20] : memref<45x80xi32, #tpu.memory_space<vmem>> -> memref<1x80xi32, #tpu.memory_space<vmem>>
      %dma_start3A_22 = tpu.memref_squeeze %dma_start3A_21 : memref<1x80xi32, #tpu.memory_space<vmem>> -> memref<80xi32, #tpu.memory_space<vmem>>
      %dma_start3A_23 = arith.constant 0 : i32
      %dma_start3A_24 = arith.constant 0 : i32
      %dma_start3A_25 = tpu.memref_slice %arg2[%dma_start3A_23, %dma_start3A_24] : memref<10000x128xf32, #tpu.memory_space<hbm>> -> memref<10000x128xf32, #tpu.memory_space<hbm>>
      tpu.enqueue_indirect_dma source(%dma_start3A_25 : memref<10000x128xf32, #tpu.memory_space<hbm>>) target(%arg10 : memref<80x128xf32, #tpu.memory_space<vmem>>) offsets(%dma_start3A_22 : memref<80xi32, #tpu.memory_space<vmem>>) semaphore(%arg15 : memref<!tpu.dma_semaphore, #tpu.memory_space<semaphore_mem>>)
      %add3A_26 = arith.constant 2 : i32
      %add3A_27 = arith.addi %mul3A_10, %add3A_26 : i32
      %dma_start3A_28 = arith.constant 0 : i32
      %dma_start3A_29 = tpu.memref_slice %arg7[%add3A_27, %dma_start3A_28] : memref<45x80xi32, #tpu.memory_space<vmem>> -> memref<1x80xi32, #tpu.memory_space<vmem>>
      %dma_start3A_30 = tpu.memref_squeeze %dma_start3A_29 : memref<1x80xi32, #tpu.memory_space<vmem>> -> memref<80xi32, #tpu.memory_space<vmem>>
      %dma_start3A_31 = arith.constant 0 : i32
      %dma_start3A_32 = arith.constant 0 : i32
      %dma_start3A_33 = tpu.memref_slice %arg2[%dma_start3A_31, %dma_start3A_32] : memref<10000x128xf32, #tpu.memory_space<hbm>> -> memref<10000x128xf32, #tpu.memory_space<hbm>>
      tpu.enqueue_indirect_dma source(%dma_start3A_33 : memref<10000x128xf32, #tpu.memory_space<hbm>>) target(%arg11 : memref<80x128xf32, #tpu.memory_space<vmem>>) offsets(%dma_start3A_30 : memref<80xi32, #tpu.memory_space<vmem>>) semaphore(%arg16 : memref<!tpu.dma_semaphore, #tpu.memory_space<semaphore_mem>>)
      %add3A_34 = arith.constant 3 : i32
      %add3A_35 = arith.addi %mul3A_10, %add3A_34 : i32
      %dma_start3A_36 = arith.constant 0 : i32
      %dma_start3A_37 = tpu.memref_slice %arg7[%add3A_35, %dma_start3A_36] : memref<45x80xi32, #tpu.memory_space<vmem>> -> memref<1x80xi32, #tpu.memory_space<vmem>>
      %dma_start3A_38 = tpu.memref_squeeze %dma_start3A_37 : memref<1x80xi32, #tpu.memory_space<vmem>> -> memref<80xi32, #tpu.memory_space<vmem>>
      %dma_start3A_39 = arith.constant 0 : i32
      %dma_start3A_40 = arith.constant 0 : i32
      %dma_start3A_41 = tpu.memref_slice %arg2[%dma_start3A_39, %dma_start3A_40] : memref<10000x128xf32, #tpu.memory_space<hbm>> -> memref<10000x128xf32, #tpu.memory_space<hbm>>
      tpu.enqueue_indirect_dma source(%dma_start3A_41 : memref<10000x128xf32, #tpu.memory_space<hbm>>) target(%arg12 : memref<80x128xf32, #tpu.memory_space<vmem>>) offsets(%dma_start3A_38 : memref<80xi32, #tpu.memory_space<vmem>>) semaphore(%arg17 : memref<!tpu.dma_semaphore, #tpu.memory_space<semaphore_mem>>)
      %add3A_42 = arith.constant 4 : i32
      %add3A_43 = arith.addi %mul3A_10, %add3A_42 : i32
      %dma_start3A_44 = arith.constant 0 : i32
      %dma_start3A_45 = tpu.memref_slice %arg7[%add3A_43, %dma_start3A_44] : memref<45x80xi32, #tpu.memory_space<vmem>> -> memref<1x80xi32, #tpu.memory_space<vmem>>
      %dma_start3A_46 = tpu.memref_squeeze %dma_start3A_45 : memref<1x80xi32, #tpu.memory_space<vmem>> -> memref<80xi32, #tpu.memory_space<vmem>>
      %dma_start3A_47 = arith.constant 0 : i32
      %dma_start3A_48 = arith.constant 0 : i32
      %dma_start3A_49 = tpu.memref_slice %arg2[%dma_start3A_47, %dma_start3A_48] : memref<10000x128xf32, #tpu.memory_space<hbm>> -> memref<10000x128xf32, #tpu.memory_space<hbm>>
      tpu.enqueue_indirect_dma source(%dma_start3A_49 : memref<10000x128xf32, #tpu.memory_space<hbm>>) target(%arg13 : memref<80x128xf32, #tpu.memory_space<vmem>>) offsets(%dma_start3A_46 : memref<80xi32, #tpu.memory_space<vmem>>) semaphore(%arg18 : memref<!tpu.dma_semaphore, #tpu.memory_space<semaphore_mem>>)
      %dma_wait3A = arith.constant 0 : i32
      %dma_wait3A_50 = tpu.memref_slice %arg7[%add3A_12, %dma_wait3A] : memref<45x80xi32, #tpu.memory_space<vmem>> -> memref<1x80xi32, #tpu.memory_space<vmem>>
      %dma_wait3A_51 = tpu.memref_squeeze %dma_wait3A_50 : memref<1x80xi32, #tpu.memory_space<vmem>> -> memref<80xi32, #tpu.memory_space<vmem>>
      %dma_wait3A_52 = arith.constant 0 : i32
      %dma_wait3A_53 = arith.constant 0 : i32
      %dma_wait3A_54 = tpu.memref_slice %arg2[%dma_wait3A_52, %dma_wait3A_53] : memref<10000x128xf32, #tpu.memory_space<hbm>> -> memref<10000x128xf32, #tpu.memory_space<hbm>>
      tpu.wait_indirect_dma semaphore(%arg14 : memref<!tpu.dma_semaphore, #tpu.memory_space<semaphore_mem>>) src(%dma_wait3A_54 : memref<10000x128xf32, #tpu.memory_space<hbm>>) dst(%arg9 : memref<80x128xf32, #tpu.memory_space<vmem>>)
      %add3A_55 = arith.constant 0 : i32
      %add3A_56 = arith.addi %mul3A_10, %add3A_55 : i32
      %dma_start3A_57 = arith.constant 0 : i32
      %dma_start3A_58 = tpu.memref_slice %arg8[%add3A_56, %dma_start3A_57] : memref<45x80xi32, #tpu.memory_space<vmem>> -> memref<1x80xi32, #tpu.memory_space<vmem>>
      %dma_start3A_59 = tpu.memref_squeeze %dma_start3A_58 : memref<1x80xi32, #tpu.memory_space<vmem>> -> memref<80xi32, #tpu.memory_space<vmem>>
      %dma_start3A_60 = arith.constant 0 : i32
      %dma_start3A_61 = arith.constant 0 : i32
      %dma_start3A_62 = tpu.memref_slice %arg3[%dma_start3A_60, %dma_start3A_61] : memref<10000x128xf32, #tpu.memory_space<hbm>> -> memref<10000x128xf32, #tpu.memory_space<hbm>>
      tpu.enqueue_indirect_dma source(%dma_start3A_62 : memref<10000x128xf32, #tpu.memory_space<hbm>>) target(%arg9 : memref<80x128xf32, #tpu.memory_space<vmem>>) offsets(%dma_start3A_59 : memref<80xi32, #tpu.memory_space<vmem>>) semaphore(%arg14 : memref<!tpu.dma_semaphore, #tpu.memory_space<semaphore_mem>>) {add = true}
      %dma_wait3A_63 = arith.constant 0 : i32
      %dma_wait3A_64 = tpu.memref_slice %arg7[%add3A_19, %dma_wait3A_63] : memref<45x80xi32, #tpu.memory_space<vmem>> -> memref<1x80xi32, #tpu.memory_space<vmem>>
      %dma_wait3A_65 = tpu.memref_squeeze %dma_wait3A_64 : memref<1x80xi32, #tpu.memory_space<vmem>> -> memref<80xi32, #tpu.memory_space<vmem>>
      %dma_wait3A_66 = arith.constant 0 : i32
      %dma_wait3A_67 = arith.constant 0 : i32
      %dma_wait3A_68 = tpu.memref_slice %arg2[%dma_wait3A_66, %dma_wait3A_67] : memref<10000x128xf32, #tpu.memory_space<hbm>> -> memref<10000x128xf32, #tpu.memory_space<hbm>>
      tpu.wait_indirect_dma semaphore(%arg15 : memref<!tpu.dma_semaphore, #tpu.memory_space<semaphore_mem>>) src(%dma_wait3A_68 : memref<10000x128xf32, #tpu.memory_space<hbm>>) dst(%arg10 : memref<80x128xf32, #tpu.memory_space<vmem>>)
      %add3A_69 = arith.constant 1 : i32
      %add3A_70 = arith.addi %mul3A_10, %add3A_69 : i32
      %dma_start3A_71 = arith.constant 0 : i32
      %dma_start3A_72 = tpu.memref_slice %arg8[%add3A_70, %dma_start3A_71] : memref<45x80xi32, #tpu.memory_space<vmem>> -> memref<1x80xi32, #tpu.memory_space<vmem>>
      %dma_start3A_73 = tpu.memref_squeeze %dma_start3A_72 : memref<1x80xi32, #tpu.memory_space<vmem>> -> memref<80xi32, #tpu.memory_space<vmem>>
      %dma_start3A_74 = arith.constant 0 : i32
      %dma_start3A_75 = arith.constant 0 : i32
      %dma_start3A_76 = tpu.memref_slice %arg3[%dma_start3A_74, %dma_start3A_75] : memref<10000x128xf32, #tpu.memory_space<hbm>> -> memref<10000x128xf32, #tpu.memory_space<hbm>>
      tpu.enqueue_indirect_dma source(%dma_start3A_76 : memref<10000x128xf32, #tpu.memory_space<hbm>>) target(%arg10 : memref<80x128xf32, #tpu.memory_space<vmem>>) offsets(%dma_start3A_73 : memref<80xi32, #tpu.memory_space<vmem>>) semaphore(%arg15 : memref<!tpu.dma_semaphore, #tpu.memory_space<semaphore_mem>>) {add = true}
      %dma_wait3A_77 = arith.constant 0 : i32
      %dma_wait3A_78 = tpu.memref_slice %arg7[%add3A_27, %dma_wait3A_77] : memref<45x80xi32, #tpu.memory_space<vmem>> -> memref<1x80xi32, #tpu.memory_space<vmem>>
      %dma_wait3A_79 = tpu.memref_squeeze %dma_wait3A_78 : memref<1x80xi32, #tpu.memory_space<vmem>> -> memref<80xi32, #tpu.memory_space<vmem>>
      %dma_wait3A_80 = arith.constant 0 : i32
      %dma_wait3A_81 = arith.constant 0 : i32
      %dma_wait3A_82 = tpu.memref_slice %arg2[%dma_wait3A_80, %dma_wait3A_81] : memref<10000x128xf32, #tpu.memory_space<hbm>> -> memref<10000x128xf32, #tpu.memory_space<hbm>>
      tpu.wait_indirect_dma semaphore(%arg16 : memref<!tpu.dma_semaphore, #tpu.memory_space<semaphore_mem>>) src(%dma_wait3A_82 : memref<10000x128xf32, #tpu.memory_space<hbm>>) dst(%arg11 : memref<80x128xf32, #tpu.memory_space<vmem>>)
      %add3A_83 = arith.constant 2 : i32
      %add3A_84 = arith.addi %mul3A_10, %add3A_83 : i32
      %dma_start3A_85 = arith.constant 0 : i32
      %dma_start3A_86 = tpu.memref_slice %arg8[%add3A_84, %dma_start3A_85] : memref<45x80xi32, #tpu.memory_space<vmem>> -> memref<1x80xi32, #tpu.memory_space<vmem>>
      %dma_start3A_87 = tpu.memref_squeeze %dma_start3A_86 : memref<1x80xi32, #tpu.memory_space<vmem>> -> memref<80xi32, #tpu.memory_space<vmem>>
      %dma_start3A_88 = arith.constant 0 : i32
      %dma_start3A_89 = arith.constant 0 : i32
      %dma_start3A_90 = tpu.memref_slice %arg3[%dma_start3A_88, %dma_start3A_89] : memref<10000x128xf32, #tpu.memory_space<hbm>> -> memref<10000x128xf32, #tpu.memory_space<hbm>>
      tpu.enqueue_indirect_dma source(%dma_start3A_90 : memref<10000x128xf32, #tpu.memory_space<hbm>>) target(%arg11 : memref<80x128xf32, #tpu.memory_space<vmem>>) offsets(%dma_start3A_87 : memref<80xi32, #tpu.memory_space<vmem>>) semaphore(%arg16 : memref<!tpu.dma_semaphore, #tpu.memory_space<semaphore_mem>>) {add = true}
      %dma_wait3A_91 = arith.constant 0 : i32
      %dma_wait3A_92 = tpu.memref_slice %arg7[%add3A_35, %dma_wait3A_91] : memref<45x80xi32, #tpu.memory_space<vmem>> -> memref<1x80xi32, #tpu.memory_space<vmem>>
      %dma_wait3A_93 = tpu.memref_squeeze %dma_wait3A_92 : memref<1x80xi32, #tpu.memory_space<vmem>> -> memref<80xi32, #tpu.memory_space<vmem>>
      %dma_wait3A_94 = arith.constant 0 : i32
      %dma_wait3A_95 = arith.constant 0 : i32
      %dma_wait3A_96 = tpu.memref_slice %arg2[%dma_wait3A_94, %dma_wait3A_95] : memref<10000x128xf32, #tpu.memory_space<hbm>> -> memref<10000x128xf32, #tpu.memory_space<hbm>>
      tpu.wait_indirect_dma semaphore(%arg17 : memref<!tpu.dma_semaphore, #tpu.memory_space<semaphore_mem>>) src(%dma_wait3A_96 : memref<10000x128xf32, #tpu.memory_space<hbm>>) dst(%arg12 : memref<80x128xf32, #tpu.memory_space<vmem>>)
      %add3A_97 = arith.constant 3 : i32
      %add3A_98 = arith.addi %mul3A_10, %add3A_97 : i32
      %dma_start3A_99 = arith.constant 0 : i32
      %dma_start3A_100 = tpu.memref_slice %arg8[%add3A_98, %dma_start3A_99] : memref<45x80xi32, #tpu.memory_space<vmem>> -> memref<1x80xi32, #tpu.memory_space<vmem>>
      %dma_start3A_101 = tpu.memref_squeeze %dma_start3A_100 : memref<1x80xi32, #tpu.memory_space<vmem>> -> memref<80xi32, #tpu.memory_space<vmem>>
      %dma_start3A_102 = arith.constant 0 : i32
      %dma_start3A_103 = arith.constant 0 : i32
      %dma_start3A_104 = tpu.memref_slice %arg3[%dma_start3A_102, %dma_start3A_103] : memref<10000x128xf32, #tpu.memory_space<hbm>> -> memref<10000x128xf32, #tpu.memory_space<hbm>>
      tpu.enqueue_indirect_dma source(%dma_start3A_104 : memref<10000x128xf32, #tpu.memory_space<hbm>>) target(%arg12 : memref<80x128xf32, #tpu.memory_space<vmem>>) offsets(%dma_start3A_101 : memref<80xi32, #tpu.memory_space<vmem>>) semaphore(%arg17 : memref<!tpu.dma_semaphore, #tpu.memory_space<semaphore_mem>>) {add = true}
      %dma_wait3A_105 = arith.constant 0 : i32
      %dma_wait3A_106 = tpu.memref_slice %arg7[%add3A_43, %dma_wait3A_105] : memref<45x80xi32, #tpu.memory_space<vmem>> -> memref<1x80xi32, #tpu.memory_space<vmem>>
      %dma_wait3A_107 = tpu.memref_squeeze %dma_wait3A_106 : memref<1x80xi32, #tpu.memory_space<vmem>> -> memref<80xi32, #tpu.memory_space<vmem>>
      %dma_wait3A_108 = arith.constant 0 : i32
      %dma_wait3A_109 = arith.constant 0 : i32
      %dma_wait3A_110 = tpu.memref_slice %arg2[%dma_wait3A_108, %dma_wait3A_109] : memref<10000x128xf32, #tpu.memory_space<hbm>> -> memref<10000x128xf32, #tpu.memory_space<hbm>>
      tpu.wait_indirect_dma semaphore(%arg18 : memref<!tpu.dma_semaphore, #tpu.memory_space<semaphore_mem>>) src(%dma_wait3A_110 : memref<10000x128xf32, #tpu.memory_space<hbm>>) dst(%arg13 : memref<80x128xf32, #tpu.memory_space<vmem>>)
      %add3A_111 = arith.constant 4 : i32
      %add3A_112 = arith.addi %mul3A_10, %add3A_111 : i32
      %dma_start3A_113 = arith.constant 0 : i32
      %dma_start3A_114 = tpu.memref_slice %arg8[%add3A_112, %dma_start3A_113] : memref<45x80xi32, #tpu.memory_space<vmem>> -> memref<1x80xi32, #tpu.memory_space<vmem>>
      %dma_start3A_115 = tpu.memref_squeeze %dma_start3A_114 : memref<1x80xi32, #tpu.memory_space<vmem>> -> memref<80xi32, #tpu.memory_space<vmem>>
      %dma_start3A_116 = arith.constant 0 : i32
      %dma_start3A_117 = arith.constant 0 : i32
      %dma_start3A_118 = tpu.memref_slice %arg3[%dma_start3A_116, %dma_start3A_117] : memref<10000x128xf32, #tpu.memory_space<hbm>> -> memref<10000x128xf32, #tpu.memory_space<hbm>>
      tpu.enqueue_indirect_dma source(%dma_start3A_118 : memref<10000x128xf32, #tpu.memory_space<hbm>>) target(%arg13 : memref<80x128xf32, #tpu.memory_space<vmem>>) offsets(%dma_start3A_115 : memref<80xi32, #tpu.memory_space<vmem>>) semaphore(%arg18 : memref<!tpu.dma_semaphore, #tpu.memory_space<semaphore_mem>>) {add = true}
      %dma_wait3A_119 = arith.constant 0 : i32
      %dma_wait3A_120 = tpu.memref_slice %arg8[%add3A_56, %dma_wait3A_119] : memref<45x80xi32, #tpu.memory_space<vmem>> -> memref<1x80xi32, #tpu.memory_space<vmem>>
      %dma_wait3A_121 = tpu.memref_squeeze %dma_wait3A_120 : memref<1x80xi32, #tpu.memory_space<vmem>> -> memref<80xi32, #tpu.memory_space<vmem>>
      %dma_wait3A_122 = arith.constant 0 : i32
      %dma_wait3A_123 = arith.constant 0 : i32
      %dma_wait3A_124 = tpu.memref_slice %arg3[%dma_wait3A_122, %dma_wait3A_123] : memref<10000x128xf32, #tpu.memory_space<hbm>> -> memref<10000x128xf32, #tpu.memory_space<hbm>>
      tpu.wait_indirect_dma semaphore(%arg14 : memref<!tpu.dma_semaphore, #tpu.memory_space<semaphore_mem>>) src(%dma_wait3A_124 : memref<10000x128xf32, #tpu.memory_space<hbm>>) dst(%arg9 : memref<80x128xf32, #tpu.memory_space<vmem>>)
      %add3A_125 = arith.constant 0 : i32
      %add3A_126 = arith.addi %mul3A_10, %add3A_125 : i32
      %mul3A_127 = arith.constant 80 : i32
      %mul3A_128 = arith.muli %add3A_126, %mul3A_127 : i32
      %add3A_129 = arith.addi %mul3A_2, %mul3A_128 : i32
      %dma_start3A_130 = arith.constant 0 : i32
      %dma_start3A_131 = tpu.memref_slice %arg6[%add3A_129, %dma_start3A_130] : memref<115200x128xf32, #tpu.memory_space<hbm>> -> memref<80x128xf32, #tpu.memory_space<hbm>>
      %dma_start3A_132 = arith.constant 0 : i32
      %dma_start3A_133 = tpu.memref_slice %arg6[%add3A_129, %dma_start3A_132] : memref<115200x128xf32, #tpu.memory_space<hbm>> -> memref<80x128xf32, #tpu.memory_space<hbm>>
      tpu.enqueue_dma source(%arg9 : memref<80x128xf32, #tpu.memory_space<vmem>>) target(%dma_start3A_133 : memref<80x128xf32, #tpu.memory_space<hbm>>) target_semaphore(%arg19 : memref<!tpu.dma_semaphore, #tpu.memory_space<semaphore_mem>>)
      %dma_wait3A_134 = arith.constant 0 : i32
      %dma_wait3A_135 = tpu.memref_slice %arg8[%add3A_70, %dma_wait3A_134] : memref<45x80xi32, #tpu.memory_space<vmem>> -> memref<1x80xi32, #tpu.memory_space<vmem>>
      %dma_wait3A_136 = tpu.memref_squeeze %dma_wait3A_135 : memref<1x80xi32, #tpu.memory_space<vmem>> -> memref<80xi32, #tpu.memory_space<vmem>>
      %dma_wait3A_137 = arith.constant 0 : i32
      %dma_wait3A_138 = arith.constant 0 : i32
      %dma_wait3A_139 = tpu.memref_slice %arg3[%dma_wait3A_137, %dma_wait3A_138] : memref<10000x128xf32, #tpu.memory_space<hbm>> -> memref<10000x128xf32, #tpu.memory_space<hbm>>
      tpu.wait_indirect_dma semaphore(%arg15 : memref<!tpu.dma_semaphore, #tpu.memory_space<semaphore_mem>>) src(%dma_wait3A_139 : memref<10000x128xf32, #tpu.memory_space<hbm>>) dst(%arg10 : memref<80x128xf32, #tpu.memory_space<vmem>>)
      %add3A_140 = arith.constant 1 : i32
      %add3A_141 = arith.addi %mul3A_10, %add3A_140 : i32
      %mul3A_142 = arith.constant 80 : i32
      %mul3A_143 = arith.muli %add3A_141, %mul3A_142 : i32
      %add3A_144 = arith.addi %mul3A_2, %mul3A_143 : i32
      %dma_start3A_145 = arith.constant 0 : i32
      %dma_start3A_146 = tpu.memref_slice %arg6[%add3A_144, %dma_start3A_145] : memref<115200x128xf32, #tpu.memory_space<hbm>> -> memref<80x128xf32, #tpu.memory_space<hbm>>
      %dma_start3A_147 = arith.constant 0 : i32
      %dma_start3A_148 = tpu.memref_slice %arg6[%add3A_144, %dma_start3A_147] : memref<115200x128xf32, #tpu.memory_space<hbm>> -> memref<80x128xf32, #tpu.memory_space<hbm>>
      tpu.enqueue_dma source(%arg10 : memref<80x128xf32, #tpu.memory_space<vmem>>) target(%dma_start3A_148 : memref<80x128xf32, #tpu.memory_space<hbm>>) target_semaphore(%arg19 : memref<!tpu.dma_semaphore, #tpu.memory_space<semaphore_mem>>)
      %dma_wait3A_149 = arith.constant 0 : i32
      %dma_wait3A_150 = tpu.memref_slice %arg8[%add3A_84, %dma_wait3A_149] : memref<45x80xi32, #tpu.memory_space<vmem>> -> memref<1x80xi32, #tpu.memory_space<vmem>>
      %dma_wait3A_151 = tpu.memref_squeeze %dma_wait3A_150 : memref<1x80xi32, #tpu.memory_space<vmem>> -> memref<80xi32, #tpu.memory_space<vmem>>
      %dma_wait3A_152 = arith.constant 0 : i32
      %dma_wait3A_153 = arith.constant 0 : i32
      %dma_wait3A_154 = tpu.memref_slice %arg3[%dma_wait3A_152, %dma_wait3A_153] : memref<10000x128xf32, #tpu.memory_space<hbm>> -> memref<10000x128xf32, #tpu.memory_space<hbm>>
      tpu.wait_indirect_dma semaphore(%arg16 : memref<!tpu.dma_semaphore, #tpu.memory_space<semaphore_mem>>) src(%dma_wait3A_154 : memref<10000x128xf32, #tpu.memory_space<hbm>>) dst(%arg11 : memref<80x128xf32, #tpu.memory_space<vmem>>)
      %add3A_155 = arith.constant 2 : i32
      %add3A_156 = arith.addi %mul3A_10, %add3A_155 : i32
      %mul3A_157 = arith.constant 80 : i32
      %mul3A_158 = arith.muli %add3A_156, %mul3A_157 : i32
      %add3A_159 = arith.addi %mul3A_2, %mul3A_158 : i32
      %dma_start3A_160 = arith.constant 0 : i32
      %dma_start3A_161 = tpu.memref_slice %arg6[%add3A_159, %dma_start3A_160] : memref<115200x128xf32, #tpu.memory_space<hbm>> -> memref<80x128xf32, #tpu.memory_space<hbm>>
      %dma_start3A_162 = arith.constant 0 : i32
      %dma_start3A_163 = tpu.memref_slice %arg6[%add3A_159, %dma_start3A_162] : memref<115200x128xf32, #tpu.memory_space<hbm>> -> memref<80x128xf32, #tpu.memory_space<hbm>>
      tpu.enqueue_dma source(%arg11 : memref<80x128xf32, #tpu.memory_space<vmem>>) target(%dma_start3A_163 : memref<80x128xf32, #tpu.memory_space<hbm>>) target_semaphore(%arg19 : memref<!tpu.dma_semaphore, #tpu.memory_space<semaphore_mem>>)
      %dma_wait3A_164 = arith.constant 0 : i32
      %dma_wait3A_165 = tpu.memref_slice %arg8[%add3A_98, %dma_wait3A_164] : memref<45x80xi32, #tpu.memory_space<vmem>> -> memref<1x80xi32, #tpu.memory_space<vmem>>
      %dma_wait3A_166 = tpu.memref_squeeze %dma_wait3A_165 : memref<1x80xi32, #tpu.memory_space<vmem>> -> memref<80xi32, #tpu.memory_space<vmem>>
      %dma_wait3A_167 = arith.constant 0 : i32
      %dma_wait3A_168 = arith.constant 0 : i32
      %dma_wait3A_169 = tpu.memref_slice %arg3[%dma_wait3A_167, %dma_wait3A_168] : memref<10000x128xf32, #tpu.memory_space<hbm>> -> memref<10000x128xf32, #tpu.memory_space<hbm>>
      tpu.wait_indirect_dma semaphore(%arg17 : memref<!tpu.dma_semaphore, #tpu.memory_space<semaphore_mem>>) src(%dma_wait3A_169 : memref<10000x128xf32, #tpu.memory_space<hbm>>) dst(%arg12 : memref<80x128xf32, #tpu.memory_space<vmem>>)
      %add3A_170 = arith.constant 3 : i32
      %add3A_171 = arith.addi %mul3A_10, %add3A_170 : i32
      %mul3A_172 = arith.constant 80 : i32
      %mul3A_173 = arith.muli %add3A_171, %mul3A_172 : i32
      %add3A_174 = arith.addi %mul3A_2, %mul3A_173 : i32
      %dma_start3A_175 = arith.constant 0 : i32
      %dma_start3A_176 = tpu.memref_slice %arg6[%add3A_174, %dma_start3A_175] : memref<115200x128xf32, #tpu.memory_space<hbm>> -> memref<80x128xf32, #tpu.memory_space<hbm>>
      %dma_start3A_177 = arith.constant 0 : i32
      %dma_start3A_178 = tpu.memref_slice %arg6[%add3A_174, %dma_start3A_177] : memref<115200x128xf32, #tpu.memory_space<hbm>> -> memref<80x128xf32, #tpu.memory_space<hbm>>
      tpu.enqueue_dma source(%arg12 : memref<80x128xf32, #tpu.memory_space<vmem>>) target(%dma_start3A_178 : memref<80x128xf32, #tpu.memory_space<hbm>>) target_semaphore(%arg19 : memref<!tpu.dma_semaphore, #tpu.memory_space<semaphore_mem>>)
      %dma_wait3A_179 = arith.constant 0 : i32
      %dma_wait3A_180 = tpu.memref_slice %arg8[%add3A_112, %dma_wait3A_179] : memref<45x80xi32, #tpu.memory_space<vmem>> -> memref<1x80xi32, #tpu.memory_space<vmem>>
      %dma_wait3A_181 = tpu.memref_squeeze %dma_wait3A_180 : memref<1x80xi32, #tpu.memory_space<vmem>> -> memref<80xi32, #tpu.memory_space<vmem>>
      %dma_wait3A_182 = arith.constant 0 : i32
      %dma_wait3A_183 = arith.constant 0 : i32
      %dma_wait3A_184 = tpu.memref_slice %arg3[%dma_wait3A_182, %dma_wait3A_183] : memref<10000x128xf32, #tpu.memory_space<hbm>> -> memref<10000x128xf32, #tpu.memory_space<hbm>>
      tpu.wait_indirect_dma semaphore(%arg18 : memref<!tpu.dma_semaphore, #tpu.memory_space<semaphore_mem>>) src(%dma_wait3A_184 : memref<10000x128xf32, #tpu.memory_space<hbm>>) dst(%arg13 : memref<80x128xf32, #tpu.memory_space<vmem>>)
      %add3A_185 = arith.constant 4 : i32
      %add3A_186 = arith.addi %mul3A_10, %add3A_185 : i32
      %mul3A_187 = arith.constant 80 : i32
      %mul3A_188 = arith.muli %add3A_186, %mul3A_187 : i32
      %add3A_189 = arith.addi %mul3A_2, %mul3A_188 : i32
      %dma_start3A_190 = arith.constant 0 : i32
      %dma_start3A_191 = tpu.memref_slice %arg6[%add3A_189, %dma_start3A_190] : memref<115200x128xf32, #tpu.memory_space<hbm>> -> memref<80x128xf32, #tpu.memory_space<hbm>>
      %dma_start3A_192 = arith.constant 0 : i32
      %dma_start3A_193 = tpu.memref_slice %arg6[%add3A_189, %dma_start3A_192] : memref<115200x128xf32, #tpu.memory_space<hbm>> -> memref<80x128xf32, #tpu.memory_space<hbm>>
      tpu.enqueue_dma source(%arg13 : memref<80x128xf32, #tpu.memory_space<vmem>>) target(%dma_start3A_193 : memref<80x128xf32, #tpu.memory_space<hbm>>) target_semaphore(%arg19 : memref<!tpu.dma_semaphore, #tpu.memory_space<semaphore_mem>>)
      %dma_wait3A_194 = arith.constant 0 : i32
      %dma_wait3A_195 = tpu.memref_slice %arg6[%add3A_129, %dma_wait3A_194] : memref<115200x128xf32, #tpu.memory_space<hbm>> -> memref<80x128xf32, #tpu.memory_space<hbm>>
      %dma_wait3A_196 = arith.constant 0 : i32
      %dma_wait3A_197 = tpu.memref_slice %arg6[%add3A_129, %dma_wait3A_196] : memref<115200x128xf32, #tpu.memory_space<hbm>> -> memref<80x128xf32, #tpu.memory_space<hbm>>
      tpu.wait_dma2 semaphore(%arg19 : memref<!tpu.dma_semaphore, #tpu.memory_space<semaphore_mem>>) src(%arg9 : memref<80x128xf32, #tpu.memory_space<vmem>>) dst(%dma_wait3A_197 : memref<80x128xf32, #tpu.memory_space<hbm>>)
      %dma_wait3A_198 = arith.constant 0 : i32
      %dma_wait3A_199 = tpu.memref_slice %arg6[%add3A_144, %dma_wait3A_198] : memref<115200x128xf32, #tpu.memory_space<hbm>> -> memref<80x128xf32, #tpu.memory_space<hbm>>
      %dma_wait3A_200 = arith.constant 0 : i32
      %dma_wait3A_201 = tpu.memref_slice %arg6[%add3A_144, %dma_wait3A_200] : memref<115200x128xf32, #tpu.memory_space<hbm>> -> memref<80x128xf32, #tpu.memory_space<hbm>>
      tpu.wait_dma2 semaphore(%arg19 : memref<!tpu.dma_semaphore, #tpu.memory_space<semaphore_mem>>) src(%arg10 : memref<80x128xf32, #tpu.memory_space<vmem>>) dst(%dma_wait3A_201 : memref<80x128xf32, #tpu.memory_space<hbm>>)
      %dma_wait3A_202 = arith.constant 0 : i32
      %dma_wait3A_203 = tpu.memref_slice %arg6[%add3A_159, %dma_wait3A_202] : memref<115200x128xf32, #tpu.memory_space<hbm>> -> memref<80x128xf32, #tpu.memory_space<hbm>>
      %dma_wait3A_204 = arith.constant 0 : i32
      %dma_wait3A_205 = tpu.memref_slice %arg6[%add3A_159, %dma_wait3A_204] : memref<115200x128xf32, #tpu.memory_space<hbm>> -> memref<80x128xf32, #tpu.memory_space<hbm>>
      tpu.wait_dma2 semaphore(%arg19 : memref<!tpu.dma_semaphore, #tpu.memory_space<semaphore_mem>>) src(%arg11 : memref<80x128xf32, #tpu.memory_space<vmem>>) dst(%dma_wait3A_205 : memref<80x128xf32, #tpu.memory_space<hbm>>)
      %dma_wait3A_206 = arith.constant 0 : i32
      %dma_wait3A_207 = tpu.memref_slice %arg6[%add3A_174, %dma_wait3A_206] : memref<115200x128xf32, #tpu.memory_space<hbm>> -> memref<80x128xf32, #tpu.memory_space<hbm>>
      %dma_wait3A_208 = arith.constant 0 : i32
      %dma_wait3A_209 = tpu.memref_slice %arg6[%add3A_174, %dma_wait3A_208] : memref<115200x128xf32, #tpu.memory_space<hbm>> -> memref<80x128xf32, #tpu.memory_space<hbm>>
      tpu.wait_dma2 semaphore(%arg19 : memref<!tpu.dma_semaphore, #tpu.memory_space<semaphore_mem>>) src(%arg12 : memref<80x128xf32, #tpu.memory_space<vmem>>) dst(%dma_wait3A_209 : memref<80x128xf32, #tpu.memory_space<hbm>>)
      %dma_wait3A_210 = arith.constant 0 : i32
      %dma_wait3A_211 = tpu.memref_slice %arg6[%add3A_189, %dma_wait3A_210] : memref<115200x128xf32, #tpu.memory_space<hbm>> -> memref<80x128xf32, #tpu.memory_space<hbm>>
      %dma_wait3A_212 = arith.constant 0 : i32
      %dma_wait3A_213 = tpu.memref_slice %arg6[%add3A_189, %dma_wait3A_212] : memref<115200x128xf32, #tpu.memory_space<hbm>> -> memref<80x128xf32, #tpu.memory_space<hbm>>
      tpu.wait_dma2 semaphore(%arg19 : memref<!tpu.dma_semaphore, #tpu.memory_space<semaphore_mem>>) src(%arg13 : memref<80x128xf32, #tpu.memory_space<vmem>>) dst(%dma_wait3A_213 : memref<80x128xf32, #tpu.memory_space<hbm>>)
    }
    %scan3A_7 = arith.constant 9 : i32
    return
  }
}

#map = affine_map<(d0, d1) -> (0, 0)>
#map1 = affine_map<(d0, d1) -> (0, 0, 0)>
module attributes {stable_mosaic.version = 14 : i64} {
  func.func @_gather_body(%arg0: i32, %arg1: i32, %arg2: memref<10000x128xf32, #tpu.memory_space<hbm>>, %arg3: memref<10000x128xf32, #tpu.memory_space<hbm>>, %arg4: memref<32x40x80xi32, #tpu.memory_space<hbm>>, %arg5: memref<32x40x80xi32, #tpu.memory_space<hbm>>, %arg6: memref<102400x128xf32, #tpu.memory_space<hbm>>, %arg7: memref<40x80xi32, #tpu.memory_space<vmem>>, %arg8: memref<40x80xi32, #tpu.memory_space<vmem>>, %arg9: memref<80x128xf32, #tpu.memory_space<vmem>>, %arg10: memref<80x128xf32, #tpu.memory_space<vmem>>, %arg11: memref<80x128xf32, #tpu.memory_space<vmem>>, %arg12: memref<80x128xf32, #tpu.memory_space<vmem>>, %arg13: memref<80x128xf32, #tpu.memory_space<vmem>>, %arg14: memref<!tpu.dma_semaphore, #tpu.memory_space<semaphore_mem>>, %arg15: memref<!tpu.dma_semaphore, #tpu.memory_space<semaphore_mem>>, %arg16: memref<!tpu.dma_semaphore, #tpu.memory_space<semaphore_mem>>, %arg17: memref<!tpu.dma_semaphore, #tpu.memory_space<semaphore_mem>>, %arg18: memref<!tpu.dma_semaphore, #tpu.memory_space<semaphore_mem>>, %arg19: memref<!tpu.dma_semaphore, #tpu.memory_space<semaphore_mem>>) attributes {dimension_semantics = [#tpu.dimension_semantics<core_parallel>, #tpu.dimension_semantics<subcore_parallel>], iteration_bounds = array<i64: 2, 16>, scalar_prefetch = 0 : i64, scratch_operands = 13 : i64, tpu.core_type = #tpu.core_type<sc_vector_subcore>, window_params = [{transform_indices = #map}, {transform_indices = #map}, {transform_indices = #map1}, {transform_indices = #map1}, {transform_indices = #map}]} {
    %mul3A = arith.constant 2 : i32
    %mul3A_0 = arith.muli %arg1, %mul3A : i32
    %add3A = arith.addi %mul3A_0, %arg0 : i32
    %mul3A_1 = arith.constant 3200 : i32
    %mul3A_2 = arith.muli %add3A, %mul3A_1 : i32
    "tpu.region"() ({
      %run_scoped3A = tpu.sem_alloc : memref<!tpu.dma_semaphore, #tpu.memory_space<semaphore_mem>>
      %dma_start3A = arith.constant 0 : i32
      %dma_start3A_8 = arith.constant 0 : i32
      %dma_start3A_9 = tpu.memref_slice %arg4[%add3A, %dma_start3A, %dma_start3A_8] : memref<32x40x80xi32, #tpu.memory_space<hbm>> -> memref<1x40x80xi32, #tpu.memory_space<hbm>>
      %dma_start3A_10 = tpu.memref_squeeze %dma_start3A_9 : memref<1x40x80xi32, #tpu.memory_space<hbm>> -> memref<40x80xi32, #tpu.memory_space<hbm>>
      %dma_start3A_11 = arith.constant 0 : i32
      %dma_start3A_12 = arith.constant 0 : i32
      %dma_start3A_13 = tpu.memref_slice %arg4[%add3A, %dma_start3A_11, %dma_start3A_12] : memref<32x40x80xi32, #tpu.memory_space<hbm>> -> memref<1x40x80xi32, #tpu.memory_space<hbm>>
      %dma_start3A_14 = tpu.memref_squeeze %dma_start3A_13 : memref<1x40x80xi32, #tpu.memory_space<hbm>> -> memref<40x80xi32, #tpu.memory_space<hbm>>
      tpu.enqueue_dma source(%dma_start3A_14 : memref<40x80xi32, #tpu.memory_space<hbm>>) target(%arg7 : memref<40x80xi32, #tpu.memory_space<vmem>>) target_semaphore(%run_scoped3A : memref<!tpu.dma_semaphore, #tpu.memory_space<semaphore_mem>>)
      %dma_wait3A = arith.constant 0 : i32
      %dma_wait3A_15 = arith.constant 0 : i32
      %dma_wait3A_16 = tpu.memref_slice %arg4[%add3A, %dma_wait3A, %dma_wait3A_15] : memref<32x40x80xi32, #tpu.memory_space<hbm>> -> memref<1x40x80xi32, #tpu.memory_space<hbm>>
      %dma_wait3A_17 = tpu.memref_squeeze %dma_wait3A_16 : memref<1x40x80xi32, #tpu.memory_space<hbm>> -> memref<40x80xi32, #tpu.memory_space<hbm>>
      %dma_wait3A_18 = arith.constant 0 : i32
      %dma_wait3A_19 = arith.constant 0 : i32
      %dma_wait3A_20 = tpu.memref_slice %arg4[%add3A, %dma_wait3A_18, %dma_wait3A_19] : memref<32x40x80xi32, #tpu.memory_space<hbm>> -> memref<1x40x80xi32, #tpu.memory_space<hbm>>
      %dma_wait3A_21 = tpu.memref_squeeze %dma_wait3A_20 : memref<1x40x80xi32, #tpu.memory_space<hbm>> -> memref<40x80xi32, #tpu.memory_space<hbm>>
      tpu.wait_dma2 semaphore(%run_scoped3A : memref<!tpu.dma_semaphore, #tpu.memory_space<semaphore_mem>>) src(%dma_wait3A_21 : memref<40x80xi32, #tpu.memory_space<hbm>>) dst(%arg7 : memref<40x80xi32, #tpu.memory_space<vmem>>)
      tpu.yield
    }) : () -> ()
    "tpu.region"() ({
      %run_scoped3A = tpu.sem_alloc : memref<!tpu.dma_semaphore, #tpu.memory_space<semaphore_mem>>
      %dma_start3A = arith.constant 0 : i32
      %dma_start3A_8 = arith.constant 0 : i32
      %dma_start3A_9 = tpu.memref_slice %arg5[%add3A, %dma_start3A, %dma_start3A_8] : memref<32x40x80xi32, #tpu.memory_space<hbm>> -> memref<1x40x80xi32, #tpu.memory_space<hbm>>
      %dma_start3A_10 = tpu.memref_squeeze %dma_start3A_9 : memref<1x40x80xi32, #tpu.memory_space<hbm>> -> memref<40x80xi32, #tpu.memory_space<hbm>>
      %dma_start3A_11 = arith.constant 0 : i32
      %dma_start3A_12 = arith.constant 0 : i32
      %dma_start3A_13 = tpu.memref_slice %arg5[%add3A, %dma_start3A_11, %dma_start3A_12] : memref<32x40x80xi32, #tpu.memory_space<hbm>> -> memref<1x40x80xi32, #tpu.memory_space<hbm>>
      %dma_start3A_14 = tpu.memref_squeeze %dma_start3A_13 : memref<1x40x80xi32, #tpu.memory_space<hbm>> -> memref<40x80xi32, #tpu.memory_space<hbm>>
      tpu.enqueue_dma source(%dma_start3A_14 : memref<40x80xi32, #tpu.memory_space<hbm>>) target(%arg8 : memref<40x80xi32, #tpu.memory_space<vmem>>) target_semaphore(%run_scoped3A : memref<!tpu.dma_semaphore, #tpu.memory_space<semaphore_mem>>)
      %dma_wait3A = arith.constant 0 : i32
      %dma_wait3A_15 = arith.constant 0 : i32
      %dma_wait3A_16 = tpu.memref_slice %arg5[%add3A, %dma_wait3A, %dma_wait3A_15] : memref<32x40x80xi32, #tpu.memory_space<hbm>> -> memref<1x40x80xi32, #tpu.memory_space<hbm>>
      %dma_wait3A_17 = tpu.memref_squeeze %dma_wait3A_16 : memref<1x40x80xi32, #tpu.memory_space<hbm>> -> memref<40x80xi32, #tpu.memory_space<hbm>>
      %dma_wait3A_18 = arith.constant 0 : i32
      %dma_wait3A_19 = arith.constant 0 : i32
      %dma_wait3A_20 = tpu.memref_slice %arg5[%add3A, %dma_wait3A_18, %dma_wait3A_19] : memref<32x40x80xi32, #tpu.memory_space<hbm>> -> memref<1x40x80xi32, #tpu.memory_space<hbm>>
      %dma_wait3A_21 = tpu.memref_squeeze %dma_wait3A_20 : memref<1x40x80xi32, #tpu.memory_space<hbm>> -> memref<40x80xi32, #tpu.memory_space<hbm>>
      tpu.wait_dma2 semaphore(%run_scoped3A : memref<!tpu.dma_semaphore, #tpu.memory_space<semaphore_mem>>) src(%dma_wait3A_21 : memref<40x80xi32, #tpu.memory_space<hbm>>) dst(%arg8 : memref<40x80xi32, #tpu.memory_space<vmem>>)
      tpu.yield
    }) : () -> ()
    %scan3A = arith.constant 0 : i32
    %scan3A_3 = arith.constant 0 : i32
    %scan3A_4 = arith.constant 8 : i32
    %scan3A_5 = arith.addi %scan3A_3, %scan3A_4 : i32
    %scan3A_6 = arith.constant 1 : i32
    scf.for %scan3A_8 = %scan3A_3 to %scan3A_5 step %scan3A_6  : i32 {
      %mul3A_9 = arith.constant 5 : i32
      %mul3A_10 = arith.muli %scan3A_8, %mul3A_9 : i32
      %add3A_11 = arith.constant 0 : i32
      %add3A_12 = arith.addi %mul3A_10, %add3A_11 : i32
      %dma_start3A = arith.constant 0 : i32
      %dma_start3A_13 = tpu.memref_slice %arg7[%add3A_12, %dma_start3A] : memref<40x80xi32, #tpu.memory_space<vmem>> -> memref<1x80xi32, #tpu.memory_space<vmem>>
      %dma_start3A_14 = tpu.memref_squeeze %dma_start3A_13 : memref<1x80xi32, #tpu.memory_space<vmem>> -> memref<80xi32, #tpu.memory_space<vmem>>
      %dma_start3A_15 = arith.constant 0 : i32
      %dma_start3A_16 = arith.constant 0 : i32
      %dma_start3A_17 = tpu.memref_slice %arg2[%dma_start3A_15, %dma_start3A_16] : memref<10000x128xf32, #tpu.memory_space<hbm>> -> memref<10000x128xf32, #tpu.memory_space<hbm>>
      tpu.enqueue_indirect_dma source(%dma_start3A_17 : memref<10000x128xf32, #tpu.memory_space<hbm>>) target(%arg9 : memref<80x128xf32, #tpu.memory_space<vmem>>) offsets(%dma_start3A_14 : memref<80xi32, #tpu.memory_space<vmem>>) semaphore(%arg14 : memref<!tpu.dma_semaphore, #tpu.memory_space<semaphore_mem>>)
      %add3A_18 = arith.constant 1 : i32
      %add3A_19 = arith.addi %mul3A_10, %add3A_18 : i32
      %dma_start3A_20 = arith.constant 0 : i32
      %dma_start3A_21 = tpu.memref_slice %arg7[%add3A_19, %dma_start3A_20] : memref<40x80xi32, #tpu.memory_space<vmem>> -> memref<1x80xi32, #tpu.memory_space<vmem>>
      %dma_start3A_22 = tpu.memref_squeeze %dma_start3A_21 : memref<1x80xi32, #tpu.memory_space<vmem>> -> memref<80xi32, #tpu.memory_space<vmem>>
      %dma_start3A_23 = arith.constant 0 : i32
      %dma_start3A_24 = arith.constant 0 : i32
      %dma_start3A_25 = tpu.memref_slice %arg2[%dma_start3A_23, %dma_start3A_24] : memref<10000x128xf32, #tpu.memory_space<hbm>> -> memref<10000x128xf32, #tpu.memory_space<hbm>>
      tpu.enqueue_indirect_dma source(%dma_start3A_25 : memref<10000x128xf32, #tpu.memory_space<hbm>>) target(%arg10 : memref<80x128xf32, #tpu.memory_space<vmem>>) offsets(%dma_start3A_22 : memref<80xi32, #tpu.memory_space<vmem>>) semaphore(%arg15 : memref<!tpu.dma_semaphore, #tpu.memory_space<semaphore_mem>>)
      %add3A_26 = arith.constant 2 : i32
      %add3A_27 = arith.addi %mul3A_10, %add3A_26 : i32
      %dma_start3A_28 = arith.constant 0 : i32
      %dma_start3A_29 = tpu.memref_slice %arg7[%add3A_27, %dma_start3A_28] : memref<40x80xi32, #tpu.memory_space<vmem>> -> memref<1x80xi32, #tpu.memory_space<vmem>>
      %dma_start3A_30 = tpu.memref_squeeze %dma_start3A_29 : memref<1x80xi32, #tpu.memory_space<vmem>> -> memref<80xi32, #tpu.memory_space<vmem>>
      %dma_start3A_31 = arith.constant 0 : i32
      %dma_start3A_32 = arith.constant 0 : i32
      %dma_start3A_33 = tpu.memref_slice %arg2[%dma_start3A_31, %dma_start3A_32] : memref<10000x128xf32, #tpu.memory_space<hbm>> -> memref<10000x128xf32, #tpu.memory_space<hbm>>
      tpu.enqueue_indirect_dma source(%dma_start3A_33 : memref<10000x128xf32, #tpu.memory_space<hbm>>) target(%arg11 : memref<80x128xf32, #tpu.memory_space<vmem>>) offsets(%dma_start3A_30 : memref<80xi32, #tpu.memory_space<vmem>>) semaphore(%arg16 : memref<!tpu.dma_semaphore, #tpu.memory_space<semaphore_mem>>)
      %add3A_34 = arith.constant 3 : i32
      %add3A_35 = arith.addi %mul3A_10, %add3A_34 : i32
      %dma_start3A_36 = arith.constant 0 : i32
      %dma_start3A_37 = tpu.memref_slice %arg7[%add3A_35, %dma_start3A_36] : memref<40x80xi32, #tpu.memory_space<vmem>> -> memref<1x80xi32, #tpu.memory_space<vmem>>
      %dma_start3A_38 = tpu.memref_squeeze %dma_start3A_37 : memref<1x80xi32, #tpu.memory_space<vmem>> -> memref<80xi32, #tpu.memory_space<vmem>>
      %dma_start3A_39 = arith.constant 0 : i32
      %dma_start3A_40 = arith.constant 0 : i32
      %dma_start3A_41 = tpu.memref_slice %arg2[%dma_start3A_39, %dma_start3A_40] : memref<10000x128xf32, #tpu.memory_space<hbm>> -> memref<10000x128xf32, #tpu.memory_space<hbm>>
      tpu.enqueue_indirect_dma source(%dma_start3A_41 : memref<10000x128xf32, #tpu.memory_space<hbm>>) target(%arg12 : memref<80x128xf32, #tpu.memory_space<vmem>>) offsets(%dma_start3A_38 : memref<80xi32, #tpu.memory_space<vmem>>) semaphore(%arg17 : memref<!tpu.dma_semaphore, #tpu.memory_space<semaphore_mem>>)
      %add3A_42 = arith.constant 4 : i32
      %add3A_43 = arith.addi %mul3A_10, %add3A_42 : i32
      %dma_start3A_44 = arith.constant 0 : i32
      %dma_start3A_45 = tpu.memref_slice %arg7[%add3A_43, %dma_start3A_44] : memref<40x80xi32, #tpu.memory_space<vmem>> -> memref<1x80xi32, #tpu.memory_space<vmem>>
      %dma_start3A_46 = tpu.memref_squeeze %dma_start3A_45 : memref<1x80xi32, #tpu.memory_space<vmem>> -> memref<80xi32, #tpu.memory_space<vmem>>
      %dma_start3A_47 = arith.constant 0 : i32
      %dma_start3A_48 = arith.constant 0 : i32
      %dma_start3A_49 = tpu.memref_slice %arg2[%dma_start3A_47, %dma_start3A_48] : memref<10000x128xf32, #tpu.memory_space<hbm>> -> memref<10000x128xf32, #tpu.memory_space<hbm>>
      tpu.enqueue_indirect_dma source(%dma_start3A_49 : memref<10000x128xf32, #tpu.memory_space<hbm>>) target(%arg13 : memref<80x128xf32, #tpu.memory_space<vmem>>) offsets(%dma_start3A_46 : memref<80xi32, #tpu.memory_space<vmem>>) semaphore(%arg18 : memref<!tpu.dma_semaphore, #tpu.memory_space<semaphore_mem>>)
      %dma_wait3A = arith.constant 0 : i32
      %dma_wait3A_50 = tpu.memref_slice %arg7[%add3A_12, %dma_wait3A] : memref<40x80xi32, #tpu.memory_space<vmem>> -> memref<1x80xi32, #tpu.memory_space<vmem>>
      %dma_wait3A_51 = tpu.memref_squeeze %dma_wait3A_50 : memref<1x80xi32, #tpu.memory_space<vmem>> -> memref<80xi32, #tpu.memory_space<vmem>>
      %dma_wait3A_52 = arith.constant 0 : i32
      %dma_wait3A_53 = arith.constant 0 : i32
      %dma_wait3A_54 = tpu.memref_slice %arg2[%dma_wait3A_52, %dma_wait3A_53] : memref<10000x128xf32, #tpu.memory_space<hbm>> -> memref<10000x128xf32, #tpu.memory_space<hbm>>
      tpu.wait_indirect_dma semaphore(%arg14 : memref<!tpu.dma_semaphore, #tpu.memory_space<semaphore_mem>>) src(%dma_wait3A_54 : memref<10000x128xf32, #tpu.memory_space<hbm>>) dst(%arg9 : memref<80x128xf32, #tpu.memory_space<vmem>>)
      %add3A_55 = arith.constant 0 : i32
      %add3A_56 = arith.addi %mul3A_10, %add3A_55 : i32
      %dma_start3A_57 = arith.constant 0 : i32
      %dma_start3A_58 = tpu.memref_slice %arg8[%add3A_56, %dma_start3A_57] : memref<40x80xi32, #tpu.memory_space<vmem>> -> memref<1x80xi32, #tpu.memory_space<vmem>>
      %dma_start3A_59 = tpu.memref_squeeze %dma_start3A_58 : memref<1x80xi32, #tpu.memory_space<vmem>> -> memref<80xi32, #tpu.memory_space<vmem>>
      %dma_start3A_60 = arith.constant 0 : i32
      %dma_start3A_61 = arith.constant 0 : i32
      %dma_start3A_62 = tpu.memref_slice %arg3[%dma_start3A_60, %dma_start3A_61] : memref<10000x128xf32, #tpu.memory_space<hbm>> -> memref<10000x128xf32, #tpu.memory_space<hbm>>
      tpu.enqueue_indirect_dma source(%dma_start3A_62 : memref<10000x128xf32, #tpu.memory_space<hbm>>) target(%arg9 : memref<80x128xf32, #tpu.memory_space<vmem>>) offsets(%dma_start3A_59 : memref<80xi32, #tpu.memory_space<vmem>>) semaphore(%arg14 : memref<!tpu.dma_semaphore, #tpu.memory_space<semaphore_mem>>) {add = true}
      %dma_wait3A_63 = arith.constant 0 : i32
      %dma_wait3A_64 = tpu.memref_slice %arg7[%add3A_19, %dma_wait3A_63] : memref<40x80xi32, #tpu.memory_space<vmem>> -> memref<1x80xi32, #tpu.memory_space<vmem>>
      %dma_wait3A_65 = tpu.memref_squeeze %dma_wait3A_64 : memref<1x80xi32, #tpu.memory_space<vmem>> -> memref<80xi32, #tpu.memory_space<vmem>>
      %dma_wait3A_66 = arith.constant 0 : i32
      %dma_wait3A_67 = arith.constant 0 : i32
      %dma_wait3A_68 = tpu.memref_slice %arg2[%dma_wait3A_66, %dma_wait3A_67] : memref<10000x128xf32, #tpu.memory_space<hbm>> -> memref<10000x128xf32, #tpu.memory_space<hbm>>
      tpu.wait_indirect_dma semaphore(%arg15 : memref<!tpu.dma_semaphore, #tpu.memory_space<semaphore_mem>>) src(%dma_wait3A_68 : memref<10000x128xf32, #tpu.memory_space<hbm>>) dst(%arg10 : memref<80x128xf32, #tpu.memory_space<vmem>>)
      %add3A_69 = arith.constant 1 : i32
      %add3A_70 = arith.addi %mul3A_10, %add3A_69 : i32
      %dma_start3A_71 = arith.constant 0 : i32
      %dma_start3A_72 = tpu.memref_slice %arg8[%add3A_70, %dma_start3A_71] : memref<40x80xi32, #tpu.memory_space<vmem>> -> memref<1x80xi32, #tpu.memory_space<vmem>>
      %dma_start3A_73 = tpu.memref_squeeze %dma_start3A_72 : memref<1x80xi32, #tpu.memory_space<vmem>> -> memref<80xi32, #tpu.memory_space<vmem>>
      %dma_start3A_74 = arith.constant 0 : i32
      %dma_start3A_75 = arith.constant 0 : i32
      %dma_start3A_76 = tpu.memref_slice %arg3[%dma_start3A_74, %dma_start3A_75] : memref<10000x128xf32, #tpu.memory_space<hbm>> -> memref<10000x128xf32, #tpu.memory_space<hbm>>
      tpu.enqueue_indirect_dma source(%dma_start3A_76 : memref<10000x128xf32, #tpu.memory_space<hbm>>) target(%arg10 : memref<80x128xf32, #tpu.memory_space<vmem>>) offsets(%dma_start3A_73 : memref<80xi32, #tpu.memory_space<vmem>>) semaphore(%arg15 : memref<!tpu.dma_semaphore, #tpu.memory_space<semaphore_mem>>) {add = true}
      %dma_wait3A_77 = arith.constant 0 : i32
      %dma_wait3A_78 = tpu.memref_slice %arg7[%add3A_27, %dma_wait3A_77] : memref<40x80xi32, #tpu.memory_space<vmem>> -> memref<1x80xi32, #tpu.memory_space<vmem>>
      %dma_wait3A_79 = tpu.memref_squeeze %dma_wait3A_78 : memref<1x80xi32, #tpu.memory_space<vmem>> -> memref<80xi32, #tpu.memory_space<vmem>>
      %dma_wait3A_80 = arith.constant 0 : i32
      %dma_wait3A_81 = arith.constant 0 : i32
      %dma_wait3A_82 = tpu.memref_slice %arg2[%dma_wait3A_80, %dma_wait3A_81] : memref<10000x128xf32, #tpu.memory_space<hbm>> -> memref<10000x128xf32, #tpu.memory_space<hbm>>
      tpu.wait_indirect_dma semaphore(%arg16 : memref<!tpu.dma_semaphore, #tpu.memory_space<semaphore_mem>>) src(%dma_wait3A_82 : memref<10000x128xf32, #tpu.memory_space<hbm>>) dst(%arg11 : memref<80x128xf32, #tpu.memory_space<vmem>>)
      %add3A_83 = arith.constant 2 : i32
      %add3A_84 = arith.addi %mul3A_10, %add3A_83 : i32
      %dma_start3A_85 = arith.constant 0 : i32
      %dma_start3A_86 = tpu.memref_slice %arg8[%add3A_84, %dma_start3A_85] : memref<40x80xi32, #tpu.memory_space<vmem>> -> memref<1x80xi32, #tpu.memory_space<vmem>>
      %dma_start3A_87 = tpu.memref_squeeze %dma_start3A_86 : memref<1x80xi32, #tpu.memory_space<vmem>> -> memref<80xi32, #tpu.memory_space<vmem>>
      %dma_start3A_88 = arith.constant 0 : i32
      %dma_start3A_89 = arith.constant 0 : i32
      %dma_start3A_90 = tpu.memref_slice %arg3[%dma_start3A_88, %dma_start3A_89] : memref<10000x128xf32, #tpu.memory_space<hbm>> -> memref<10000x128xf32, #tpu.memory_space<hbm>>
      tpu.enqueue_indirect_dma source(%dma_start3A_90 : memref<10000x128xf32, #tpu.memory_space<hbm>>) target(%arg11 : memref<80x128xf32, #tpu.memory_space<vmem>>) offsets(%dma_start3A_87 : memref<80xi32, #tpu.memory_space<vmem>>) semaphore(%arg16 : memref<!tpu.dma_semaphore, #tpu.memory_space<semaphore_mem>>) {add = true}
      %dma_wait3A_91 = arith.constant 0 : i32
      %dma_wait3A_92 = tpu.memref_slice %arg7[%add3A_35, %dma_wait3A_91] : memref<40x80xi32, #tpu.memory_space<vmem>> -> memref<1x80xi32, #tpu.memory_space<vmem>>
      %dma_wait3A_93 = tpu.memref_squeeze %dma_wait3A_92 : memref<1x80xi32, #tpu.memory_space<vmem>> -> memref<80xi32, #tpu.memory_space<vmem>>
      %dma_wait3A_94 = arith.constant 0 : i32
      %dma_wait3A_95 = arith.constant 0 : i32
      %dma_wait3A_96 = tpu.memref_slice %arg2[%dma_wait3A_94, %dma_wait3A_95] : memref<10000x128xf32, #tpu.memory_space<hbm>> -> memref<10000x128xf32, #tpu.memory_space<hbm>>
      tpu.wait_indirect_dma semaphore(%arg17 : memref<!tpu.dma_semaphore, #tpu.memory_space<semaphore_mem>>) src(%dma_wait3A_96 : memref<10000x128xf32, #tpu.memory_space<hbm>>) dst(%arg12 : memref<80x128xf32, #tpu.memory_space<vmem>>)
      %add3A_97 = arith.constant 3 : i32
      %add3A_98 = arith.addi %mul3A_10, %add3A_97 : i32
      %dma_start3A_99 = arith.constant 0 : i32
      %dma_start3A_100 = tpu.memref_slice %arg8[%add3A_98, %dma_start3A_99] : memref<40x80xi32, #tpu.memory_space<vmem>> -> memref<1x80xi32, #tpu.memory_space<vmem>>
      %dma_start3A_101 = tpu.memref_squeeze %dma_start3A_100 : memref<1x80xi32, #tpu.memory_space<vmem>> -> memref<80xi32, #tpu.memory_space<vmem>>
      %dma_start3A_102 = arith.constant 0 : i32
      %dma_start3A_103 = arith.constant 0 : i32
      %dma_start3A_104 = tpu.memref_slice %arg3[%dma_start3A_102, %dma_start3A_103] : memref<10000x128xf32, #tpu.memory_space<hbm>> -> memref<10000x128xf32, #tpu.memory_space<hbm>>
      tpu.enqueue_indirect_dma source(%dma_start3A_104 : memref<10000x128xf32, #tpu.memory_space<hbm>>) target(%arg12 : memref<80x128xf32, #tpu.memory_space<vmem>>) offsets(%dma_start3A_101 : memref<80xi32, #tpu.memory_space<vmem>>) semaphore(%arg17 : memref<!tpu.dma_semaphore, #tpu.memory_space<semaphore_mem>>) {add = true}
      %dma_wait3A_105 = arith.constant 0 : i32
      %dma_wait3A_106 = tpu.memref_slice %arg7[%add3A_43, %dma_wait3A_105] : memref<40x80xi32, #tpu.memory_space<vmem>> -> memref<1x80xi32, #tpu.memory_space<vmem>>
      %dma_wait3A_107 = tpu.memref_squeeze %dma_wait3A_106 : memref<1x80xi32, #tpu.memory_space<vmem>> -> memref<80xi32, #tpu.memory_space<vmem>>
      %dma_wait3A_108 = arith.constant 0 : i32
      %dma_wait3A_109 = arith.constant 0 : i32
      %dma_wait3A_110 = tpu.memref_slice %arg2[%dma_wait3A_108, %dma_wait3A_109] : memref<10000x128xf32, #tpu.memory_space<hbm>> -> memref<10000x128xf32, #tpu.memory_space<hbm>>
      tpu.wait_indirect_dma semaphore(%arg18 : memref<!tpu.dma_semaphore, #tpu.memory_space<semaphore_mem>>) src(%dma_wait3A_110 : memref<10000x128xf32, #tpu.memory_space<hbm>>) dst(%arg13 : memref<80x128xf32, #tpu.memory_space<vmem>>)
      %add3A_111 = arith.constant 4 : i32
      %add3A_112 = arith.addi %mul3A_10, %add3A_111 : i32
      %dma_start3A_113 = arith.constant 0 : i32
      %dma_start3A_114 = tpu.memref_slice %arg8[%add3A_112, %dma_start3A_113] : memref<40x80xi32, #tpu.memory_space<vmem>> -> memref<1x80xi32, #tpu.memory_space<vmem>>
      %dma_start3A_115 = tpu.memref_squeeze %dma_start3A_114 : memref<1x80xi32, #tpu.memory_space<vmem>> -> memref<80xi32, #tpu.memory_space<vmem>>
      %dma_start3A_116 = arith.constant 0 : i32
      %dma_start3A_117 = arith.constant 0 : i32
      %dma_start3A_118 = tpu.memref_slice %arg3[%dma_start3A_116, %dma_start3A_117] : memref<10000x128xf32, #tpu.memory_space<hbm>> -> memref<10000x128xf32, #tpu.memory_space<hbm>>
      tpu.enqueue_indirect_dma source(%dma_start3A_118 : memref<10000x128xf32, #tpu.memory_space<hbm>>) target(%arg13 : memref<80x128xf32, #tpu.memory_space<vmem>>) offsets(%dma_start3A_115 : memref<80xi32, #tpu.memory_space<vmem>>) semaphore(%arg18 : memref<!tpu.dma_semaphore, #tpu.memory_space<semaphore_mem>>) {add = true}
      %dma_wait3A_119 = arith.constant 0 : i32
      %dma_wait3A_120 = tpu.memref_slice %arg8[%add3A_56, %dma_wait3A_119] : memref<40x80xi32, #tpu.memory_space<vmem>> -> memref<1x80xi32, #tpu.memory_space<vmem>>
      %dma_wait3A_121 = tpu.memref_squeeze %dma_wait3A_120 : memref<1x80xi32, #tpu.memory_space<vmem>> -> memref<80xi32, #tpu.memory_space<vmem>>
      %dma_wait3A_122 = arith.constant 0 : i32
      %dma_wait3A_123 = arith.constant 0 : i32
      %dma_wait3A_124 = tpu.memref_slice %arg3[%dma_wait3A_122, %dma_wait3A_123] : memref<10000x128xf32, #tpu.memory_space<hbm>> -> memref<10000x128xf32, #tpu.memory_space<hbm>>
      tpu.wait_indirect_dma semaphore(%arg14 : memref<!tpu.dma_semaphore, #tpu.memory_space<semaphore_mem>>) src(%dma_wait3A_124 : memref<10000x128xf32, #tpu.memory_space<hbm>>) dst(%arg9 : memref<80x128xf32, #tpu.memory_space<vmem>>)
      %add3A_125 = arith.constant 0 : i32
      %add3A_126 = arith.addi %mul3A_10, %add3A_125 : i32
      %mul3A_127 = arith.constant 80 : i32
      %mul3A_128 = arith.muli %add3A_126, %mul3A_127 : i32
      %add3A_129 = arith.addi %mul3A_2, %mul3A_128 : i32
      %dma_start3A_130 = arith.constant 0 : i32
      %dma_start3A_131 = tpu.memref_slice %arg6[%add3A_129, %dma_start3A_130] : memref<102400x128xf32, #tpu.memory_space<hbm>> -> memref<80x128xf32, #tpu.memory_space<hbm>>
      %dma_start3A_132 = arith.constant 0 : i32
      %dma_start3A_133 = tpu.memref_slice %arg6[%add3A_129, %dma_start3A_132] : memref<102400x128xf32, #tpu.memory_space<hbm>> -> memref<80x128xf32, #tpu.memory_space<hbm>>
      tpu.enqueue_dma source(%arg9 : memref<80x128xf32, #tpu.memory_space<vmem>>) target(%dma_start3A_133 : memref<80x128xf32, #tpu.memory_space<hbm>>) target_semaphore(%arg19 : memref<!tpu.dma_semaphore, #tpu.memory_space<semaphore_mem>>)
      %dma_wait3A_134 = arith.constant 0 : i32
      %dma_wait3A_135 = tpu.memref_slice %arg8[%add3A_70, %dma_wait3A_134] : memref<40x80xi32, #tpu.memory_space<vmem>> -> memref<1x80xi32, #tpu.memory_space<vmem>>
      %dma_wait3A_136 = tpu.memref_squeeze %dma_wait3A_135 : memref<1x80xi32, #tpu.memory_space<vmem>> -> memref<80xi32, #tpu.memory_space<vmem>>
      %dma_wait3A_137 = arith.constant 0 : i32
      %dma_wait3A_138 = arith.constant 0 : i32
      %dma_wait3A_139 = tpu.memref_slice %arg3[%dma_wait3A_137, %dma_wait3A_138] : memref<10000x128xf32, #tpu.memory_space<hbm>> -> memref<10000x128xf32, #tpu.memory_space<hbm>>
      tpu.wait_indirect_dma semaphore(%arg15 : memref<!tpu.dma_semaphore, #tpu.memory_space<semaphore_mem>>) src(%dma_wait3A_139 : memref<10000x128xf32, #tpu.memory_space<hbm>>) dst(%arg10 : memref<80x128xf32, #tpu.memory_space<vmem>>)
      %add3A_140 = arith.constant 1 : i32
      %add3A_141 = arith.addi %mul3A_10, %add3A_140 : i32
      %mul3A_142 = arith.constant 80 : i32
      %mul3A_143 = arith.muli %add3A_141, %mul3A_142 : i32
      %add3A_144 = arith.addi %mul3A_2, %mul3A_143 : i32
      %dma_start3A_145 = arith.constant 0 : i32
      %dma_start3A_146 = tpu.memref_slice %arg6[%add3A_144, %dma_start3A_145] : memref<102400x128xf32, #tpu.memory_space<hbm>> -> memref<80x128xf32, #tpu.memory_space<hbm>>
      %dma_start3A_147 = arith.constant 0 : i32
      %dma_start3A_148 = tpu.memref_slice %arg6[%add3A_144, %dma_start3A_147] : memref<102400x128xf32, #tpu.memory_space<hbm>> -> memref<80x128xf32, #tpu.memory_space<hbm>>
      tpu.enqueue_dma source(%arg10 : memref<80x128xf32, #tpu.memory_space<vmem>>) target(%dma_start3A_148 : memref<80x128xf32, #tpu.memory_space<hbm>>) target_semaphore(%arg19 : memref<!tpu.dma_semaphore, #tpu.memory_space<semaphore_mem>>)
      %dma_wait3A_149 = arith.constant 0 : i32
      %dma_wait3A_150 = tpu.memref_slice %arg8[%add3A_84, %dma_wait3A_149] : memref<40x80xi32, #tpu.memory_space<vmem>> -> memref<1x80xi32, #tpu.memory_space<vmem>>
      %dma_wait3A_151 = tpu.memref_squeeze %dma_wait3A_150 : memref<1x80xi32, #tpu.memory_space<vmem>> -> memref<80xi32, #tpu.memory_space<vmem>>
      %dma_wait3A_152 = arith.constant 0 : i32
      %dma_wait3A_153 = arith.constant 0 : i32
      %dma_wait3A_154 = tpu.memref_slice %arg3[%dma_wait3A_152, %dma_wait3A_153] : memref<10000x128xf32, #tpu.memory_space<hbm>> -> memref<10000x128xf32, #tpu.memory_space<hbm>>
      tpu.wait_indirect_dma semaphore(%arg16 : memref<!tpu.dma_semaphore, #tpu.memory_space<semaphore_mem>>) src(%dma_wait3A_154 : memref<10000x128xf32, #tpu.memory_space<hbm>>) dst(%arg11 : memref<80x128xf32, #tpu.memory_space<vmem>>)
      %add3A_155 = arith.constant 2 : i32
      %add3A_156 = arith.addi %mul3A_10, %add3A_155 : i32
      %mul3A_157 = arith.constant 80 : i32
      %mul3A_158 = arith.muli %add3A_156, %mul3A_157 : i32
      %add3A_159 = arith.addi %mul3A_2, %mul3A_158 : i32
      %dma_start3A_160 = arith.constant 0 : i32
      %dma_start3A_161 = tpu.memref_slice %arg6[%add3A_159, %dma_start3A_160] : memref<102400x128xf32, #tpu.memory_space<hbm>> -> memref<80x128xf32, #tpu.memory_space<hbm>>
      %dma_start3A_162 = arith.constant 0 : i32
      %dma_start3A_163 = tpu.memref_slice %arg6[%add3A_159, %dma_start3A_162] : memref<102400x128xf32, #tpu.memory_space<hbm>> -> memref<80x128xf32, #tpu.memory_space<hbm>>
      tpu.enqueue_dma source(%arg11 : memref<80x128xf32, #tpu.memory_space<vmem>>) target(%dma_start3A_163 : memref<80x128xf32, #tpu.memory_space<hbm>>) target_semaphore(%arg19 : memref<!tpu.dma_semaphore, #tpu.memory_space<semaphore_mem>>)
      %dma_wait3A_164 = arith.constant 0 : i32
      %dma_wait3A_165 = tpu.memref_slice %arg8[%add3A_98, %dma_wait3A_164] : memref<40x80xi32, #tpu.memory_space<vmem>> -> memref<1x80xi32, #tpu.memory_space<vmem>>
      %dma_wait3A_166 = tpu.memref_squeeze %dma_wait3A_165 : memref<1x80xi32, #tpu.memory_space<vmem>> -> memref<80xi32, #tpu.memory_space<vmem>>
      %dma_wait3A_167 = arith.constant 0 : i32
      %dma_wait3A_168 = arith.constant 0 : i32
      %dma_wait3A_169 = tpu.memref_slice %arg3[%dma_wait3A_167, %dma_wait3A_168] : memref<10000x128xf32, #tpu.memory_space<hbm>> -> memref<10000x128xf32, #tpu.memory_space<hbm>>
      tpu.wait_indirect_dma semaphore(%arg17 : memref<!tpu.dma_semaphore, #tpu.memory_space<semaphore_mem>>) src(%dma_wait3A_169 : memref<10000x128xf32, #tpu.memory_space<hbm>>) dst(%arg12 : memref<80x128xf32, #tpu.memory_space<vmem>>)
      %add3A_170 = arith.constant 3 : i32
      %add3A_171 = arith.addi %mul3A_10, %add3A_170 : i32
      %mul3A_172 = arith.constant 80 : i32
      %mul3A_173 = arith.muli %add3A_171, %mul3A_172 : i32
      %add3A_174 = arith.addi %mul3A_2, %mul3A_173 : i32
      %dma_start3A_175 = arith.constant 0 : i32
      %dma_start3A_176 = tpu.memref_slice %arg6[%add3A_174, %dma_start3A_175] : memref<102400x128xf32, #tpu.memory_space<hbm>> -> memref<80x128xf32, #tpu.memory_space<hbm>>
      %dma_start3A_177 = arith.constant 0 : i32
      %dma_start3A_178 = tpu.memref_slice %arg6[%add3A_174, %dma_start3A_177] : memref<102400x128xf32, #tpu.memory_space<hbm>> -> memref<80x128xf32, #tpu.memory_space<hbm>>
      tpu.enqueue_dma source(%arg12 : memref<80x128xf32, #tpu.memory_space<vmem>>) target(%dma_start3A_178 : memref<80x128xf32, #tpu.memory_space<hbm>>) target_semaphore(%arg19 : memref<!tpu.dma_semaphore, #tpu.memory_space<semaphore_mem>>)
      %dma_wait3A_179 = arith.constant 0 : i32
      %dma_wait3A_180 = tpu.memref_slice %arg8[%add3A_112, %dma_wait3A_179] : memref<40x80xi32, #tpu.memory_space<vmem>> -> memref<1x80xi32, #tpu.memory_space<vmem>>
      %dma_wait3A_181 = tpu.memref_squeeze %dma_wait3A_180 : memref<1x80xi32, #tpu.memory_space<vmem>> -> memref<80xi32, #tpu.memory_space<vmem>>
      %dma_wait3A_182 = arith.constant 0 : i32
      %dma_wait3A_183 = arith.constant 0 : i32
      %dma_wait3A_184 = tpu.memref_slice %arg3[%dma_wait3A_182, %dma_wait3A_183] : memref<10000x128xf32, #tpu.memory_space<hbm>> -> memref<10000x128xf32, #tpu.memory_space<hbm>>
      tpu.wait_indirect_dma semaphore(%arg18 : memref<!tpu.dma_semaphore, #tpu.memory_space<semaphore_mem>>) src(%dma_wait3A_184 : memref<10000x128xf32, #tpu.memory_space<hbm>>) dst(%arg13 : memref<80x128xf32, #tpu.memory_space<vmem>>)
      %add3A_185 = arith.constant 4 : i32
      %add3A_186 = arith.addi %mul3A_10, %add3A_185 : i32
      %mul3A_187 = arith.constant 80 : i32
      %mul3A_188 = arith.muli %add3A_186, %mul3A_187 : i32
      %add3A_189 = arith.addi %mul3A_2, %mul3A_188 : i32
      %dma_start3A_190 = arith.constant 0 : i32
      %dma_start3A_191 = tpu.memref_slice %arg6[%add3A_189, %dma_start3A_190] : memref<102400x128xf32, #tpu.memory_space<hbm>> -> memref<80x128xf32, #tpu.memory_space<hbm>>
      %dma_start3A_192 = arith.constant 0 : i32
      %dma_start3A_193 = tpu.memref_slice %arg6[%add3A_189, %dma_start3A_192] : memref<102400x128xf32, #tpu.memory_space<hbm>> -> memref<80x128xf32, #tpu.memory_space<hbm>>
      tpu.enqueue_dma source(%arg13 : memref<80x128xf32, #tpu.memory_space<vmem>>) target(%dma_start3A_193 : memref<80x128xf32, #tpu.memory_space<hbm>>) target_semaphore(%arg19 : memref<!tpu.dma_semaphore, #tpu.memory_space<semaphore_mem>>)
      %dma_wait3A_194 = arith.constant 0 : i32
      %dma_wait3A_195 = tpu.memref_slice %arg6[%add3A_129, %dma_wait3A_194] : memref<102400x128xf32, #tpu.memory_space<hbm>> -> memref<80x128xf32, #tpu.memory_space<hbm>>
      %dma_wait3A_196 = arith.constant 0 : i32
      %dma_wait3A_197 = tpu.memref_slice %arg6[%add3A_129, %dma_wait3A_196] : memref<102400x128xf32, #tpu.memory_space<hbm>> -> memref<80x128xf32, #tpu.memory_space<hbm>>
      tpu.wait_dma2 semaphore(%arg19 : memref<!tpu.dma_semaphore, #tpu.memory_space<semaphore_mem>>) src(%arg9 : memref<80x128xf32, #tpu.memory_space<vmem>>) dst(%dma_wait3A_197 : memref<80x128xf32, #tpu.memory_space<hbm>>)
      %dma_wait3A_198 = arith.constant 0 : i32
      %dma_wait3A_199 = tpu.memref_slice %arg6[%add3A_144, %dma_wait3A_198] : memref<102400x128xf32, #tpu.memory_space<hbm>> -> memref<80x128xf32, #tpu.memory_space<hbm>>
      %dma_wait3A_200 = arith.constant 0 : i32
      %dma_wait3A_201 = tpu.memref_slice %arg6[%add3A_144, %dma_wait3A_200] : memref<102400x128xf32, #tpu.memory_space<hbm>> -> memref<80x128xf32, #tpu.memory_space<hbm>>
      tpu.wait_dma2 semaphore(%arg19 : memref<!tpu.dma_semaphore, #tpu.memory_space<semaphore_mem>>) src(%arg10 : memref<80x128xf32, #tpu.memory_space<vmem>>) dst(%dma_wait3A_201 : memref<80x128xf32, #tpu.memory_space<hbm>>)
      %dma_wait3A_202 = arith.constant 0 : i32
      %dma_wait3A_203 = tpu.memref_slice %arg6[%add3A_159, %dma_wait3A_202] : memref<102400x128xf32, #tpu.memory_space<hbm>> -> memref<80x128xf32, #tpu.memory_space<hbm>>
      %dma_wait3A_204 = arith.constant 0 : i32
      %dma_wait3A_205 = tpu.memref_slice %arg6[%add3A_159, %dma_wait3A_204] : memref<102400x128xf32, #tpu.memory_space<hbm>> -> memref<80x128xf32, #tpu.memory_space<hbm>>
      tpu.wait_dma2 semaphore(%arg19 : memref<!tpu.dma_semaphore, #tpu.memory_space<semaphore_mem>>) src(%arg11 : memref<80x128xf32, #tpu.memory_space<vmem>>) dst(%dma_wait3A_205 : memref<80x128xf32, #tpu.memory_space<hbm>>)
      %dma_wait3A_206 = arith.constant 0 : i32
      %dma_wait3A_207 = tpu.memref_slice %arg6[%add3A_174, %dma_wait3A_206] : memref<102400x128xf32, #tpu.memory_space<hbm>> -> memref<80x128xf32, #tpu.memory_space<hbm>>
      %dma_wait3A_208 = arith.constant 0 : i32
      %dma_wait3A_209 = tpu.memref_slice %arg6[%add3A_174, %dma_wait3A_208] : memref<102400x128xf32, #tpu.memory_space<hbm>> -> memref<80x128xf32, #tpu.memory_space<hbm>>
      tpu.wait_dma2 semaphore(%arg19 : memref<!tpu.dma_semaphore, #tpu.memory_space<semaphore_mem>>) src(%arg12 : memref<80x128xf32, #tpu.memory_space<vmem>>) dst(%dma_wait3A_209 : memref<80x128xf32, #tpu.memory_space<hbm>>)
      %dma_wait3A_210 = arith.constant 0 : i32
      %dma_wait3A_211 = tpu.memref_slice %arg6[%add3A_189, %dma_wait3A_210] : memref<102400x128xf32, #tpu.memory_space<hbm>> -> memref<80x128xf32, #tpu.memory_space<hbm>>
      %dma_wait3A_212 = arith.constant 0 : i32
      %dma_wait3A_213 = tpu.memref_slice %arg6[%add3A_189, %dma_wait3A_212] : memref<102400x128xf32, #tpu.memory_space<hbm>> -> memref<80x128xf32, #tpu.memory_space<hbm>>
      tpu.wait_dma2 semaphore(%arg19 : memref<!tpu.dma_semaphore, #tpu.memory_space<semaphore_mem>>) src(%arg13 : memref<80x128xf32, #tpu.memory_space<vmem>>) dst(%dma_wait3A_213 : memref<80x128xf32, #tpu.memory_space<hbm>>)
    }
    %scan3A_7 = arith.constant 8 : i32
    return
  }
}

#map = affine_map<(d0, d1) -> (0, 0)>
#map1 = affine_map<(d0, d1) -> (0, 0, 0)>
module attributes {stable_mosaic.version = 14 : i64} {
  func.func @_gather_body(%arg0: i32, %arg1: i32, %arg2: memref<10000x128xf32, #tpu.memory_space<hbm>>, %arg3: memref<10000x128xf32, #tpu.memory_space<hbm>>, %arg4: memref<32x40x80xi32, #tpu.memory_space<hbm>>, %arg5: memref<32x40x80xi32, #tpu.memory_space<hbm>>, %arg6: memref<102400x128xf32, #tpu.memory_space<hbm>>, %arg7: memref<40x80xi32, #tpu.memory_space<vmem>>, %arg8: memref<40x80xi32, #tpu.memory_space<vmem>>, %arg9: memref<80x128xf32, #tpu.memory_space<vmem>>, %arg10: memref<80x128xf32, #tpu.memory_space<vmem>>, %arg11: memref<80x128xf32, #tpu.memory_space<vmem>>, %arg12: memref<80x128xf32, #tpu.memory_space<vmem>>, %arg13: memref<80x128xf32, #tpu.memory_space<vmem>>, %arg14: memref<!tpu.dma_semaphore, #tpu.memory_space<semaphore_mem>>, %arg15: memref<!tpu.dma_semaphore, #tpu.memory_space<semaphore_mem>>, %arg16: memref<!tpu.dma_semaphore, #tpu.memory_space<semaphore_mem>>, %arg17: memref<!tpu.dma_semaphore, #tpu.memory_space<semaphore_mem>>, %arg18: memref<!tpu.dma_semaphore, #tpu.memory_space<semaphore_mem>>, %arg19: memref<!tpu.dma_semaphore, #tpu.memory_space<semaphore_mem>>) attributes {dimension_semantics = [#tpu.dimension_semantics<core_parallel>, #tpu.dimension_semantics<subcore_parallel>], iteration_bounds = array<i64: 2, 16>, scalar_prefetch = 0 : i64, scratch_operands = 13 : i64, tpu.core_type = #tpu.core_type<sc_vector_subcore>, window_params = [{transform_indices = #map}, {transform_indices = #map}, {transform_indices = #map1}, {transform_indices = #map1}, {transform_indices = #map}]} {
    %mul3A = arith.constant 2 : i32
    %mul3A_0 = arith.muli %arg1, %mul3A : i32
    %add3A = arith.addi %mul3A_0, %arg0 : i32
    %mul3A_1 = arith.constant 3200 : i32
    %mul3A_2 = arith.muli %add3A, %mul3A_1 : i32
    "tpu.region"() ({
      %run_scoped3A = tpu.sem_alloc : memref<!tpu.dma_semaphore, #tpu.memory_space<semaphore_mem>>
      %dma_start3A = arith.constant 0 : i32
      %dma_start3A_8 = arith.constant 0 : i32
      %dma_start3A_9 = tpu.memref_slice %arg4[%add3A, %dma_start3A, %dma_start3A_8] : memref<32x40x80xi32, #tpu.memory_space<hbm>> -> memref<1x40x80xi32, #tpu.memory_space<hbm>>
      %dma_start3A_10 = tpu.memref_squeeze %dma_start3A_9 : memref<1x40x80xi32, #tpu.memory_space<hbm>> -> memref<40x80xi32, #tpu.memory_space<hbm>>
      %dma_start3A_11 = arith.constant 0 : i32
      %dma_start3A_12 = arith.constant 0 : i32
      %dma_start3A_13 = tpu.memref_slice %arg4[%add3A, %dma_start3A_11, %dma_start3A_12] : memref<32x40x80xi32, #tpu.memory_space<hbm>> -> memref<1x40x80xi32, #tpu.memory_space<hbm>>
      %dma_start3A_14 = tpu.memref_squeeze %dma_start3A_13 : memref<1x40x80xi32, #tpu.memory_space<hbm>> -> memref<40x80xi32, #tpu.memory_space<hbm>>
      tpu.enqueue_dma source(%dma_start3A_14 : memref<40x80xi32, #tpu.memory_space<hbm>>) target(%arg7 : memref<40x80xi32, #tpu.memory_space<vmem>>) target_semaphore(%run_scoped3A : memref<!tpu.dma_semaphore, #tpu.memory_space<semaphore_mem>>)
      %dma_wait3A = arith.constant 0 : i32
      %dma_wait3A_15 = arith.constant 0 : i32
      %dma_wait3A_16 = tpu.memref_slice %arg4[%add3A, %dma_wait3A, %dma_wait3A_15] : memref<32x40x80xi32, #tpu.memory_space<hbm>> -> memref<1x40x80xi32, #tpu.memory_space<hbm>>
      %dma_wait3A_17 = tpu.memref_squeeze %dma_wait3A_16 : memref<1x40x80xi32, #tpu.memory_space<hbm>> -> memref<40x80xi32, #tpu.memory_space<hbm>>
      %dma_wait3A_18 = arith.constant 0 : i32
      %dma_wait3A_19 = arith.constant 0 : i32
      %dma_wait3A_20 = tpu.memref_slice %arg4[%add3A, %dma_wait3A_18, %dma_wait3A_19] : memref<32x40x80xi32, #tpu.memory_space<hbm>> -> memref<1x40x80xi32, #tpu.memory_space<hbm>>
      %dma_wait3A_21 = tpu.memref_squeeze %dma_wait3A_20 : memref<1x40x80xi32, #tpu.memory_space<hbm>> -> memref<40x80xi32, #tpu.memory_space<hbm>>
      tpu.wait_dma2 semaphore(%run_scoped3A : memref<!tpu.dma_semaphore, #tpu.memory_space<semaphore_mem>>) src(%dma_wait3A_21 : memref<40x80xi32, #tpu.memory_space<hbm>>) dst(%arg7 : memref<40x80xi32, #tpu.memory_space<vmem>>)
      tpu.yield
    }) : () -> ()
    "tpu.region"() ({
      %run_scoped3A = tpu.sem_alloc : memref<!tpu.dma_semaphore, #tpu.memory_space<semaphore_mem>>
      %dma_start3A = arith.constant 0 : i32
      %dma_start3A_8 = arith.constant 0 : i32
      %dma_start3A_9 = tpu.memref_slice %arg5[%add3A, %dma_start3A, %dma_start3A_8] : memref<32x40x80xi32, #tpu.memory_space<hbm>> -> memref<1x40x80xi32, #tpu.memory_space<hbm>>
      %dma_start3A_10 = tpu.memref_squeeze %dma_start3A_9 : memref<1x40x80xi32, #tpu.memory_space<hbm>> -> memref<40x80xi32, #tpu.memory_space<hbm>>
      %dma_start3A_11 = arith.constant 0 : i32
      %dma_start3A_12 = arith.constant 0 : i32
      %dma_start3A_13 = tpu.memref_slice %arg5[%add3A, %dma_start3A_11, %dma_start3A_12] : memref<32x40x80xi32, #tpu.memory_space<hbm>> -> memref<1x40x80xi32, #tpu.memory_space<hbm>>
      %dma_start3A_14 = tpu.memref_squeeze %dma_start3A_13 : memref<1x40x80xi32, #tpu.memory_space<hbm>> -> memref<40x80xi32, #tpu.memory_space<hbm>>
      tpu.enqueue_dma source(%dma_start3A_14 : memref<40x80xi32, #tpu.memory_space<hbm>>) target(%arg8 : memref<40x80xi32, #tpu.memory_space<vmem>>) target_semaphore(%run_scoped3A : memref<!tpu.dma_semaphore, #tpu.memory_space<semaphore_mem>>)
      %dma_wait3A = arith.constant 0 : i32
      %dma_wait3A_15 = arith.constant 0 : i32
      %dma_wait3A_16 = tpu.memref_slice %arg5[%add3A, %dma_wait3A, %dma_wait3A_15] : memref<32x40x80xi32, #tpu.memory_space<hbm>> -> memref<1x40x80xi32, #tpu.memory_space<hbm>>
      %dma_wait3A_17 = tpu.memref_squeeze %dma_wait3A_16 : memref<1x40x80xi32, #tpu.memory_space<hbm>> -> memref<40x80xi32, #tpu.memory_space<hbm>>
      %dma_wait3A_18 = arith.constant 0 : i32
      %dma_wait3A_19 = arith.constant 0 : i32
      %dma_wait3A_20 = tpu.memref_slice %arg5[%add3A, %dma_wait3A_18, %dma_wait3A_19] : memref<32x40x80xi32, #tpu.memory_space<hbm>> -> memref<1x40x80xi32, #tpu.memory_space<hbm>>
      %dma_wait3A_21 = tpu.memref_squeeze %dma_wait3A_20 : memref<1x40x80xi32, #tpu.memory_space<hbm>> -> memref<40x80xi32, #tpu.memory_space<hbm>>
      tpu.wait_dma2 semaphore(%run_scoped3A : memref<!tpu.dma_semaphore, #tpu.memory_space<semaphore_mem>>) src(%dma_wait3A_21 : memref<40x80xi32, #tpu.memory_space<hbm>>) dst(%arg8 : memref<40x80xi32, #tpu.memory_space<vmem>>)
      tpu.yield
    }) : () -> ()
    %scan3A = arith.constant 0 : i32
    %scan3A_3 = arith.constant 0 : i32
    %scan3A_4 = arith.constant 8 : i32
    %scan3A_5 = arith.addi %scan3A_3, %scan3A_4 : i32
    %scan3A_6 = arith.constant 1 : i32
    scf.for %scan3A_8 = %scan3A_3 to %scan3A_5 step %scan3A_6  : i32 {
      %mul3A_9 = arith.constant 5 : i32
      %mul3A_10 = arith.muli %scan3A_8, %mul3A_9 : i32
      %add3A_11 = arith.constant 0 : i32
      %add3A_12 = arith.addi %mul3A_10, %add3A_11 : i32
      %dma_start3A = arith.constant 0 : i32
      %dma_start3A_13 = tpu.memref_slice %arg7[%add3A_12, %dma_start3A] : memref<40x80xi32, #tpu.memory_space<vmem>> -> memref<1x80xi32, #tpu.memory_space<vmem>>
      %dma_start3A_14 = tpu.memref_squeeze %dma_start3A_13 : memref<1x80xi32, #tpu.memory_space<vmem>> -> memref<80xi32, #tpu.memory_space<vmem>>
      %dma_start3A_15 = arith.constant 0 : i32
      %dma_start3A_16 = arith.constant 0 : i32
      %dma_start3A_17 = tpu.memref_slice %arg2[%dma_start3A_15, %dma_start3A_16] : memref<10000x128xf32, #tpu.memory_space<hbm>> -> memref<10000x128xf32, #tpu.memory_space<hbm>>
      tpu.enqueue_indirect_dma source(%dma_start3A_17 : memref<10000x128xf32, #tpu.memory_space<hbm>>) target(%arg9 : memref<80x128xf32, #tpu.memory_space<vmem>>) offsets(%dma_start3A_14 : memref<80xi32, #tpu.memory_space<vmem>>) semaphore(%arg14 : memref<!tpu.dma_semaphore, #tpu.memory_space<semaphore_mem>>)
      %add3A_18 = arith.constant 1 : i32
      %add3A_19 = arith.addi %mul3A_10, %add3A_18 : i32
      %dma_start3A_20 = arith.constant 0 : i32
      %dma_start3A_21 = tpu.memref_slice %arg7[%add3A_19, %dma_start3A_20] : memref<40x80xi32, #tpu.memory_space<vmem>> -> memref<1x80xi32, #tpu.memory_space<vmem>>
      %dma_start3A_22 = tpu.memref_squeeze %dma_start3A_21 : memref<1x80xi32, #tpu.memory_space<vmem>> -> memref<80xi32, #tpu.memory_space<vmem>>
      %dma_start3A_23 = arith.constant 0 : i32
      %dma_start3A_24 = arith.constant 0 : i32
      %dma_start3A_25 = tpu.memref_slice %arg2[%dma_start3A_23, %dma_start3A_24] : memref<10000x128xf32, #tpu.memory_space<hbm>> -> memref<10000x128xf32, #tpu.memory_space<hbm>>
      tpu.enqueue_indirect_dma source(%dma_start3A_25 : memref<10000x128xf32, #tpu.memory_space<hbm>>) target(%arg10 : memref<80x128xf32, #tpu.memory_space<vmem>>) offsets(%dma_start3A_22 : memref<80xi32, #tpu.memory_space<vmem>>) semaphore(%arg15 : memref<!tpu.dma_semaphore, #tpu.memory_space<semaphore_mem>>)
      %add3A_26 = arith.constant 2 : i32
      %add3A_27 = arith.addi %mul3A_10, %add3A_26 : i32
      %dma_start3A_28 = arith.constant 0 : i32
      %dma_start3A_29 = tpu.memref_slice %arg7[%add3A_27, %dma_start3A_28] : memref<40x80xi32, #tpu.memory_space<vmem>> -> memref<1x80xi32, #tpu.memory_space<vmem>>
      %dma_start3A_30 = tpu.memref_squeeze %dma_start3A_29 : memref<1x80xi32, #tpu.memory_space<vmem>> -> memref<80xi32, #tpu.memory_space<vmem>>
      %dma_start3A_31 = arith.constant 0 : i32
      %dma_start3A_32 = arith.constant 0 : i32
      %dma_start3A_33 = tpu.memref_slice %arg2[%dma_start3A_31, %dma_start3A_32] : memref<10000x128xf32, #tpu.memory_space<hbm>> -> memref<10000x128xf32, #tpu.memory_space<hbm>>
      tpu.enqueue_indirect_dma source(%dma_start3A_33 : memref<10000x128xf32, #tpu.memory_space<hbm>>) target(%arg11 : memref<80x128xf32, #tpu.memory_space<vmem>>) offsets(%dma_start3A_30 : memref<80xi32, #tpu.memory_space<vmem>>) semaphore(%arg16 : memref<!tpu.dma_semaphore, #tpu.memory_space<semaphore_mem>>)
      %add3A_34 = arith.constant 3 : i32
      %add3A_35 = arith.addi %mul3A_10, %add3A_34 : i32
      %dma_start3A_36 = arith.constant 0 : i32
      %dma_start3A_37 = tpu.memref_slice %arg7[%add3A_35, %dma_start3A_36] : memref<40x80xi32, #tpu.memory_space<vmem>> -> memref<1x80xi32, #tpu.memory_space<vmem>>
      %dma_start3A_38 = tpu.memref_squeeze %dma_start3A_37 : memref<1x80xi32, #tpu.memory_space<vmem>> -> memref<80xi32, #tpu.memory_space<vmem>>
      %dma_start3A_39 = arith.constant 0 : i32
      %dma_start3A_40 = arith.constant 0 : i32
      %dma_start3A_41 = tpu.memref_slice %arg2[%dma_start3A_39, %dma_start3A_40] : memref<10000x128xf32, #tpu.memory_space<hbm>> -> memref<10000x128xf32, #tpu.memory_space<hbm>>
      tpu.enqueue_indirect_dma source(%dma_start3A_41 : memref<10000x128xf32, #tpu.memory_space<hbm>>) target(%arg12 : memref<80x128xf32, #tpu.memory_space<vmem>>) offsets(%dma_start3A_38 : memref<80xi32, #tpu.memory_space<vmem>>) semaphore(%arg17 : memref<!tpu.dma_semaphore, #tpu.memory_space<semaphore_mem>>)
      %add3A_42 = arith.constant 4 : i32
      %add3A_43 = arith.addi %mul3A_10, %add3A_42 : i32
      %dma_start3A_44 = arith.constant 0 : i32
      %dma_start3A_45 = tpu.memref_slice %arg7[%add3A_43, %dma_start3A_44] : memref<40x80xi32, #tpu.memory_space<vmem>> -> memref<1x80xi32, #tpu.memory_space<vmem>>
      %dma_start3A_46 = tpu.memref_squeeze %dma_start3A_45 : memref<1x80xi32, #tpu.memory_space<vmem>> -> memref<80xi32, #tpu.memory_space<vmem>>
      %dma_start3A_47 = arith.constant 0 : i32
      %dma_start3A_48 = arith.constant 0 : i32
      %dma_start3A_49 = tpu.memref_slice %arg2[%dma_start3A_47, %dma_start3A_48] : memref<10000x128xf32, #tpu.memory_space<hbm>> -> memref<10000x128xf32, #tpu.memory_space<hbm>>
      tpu.enqueue_indirect_dma source(%dma_start3A_49 : memref<10000x128xf32, #tpu.memory_space<hbm>>) target(%arg13 : memref<80x128xf32, #tpu.memory_space<vmem>>) offsets(%dma_start3A_46 : memref<80xi32, #tpu.memory_space<vmem>>) semaphore(%arg18 : memref<!tpu.dma_semaphore, #tpu.memory_space<semaphore_mem>>)
      %dma_wait3A = arith.constant 0 : i32
      %dma_wait3A_50 = tpu.memref_slice %arg7[%add3A_12, %dma_wait3A] : memref<40x80xi32, #tpu.memory_space<vmem>> -> memref<1x80xi32, #tpu.memory_space<vmem>>
      %dma_wait3A_51 = tpu.memref_squeeze %dma_wait3A_50 : memref<1x80xi32, #tpu.memory_space<vmem>> -> memref<80xi32, #tpu.memory_space<vmem>>
      %dma_wait3A_52 = arith.constant 0 : i32
      %dma_wait3A_53 = arith.constant 0 : i32
      %dma_wait3A_54 = tpu.memref_slice %arg2[%dma_wait3A_52, %dma_wait3A_53] : memref<10000x128xf32, #tpu.memory_space<hbm>> -> memref<10000x128xf32, #tpu.memory_space<hbm>>
      tpu.wait_indirect_dma semaphore(%arg14 : memref<!tpu.dma_semaphore, #tpu.memory_space<semaphore_mem>>) src(%dma_wait3A_54 : memref<10000x128xf32, #tpu.memory_space<hbm>>) dst(%arg9 : memref<80x128xf32, #tpu.memory_space<vmem>>)
      %add3A_55 = arith.constant 0 : i32
      %add3A_56 = arith.addi %mul3A_10, %add3A_55 : i32
      %dma_start3A_57 = arith.constant 0 : i32
      %dma_start3A_58 = tpu.memref_slice %arg8[%add3A_56, %dma_start3A_57] : memref<40x80xi32, #tpu.memory_space<vmem>> -> memref<1x80xi32, #tpu.memory_space<vmem>>
      %dma_start3A_59 = tpu.memref_squeeze %dma_start3A_58 : memref<1x80xi32, #tpu.memory_space<vmem>> -> memref<80xi32, #tpu.memory_space<vmem>>
      %dma_start3A_60 = arith.constant 0 : i32
      %dma_start3A_61 = arith.constant 0 : i32
      %dma_start3A_62 = tpu.memref_slice %arg3[%dma_start3A_60, %dma_start3A_61] : memref<10000x128xf32, #tpu.memory_space<hbm>> -> memref<10000x128xf32, #tpu.memory_space<hbm>>
      tpu.enqueue_indirect_dma source(%dma_start3A_62 : memref<10000x128xf32, #tpu.memory_space<hbm>>) target(%arg9 : memref<80x128xf32, #tpu.memory_space<vmem>>) offsets(%dma_start3A_59 : memref<80xi32, #tpu.memory_space<vmem>>) semaphore(%arg14 : memref<!tpu.dma_semaphore, #tpu.memory_space<semaphore_mem>>) {add = true}
      %dma_wait3A_63 = arith.constant 0 : i32
      %dma_wait3A_64 = tpu.memref_slice %arg7[%add3A_19, %dma_wait3A_63] : memref<40x80xi32, #tpu.memory_space<vmem>> -> memref<1x80xi32, #tpu.memory_space<vmem>>
      %dma_wait3A_65 = tpu.memref_squeeze %dma_wait3A_64 : memref<1x80xi32, #tpu.memory_space<vmem>> -> memref<80xi32, #tpu.memory_space<vmem>>
      %dma_wait3A_66 = arith.constant 0 : i32
      %dma_wait3A_67 = arith.constant 0 : i32
      %dma_wait3A_68 = tpu.memref_slice %arg2[%dma_wait3A_66, %dma_wait3A_67] : memref<10000x128xf32, #tpu.memory_space<hbm>> -> memref<10000x128xf32, #tpu.memory_space<hbm>>
      tpu.wait_indirect_dma semaphore(%arg15 : memref<!tpu.dma_semaphore, #tpu.memory_space<semaphore_mem>>) src(%dma_wait3A_68 : memref<10000x128xf32, #tpu.memory_space<hbm>>) dst(%arg10 : memref<80x128xf32, #tpu.memory_space<vmem>>)
      %add3A_69 = arith.constant 1 : i32
      %add3A_70 = arith.addi %mul3A_10, %add3A_69 : i32
      %dma_start3A_71 = arith.constant 0 : i32
      %dma_start3A_72 = tpu.memref_slice %arg8[%add3A_70, %dma_start3A_71] : memref<40x80xi32, #tpu.memory_space<vmem>> -> memref<1x80xi32, #tpu.memory_space<vmem>>
      %dma_start3A_73 = tpu.memref_squeeze %dma_start3A_72 : memref<1x80xi32, #tpu.memory_space<vmem>> -> memref<80xi32, #tpu.memory_space<vmem>>
      %dma_start3A_74 = arith.constant 0 : i32
      %dma_start3A_75 = arith.constant 0 : i32
      %dma_start3A_76 = tpu.memref_slice %arg3[%dma_start3A_74, %dma_start3A_75] : memref<10000x128xf32, #tpu.memory_space<hbm>> -> memref<10000x128xf32, #tpu.memory_space<hbm>>
      tpu.enqueue_indirect_dma source(%dma_start3A_76 : memref<10000x128xf32, #tpu.memory_space<hbm>>) target(%arg10 : memref<80x128xf32, #tpu.memory_space<vmem>>) offsets(%dma_start3A_73 : memref<80xi32, #tpu.memory_space<vmem>>) semaphore(%arg15 : memref<!tpu.dma_semaphore, #tpu.memory_space<semaphore_mem>>) {add = true}
      %dma_wait3A_77 = arith.constant 0 : i32
      %dma_wait3A_78 = tpu.memref_slice %arg7[%add3A_27, %dma_wait3A_77] : memref<40x80xi32, #tpu.memory_space<vmem>> -> memref<1x80xi32, #tpu.memory_space<vmem>>
      %dma_wait3A_79 = tpu.memref_squeeze %dma_wait3A_78 : memref<1x80xi32, #tpu.memory_space<vmem>> -> memref<80xi32, #tpu.memory_space<vmem>>
      %dma_wait3A_80 = arith.constant 0 : i32
      %dma_wait3A_81 = arith.constant 0 : i32
      %dma_wait3A_82 = tpu.memref_slice %arg2[%dma_wait3A_80, %dma_wait3A_81] : memref<10000x128xf32, #tpu.memory_space<hbm>> -> memref<10000x128xf32, #tpu.memory_space<hbm>>
      tpu.wait_indirect_dma semaphore(%arg16 : memref<!tpu.dma_semaphore, #tpu.memory_space<semaphore_mem>>) src(%dma_wait3A_82 : memref<10000x128xf32, #tpu.memory_space<hbm>>) dst(%arg11 : memref<80x128xf32, #tpu.memory_space<vmem>>)
      %add3A_83 = arith.constant 2 : i32
      %add3A_84 = arith.addi %mul3A_10, %add3A_83 : i32
      %dma_start3A_85 = arith.constant 0 : i32
      %dma_start3A_86 = tpu.memref_slice %arg8[%add3A_84, %dma_start3A_85] : memref<40x80xi32, #tpu.memory_space<vmem>> -> memref<1x80xi32, #tpu.memory_space<vmem>>
      %dma_start3A_87 = tpu.memref_squeeze %dma_start3A_86 : memref<1x80xi32, #tpu.memory_space<vmem>> -> memref<80xi32, #tpu.memory_space<vmem>>
      %dma_start3A_88 = arith.constant 0 : i32
      %dma_start3A_89 = arith.constant 0 : i32
      %dma_start3A_90 = tpu.memref_slice %arg3[%dma_start3A_88, %dma_start3A_89] : memref<10000x128xf32, #tpu.memory_space<hbm>> -> memref<10000x128xf32, #tpu.memory_space<hbm>>
      tpu.enqueue_indirect_dma source(%dma_start3A_90 : memref<10000x128xf32, #tpu.memory_space<hbm>>) target(%arg11 : memref<80x128xf32, #tpu.memory_space<vmem>>) offsets(%dma_start3A_87 : memref<80xi32, #tpu.memory_space<vmem>>) semaphore(%arg16 : memref<!tpu.dma_semaphore, #tpu.memory_space<semaphore_mem>>) {add = true}
      %dma_wait3A_91 = arith.constant 0 : i32
      %dma_wait3A_92 = tpu.memref_slice %arg7[%add3A_35, %dma_wait3A_91] : memref<40x80xi32, #tpu.memory_space<vmem>> -> memref<1x80xi32, #tpu.memory_space<vmem>>
      %dma_wait3A_93 = tpu.memref_squeeze %dma_wait3A_92 : memref<1x80xi32, #tpu.memory_space<vmem>> -> memref<80xi32, #tpu.memory_space<vmem>>
      %dma_wait3A_94 = arith.constant 0 : i32
      %dma_wait3A_95 = arith.constant 0 : i32
      %dma_wait3A_96 = tpu.memref_slice %arg2[%dma_wait3A_94, %dma_wait3A_95] : memref<10000x128xf32, #tpu.memory_space<hbm>> -> memref<10000x128xf32, #tpu.memory_space<hbm>>
      tpu.wait_indirect_dma semaphore(%arg17 : memref<!tpu.dma_semaphore, #tpu.memory_space<semaphore_mem>>) src(%dma_wait3A_96 : memref<10000x128xf32, #tpu.memory_space<hbm>>) dst(%arg12 : memref<80x128xf32, #tpu.memory_space<vmem>>)
      %add3A_97 = arith.constant 3 : i32
      %add3A_98 = arith.addi %mul3A_10, %add3A_97 : i32
      %dma_start3A_99 = arith.constant 0 : i32
      %dma_start3A_100 = tpu.memref_slice %arg8[%add3A_98, %dma_start3A_99] : memref<40x80xi32, #tpu.memory_space<vmem>> -> memref<1x80xi32, #tpu.memory_space<vmem>>
      %dma_start3A_101 = tpu.memref_squeeze %dma_start3A_100 : memref<1x80xi32, #tpu.memory_space<vmem>> -> memref<80xi32, #tpu.memory_space<vmem>>
      %dma_start3A_102 = arith.constant 0 : i32
      %dma_start3A_103 = arith.constant 0 : i32
      %dma_start3A_104 = tpu.memref_slice %arg3[%dma_start3A_102, %dma_start3A_103] : memref<10000x128xf32, #tpu.memory_space<hbm>> -> memref<10000x128xf32, #tpu.memory_space<hbm>>
      tpu.enqueue_indirect_dma source(%dma_start3A_104 : memref<10000x128xf32, #tpu.memory_space<hbm>>) target(%arg12 : memref<80x128xf32, #tpu.memory_space<vmem>>) offsets(%dma_start3A_101 : memref<80xi32, #tpu.memory_space<vmem>>) semaphore(%arg17 : memref<!tpu.dma_semaphore, #tpu.memory_space<semaphore_mem>>) {add = true}
      %dma_wait3A_105 = arith.constant 0 : i32
      %dma_wait3A_106 = tpu.memref_slice %arg7[%add3A_43, %dma_wait3A_105] : memref<40x80xi32, #tpu.memory_space<vmem>> -> memref<1x80xi32, #tpu.memory_space<vmem>>
      %dma_wait3A_107 = tpu.memref_squeeze %dma_wait3A_106 : memref<1x80xi32, #tpu.memory_space<vmem>> -> memref<80xi32, #tpu.memory_space<vmem>>
      %dma_wait3A_108 = arith.constant 0 : i32
      %dma_wait3A_109 = arith.constant 0 : i32
      %dma_wait3A_110 = tpu.memref_slice %arg2[%dma_wait3A_108, %dma_wait3A_109] : memref<10000x128xf32, #tpu.memory_space<hbm>> -> memref<10000x128xf32, #tpu.memory_space<hbm>>
      tpu.wait_indirect_dma semaphore(%arg18 : memref<!tpu.dma_semaphore, #tpu.memory_space<semaphore_mem>>) src(%dma_wait3A_110 : memref<10000x128xf32, #tpu.memory_space<hbm>>) dst(%arg13 : memref<80x128xf32, #tpu.memory_space<vmem>>)
      %add3A_111 = arith.constant 4 : i32
      %add3A_112 = arith.addi %mul3A_10, %add3A_111 : i32
      %dma_start3A_113 = arith.constant 0 : i32
      %dma_start3A_114 = tpu.memref_slice %arg8[%add3A_112, %dma_start3A_113] : memref<40x80xi32, #tpu.memory_space<vmem>> -> memref<1x80xi32, #tpu.memory_space<vmem>>
      %dma_start3A_115 = tpu.memref_squeeze %dma_start3A_114 : memref<1x80xi32, #tpu.memory_space<vmem>> -> memref<80xi32, #tpu.memory_space<vmem>>
      %dma_start3A_116 = arith.constant 0 : i32
      %dma_start3A_117 = arith.constant 0 : i32
      %dma_start3A_118 = tpu.memref_slice %arg3[%dma_start3A_116, %dma_start3A_117] : memref<10000x128xf32, #tpu.memory_space<hbm>> -> memref<10000x128xf32, #tpu.memory_space<hbm>>
      tpu.enqueue_indirect_dma source(%dma_start3A_118 : memref<10000x128xf32, #tpu.memory_space<hbm>>) target(%arg13 : memref<80x128xf32, #tpu.memory_space<vmem>>) offsets(%dma_start3A_115 : memref<80xi32, #tpu.memory_space<vmem>>) semaphore(%arg18 : memref<!tpu.dma_semaphore, #tpu.memory_space<semaphore_mem>>) {add = true}
      %dma_wait3A_119 = arith.constant 0 : i32
      %dma_wait3A_120 = tpu.memref_slice %arg8[%add3A_56, %dma_wait3A_119] : memref<40x80xi32, #tpu.memory_space<vmem>> -> memref<1x80xi32, #tpu.memory_space<vmem>>
      %dma_wait3A_121 = tpu.memref_squeeze %dma_wait3A_120 : memref<1x80xi32, #tpu.memory_space<vmem>> -> memref<80xi32, #tpu.memory_space<vmem>>
      %dma_wait3A_122 = arith.constant 0 : i32
      %dma_wait3A_123 = arith.constant 0 : i32
      %dma_wait3A_124 = tpu.memref_slice %arg3[%dma_wait3A_122, %dma_wait3A_123] : memref<10000x128xf32, #tpu.memory_space<hbm>> -> memref<10000x128xf32, #tpu.memory_space<hbm>>
      tpu.wait_indirect_dma semaphore(%arg14 : memref<!tpu.dma_semaphore, #tpu.memory_space<semaphore_mem>>) src(%dma_wait3A_124 : memref<10000x128xf32, #tpu.memory_space<hbm>>) dst(%arg9 : memref<80x128xf32, #tpu.memory_space<vmem>>)
      %add3A_125 = arith.constant 0 : i32
      %add3A_126 = arith.addi %mul3A_10, %add3A_125 : i32
      %mul3A_127 = arith.constant 80 : i32
      %mul3A_128 = arith.muli %add3A_126, %mul3A_127 : i32
      %add3A_129 = arith.addi %mul3A_2, %mul3A_128 : i32
      %dma_start3A_130 = arith.constant 0 : i32
      %dma_start3A_131 = tpu.memref_slice %arg6[%add3A_129, %dma_start3A_130] : memref<102400x128xf32, #tpu.memory_space<hbm>> -> memref<80x128xf32, #tpu.memory_space<hbm>>
      %dma_start3A_132 = arith.constant 0 : i32
      %dma_start3A_133 = tpu.memref_slice %arg6[%add3A_129, %dma_start3A_132] : memref<102400x128xf32, #tpu.memory_space<hbm>> -> memref<80x128xf32, #tpu.memory_space<hbm>>
      tpu.enqueue_dma source(%arg9 : memref<80x128xf32, #tpu.memory_space<vmem>>) target(%dma_start3A_133 : memref<80x128xf32, #tpu.memory_space<hbm>>) target_semaphore(%arg19 : memref<!tpu.dma_semaphore, #tpu.memory_space<semaphore_mem>>)
      %dma_wait3A_134 = arith.constant 0 : i32
      %dma_wait3A_135 = tpu.memref_slice %arg8[%add3A_70, %dma_wait3A_134] : memref<40x80xi32, #tpu.memory_space<vmem>> -> memref<1x80xi32, #tpu.memory_space<vmem>>
      %dma_wait3A_136 = tpu.memref_squeeze %dma_wait3A_135 : memref<1x80xi32, #tpu.memory_space<vmem>> -> memref<80xi32, #tpu.memory_space<vmem>>
      %dma_wait3A_137 = arith.constant 0 : i32
      %dma_wait3A_138 = arith.constant 0 : i32
      %dma_wait3A_139 = tpu.memref_slice %arg3[%dma_wait3A_137, %dma_wait3A_138] : memref<10000x128xf32, #tpu.memory_space<hbm>> -> memref<10000x128xf32, #tpu.memory_space<hbm>>
      tpu.wait_indirect_dma semaphore(%arg15 : memref<!tpu.dma_semaphore, #tpu.memory_space<semaphore_mem>>) src(%dma_wait3A_139 : memref<10000x128xf32, #tpu.memory_space<hbm>>) dst(%arg10 : memref<80x128xf32, #tpu.memory_space<vmem>>)
      %add3A_140 = arith.constant 1 : i32
      %add3A_141 = arith.addi %mul3A_10, %add3A_140 : i32
      %mul3A_142 = arith.constant 80 : i32
      %mul3A_143 = arith.muli %add3A_141, %mul3A_142 : i32
      %add3A_144 = arith.addi %mul3A_2, %mul3A_143 : i32
      %dma_start3A_145 = arith.constant 0 : i32
      %dma_start3A_146 = tpu.memref_slice %arg6[%add3A_144, %dma_start3A_145] : memref<102400x128xf32, #tpu.memory_space<hbm>> -> memref<80x128xf32, #tpu.memory_space<hbm>>
      %dma_start3A_147 = arith.constant 0 : i32
      %dma_start3A_148 = tpu.memref_slice %arg6[%add3A_144, %dma_start3A_147] : memref<102400x128xf32, #tpu.memory_space<hbm>> -> memref<80x128xf32, #tpu.memory_space<hbm>>
      tpu.enqueue_dma source(%arg10 : memref<80x128xf32, #tpu.memory_space<vmem>>) target(%dma_start3A_148 : memref<80x128xf32, #tpu.memory_space<hbm>>) target_semaphore(%arg19 : memref<!tpu.dma_semaphore, #tpu.memory_space<semaphore_mem>>)
      %dma_wait3A_149 = arith.constant 0 : i32
      %dma_wait3A_150 = tpu.memref_slice %arg8[%add3A_84, %dma_wait3A_149] : memref<40x80xi32, #tpu.memory_space<vmem>> -> memref<1x80xi32, #tpu.memory_space<vmem>>
      %dma_wait3A_151 = tpu.memref_squeeze %dma_wait3A_150 : memref<1x80xi32, #tpu.memory_space<vmem>> -> memref<80xi32, #tpu.memory_space<vmem>>
      %dma_wait3A_152 = arith.constant 0 : i32
      %dma_wait3A_153 = arith.constant 0 : i32
      %dma_wait3A_154 = tpu.memref_slice %arg3[%dma_wait3A_152, %dma_wait3A_153] : memref<10000x128xf32, #tpu.memory_space<hbm>> -> memref<10000x128xf32, #tpu.memory_space<hbm>>
      tpu.wait_indirect_dma semaphore(%arg16 : memref<!tpu.dma_semaphore, #tpu.memory_space<semaphore_mem>>) src(%dma_wait3A_154 : memref<10000x128xf32, #tpu.memory_space<hbm>>) dst(%arg11 : memref<80x128xf32, #tpu.memory_space<vmem>>)
      %add3A_155 = arith.constant 2 : i32
      %add3A_156 = arith.addi %mul3A_10, %add3A_155 : i32
      %mul3A_157 = arith.constant 80 : i32
      %mul3A_158 = arith.muli %add3A_156, %mul3A_157 : i32
      %add3A_159 = arith.addi %mul3A_2, %mul3A_158 : i32
      %dma_start3A_160 = arith.constant 0 : i32
      %dma_start3A_161 = tpu.memref_slice %arg6[%add3A_159, %dma_start3A_160] : memref<102400x128xf32, #tpu.memory_space<hbm>> -> memref<80x128xf32, #tpu.memory_space<hbm>>
      %dma_start3A_162 = arith.constant 0 : i32
      %dma_start3A_163 = tpu.memref_slice %arg6[%add3A_159, %dma_start3A_162] : memref<102400x128xf32, #tpu.memory_space<hbm>> -> memref<80x128xf32, #tpu.memory_space<hbm>>
      tpu.enqueue_dma source(%arg11 : memref<80x128xf32, #tpu.memory_space<vmem>>) target(%dma_start3A_163 : memref<80x128xf32, #tpu.memory_space<hbm>>) target_semaphore(%arg19 : memref<!tpu.dma_semaphore, #tpu.memory_space<semaphore_mem>>)
      %dma_wait3A_164 = arith.constant 0 : i32
      %dma_wait3A_165 = tpu.memref_slice %arg8[%add3A_98, %dma_wait3A_164] : memref<40x80xi32, #tpu.memory_space<vmem>> -> memref<1x80xi32, #tpu.memory_space<vmem>>
      %dma_wait3A_166 = tpu.memref_squeeze %dma_wait3A_165 : memref<1x80xi32, #tpu.memory_space<vmem>> -> memref<80xi32, #tpu.memory_space<vmem>>
      %dma_wait3A_167 = arith.constant 0 : i32
      %dma_wait3A_168 = arith.constant 0 : i32
      %dma_wait3A_169 = tpu.memref_slice %arg3[%dma_wait3A_167, %dma_wait3A_168] : memref<10000x128xf32, #tpu.memory_space<hbm>> -> memref<10000x128xf32, #tpu.memory_space<hbm>>
      tpu.wait_indirect_dma semaphore(%arg17 : memref<!tpu.dma_semaphore, #tpu.memory_space<semaphore_mem>>) src(%dma_wait3A_169 : memref<10000x128xf32, #tpu.memory_space<hbm>>) dst(%arg12 : memref<80x128xf32, #tpu.memory_space<vmem>>)
      %add3A_170 = arith.constant 3 : i32
      %add3A_171 = arith.addi %mul3A_10, %add3A_170 : i32
      %mul3A_172 = arith.constant 80 : i32
      %mul3A_173 = arith.muli %add3A_171, %mul3A_172 : i32
      %add3A_174 = arith.addi %mul3A_2, %mul3A_173 : i32
      %dma_start3A_175 = arith.constant 0 : i32
      %dma_start3A_176 = tpu.memref_slice %arg6[%add3A_174, %dma_start3A_175] : memref<102400x128xf32, #tpu.memory_space<hbm>> -> memref<80x128xf32, #tpu.memory_space<hbm>>
      %dma_start3A_177 = arith.constant 0 : i32
      %dma_start3A_178 = tpu.memref_slice %arg6[%add3A_174, %dma_start3A_177] : memref<102400x128xf32, #tpu.memory_space<hbm>> -> memref<80x128xf32, #tpu.memory_space<hbm>>
      tpu.enqueue_dma source(%arg12 : memref<80x128xf32, #tpu.memory_space<vmem>>) target(%dma_start3A_178 : memref<80x128xf32, #tpu.memory_space<hbm>>) target_semaphore(%arg19 : memref<!tpu.dma_semaphore, #tpu.memory_space<semaphore_mem>>)
      %dma_wait3A_179 = arith.constant 0 : i32
      %dma_wait3A_180 = tpu.memref_slice %arg8[%add3A_112, %dma_wait3A_179] : memref<40x80xi32, #tpu.memory_space<vmem>> -> memref<1x80xi32, #tpu.memory_space<vmem>>
      %dma_wait3A_181 = tpu.memref_squeeze %dma_wait3A_180 : memref<1x80xi32, #tpu.memory_space<vmem>> -> memref<80xi32, #tpu.memory_space<vmem>>
      %dma_wait3A_182 = arith.constant 0 : i32
      %dma_wait3A_183 = arith.constant 0 : i32
      %dma_wait3A_184 = tpu.memref_slice %arg3[%dma_wait3A_182, %dma_wait3A_183] : memref<10000x128xf32, #tpu.memory_space<hbm>> -> memref<10000x128xf32, #tpu.memory_space<hbm>>
      tpu.wait_indirect_dma semaphore(%arg18 : memref<!tpu.dma_semaphore, #tpu.memory_space<semaphore_mem>>) src(%dma_wait3A_184 : memref<10000x128xf32, #tpu.memory_space<hbm>>) dst(%arg13 : memref<80x128xf32, #tpu.memory_space<vmem>>)
      %add3A_185 = arith.constant 4 : i32
      %add3A_186 = arith.addi %mul3A_10, %add3A_185 : i32
      %mul3A_187 = arith.constant 80 : i32
      %mul3A_188 = arith.muli %add3A_186, %mul3A_187 : i32
      %add3A_189 = arith.addi %mul3A_2, %mul3A_188 : i32
      %dma_start3A_190 = arith.constant 0 : i32
      %dma_start3A_191 = tpu.memref_slice %arg6[%add3A_189, %dma_start3A_190] : memref<102400x128xf32, #tpu.memory_space<hbm>> -> memref<80x128xf32, #tpu.memory_space<hbm>>
      %dma_start3A_192 = arith.constant 0 : i32
      %dma_start3A_193 = tpu.memref_slice %arg6[%add3A_189, %dma_start3A_192] : memref<102400x128xf32, #tpu.memory_space<hbm>> -> memref<80x128xf32, #tpu.memory_space<hbm>>
      tpu.enqueue_dma source(%arg13 : memref<80x128xf32, #tpu.memory_space<vmem>>) target(%dma_start3A_193 : memref<80x128xf32, #tpu.memory_space<hbm>>) target_semaphore(%arg19 : memref<!tpu.dma_semaphore, #tpu.memory_space<semaphore_mem>>)
      %dma_wait3A_194 = arith.constant 0 : i32
      %dma_wait3A_195 = tpu.memref_slice %arg6[%add3A_129, %dma_wait3A_194] : memref<102400x128xf32, #tpu.memory_space<hbm>> -> memref<80x128xf32, #tpu.memory_space<hbm>>
      %dma_wait3A_196 = arith.constant 0 : i32
      %dma_wait3A_197 = tpu.memref_slice %arg6[%add3A_129, %dma_wait3A_196] : memref<102400x128xf32, #tpu.memory_space<hbm>> -> memref<80x128xf32, #tpu.memory_space<hbm>>
      tpu.wait_dma2 semaphore(%arg19 : memref<!tpu.dma_semaphore, #tpu.memory_space<semaphore_mem>>) src(%arg9 : memref<80x128xf32, #tpu.memory_space<vmem>>) dst(%dma_wait3A_197 : memref<80x128xf32, #tpu.memory_space<hbm>>)
      %dma_wait3A_198 = arith.constant 0 : i32
      %dma_wait3A_199 = tpu.memref_slice %arg6[%add3A_144, %dma_wait3A_198] : memref<102400x128xf32, #tpu.memory_space<hbm>> -> memref<80x128xf32, #tpu.memory_space<hbm>>
      %dma_wait3A_200 = arith.constant 0 : i32
      %dma_wait3A_201 = tpu.memref_slice %arg6[%add3A_144, %dma_wait3A_200] : memref<102400x128xf32, #tpu.memory_space<hbm>> -> memref<80x128xf32, #tpu.memory_space<hbm>>
      tpu.wait_dma2 semaphore(%arg19 : memref<!tpu.dma_semaphore, #tpu.memory_space<semaphore_mem>>) src(%arg10 : memref<80x128xf32, #tpu.memory_space<vmem>>) dst(%dma_wait3A_201 : memref<80x128xf32, #tpu.memory_space<hbm>>)
      %dma_wait3A_202 = arith.constant 0 : i32
      %dma_wait3A_203 = tpu.memref_slice %arg6[%add3A_159, %dma_wait3A_202] : memref<102400x128xf32, #tpu.memory_space<hbm>> -> memref<80x128xf32, #tpu.memory_space<hbm>>
      %dma_wait3A_204 = arith.constant 0 : i32
      %dma_wait3A_205 = tpu.memref_slice %arg6[%add3A_159, %dma_wait3A_204] : memref<102400x128xf32, #tpu.memory_space<hbm>> -> memref<80x128xf32, #tpu.memory_space<hbm>>
      tpu.wait_dma2 semaphore(%arg19 : memref<!tpu.dma_semaphore, #tpu.memory_space<semaphore_mem>>) src(%arg11 : memref<80x128xf32, #tpu.memory_space<vmem>>) dst(%dma_wait3A_205 : memref<80x128xf32, #tpu.memory_space<hbm>>)
      %dma_wait3A_206 = arith.constant 0 : i32
      %dma_wait3A_207 = tpu.memref_slice %arg6[%add3A_174, %dma_wait3A_206] : memref<102400x128xf32, #tpu.memory_space<hbm>> -> memref<80x128xf32, #tpu.memory_space<hbm>>
      %dma_wait3A_208 = arith.constant 0 : i32
      %dma_wait3A_209 = tpu.memref_slice %arg6[%add3A_174, %dma_wait3A_208] : memref<102400x128xf32, #tpu.memory_space<hbm>> -> memref<80x128xf32, #tpu.memory_space<hbm>>
      tpu.wait_dma2 semaphore(%arg19 : memref<!tpu.dma_semaphore, #tpu.memory_space<semaphore_mem>>) src(%arg12 : memref<80x128xf32, #tpu.memory_space<vmem>>) dst(%dma_wait3A_209 : memref<80x128xf32, #tpu.memory_space<hbm>>)
      %dma_wait3A_210 = arith.constant 0 : i32
      %dma_wait3A_211 = tpu.memref_slice %arg6[%add3A_189, %dma_wait3A_210] : memref<102400x128xf32, #tpu.memory_space<hbm>> -> memref<80x128xf32, #tpu.memory_space<hbm>>
      %dma_wait3A_212 = arith.constant 0 : i32
      %dma_wait3A_213 = tpu.memref_slice %arg6[%add3A_189, %dma_wait3A_212] : memref<102400x128xf32, #tpu.memory_space<hbm>> -> memref<80x128xf32, #tpu.memory_space<hbm>>
      tpu.wait_dma2 semaphore(%arg19 : memref<!tpu.dma_semaphore, #tpu.memory_space<semaphore_mem>>) src(%arg13 : memref<80x128xf32, #tpu.memory_space<vmem>>) dst(%dma_wait3A_213 : memref<80x128xf32, #tpu.memory_space<hbm>>)
    }
    %scan3A_7 = arith.constant 8 : i32
    return
  }
}

#map = affine_map<(d0, d1) -> (0, 0)>
#map1 = affine_map<(d0, d1) -> (0, 0, 0)>
module attributes {stable_mosaic.version = 14 : i64} {
  func.func @_scatter_body(%arg0: i32, %arg1: i32, %arg2: memref<102400x128xf32, #tpu.memory_space<hbm>>, %arg3: memref<2560x40xi32, #tpu.memory_space<hbm>>, %arg4: memref<10000x128xf32, #tpu.memory_space<hbm>>, %arg5: memref<2x10000x128xf32, #tpu.memory_space<hbm>>, %arg6: memref<40xi32, #tpu.memory_space<vmem>>, %arg7: memref<40xi32, #tpu.memory_space<vmem>>, %arg8: memref<40xi32, #tpu.memory_space<vmem>>, %arg9: memref<40xi32, #tpu.memory_space<vmem>>, %arg10: memref<40xi32, #tpu.memory_space<vmem>>, %arg11: memref<40x128xf32, #tpu.memory_space<vmem>>, %arg12: memref<40x128xf32, #tpu.memory_space<vmem>>, %arg13: memref<40x128xf32, #tpu.memory_space<vmem>>, %arg14: memref<40x128xf32, #tpu.memory_space<vmem>>, %arg15: memref<40x128xf32, #tpu.memory_space<vmem>>, %arg16: memref<!tpu.dma_semaphore, #tpu.memory_space<semaphore_mem>>, %arg17: memref<!tpu.dma_semaphore, #tpu.memory_space<semaphore_mem>>, %arg18: memref<!tpu.dma_semaphore, #tpu.memory_space<semaphore_mem>>, %arg19: memref<!tpu.dma_semaphore, #tpu.memory_space<semaphore_mem>>, %arg20: memref<!tpu.dma_semaphore, #tpu.memory_space<semaphore_mem>>, %arg21: memref<!tpu.dma_semaphore, #tpu.memory_space<semaphore_mem>>, %arg22: memref<!tpu.dma_semaphore, #tpu.memory_space<semaphore_mem>>, %arg23: memref<!tpu.dma_semaphore, #tpu.memory_space<semaphore_mem>>, %arg24: memref<!tpu.dma_semaphore, #tpu.memory_space<semaphore_mem>>, %arg25: memref<!tpu.dma_semaphore, #tpu.memory_space<semaphore_mem>>, %arg26: memref<10000x128xf32, #tpu.memory_space<vmem_shared>>) attributes {dimension_semantics = [#tpu.dimension_semantics<core_parallel>, #tpu.dimension_semantics<subcore_parallel>], iteration_bounds = array<i64: 2, 16>, scalar_prefetch = 0 : i64, scratch_operands = 21 : i64, tpu.core_type = #tpu.core_type<sc_vector_subcore>, window_params = [{transform_indices = #map}, {transform_indices = #map}, {transform_indices = #map}, {transform_indices = #map1}]} {
    %mul3A = arith.constant 2 : i32
    %mul3A_0 = arith.muli %arg1, %mul3A : i32
    %add3A = arith.addi %mul3A_0, %arg0 : i32
    %mul3A_1 = arith.constant 3200 : i32
    %mul3A_2 = arith.muli %add3A, %mul3A_1 : i32
    %eq3A = arith.constant 0 : i32
    %eq3A_3 = arith.cmpi eq, %arg1, %eq3A : i32
    %convert_element_type3A = arith.extui %eq3A_3 : i1 to i32
    %cond3A = arith.constant 0 : i32
    %cond3A_4 = arith.cmpi ne, %convert_element_type3A, %cond3A : i32
    scf.if %cond3A_4 {
      "tpu.region"() ({
        %run_scoped3A = tpu.sem_alloc : memref<!tpu.dma_semaphore, #tpu.memory_space<semaphore_mem>>
        tpu.enqueue_dma source(%arg4 : memref<10000x128xf32, #tpu.memory_space<hbm>>) target(%arg26 : memref<10000x128xf32, #tpu.memory_space<vmem_shared>>) target_semaphore(%run_scoped3A : memref<!tpu.dma_semaphore, #tpu.memory_space<semaphore_mem>>)
        tpu.wait_dma2 semaphore(%run_scoped3A : memref<!tpu.dma_semaphore, #tpu.memory_space<semaphore_mem>>) src(%arg4 : memref<10000x128xf32, #tpu.memory_space<hbm>>) dst(%arg26 : memref<10000x128xf32, #tpu.memory_space<vmem_shared>>)
        tpu.yield
      }) : () -> ()
    } else {
    }
    %barrier3A = arith.constant 0 : index
    tpu.barrier barrier_id(%barrier3A)
    %scan3A = arith.constant 0 : i32
    %scan3A_5 = arith.constant 0 : i32
    %scan3A_6 = arith.constant 16 : i32
    %scan3A_7 = arith.addi %scan3A_5, %scan3A_6 : i32
    %scan3A_8 = arith.constant 1 : i32
    scf.for %scan3A_16 = %scan3A_5 to %scan3A_7 step %scan3A_8  : i32 {
      %mul3A_17 = arith.constant 5 : i32
      %mul3A_18 = arith.muli %scan3A_16, %mul3A_17 : i32
      %mul3A_19 = arith.constant 80 : i32
      %mul3A_20 = arith.muli %add3A, %mul3A_19 : i32
      %add3A_21 = arith.addi %mul3A_20, %mul3A_18 : i32
      %add3A_22 = arith.constant 0 : i32
      %add3A_23 = arith.addi %add3A_21, %add3A_22 : i32
      %dma_start3A = arith.constant 0 : i32
      %dma_start3A_24 = tpu.memref_slice %arg3[%add3A_23, %dma_start3A] : memref<2560x40xi32, #tpu.memory_space<hbm>> -> memref<1x40xi32, #tpu.memory_space<hbm>>
      %dma_start3A_25 = tpu.memref_squeeze %dma_start3A_24 : memref<1x40xi32, #tpu.memory_space<hbm>> -> memref<40xi32, #tpu.memory_space<hbm>>
      %dma_start3A_26 = arith.constant 0 : i32
      %dma_start3A_27 = tpu.memref_slice %arg3[%add3A_23, %dma_start3A_26] : memref<2560x40xi32, #tpu.memory_space<hbm>> -> memref<1x40xi32, #tpu.memory_space<hbm>>
      %dma_start3A_28 = tpu.memref_squeeze %dma_start3A_27 : memref<1x40xi32, #tpu.memory_space<hbm>> -> memref<40xi32, #tpu.memory_space<hbm>>
      tpu.enqueue_dma source(%dma_start3A_28 : memref<40xi32, #tpu.memory_space<hbm>>) target(%arg6 : memref<40xi32, #tpu.memory_space<vmem>>) target_semaphore(%arg16 : memref<!tpu.dma_semaphore, #tpu.memory_space<semaphore_mem>>)
      %add3A_29 = arith.constant 0 : i32
      %add3A_30 = arith.addi %mul3A_18, %add3A_29 : i32
      %mul3A_31 = arith.constant 40 : i32
      %mul3A_32 = arith.muli %add3A_30, %mul3A_31 : i32
      %add3A_33 = arith.addi %mul3A_2, %mul3A_32 : i32
      %dma_start3A_34 = arith.constant 0 : i32
      %dma_start3A_35 = tpu.memref_slice %arg2[%add3A_33, %dma_start3A_34] : memref<102400x128xf32, #tpu.memory_space<hbm>> -> memref<40x128xf32, #tpu.memory_space<hbm>>
      %dma_start3A_36 = arith.constant 0 : i32
      %dma_start3A_37 = tpu.memref_slice %arg2[%add3A_33, %dma_start3A_36] : memref<102400x128xf32, #tpu.memory_space<hbm>> -> memref<40x128xf32, #tpu.memory_space<hbm>>
      tpu.enqueue_dma source(%dma_start3A_37 : memref<40x128xf32, #tpu.memory_space<hbm>>) target(%arg11 : memref<40x128xf32, #tpu.memory_space<vmem>>) target_semaphore(%arg21 : memref<!tpu.dma_semaphore, #tpu.memory_space<semaphore_mem>>)
      %mul3A_38 = arith.constant 80 : i32
      %mul3A_39 = arith.muli %add3A, %mul3A_38 : i32
      %add3A_40 = arith.addi %mul3A_39, %mul3A_18 : i32
      %add3A_41 = arith.constant 1 : i32
      %add3A_42 = arith.addi %add3A_40, %add3A_41 : i32
      %dma_start3A_43 = arith.constant 0 : i32
      %dma_start3A_44 = tpu.memref_slice %arg3[%add3A_42, %dma_start3A_43] : memref<2560x40xi32, #tpu.memory_space<hbm>> -> memref<1x40xi32, #tpu.memory_space<hbm>>
      %dma_start3A_45 = tpu.memref_squeeze %dma_start3A_44 : memref<1x40xi32, #tpu.memory_space<hbm>> -> memref<40xi32, #tpu.memory_space<hbm>>
      %dma_start3A_46 = arith.constant 0 : i32
      %dma_start3A_47 = tpu.memref_slice %arg3[%add3A_42, %dma_start3A_46] : memref<2560x40xi32, #tpu.memory_space<hbm>> -> memref<1x40xi32, #tpu.memory_space<hbm>>
      %dma_start3A_48 = tpu.memref_squeeze %dma_start3A_47 : memref<1x40xi32, #tpu.memory_space<hbm>> -> memref<40xi32, #tpu.memory_space<hbm>>
      tpu.enqueue_dma source(%dma_start3A_48 : memref<40xi32, #tpu.memory_space<hbm>>) target(%arg7 : memref<40xi32, #tpu.memory_space<vmem>>) target_semaphore(%arg17 : memref<!tpu.dma_semaphore, #tpu.memory_space<semaphore_mem>>)
      %add3A_49 = arith.constant 1 : i32
      %add3A_50 = arith.addi %mul3A_18, %add3A_49 : i32
      %mul3A_51 = arith.constant 40 : i32
      %mul3A_52 = arith.muli %add3A_50, %mul3A_51 : i32
      %add3A_53 = arith.addi %mul3A_2, %mul3A_52 : i32
      %dma_start3A_54 = arith.constant 0 : i32
      %dma_start3A_55 = tpu.memref_slice %arg2[%add3A_53, %dma_start3A_54] : memref<102400x128xf32, #tpu.memory_space<hbm>> -> memref<40x128xf32, #tpu.memory_space<hbm>>
      %dma_start3A_56 = arith.constant 0 : i32
      %dma_start3A_57 = tpu.memref_slice %arg2[%add3A_53, %dma_start3A_56] : memref<102400x128xf32, #tpu.memory_space<hbm>> -> memref<40x128xf32, #tpu.memory_space<hbm>>
      tpu.enqueue_dma source(%dma_start3A_57 : memref<40x128xf32, #tpu.memory_space<hbm>>) target(%arg12 : memref<40x128xf32, #tpu.memory_space<vmem>>) target_semaphore(%arg22 : memref<!tpu.dma_semaphore, #tpu.memory_space<semaphore_mem>>)
      %mul3A_58 = arith.constant 80 : i32
      %mul3A_59 = arith.muli %add3A, %mul3A_58 : i32
      %add3A_60 = arith.addi %mul3A_59, %mul3A_18 : i32
      %add3A_61 = arith.constant 2 : i32
      %add3A_62 = arith.addi %add3A_60, %add3A_61 : i32
      %dma_start3A_63 = arith.constant 0 : i32
      %dma_start3A_64 = tpu.memref_slice %arg3[%add3A_62, %dma_start3A_63] : memref<2560x40xi32, #tpu.memory_space<hbm>> -> memref<1x40xi32, #tpu.memory_space<hbm>>
      %dma_start3A_65 = tpu.memref_squeeze %dma_start3A_64 : memref<1x40xi32, #tpu.memory_space<hbm>> -> memref<40xi32, #tpu.memory_space<hbm>>
      %dma_start3A_66 = arith.constant 0 : i32
      %dma_start3A_67 = tpu.memref_slice %arg3[%add3A_62, %dma_start3A_66] : memref<2560x40xi32, #tpu.memory_space<hbm>> -> memref<1x40xi32, #tpu.memory_space<hbm>>
      %dma_start3A_68 = tpu.memref_squeeze %dma_start3A_67 : memref<1x40xi32, #tpu.memory_space<hbm>> -> memref<40xi32, #tpu.memory_space<hbm>>
      tpu.enqueue_dma source(%dma_start3A_68 : memref<40xi32, #tpu.memory_space<hbm>>) target(%arg8 : memref<40xi32, #tpu.memory_space<vmem>>) target_semaphore(%arg18 : memref<!tpu.dma_semaphore, #tpu.memory_space<semaphore_mem>>)
      %add3A_69 = arith.constant 2 : i32
      %add3A_70 = arith.addi %mul3A_18, %add3A_69 : i32
      %mul3A_71 = arith.constant 40 : i32
      %mul3A_72 = arith.muli %add3A_70, %mul3A_71 : i32
      %add3A_73 = arith.addi %mul3A_2, %mul3A_72 : i32
      %dma_start3A_74 = arith.constant 0 : i32
      %dma_start3A_75 = tpu.memref_slice %arg2[%add3A_73, %dma_start3A_74] : memref<102400x128xf32, #tpu.memory_space<hbm>> -> memref<40x128xf32, #tpu.memory_space<hbm>>
      %dma_start3A_76 = arith.constant 0 : i32
      %dma_start3A_77 = tpu.memref_slice %arg2[%add3A_73, %dma_start3A_76] : memref<102400x128xf32, #tpu.memory_space<hbm>> -> memref<40x128xf32, #tpu.memory_space<hbm>>
      tpu.enqueue_dma source(%dma_start3A_77 : memref<40x128xf32, #tpu.memory_space<hbm>>) target(%arg13 : memref<40x128xf32, #tpu.memory_space<vmem>>) target_semaphore(%arg23 : memref<!tpu.dma_semaphore, #tpu.memory_space<semaphore_mem>>)
      %mul3A_78 = arith.constant 80 : i32
      %mul3A_79 = arith.muli %add3A, %mul3A_78 : i32
      %add3A_80 = arith.addi %mul3A_79, %mul3A_18 : i32
      %add3A_81 = arith.constant 3 : i32
      %add3A_82 = arith.addi %add3A_80, %add3A_81 : i32
      %dma_start3A_83 = arith.constant 0 : i32
      %dma_start3A_84 = tpu.memref_slice %arg3[%add3A_82, %dma_start3A_83] : memref<2560x40xi32, #tpu.memory_space<hbm>> -> memref<1x40xi32, #tpu.memory_space<hbm>>
      %dma_start3A_85 = tpu.memref_squeeze %dma_start3A_84 : memref<1x40xi32, #tpu.memory_space<hbm>> -> memref<40xi32, #tpu.memory_space<hbm>>
      %dma_start3A_86 = arith.constant 0 : i32
      %dma_start3A_87 = tpu.memref_slice %arg3[%add3A_82, %dma_start3A_86] : memref<2560x40xi32, #tpu.memory_space<hbm>> -> memref<1x40xi32, #tpu.memory_space<hbm>>
      %dma_start3A_88 = tpu.memref_squeeze %dma_start3A_87 : memref<1x40xi32, #tpu.memory_space<hbm>> -> memref<40xi32, #tpu.memory_space<hbm>>
      tpu.enqueue_dma source(%dma_start3A_88 : memref<40xi32, #tpu.memory_space<hbm>>) target(%arg9 : memref<40xi32, #tpu.memory_space<vmem>>) target_semaphore(%arg19 : memref<!tpu.dma_semaphore, #tpu.memory_space<semaphore_mem>>)
      %add3A_89 = arith.constant 3 : i32
      %add3A_90 = arith.addi %mul3A_18, %add3A_89 : i32
      %mul3A_91 = arith.constant 40 : i32
      %mul3A_92 = arith.muli %add3A_90, %mul3A_91 : i32
      %add3A_93 = arith.addi %mul3A_2, %mul3A_92 : i32
      %dma_start3A_94 = arith.constant 0 : i32
      %dma_start3A_95 = tpu.memref_slice %arg2[%add3A_93, %dma_start3A_94] : memref<102400x128xf32, #tpu.memory_space<hbm>> -> memref<40x128xf32, #tpu.memory_space<hbm>>
      %dma_start3A_96 = arith.constant 0 : i32
      %dma_start3A_97 = tpu.memref_slice %arg2[%add3A_93, %dma_start3A_96] : memref<102400x128xf32, #tpu.memory_space<hbm>> -> memref<40x128xf32, #tpu.memory_space<hbm>>
      tpu.enqueue_dma source(%dma_start3A_97 : memref<40x128xf32, #tpu.memory_space<hbm>>) target(%arg14 : memref<40x128xf32, #tpu.memory_space<vmem>>) target_semaphore(%arg24 : memref<!tpu.dma_semaphore, #tpu.memory_space<semaphore_mem>>)
      %mul3A_98 = arith.constant 80 : i32
      %mul3A_99 = arith.muli %add3A, %mul3A_98 : i32
      %add3A_100 = arith.addi %mul3A_99, %mul3A_18 : i32
      %add3A_101 = arith.constant 4 : i32
      %add3A_102 = arith.addi %add3A_100, %add3A_101 : i32
      %dma_start3A_103 = arith.constant 0 : i32
      %dma_start3A_104 = tpu.memref_slice %arg3[%add3A_102, %dma_start3A_103] : memref<2560x40xi32, #tpu.memory_space<hbm>> -> memref<1x40xi32, #tpu.memory_space<hbm>>
      %dma_start3A_105 = tpu.memref_squeeze %dma_start3A_104 : memref<1x40xi32, #tpu.memory_space<hbm>> -> memref<40xi32, #tpu.memory_space<hbm>>
      %dma_start3A_106 = arith.constant 0 : i32
      %dma_start3A_107 = tpu.memref_slice %arg3[%add3A_102, %dma_start3A_106] : memref<2560x40xi32, #tpu.memory_space<hbm>> -> memref<1x40xi32, #tpu.memory_space<hbm>>
      %dma_start3A_108 = tpu.memref_squeeze %dma_start3A_107 : memref<1x40xi32, #tpu.memory_space<hbm>> -> memref<40xi32, #tpu.memory_space<hbm>>
      tpu.enqueue_dma source(%dma_start3A_108 : memref<40xi32, #tpu.memory_space<hbm>>) target(%arg10 : memref<40xi32, #tpu.memory_space<vmem>>) target_semaphore(%arg20 : memref<!tpu.dma_semaphore, #tpu.memory_space<semaphore_mem>>)
      %add3A_109 = arith.constant 4 : i32
      %add3A_110 = arith.addi %mul3A_18, %add3A_109 : i32
      %mul3A_111 = arith.constant 40 : i32
      %mul3A_112 = arith.muli %add3A_110, %mul3A_111 : i32
      %add3A_113 = arith.addi %mul3A_2, %mul3A_112 : i32
      %dma_start3A_114 = arith.constant 0 : i32
      %dma_start3A_115 = tpu.memref_slice %arg2[%add3A_113, %dma_start3A_114] : memref<102400x128xf32, #tpu.memory_space<hbm>> -> memref<40x128xf32, #tpu.memory_space<hbm>>
      %dma_start3A_116 = arith.constant 0 : i32
      %dma_start3A_117 = tpu.memref_slice %arg2[%add3A_113, %dma_start3A_116] : memref<102400x128xf32, #tpu.memory_space<hbm>> -> memref<40x128xf32, #tpu.memory_space<hbm>>
      tpu.enqueue_dma source(%dma_start3A_117 : memref<40x128xf32, #tpu.memory_space<hbm>>) target(%arg15 : memref<40x128xf32, #tpu.memory_space<vmem>>) target_semaphore(%arg25 : memref<!tpu.dma_semaphore, #tpu.memory_space<semaphore_mem>>)
      %dma_wait3A = arith.constant 0 : i32
      %dma_wait3A_118 = tpu.memref_slice %arg3[%add3A_23, %dma_wait3A] : memref<2560x40xi32, #tpu.memory_space<hbm>> -> memref<1x40xi32, #tpu.memory_space<hbm>>
      %dma_wait3A_119 = tpu.memref_squeeze %dma_wait3A_118 : memref<1x40xi32, #tpu.memory_space<hbm>> -> memref<40xi32, #tpu.memory_space<hbm>>
      %dma_wait3A_120 = arith.constant 0 : i32
      %dma_wait3A_121 = tpu.memref_slice %arg3[%add3A_23, %dma_wait3A_120] : memref<2560x40xi32, #tpu.memory_space<hbm>> -> memref<1x40xi32, #tpu.memory_space<hbm>>
      %dma_wait3A_122 = tpu.memref_squeeze %dma_wait3A_121 : memref<1x40xi32, #tpu.memory_space<hbm>> -> memref<40xi32, #tpu.memory_space<hbm>>
      tpu.wait_dma2 semaphore(%arg16 : memref<!tpu.dma_semaphore, #tpu.memory_space<semaphore_mem>>) src(%dma_wait3A_122 : memref<40xi32, #tpu.memory_space<hbm>>) dst(%arg6 : memref<40xi32, #tpu.memory_space<vmem>>)
      %dma_wait3A_123 = arith.constant 0 : i32
      %dma_wait3A_124 = tpu.memref_slice %arg2[%add3A_33, %dma_wait3A_123] : memref<102400x128xf32, #tpu.memory_space<hbm>> -> memref<40x128xf32, #tpu.memory_space<hbm>>
      %dma_wait3A_125 = arith.constant 0 : i32
      %dma_wait3A_126 = tpu.memref_slice %arg2[%add3A_33, %dma_wait3A_125] : memref<102400x128xf32, #tpu.memory_space<hbm>> -> memref<40x128xf32, #tpu.memory_space<hbm>>
      tpu.wait_dma2 semaphore(%arg21 : memref<!tpu.dma_semaphore, #tpu.memory_space<semaphore_mem>>) src(%dma_wait3A_126 : memref<40x128xf32, #tpu.memory_space<hbm>>) dst(%arg11 : memref<40x128xf32, #tpu.memory_space<vmem>>)
      %dma_start3A_127 = arith.constant 0 : i32
      %dma_start3A_128 = arith.constant 0 : i32
      %dma_start3A_129 = tpu.memref_slice %arg26[%dma_start3A_127, %dma_start3A_128] : memref<10000x128xf32, #tpu.memory_space<vmem_shared>> -> memref<10000x128xf32, #tpu.memory_space<vmem_shared>>
      tpu.enqueue_indirect_dma source(%arg11 : memref<40x128xf32, #tpu.memory_space<vmem>>) target(%dma_start3A_129 : memref<10000x128xf32, #tpu.memory_space<vmem_shared>>) offsets(%arg6 : memref<40xi32, #tpu.memory_space<vmem>>) semaphore(%arg21 : memref<!tpu.dma_semaphore, #tpu.memory_space<semaphore_mem>>) {add = true}
      %dma_wait3A_130 = arith.constant 0 : i32
      %dma_wait3A_131 = tpu.memref_slice %arg3[%add3A_42, %dma_wait3A_130] : memref<2560x40xi32, #tpu.memory_space<hbm>> -> memref<1x40xi32, #tpu.memory_space<hbm>>
      %dma_wait3A_132 = tpu.memref_squeeze %dma_wait3A_131 : memref<1x40xi32, #tpu.memory_space<hbm>> -> memref<40xi32, #tpu.memory_space<hbm>>
      %dma_wait3A_133 = arith.constant 0 : i32
      %dma_wait3A_134 = tpu.memref_slice %arg3[%add3A_42, %dma_wait3A_133] : memref<2560x40xi32, #tpu.memory_space<hbm>> -> memref<1x40xi32, #tpu.memory_space<hbm>>
      %dma_wait3A_135 = tpu.memref_squeeze %dma_wait3A_134 : memref<1x40xi32, #tpu.memory_space<hbm>> -> memref<40xi32, #tpu.memory_space<hbm>>
      tpu.wait_dma2 semaphore(%arg17 : memref<!tpu.dma_semaphore, #tpu.memory_space<semaphore_mem>>) src(%dma_wait3A_135 : memref<40xi32, #tpu.memory_space<hbm>>) dst(%arg7 : memref<40xi32, #tpu.memory_space<vmem>>)
      %dma_wait3A_136 = arith.constant 0 : i32
      %dma_wait3A_137 = tpu.memref_slice %arg2[%add3A_53, %dma_wait3A_136] : memref<102400x128xf32, #tpu.memory_space<hbm>> -> memref<40x128xf32, #tpu.memory_space<hbm>>
      %dma_wait3A_138 = arith.constant 0 : i32
      %dma_wait3A_139 = tpu.memref_slice %arg2[%add3A_53, %dma_wait3A_138] : memref<102400x128xf32, #tpu.memory_space<hbm>> -> memref<40x128xf32, #tpu.memory_space<hbm>>
      tpu.wait_dma2 semaphore(%arg22 : memref<!tpu.dma_semaphore, #tpu.memory_space<semaphore_mem>>) src(%dma_wait3A_139 : memref<40x128xf32, #tpu.memory_space<hbm>>) dst(%arg12 : memref<40x128xf32, #tpu.memory_space<vmem>>)
      %dma_start3A_140 = arith.constant 0 : i32
      %dma_start3A_141 = arith.constant 0 : i32
      %dma_start3A_142 = tpu.memref_slice %arg26[%dma_start3A_140, %dma_start3A_141] : memref<10000x128xf32, #tpu.memory_space<vmem_shared>> -> memref<10000x128xf32, #tpu.memory_space<vmem_shared>>
      tpu.enqueue_indirect_dma source(%arg12 : memref<40x128xf32, #tpu.memory_space<vmem>>) target(%dma_start3A_142 : memref<10000x128xf32, #tpu.memory_space<vmem_shared>>) offsets(%arg7 : memref<40xi32, #tpu.memory_space<vmem>>) semaphore(%arg22 : memref<!tpu.dma_semaphore, #tpu.memory_space<semaphore_mem>>) {add = true}
      %dma_wait3A_143 = arith.constant 0 : i32
      %dma_wait3A_144 = tpu.memref_slice %arg3[%add3A_62, %dma_wait3A_143] : memref<2560x40xi32, #tpu.memory_space<hbm>> -> memref<1x40xi32, #tpu.memory_space<hbm>>
      %dma_wait3A_145 = tpu.memref_squeeze %dma_wait3A_144 : memref<1x40xi32, #tpu.memory_space<hbm>> -> memref<40xi32, #tpu.memory_space<hbm>>
      %dma_wait3A_146 = arith.constant 0 : i32
      %dma_wait3A_147 = tpu.memref_slice %arg3[%add3A_62, %dma_wait3A_146] : memref<2560x40xi32, #tpu.memory_space<hbm>> -> memref<1x40xi32, #tpu.memory_space<hbm>>
      %dma_wait3A_148 = tpu.memref_squeeze %dma_wait3A_147 : memref<1x40xi32, #tpu.memory_space<hbm>> -> memref<40xi32, #tpu.memory_space<hbm>>
      tpu.wait_dma2 semaphore(%arg18 : memref<!tpu.dma_semaphore, #tpu.memory_space<semaphore_mem>>) src(%dma_wait3A_148 : memref<40xi32, #tpu.memory_space<hbm>>) dst(%arg8 : memref<40xi32, #tpu.memory_space<vmem>>)
      %dma_wait3A_149 = arith.constant 0 : i32
      %dma_wait3A_150 = tpu.memref_slice %arg2[%add3A_73, %dma_wait3A_149] : memref<102400x128xf32, #tpu.memory_space<hbm>> -> memref<40x128xf32, #tpu.memory_space<hbm>>
      %dma_wait3A_151 = arith.constant 0 : i32
      %dma_wait3A_152 = tpu.memref_slice %arg2[%add3A_73, %dma_wait3A_151] : memref<102400x128xf32, #tpu.memory_space<hbm>> -> memref<40x128xf32, #tpu.memory_space<hbm>>
      tpu.wait_dma2 semaphore(%arg23 : memref<!tpu.dma_semaphore, #tpu.memory_space<semaphore_mem>>) src(%dma_wait3A_152 : memref<40x128xf32, #tpu.memory_space<hbm>>) dst(%arg13 : memref<40x128xf32, #tpu.memory_space<vmem>>)
      %dma_start3A_153 = arith.constant 0 : i32
      %dma_start3A_154 = arith.constant 0 : i32
      %dma_start3A_155 = tpu.memref_slice %arg26[%dma_start3A_153, %dma_start3A_154] : memref<10000x128xf32, #tpu.memory_space<vmem_shared>> -> memref<10000x128xf32, #tpu.memory_space<vmem_shared>>
      tpu.enqueue_indirect_dma source(%arg13 : memref<40x128xf32, #tpu.memory_space<vmem>>) target(%dma_start3A_155 : memref<10000x128xf32, #tpu.memory_space<vmem_shared>>) offsets(%arg8 : memref<40xi32, #tpu.memory_space<vmem>>) semaphore(%arg23 : memref<!tpu.dma_semaphore, #tpu.memory_space<semaphore_mem>>) {add = true}
      %dma_wait3A_156 = arith.constant 0 : i32
      %dma_wait3A_157 = tpu.memref_slice %arg3[%add3A_82, %dma_wait3A_156] : memref<2560x40xi32, #tpu.memory_space<hbm>> -> memref<1x40xi32, #tpu.memory_space<hbm>>
      %dma_wait3A_158 = tpu.memref_squeeze %dma_wait3A_157 : memref<1x40xi32, #tpu.memory_space<hbm>> -> memref<40xi32, #tpu.memory_space<hbm>>
      %dma_wait3A_159 = arith.constant 0 : i32
      %dma_wait3A_160 = tpu.memref_slice %arg3[%add3A_82, %dma_wait3A_159] : memref<2560x40xi32, #tpu.memory_space<hbm>> -> memref<1x40xi32, #tpu.memory_space<hbm>>
      %dma_wait3A_161 = tpu.memref_squeeze %dma_wait3A_160 : memref<1x40xi32, #tpu.memory_space<hbm>> -> memref<40xi32, #tpu.memory_space<hbm>>
      tpu.wait_dma2 semaphore(%arg19 : memref<!tpu.dma_semaphore, #tpu.memory_space<semaphore_mem>>) src(%dma_wait3A_161 : memref<40xi32, #tpu.memory_space<hbm>>) dst(%arg9 : memref<40xi32, #tpu.memory_space<vmem>>)
      %dma_wait3A_162 = arith.constant 0 : i32
      %dma_wait3A_163 = tpu.memref_slice %arg2[%add3A_93, %dma_wait3A_162] : memref<102400x128xf32, #tpu.memory_space<hbm>> -> memref<40x128xf32, #tpu.memory_space<hbm>>
      %dma_wait3A_164 = arith.constant 0 : i32
      %dma_wait3A_165 = tpu.memref_slice %arg2[%add3A_93, %dma_wait3A_164] : memref<102400x128xf32, #tpu.memory_space<hbm>> -> memref<40x128xf32, #tpu.memory_space<hbm>>
      tpu.wait_dma2 semaphore(%arg24 : memref<!tpu.dma_semaphore, #tpu.memory_space<semaphore_mem>>) src(%dma_wait3A_165 : memref<40x128xf32, #tpu.memory_space<hbm>>) dst(%arg14 : memref<40x128xf32, #tpu.memory_space<vmem>>)
      %dma_start3A_166 = arith.constant 0 : i32
      %dma_start3A_167 = arith.constant 0 : i32
      %dma_start3A_168 = tpu.memref_slice %arg26[%dma_start3A_166, %dma_start3A_167] : memref<10000x128xf32, #tpu.memory_space<vmem_shared>> -> memref<10000x128xf32, #tpu.memory_space<vmem_shared>>
      tpu.enqueue_indirect_dma source(%arg14 : memref<40x128xf32, #tpu.memory_space<vmem>>) target(%dma_start3A_168 : memref<10000x128xf32, #tpu.memory_space<vmem_shared>>) offsets(%arg9 : memref<40xi32, #tpu.memory_space<vmem>>) semaphore(%arg24 : memref<!tpu.dma_semaphore, #tpu.memory_space<semaphore_mem>>) {add = true}
      %dma_wait3A_169 = arith.constant 0 : i32
      %dma_wait3A_170 = tpu.memref_slice %arg3[%add3A_102, %dma_wait3A_169] : memref<2560x40xi32, #tpu.memory_space<hbm>> -> memref<1x40xi32, #tpu.memory_space<hbm>>
      %dma_wait3A_171 = tpu.memref_squeeze %dma_wait3A_170 : memref<1x40xi32, #tpu.memory_space<hbm>> -> memref<40xi32, #tpu.memory_space<hbm>>
      %dma_wait3A_172 = arith.constant 0 : i32
      %dma_wait3A_173 = tpu.memref_slice %arg3[%add3A_102, %dma_wait3A_172] : memref<2560x40xi32, #tpu.memory_space<hbm>> -> memref<1x40xi32, #tpu.memory_space<hbm>>
      %dma_wait3A_174 = tpu.memref_squeeze %dma_wait3A_173 : memref<1x40xi32, #tpu.memory_space<hbm>> -> memref<40xi32, #tpu.memory_space<hbm>>
      tpu.wait_dma2 semaphore(%arg20 : memref<!tpu.dma_semaphore, #tpu.memory_space<semaphore_mem>>) src(%dma_wait3A_174 : memref<40xi32, #tpu.memory_space<hbm>>) dst(%arg10 : memref<40xi32, #tpu.memory_space<vmem>>)
      %dma_wait3A_175 = arith.constant 0 : i32
      %dma_wait3A_176 = tpu.memref_slice %arg2[%add3A_113, %dma_wait3A_175] : memref<102400x128xf32, #tpu.memory_space<hbm>> -> memref<40x128xf32, #tpu.memory_space<hbm>>
      %dma_wait3A_177 = arith.constant 0 : i32
      %dma_wait3A_178 = tpu.memref_slice %arg2[%add3A_113, %dma_wait3A_177] : memref<102400x128xf32, #tpu.memory_space<hbm>> -> memref<40x128xf32, #tpu.memory_space<hbm>>
      tpu.wait_dma2 semaphore(%arg25 : memref<!tpu.dma_semaphore, #tpu.memory_space<semaphore_mem>>) src(%dma_wait3A_178 : memref<40x128xf32, #tpu.memory_space<hbm>>) dst(%arg15 : memref<40x128xf32, #tpu.memory_space<vmem>>)
      %dma_start3A_179 = arith.constant 0 : i32
      %dma_start3A_180 = arith.constant 0 : i32
      %dma_start3A_181 = tpu.memref_slice %arg26[%dma_start3A_179, %dma_start3A_180] : memref<10000x128xf32, #tpu.memory_space<vmem_shared>> -> memref<10000x128xf32, #tpu.memory_space<vmem_shared>>
      tpu.enqueue_indirect_dma source(%arg15 : memref<40x128xf32, #tpu.memory_space<vmem>>) target(%dma_start3A_181 : memref<10000x128xf32, #tpu.memory_space<vmem_shared>>) offsets(%arg10 : memref<40xi32, #tpu.memory_space<vmem>>) semaphore(%arg25 : memref<!tpu.dma_semaphore, #tpu.memory_space<semaphore_mem>>) {add = true}
      %dma_wait3A_182 = arith.constant 0 : i32
      %dma_wait3A_183 = arith.constant 0 : i32
      %dma_wait3A_184 = tpu.memref_slice %arg26[%dma_wait3A_182, %dma_wait3A_183] : memref<10000x128xf32, #tpu.memory_space<vmem_shared>> -> memref<10000x128xf32, #tpu.memory_space<vmem_shared>>
      tpu.wait_indirect_dma semaphore(%arg21 : memref<!tpu.dma_semaphore, #tpu.memory_space<semaphore_mem>>) src(%arg11 : memref<40x128xf32, #tpu.memory_space<vmem>>) dst(%dma_wait3A_184 : memref<10000x128xf32, #tpu.memory_space<vmem_shared>>)
      %dma_wait3A_185 = arith.constant 0 : i32
      %dma_wait3A_186 = arith.constant 0 : i32
      %dma_wait3A_187 = tpu.memref_slice %arg26[%dma_wait3A_185, %dma_wait3A_186] : memref<10000x128xf32, #tpu.memory_space<vmem_shared>> -> memref<10000x128xf32, #tpu.memory_space<vmem_shared>>
      tpu.wait_indirect_dma semaphore(%arg22 : memref<!tpu.dma_semaphore, #tpu.memory_space<semaphore_mem>>) src(%arg12 : memref<40x128xf32, #tpu.memory_space<vmem>>) dst(%dma_wait3A_187 : memref<10000x128xf32, #tpu.memory_space<vmem_shared>>)
      %dma_wait3A_188 = arith.constant 0 : i32
      %dma_wait3A_189 = arith.constant 0 : i32
      %dma_wait3A_190 = tpu.memref_slice %arg26[%dma_wait3A_188, %dma_wait3A_189] : memref<10000x128xf32, #tpu.memory_space<vmem_shared>> -> memref<10000x128xf32, #tpu.memory_space<vmem_shared>>
      tpu.wait_indirect_dma semaphore(%arg23 : memref<!tpu.dma_semaphore, #tpu.memory_space<semaphore_mem>>) src(%arg13 : memref<40x128xf32, #tpu.memory_space<vmem>>) dst(%dma_wait3A_190 : memref<10000x128xf32, #tpu.memory_space<vmem_shared>>)
      %dma_wait3A_191 = arith.constant 0 : i32
      %dma_wait3A_192 = arith.constant 0 : i32
      %dma_wait3A_193 = tpu.memref_slice %arg26[%dma_wait3A_191, %dma_wait3A_192] : memref<10000x128xf32, #tpu.memory_space<vmem_shared>> -> memref<10000x128xf32, #tpu.memory_space<vmem_shared>>
      tpu.wait_indirect_dma semaphore(%arg24 : memref<!tpu.dma_semaphore, #tpu.memory_space<semaphore_mem>>) src(%arg14 : memref<40x128xf32, #tpu.memory_space<vmem>>) dst(%dma_wait3A_193 : memref<10000x128xf32, #tpu.memory_space<vmem_shared>>)
      %dma_wait3A_194 = arith.constant 0 : i32
      %dma_wait3A_195 = arith.constant 0 : i32
      %dma_wait3A_196 = tpu.memref_slice %arg26[%dma_wait3A_194, %dma_wait3A_195] : memref<10000x128xf32, #tpu.memory_space<vmem_shared>> -> memref<10000x128xf32, #tpu.memory_space<vmem_shared>>
      tpu.wait_indirect_dma semaphore(%arg25 : memref<!tpu.dma_semaphore, #tpu.memory_space<semaphore_mem>>) src(%arg15 : memref<40x128xf32, #tpu.memory_space<vmem>>) dst(%dma_wait3A_196 : memref<10000x128xf32, #tpu.memory_space<vmem_shared>>)
    }
    %scan3A_9 = arith.constant 16 : i32
    %barrier3A_10 = arith.constant 0 : index
    tpu.barrier barrier_id(%barrier3A_10)
    %eq3A_11 = arith.constant 0 : i32
    %eq3A_12 = arith.cmpi eq, %arg1, %eq3A_11 : i32
    %convert_element_type3A_13 = arith.extui %eq3A_12 : i1 to i32
    %cond3A_14 = arith.constant 0 : i32
    %cond3A_15 = arith.cmpi ne, %convert_element_type3A_13, %cond3A_14 : i32
    scf.if %cond3A_15 {
      "tpu.region"() ({
        %run_scoped3A = tpu.sem_alloc : memref<!tpu.dma_semaphore, #tpu.memory_space<semaphore_mem>>
        %dma_start3A = arith.constant 0 : i32
        %dma_start3A_16 = arith.constant 0 : i32
        %dma_start3A_17 = tpu.memref_slice %arg5[%arg0, %dma_start3A, %dma_start3A_16] : memref<2x10000x128xf32, #tpu.memory_space<hbm>> -> memref<1x10000x128xf32, #tpu.memory_space<hbm>>
        %dma_start3A_18 = tpu.memref_squeeze %dma_start3A_17 : memref<1x10000x128xf32, #tpu.memory_space<hbm>> -> memref<10000x128xf32, #tpu.memory_space<hbm>>
        tpu.enqueue_dma source(%arg26 : memref<10000x128xf32, #tpu.memory_space<vmem_shared>>) target(%dma_start3A_18 : memref<10000x128xf32, #tpu.memory_space<hbm>>) target_semaphore(%run_scoped3A : memref<!tpu.dma_semaphore, #tpu.memory_space<semaphore_mem>>)
        %dma_wait3A = arith.constant 0 : i32
        %dma_wait3A_19 = arith.constant 0 : i32
        %dma_wait3A_20 = tpu.memref_slice %arg5[%arg0, %dma_wait3A, %dma_wait3A_19] : memref<2x10000x128xf32, #tpu.memory_space<hbm>> -> memref<1x10000x128xf32, #tpu.memory_space<hbm>>
        %dma_wait3A_21 = tpu.memref_squeeze %dma_wait3A_20 : memref<1x10000x128xf32, #tpu.memory_space<hbm>> -> memref<10000x128xf32, #tpu.memory_space<hbm>>
        tpu.wait_dma2 semaphore(%run_scoped3A : memref<!tpu.dma_semaphore, #tpu.memory_space<semaphore_mem>>) src(%arg26 : memref<10000x128xf32, #tpu.memory_space<vmem_shared>>) dst(%dma_wait3A_21 : memref<10000x128xf32, #tpu.memory_space<hbm>>)
        tpu.yield
      }) : () -> ()
    } else {
    }
    return
  }
}

#map = affine_map<(d0, d1) -> (0, 0)>
#map1 = affine_map<(d0, d1) -> (0, 0, 0)>
module attributes {stable_mosaic.version = 14 : i64} {
  func.func @_scatter_body(%arg0: i32, %arg1: i32, %arg2: memref<102400x128xf32, #tpu.memory_space<hbm>>, %arg3: memref<2560x40xi32, #tpu.memory_space<hbm>>, %arg4: memref<10000x128xf32, #tpu.memory_space<hbm>>, %arg5: memref<2x10000x128xf32, #tpu.memory_space<hbm>>, %arg6: memref<40xi32, #tpu.memory_space<vmem>>, %arg7: memref<40xi32, #tpu.memory_space<vmem>>, %arg8: memref<40xi32, #tpu.memory_space<vmem>>, %arg9: memref<40xi32, #tpu.memory_space<vmem>>, %arg10: memref<40xi32, #tpu.memory_space<vmem>>, %arg11: memref<40x128xf32, #tpu.memory_space<vmem>>, %arg12: memref<40x128xf32, #tpu.memory_space<vmem>>, %arg13: memref<40x128xf32, #tpu.memory_space<vmem>>, %arg14: memref<40x128xf32, #tpu.memory_space<vmem>>, %arg15: memref<40x128xf32, #tpu.memory_space<vmem>>, %arg16: memref<!tpu.dma_semaphore, #tpu.memory_space<semaphore_mem>>, %arg17: memref<!tpu.dma_semaphore, #tpu.memory_space<semaphore_mem>>, %arg18: memref<!tpu.dma_semaphore, #tpu.memory_space<semaphore_mem>>, %arg19: memref<!tpu.dma_semaphore, #tpu.memory_space<semaphore_mem>>, %arg20: memref<!tpu.dma_semaphore, #tpu.memory_space<semaphore_mem>>, %arg21: memref<!tpu.dma_semaphore, #tpu.memory_space<semaphore_mem>>, %arg22: memref<!tpu.dma_semaphore, #tpu.memory_space<semaphore_mem>>, %arg23: memref<!tpu.dma_semaphore, #tpu.memory_space<semaphore_mem>>, %arg24: memref<!tpu.dma_semaphore, #tpu.memory_space<semaphore_mem>>, %arg25: memref<!tpu.dma_semaphore, #tpu.memory_space<semaphore_mem>>, %arg26: memref<10000x128xf32, #tpu.memory_space<vmem_shared>>) attributes {dimension_semantics = [#tpu.dimension_semantics<core_parallel>, #tpu.dimension_semantics<subcore_parallel>], iteration_bounds = array<i64: 2, 16>, scalar_prefetch = 0 : i64, scratch_operands = 21 : i64, tpu.core_type = #tpu.core_type<sc_vector_subcore>, window_params = [{transform_indices = #map}, {transform_indices = #map}, {transform_indices = #map}, {transform_indices = #map1}]} {
    %mul3A = arith.constant 2 : i32
    %mul3A_0 = arith.muli %arg1, %mul3A : i32
    %add3A = arith.addi %mul3A_0, %arg0 : i32
    %mul3A_1 = arith.constant 3200 : i32
    %mul3A_2 = arith.muli %add3A, %mul3A_1 : i32
    %eq3A = arith.constant 0 : i32
    %eq3A_3 = arith.cmpi eq, %arg1, %eq3A : i32
    %convert_element_type3A = arith.extui %eq3A_3 : i1 to i32
    %cond3A = arith.constant 0 : i32
    %cond3A_4 = arith.cmpi ne, %convert_element_type3A, %cond3A : i32
    scf.if %cond3A_4 {
      "tpu.region"() ({
        %run_scoped3A = tpu.sem_alloc : memref<!tpu.dma_semaphore, #tpu.memory_space<semaphore_mem>>
        tpu.enqueue_dma source(%arg4 : memref<10000x128xf32, #tpu.memory_space<hbm>>) target(%arg26 : memref<10000x128xf32, #tpu.memory_space<vmem_shared>>) target_semaphore(%run_scoped3A : memref<!tpu.dma_semaphore, #tpu.memory_space<semaphore_mem>>)
        tpu.wait_dma2 semaphore(%run_scoped3A : memref<!tpu.dma_semaphore, #tpu.memory_space<semaphore_mem>>) src(%arg4 : memref<10000x128xf32, #tpu.memory_space<hbm>>) dst(%arg26 : memref<10000x128xf32, #tpu.memory_space<vmem_shared>>)
        tpu.yield
      }) : () -> ()
    } else {
    }
    %barrier3A = arith.constant 0 : index
    tpu.barrier barrier_id(%barrier3A)
    %scan3A = arith.constant 0 : i32
    %scan3A_5 = arith.constant 0 : i32
    %scan3A_6 = arith.constant 16 : i32
    %scan3A_7 = arith.addi %scan3A_5, %scan3A_6 : i32
    %scan3A_8 = arith.constant 1 : i32
    scf.for %scan3A_16 = %scan3A_5 to %scan3A_7 step %scan3A_8  : i32 {
      %mul3A_17 = arith.constant 5 : i32
      %mul3A_18 = arith.muli %scan3A_16, %mul3A_17 : i32
      %mul3A_19 = arith.constant 80 : i32
      %mul3A_20 = arith.muli %add3A, %mul3A_19 : i32
      %add3A_21 = arith.addi %mul3A_20, %mul3A_18 : i32
      %add3A_22 = arith.constant 0 : i32
      %add3A_23 = arith.addi %add3A_21, %add3A_22 : i32
      %dma_start3A = arith.constant 0 : i32
      %dma_start3A_24 = tpu.memref_slice %arg3[%add3A_23, %dma_start3A] : memref<2560x40xi32, #tpu.memory_space<hbm>> -> memref<1x40xi32, #tpu.memory_space<hbm>>
      %dma_start3A_25 = tpu.memref_squeeze %dma_start3A_24 : memref<1x40xi32, #tpu.memory_space<hbm>> -> memref<40xi32, #tpu.memory_space<hbm>>
      %dma_start3A_26 = arith.constant 0 : i32
      %dma_start3A_27 = tpu.memref_slice %arg3[%add3A_23, %dma_start3A_26] : memref<2560x40xi32, #tpu.memory_space<hbm>> -> memref<1x40xi32, #tpu.memory_space<hbm>>
      %dma_start3A_28 = tpu.memref_squeeze %dma_start3A_27 : memref<1x40xi32, #tpu.memory_space<hbm>> -> memref<40xi32, #tpu.memory_space<hbm>>
      tpu.enqueue_dma source(%dma_start3A_28 : memref<40xi32, #tpu.memory_space<hbm>>) target(%arg6 : memref<40xi32, #tpu.memory_space<vmem>>) target_semaphore(%arg16 : memref<!tpu.dma_semaphore, #tpu.memory_space<semaphore_mem>>)
      %add3A_29 = arith.constant 0 : i32
      %add3A_30 = arith.addi %mul3A_18, %add3A_29 : i32
      %mul3A_31 = arith.constant 40 : i32
      %mul3A_32 = arith.muli %add3A_30, %mul3A_31 : i32
      %add3A_33 = arith.addi %mul3A_2, %mul3A_32 : i32
      %dma_start3A_34 = arith.constant 0 : i32
      %dma_start3A_35 = tpu.memref_slice %arg2[%add3A_33, %dma_start3A_34] : memref<102400x128xf32, #tpu.memory_space<hbm>> -> memref<40x128xf32, #tpu.memory_space<hbm>>
      %dma_start3A_36 = arith.constant 0 : i32
      %dma_start3A_37 = tpu.memref_slice %arg2[%add3A_33, %dma_start3A_36] : memref<102400x128xf32, #tpu.memory_space<hbm>> -> memref<40x128xf32, #tpu.memory_space<hbm>>
      tpu.enqueue_dma source(%dma_start3A_37 : memref<40x128xf32, #tpu.memory_space<hbm>>) target(%arg11 : memref<40x128xf32, #tpu.memory_space<vmem>>) target_semaphore(%arg21 : memref<!tpu.dma_semaphore, #tpu.memory_space<semaphore_mem>>)
      %mul3A_38 = arith.constant 80 : i32
      %mul3A_39 = arith.muli %add3A, %mul3A_38 : i32
      %add3A_40 = arith.addi %mul3A_39, %mul3A_18 : i32
      %add3A_41 = arith.constant 1 : i32
      %add3A_42 = arith.addi %add3A_40, %add3A_41 : i32
      %dma_start3A_43 = arith.constant 0 : i32
      %dma_start3A_44 = tpu.memref_slice %arg3[%add3A_42, %dma_start3A_43] : memref<2560x40xi32, #tpu.memory_space<hbm>> -> memref<1x40xi32, #tpu.memory_space<hbm>>
      %dma_start3A_45 = tpu.memref_squeeze %dma_start3A_44 : memref<1x40xi32, #tpu.memory_space<hbm>> -> memref<40xi32, #tpu.memory_space<hbm>>
      %dma_start3A_46 = arith.constant 0 : i32
      %dma_start3A_47 = tpu.memref_slice %arg3[%add3A_42, %dma_start3A_46] : memref<2560x40xi32, #tpu.memory_space<hbm>> -> memref<1x40xi32, #tpu.memory_space<hbm>>
      %dma_start3A_48 = tpu.memref_squeeze %dma_start3A_47 : memref<1x40xi32, #tpu.memory_space<hbm>> -> memref<40xi32, #tpu.memory_space<hbm>>
      tpu.enqueue_dma source(%dma_start3A_48 : memref<40xi32, #tpu.memory_space<hbm>>) target(%arg7 : memref<40xi32, #tpu.memory_space<vmem>>) target_semaphore(%arg17 : memref<!tpu.dma_semaphore, #tpu.memory_space<semaphore_mem>>)
      %add3A_49 = arith.constant 1 : i32
      %add3A_50 = arith.addi %mul3A_18, %add3A_49 : i32
      %mul3A_51 = arith.constant 40 : i32
      %mul3A_52 = arith.muli %add3A_50, %mul3A_51 : i32
      %add3A_53 = arith.addi %mul3A_2, %mul3A_52 : i32
      %dma_start3A_54 = arith.constant 0 : i32
      %dma_start3A_55 = tpu.memref_slice %arg2[%add3A_53, %dma_start3A_54] : memref<102400x128xf32, #tpu.memory_space<hbm>> -> memref<40x128xf32, #tpu.memory_space<hbm>>
      %dma_start3A_56 = arith.constant 0 : i32
      %dma_start3A_57 = tpu.memref_slice %arg2[%add3A_53, %dma_start3A_56] : memref<102400x128xf32, #tpu.memory_space<hbm>> -> memref<40x128xf32, #tpu.memory_space<hbm>>
      tpu.enqueue_dma source(%dma_start3A_57 : memref<40x128xf32, #tpu.memory_space<hbm>>) target(%arg12 : memref<40x128xf32, #tpu.memory_space<vmem>>) target_semaphore(%arg22 : memref<!tpu.dma_semaphore, #tpu.memory_space<semaphore_mem>>)
      %mul3A_58 = arith.constant 80 : i32
      %mul3A_59 = arith.muli %add3A, %mul3A_58 : i32
      %add3A_60 = arith.addi %mul3A_59, %mul3A_18 : i32
      %add3A_61 = arith.constant 2 : i32
      %add3A_62 = arith.addi %add3A_60, %add3A_61 : i32
      %dma_start3A_63 = arith.constant 0 : i32
      %dma_start3A_64 = tpu.memref_slice %arg3[%add3A_62, %dma_start3A_63] : memref<2560x40xi32, #tpu.memory_space<hbm>> -> memref<1x40xi32, #tpu.memory_space<hbm>>
      %dma_start3A_65 = tpu.memref_squeeze %dma_start3A_64 : memref<1x40xi32, #tpu.memory_space<hbm>> -> memref<40xi32, #tpu.memory_space<hbm>>
      %dma_start3A_66 = arith.constant 0 : i32
      %dma_start3A_67 = tpu.memref_slice %arg3[%add3A_62, %dma_start3A_66] : memref<2560x40xi32, #tpu.memory_space<hbm>> -> memref<1x40xi32, #tpu.memory_space<hbm>>
      %dma_start3A_68 = tpu.memref_squeeze %dma_start3A_67 : memref<1x40xi32, #tpu.memory_space<hbm>> -> memref<40xi32, #tpu.memory_space<hbm>>
      tpu.enqueue_dma source(%dma_start3A_68 : memref<40xi32, #tpu.memory_space<hbm>>) target(%arg8 : memref<40xi32, #tpu.memory_space<vmem>>) target_semaphore(%arg18 : memref<!tpu.dma_semaphore, #tpu.memory_space<semaphore_mem>>)
      %add3A_69 = arith.constant 2 : i32
      %add3A_70 = arith.addi %mul3A_18, %add3A_69 : i32
      %mul3A_71 = arith.constant 40 : i32
      %mul3A_72 = arith.muli %add3A_70, %mul3A_71 : i32
      %add3A_73 = arith.addi %mul3A_2, %mul3A_72 : i32
      %dma_start3A_74 = arith.constant 0 : i32
      %dma_start3A_75 = tpu.memref_slice %arg2[%add3A_73, %dma_start3A_74] : memref<102400x128xf32, #tpu.memory_space<hbm>> -> memref<40x128xf32, #tpu.memory_space<hbm>>
      %dma_start3A_76 = arith.constant 0 : i32
      %dma_start3A_77 = tpu.memref_slice %arg2[%add3A_73, %dma_start3A_76] : memref<102400x128xf32, #tpu.memory_space<hbm>> -> memref<40x128xf32, #tpu.memory_space<hbm>>
      tpu.enqueue_dma source(%dma_start3A_77 : memref<40x128xf32, #tpu.memory_space<hbm>>) target(%arg13 : memref<40x128xf32, #tpu.memory_space<vmem>>) target_semaphore(%arg23 : memref<!tpu.dma_semaphore, #tpu.memory_space<semaphore_mem>>)
      %mul3A_78 = arith.constant 80 : i32
      %mul3A_79 = arith.muli %add3A, %mul3A_78 : i32
      %add3A_80 = arith.addi %mul3A_79, %mul3A_18 : i32
      %add3A_81 = arith.constant 3 : i32
      %add3A_82 = arith.addi %add3A_80, %add3A_81 : i32
      %dma_start3A_83 = arith.constant 0 : i32
      %dma_start3A_84 = tpu.memref_slice %arg3[%add3A_82, %dma_start3A_83] : memref<2560x40xi32, #tpu.memory_space<hbm>> -> memref<1x40xi32, #tpu.memory_space<hbm>>
      %dma_start3A_85 = tpu.memref_squeeze %dma_start3A_84 : memref<1x40xi32, #tpu.memory_space<hbm>> -> memref<40xi32, #tpu.memory_space<hbm>>
      %dma_start3A_86 = arith.constant 0 : i32
      %dma_start3A_87 = tpu.memref_slice %arg3[%add3A_82, %dma_start3A_86] : memref<2560x40xi32, #tpu.memory_space<hbm>> -> memref<1x40xi32, #tpu.memory_space<hbm>>
      %dma_start3A_88 = tpu.memref_squeeze %dma_start3A_87 : memref<1x40xi32, #tpu.memory_space<hbm>> -> memref<40xi32, #tpu.memory_space<hbm>>
      tpu.enqueue_dma source(%dma_start3A_88 : memref<40xi32, #tpu.memory_space<hbm>>) target(%arg9 : memref<40xi32, #tpu.memory_space<vmem>>) target_semaphore(%arg19 : memref<!tpu.dma_semaphore, #tpu.memory_space<semaphore_mem>>)
      %add3A_89 = arith.constant 3 : i32
      %add3A_90 = arith.addi %mul3A_18, %add3A_89 : i32
      %mul3A_91 = arith.constant 40 : i32
      %mul3A_92 = arith.muli %add3A_90, %mul3A_91 : i32
      %add3A_93 = arith.addi %mul3A_2, %mul3A_92 : i32
      %dma_start3A_94 = arith.constant 0 : i32
      %dma_start3A_95 = tpu.memref_slice %arg2[%add3A_93, %dma_start3A_94] : memref<102400x128xf32, #tpu.memory_space<hbm>> -> memref<40x128xf32, #tpu.memory_space<hbm>>
      %dma_start3A_96 = arith.constant 0 : i32
      %dma_start3A_97 = tpu.memref_slice %arg2[%add3A_93, %dma_start3A_96] : memref<102400x128xf32, #tpu.memory_space<hbm>> -> memref<40x128xf32, #tpu.memory_space<hbm>>
      tpu.enqueue_dma source(%dma_start3A_97 : memref<40x128xf32, #tpu.memory_space<hbm>>) target(%arg14 : memref<40x128xf32, #tpu.memory_space<vmem>>) target_semaphore(%arg24 : memref<!tpu.dma_semaphore, #tpu.memory_space<semaphore_mem>>)
      %mul3A_98 = arith.constant 80 : i32
      %mul3A_99 = arith.muli %add3A, %mul3A_98 : i32
      %add3A_100 = arith.addi %mul3A_99, %mul3A_18 : i32
      %add3A_101 = arith.constant 4 : i32
      %add3A_102 = arith.addi %add3A_100, %add3A_101 : i32
      %dma_start3A_103 = arith.constant 0 : i32
      %dma_start3A_104 = tpu.memref_slice %arg3[%add3A_102, %dma_start3A_103] : memref<2560x40xi32, #tpu.memory_space<hbm>> -> memref<1x40xi32, #tpu.memory_space<hbm>>
      %dma_start3A_105 = tpu.memref_squeeze %dma_start3A_104 : memref<1x40xi32, #tpu.memory_space<hbm>> -> memref<40xi32, #tpu.memory_space<hbm>>
      %dma_start3A_106 = arith.constant 0 : i32
      %dma_start3A_107 = tpu.memref_slice %arg3[%add3A_102, %dma_start3A_106] : memref<2560x40xi32, #tpu.memory_space<hbm>> -> memref<1x40xi32, #tpu.memory_space<hbm>>
      %dma_start3A_108 = tpu.memref_squeeze %dma_start3A_107 : memref<1x40xi32, #tpu.memory_space<hbm>> -> memref<40xi32, #tpu.memory_space<hbm>>
      tpu.enqueue_dma source(%dma_start3A_108 : memref<40xi32, #tpu.memory_space<hbm>>) target(%arg10 : memref<40xi32, #tpu.memory_space<vmem>>) target_semaphore(%arg20 : memref<!tpu.dma_semaphore, #tpu.memory_space<semaphore_mem>>)
      %add3A_109 = arith.constant 4 : i32
      %add3A_110 = arith.addi %mul3A_18, %add3A_109 : i32
      %mul3A_111 = arith.constant 40 : i32
      %mul3A_112 = arith.muli %add3A_110, %mul3A_111 : i32
      %add3A_113 = arith.addi %mul3A_2, %mul3A_112 : i32
      %dma_start3A_114 = arith.constant 0 : i32
      %dma_start3A_115 = tpu.memref_slice %arg2[%add3A_113, %dma_start3A_114] : memref<102400x128xf32, #tpu.memory_space<hbm>> -> memref<40x128xf32, #tpu.memory_space<hbm>>
      %dma_start3A_116 = arith.constant 0 : i32
      %dma_start3A_117 = tpu.memref_slice %arg2[%add3A_113, %dma_start3A_116] : memref<102400x128xf32, #tpu.memory_space<hbm>> -> memref<40x128xf32, #tpu.memory_space<hbm>>
      tpu.enqueue_dma source(%dma_start3A_117 : memref<40x128xf32, #tpu.memory_space<hbm>>) target(%arg15 : memref<40x128xf32, #tpu.memory_space<vmem>>) target_semaphore(%arg25 : memref<!tpu.dma_semaphore, #tpu.memory_space<semaphore_mem>>)
      %dma_wait3A = arith.constant 0 : i32
      %dma_wait3A_118 = tpu.memref_slice %arg3[%add3A_23, %dma_wait3A] : memref<2560x40xi32, #tpu.memory_space<hbm>> -> memref<1x40xi32, #tpu.memory_space<hbm>>
      %dma_wait3A_119 = tpu.memref_squeeze %dma_wait3A_118 : memref<1x40xi32, #tpu.memory_space<hbm>> -> memref<40xi32, #tpu.memory_space<hbm>>
      %dma_wait3A_120 = arith.constant 0 : i32
      %dma_wait3A_121 = tpu.memref_slice %arg3[%add3A_23, %dma_wait3A_120] : memref<2560x40xi32, #tpu.memory_space<hbm>> -> memref<1x40xi32, #tpu.memory_space<hbm>>
      %dma_wait3A_122 = tpu.memref_squeeze %dma_wait3A_121 : memref<1x40xi32, #tpu.memory_space<hbm>> -> memref<40xi32, #tpu.memory_space<hbm>>
      tpu.wait_dma2 semaphore(%arg16 : memref<!tpu.dma_semaphore, #tpu.memory_space<semaphore_mem>>) src(%dma_wait3A_122 : memref<40xi32, #tpu.memory_space<hbm>>) dst(%arg6 : memref<40xi32, #tpu.memory_space<vmem>>)
      %dma_wait3A_123 = arith.constant 0 : i32
      %dma_wait3A_124 = tpu.memref_slice %arg2[%add3A_33, %dma_wait3A_123] : memref<102400x128xf32, #tpu.memory_space<hbm>> -> memref<40x128xf32, #tpu.memory_space<hbm>>
      %dma_wait3A_125 = arith.constant 0 : i32
      %dma_wait3A_126 = tpu.memref_slice %arg2[%add3A_33, %dma_wait3A_125] : memref<102400x128xf32, #tpu.memory_space<hbm>> -> memref<40x128xf32, #tpu.memory_space<hbm>>
      tpu.wait_dma2 semaphore(%arg21 : memref<!tpu.dma_semaphore, #tpu.memory_space<semaphore_mem>>) src(%dma_wait3A_126 : memref<40x128xf32, #tpu.memory_space<hbm>>) dst(%arg11 : memref<40x128xf32, #tpu.memory_space<vmem>>)
      %dma_start3A_127 = arith.constant 0 : i32
      %dma_start3A_128 = arith.constant 0 : i32
      %dma_start3A_129 = tpu.memref_slice %arg26[%dma_start3A_127, %dma_start3A_128] : memref<10000x128xf32, #tpu.memory_space<vmem_shared>> -> memref<10000x128xf32, #tpu.memory_space<vmem_shared>>
      tpu.enqueue_indirect_dma source(%arg11 : memref<40x128xf32, #tpu.memory_space<vmem>>) target(%dma_start3A_129 : memref<10000x128xf32, #tpu.memory_space<vmem_shared>>) offsets(%arg6 : memref<40xi32, #tpu.memory_space<vmem>>) semaphore(%arg21 : memref<!tpu.dma_semaphore, #tpu.memory_space<semaphore_mem>>) {add = true}
      %dma_wait3A_130 = arith.constant 0 : i32
      %dma_wait3A_131 = tpu.memref_slice %arg3[%add3A_42, %dma_wait3A_130] : memref<2560x40xi32, #tpu.memory_space<hbm>> -> memref<1x40xi32, #tpu.memory_space<hbm>>
      %dma_wait3A_132 = tpu.memref_squeeze %dma_wait3A_131 : memref<1x40xi32, #tpu.memory_space<hbm>> -> memref<40xi32, #tpu.memory_space<hbm>>
      %dma_wait3A_133 = arith.constant 0 : i32
      %dma_wait3A_134 = tpu.memref_slice %arg3[%add3A_42, %dma_wait3A_133] : memref<2560x40xi32, #tpu.memory_space<hbm>> -> memref<1x40xi32, #tpu.memory_space<hbm>>
      %dma_wait3A_135 = tpu.memref_squeeze %dma_wait3A_134 : memref<1x40xi32, #tpu.memory_space<hbm>> -> memref<40xi32, #tpu.memory_space<hbm>>
      tpu.wait_dma2 semaphore(%arg17 : memref<!tpu.dma_semaphore, #tpu.memory_space<semaphore_mem>>) src(%dma_wait3A_135 : memref<40xi32, #tpu.memory_space<hbm>>) dst(%arg7 : memref<40xi32, #tpu.memory_space<vmem>>)
      %dma_wait3A_136 = arith.constant 0 : i32
      %dma_wait3A_137 = tpu.memref_slice %arg2[%add3A_53, %dma_wait3A_136] : memref<102400x128xf32, #tpu.memory_space<hbm>> -> memref<40x128xf32, #tpu.memory_space<hbm>>
      %dma_wait3A_138 = arith.constant 0 : i32
      %dma_wait3A_139 = tpu.memref_slice %arg2[%add3A_53, %dma_wait3A_138] : memref<102400x128xf32, #tpu.memory_space<hbm>> -> memref<40x128xf32, #tpu.memory_space<hbm>>
      tpu.wait_dma2 semaphore(%arg22 : memref<!tpu.dma_semaphore, #tpu.memory_space<semaphore_mem>>) src(%dma_wait3A_139 : memref<40x128xf32, #tpu.memory_space<hbm>>) dst(%arg12 : memref<40x128xf32, #tpu.memory_space<vmem>>)
      %dma_start3A_140 = arith.constant 0 : i32
      %dma_start3A_141 = arith.constant 0 : i32
      %dma_start3A_142 = tpu.memref_slice %arg26[%dma_start3A_140, %dma_start3A_141] : memref<10000x128xf32, #tpu.memory_space<vmem_shared>> -> memref<10000x128xf32, #tpu.memory_space<vmem_shared>>
      tpu.enqueue_indirect_dma source(%arg12 : memref<40x128xf32, #tpu.memory_space<vmem>>) target(%dma_start3A_142 : memref<10000x128xf32, #tpu.memory_space<vmem_shared>>) offsets(%arg7 : memref<40xi32, #tpu.memory_space<vmem>>) semaphore(%arg22 : memref<!tpu.dma_semaphore, #tpu.memory_space<semaphore_mem>>) {add = true}
      %dma_wait3A_143 = arith.constant 0 : i32
      %dma_wait3A_144 = tpu.memref_slice %arg3[%add3A_62, %dma_wait3A_143] : memref<2560x40xi32, #tpu.memory_space<hbm>> -> memref<1x40xi32, #tpu.memory_space<hbm>>
      %dma_wait3A_145 = tpu.memref_squeeze %dma_wait3A_144 : memref<1x40xi32, #tpu.memory_space<hbm>> -> memref<40xi32, #tpu.memory_space<hbm>>
      %dma_wait3A_146 = arith.constant 0 : i32
      %dma_wait3A_147 = tpu.memref_slice %arg3[%add3A_62, %dma_wait3A_146] : memref<2560x40xi32, #tpu.memory_space<hbm>> -> memref<1x40xi32, #tpu.memory_space<hbm>>
      %dma_wait3A_148 = tpu.memref_squeeze %dma_wait3A_147 : memref<1x40xi32, #tpu.memory_space<hbm>> -> memref<40xi32, #tpu.memory_space<hbm>>
      tpu.wait_dma2 semaphore(%arg18 : memref<!tpu.dma_semaphore, #tpu.memory_space<semaphore_mem>>) src(%dma_wait3A_148 : memref<40xi32, #tpu.memory_space<hbm>>) dst(%arg8 : memref<40xi32, #tpu.memory_space<vmem>>)
      %dma_wait3A_149 = arith.constant 0 : i32
      %dma_wait3A_150 = tpu.memref_slice %arg2[%add3A_73, %dma_wait3A_149] : memref<102400x128xf32, #tpu.memory_space<hbm>> -> memref<40x128xf32, #tpu.memory_space<hbm>>
      %dma_wait3A_151 = arith.constant 0 : i32
      %dma_wait3A_152 = tpu.memref_slice %arg2[%add3A_73, %dma_wait3A_151] : memref<102400x128xf32, #tpu.memory_space<hbm>> -> memref<40x128xf32, #tpu.memory_space<hbm>>
      tpu.wait_dma2 semaphore(%arg23 : memref<!tpu.dma_semaphore, #tpu.memory_space<semaphore_mem>>) src(%dma_wait3A_152 : memref<40x128xf32, #tpu.memory_space<hbm>>) dst(%arg13 : memref<40x128xf32, #tpu.memory_space<vmem>>)
      %dma_start3A_153 = arith.constant 0 : i32
      %dma_start3A_154 = arith.constant 0 : i32
      %dma_start3A_155 = tpu.memref_slice %arg26[%dma_start3A_153, %dma_start3A_154] : memref<10000x128xf32, #tpu.memory_space<vmem_shared>> -> memref<10000x128xf32, #tpu.memory_space<vmem_shared>>
      tpu.enqueue_indirect_dma source(%arg13 : memref<40x128xf32, #tpu.memory_space<vmem>>) target(%dma_start3A_155 : memref<10000x128xf32, #tpu.memory_space<vmem_shared>>) offsets(%arg8 : memref<40xi32, #tpu.memory_space<vmem>>) semaphore(%arg23 : memref<!tpu.dma_semaphore, #tpu.memory_space<semaphore_mem>>) {add = true}
      %dma_wait3A_156 = arith.constant 0 : i32
      %dma_wait3A_157 = tpu.memref_slice %arg3[%add3A_82, %dma_wait3A_156] : memref<2560x40xi32, #tpu.memory_space<hbm>> -> memref<1x40xi32, #tpu.memory_space<hbm>>
      %dma_wait3A_158 = tpu.memref_squeeze %dma_wait3A_157 : memref<1x40xi32, #tpu.memory_space<hbm>> -> memref<40xi32, #tpu.memory_space<hbm>>
      %dma_wait3A_159 = arith.constant 0 : i32
      %dma_wait3A_160 = tpu.memref_slice %arg3[%add3A_82, %dma_wait3A_159] : memref<2560x40xi32, #tpu.memory_space<hbm>> -> memref<1x40xi32, #tpu.memory_space<hbm>>
      %dma_wait3A_161 = tpu.memref_squeeze %dma_wait3A_160 : memref<1x40xi32, #tpu.memory_space<hbm>> -> memref<40xi32, #tpu.memory_space<hbm>>
      tpu.wait_dma2 semaphore(%arg19 : memref<!tpu.dma_semaphore, #tpu.memory_space<semaphore_mem>>) src(%dma_wait3A_161 : memref<40xi32, #tpu.memory_space<hbm>>) dst(%arg9 : memref<40xi32, #tpu.memory_space<vmem>>)
      %dma_wait3A_162 = arith.constant 0 : i32
      %dma_wait3A_163 = tpu.memref_slice %arg2[%add3A_93, %dma_wait3A_162] : memref<102400x128xf32, #tpu.memory_space<hbm>> -> memref<40x128xf32, #tpu.memory_space<hbm>>
      %dma_wait3A_164 = arith.constant 0 : i32
      %dma_wait3A_165 = tpu.memref_slice %arg2[%add3A_93, %dma_wait3A_164] : memref<102400x128xf32, #tpu.memory_space<hbm>> -> memref<40x128xf32, #tpu.memory_space<hbm>>
      tpu.wait_dma2 semaphore(%arg24 : memref<!tpu.dma_semaphore, #tpu.memory_space<semaphore_mem>>) src(%dma_wait3A_165 : memref<40x128xf32, #tpu.memory_space<hbm>>) dst(%arg14 : memref<40x128xf32, #tpu.memory_space<vmem>>)
      %dma_start3A_166 = arith.constant 0 : i32
      %dma_start3A_167 = arith.constant 0 : i32
      %dma_start3A_168 = tpu.memref_slice %arg26[%dma_start3A_166, %dma_start3A_167] : memref<10000x128xf32, #tpu.memory_space<vmem_shared>> -> memref<10000x128xf32, #tpu.memory_space<vmem_shared>>
      tpu.enqueue_indirect_dma source(%arg14 : memref<40x128xf32, #tpu.memory_space<vmem>>) target(%dma_start3A_168 : memref<10000x128xf32, #tpu.memory_space<vmem_shared>>) offsets(%arg9 : memref<40xi32, #tpu.memory_space<vmem>>) semaphore(%arg24 : memref<!tpu.dma_semaphore, #tpu.memory_space<semaphore_mem>>) {add = true}
      %dma_wait3A_169 = arith.constant 0 : i32
      %dma_wait3A_170 = tpu.memref_slice %arg3[%add3A_102, %dma_wait3A_169] : memref<2560x40xi32, #tpu.memory_space<hbm>> -> memref<1x40xi32, #tpu.memory_space<hbm>>
      %dma_wait3A_171 = tpu.memref_squeeze %dma_wait3A_170 : memref<1x40xi32, #tpu.memory_space<hbm>> -> memref<40xi32, #tpu.memory_space<hbm>>
      %dma_wait3A_172 = arith.constant 0 : i32
      %dma_wait3A_173 = tpu.memref_slice %arg3[%add3A_102, %dma_wait3A_172] : memref<2560x40xi32, #tpu.memory_space<hbm>> -> memref<1x40xi32, #tpu.memory_space<hbm>>
      %dma_wait3A_174 = tpu.memref_squeeze %dma_wait3A_173 : memref<1x40xi32, #tpu.memory_space<hbm>> -> memref<40xi32, #tpu.memory_space<hbm>>
      tpu.wait_dma2 semaphore(%arg20 : memref<!tpu.dma_semaphore, #tpu.memory_space<semaphore_mem>>) src(%dma_wait3A_174 : memref<40xi32, #tpu.memory_space<hbm>>) dst(%arg10 : memref<40xi32, #tpu.memory_space<vmem>>)
      %dma_wait3A_175 = arith.constant 0 : i32
      %dma_wait3A_176 = tpu.memref_slice %arg2[%add3A_113, %dma_wait3A_175] : memref<102400x128xf32, #tpu.memory_space<hbm>> -> memref<40x128xf32, #tpu.memory_space<hbm>>
      %dma_wait3A_177 = arith.constant 0 : i32
      %dma_wait3A_178 = tpu.memref_slice %arg2[%add3A_113, %dma_wait3A_177] : memref<102400x128xf32, #tpu.memory_space<hbm>> -> memref<40x128xf32, #tpu.memory_space<hbm>>
      tpu.wait_dma2 semaphore(%arg25 : memref<!tpu.dma_semaphore, #tpu.memory_space<semaphore_mem>>) src(%dma_wait3A_178 : memref<40x128xf32, #tpu.memory_space<hbm>>) dst(%arg15 : memref<40x128xf32, #tpu.memory_space<vmem>>)
      %dma_start3A_179 = arith.constant 0 : i32
      %dma_start3A_180 = arith.constant 0 : i32
      %dma_start3A_181 = tpu.memref_slice %arg26[%dma_start3A_179, %dma_start3A_180] : memref<10000x128xf32, #tpu.memory_space<vmem_shared>> -> memref<10000x128xf32, #tpu.memory_space<vmem_shared>>
      tpu.enqueue_indirect_dma source(%arg15 : memref<40x128xf32, #tpu.memory_space<vmem>>) target(%dma_start3A_181 : memref<10000x128xf32, #tpu.memory_space<vmem_shared>>) offsets(%arg10 : memref<40xi32, #tpu.memory_space<vmem>>) semaphore(%arg25 : memref<!tpu.dma_semaphore, #tpu.memory_space<semaphore_mem>>) {add = true}
      %dma_wait3A_182 = arith.constant 0 : i32
      %dma_wait3A_183 = arith.constant 0 : i32
      %dma_wait3A_184 = tpu.memref_slice %arg26[%dma_wait3A_182, %dma_wait3A_183] : memref<10000x128xf32, #tpu.memory_space<vmem_shared>> -> memref<10000x128xf32, #tpu.memory_space<vmem_shared>>
      tpu.wait_indirect_dma semaphore(%arg21 : memref<!tpu.dma_semaphore, #tpu.memory_space<semaphore_mem>>) src(%arg11 : memref<40x128xf32, #tpu.memory_space<vmem>>) dst(%dma_wait3A_184 : memref<10000x128xf32, #tpu.memory_space<vmem_shared>>)
      %dma_wait3A_185 = arith.constant 0 : i32
      %dma_wait3A_186 = arith.constant 0 : i32
      %dma_wait3A_187 = tpu.memref_slice %arg26[%dma_wait3A_185, %dma_wait3A_186] : memref<10000x128xf32, #tpu.memory_space<vmem_shared>> -> memref<10000x128xf32, #tpu.memory_space<vmem_shared>>
      tpu.wait_indirect_dma semaphore(%arg22 : memref<!tpu.dma_semaphore, #tpu.memory_space<semaphore_mem>>) src(%arg12 : memref<40x128xf32, #tpu.memory_space<vmem>>) dst(%dma_wait3A_187 : memref<10000x128xf32, #tpu.memory_space<vmem_shared>>)
      %dma_wait3A_188 = arith.constant 0 : i32
      %dma_wait3A_189 = arith.constant 0 : i32
      %dma_wait3A_190 = tpu.memref_slice %arg26[%dma_wait3A_188, %dma_wait3A_189] : memref<10000x128xf32, #tpu.memory_space<vmem_shared>> -> memref<10000x128xf32, #tpu.memory_space<vmem_shared>>
      tpu.wait_indirect_dma semaphore(%arg23 : memref<!tpu.dma_semaphore, #tpu.memory_space<semaphore_mem>>) src(%arg13 : memref<40x128xf32, #tpu.memory_space<vmem>>) dst(%dma_wait3A_190 : memref<10000x128xf32, #tpu.memory_space<vmem_shared>>)
      %dma_wait3A_191 = arith.constant 0 : i32
      %dma_wait3A_192 = arith.constant 0 : i32
      %dma_wait3A_193 = tpu.memref_slice %arg26[%dma_wait3A_191, %dma_wait3A_192] : memref<10000x128xf32, #tpu.memory_space<vmem_shared>> -> memref<10000x128xf32, #tpu.memory_space<vmem_shared>>
      tpu.wait_indirect_dma semaphore(%arg24 : memref<!tpu.dma_semaphore, #tpu.memory_space<semaphore_mem>>) src(%arg14 : memref<40x128xf32, #tpu.memory_space<vmem>>) dst(%dma_wait3A_193 : memref<10000x128xf32, #tpu.memory_space<vmem_shared>>)
      %dma_wait3A_194 = arith.constant 0 : i32
      %dma_wait3A_195 = arith.constant 0 : i32
      %dma_wait3A_196 = tpu.memref_slice %arg26[%dma_wait3A_194, %dma_wait3A_195] : memref<10000x128xf32, #tpu.memory_space<vmem_shared>> -> memref<10000x128xf32, #tpu.memory_space<vmem_shared>>
      tpu.wait_indirect_dma semaphore(%arg25 : memref<!tpu.dma_semaphore, #tpu.memory_space<semaphore_mem>>) src(%arg15 : memref<40x128xf32, #tpu.memory_space<vmem>>) dst(%dma_wait3A_196 : memref<10000x128xf32, #tpu.memory_space<vmem_shared>>)
    }
    %scan3A_9 = arith.constant 16 : i32
    %barrier3A_10 = arith.constant 0 : index
    tpu.barrier barrier_id(%barrier3A_10)
    %eq3A_11 = arith.constant 0 : i32
    %eq3A_12 = arith.cmpi eq, %arg1, %eq3A_11 : i32
    %convert_element_type3A_13 = arith.extui %eq3A_12 : i1 to i32
    %cond3A_14 = arith.constant 0 : i32
    %cond3A_15 = arith.cmpi ne, %convert_element_type3A_13, %cond3A_14 : i32
    scf.if %cond3A_15 {
      "tpu.region"() ({
        %run_scoped3A = tpu.sem_alloc : memref<!tpu.dma_semaphore, #tpu.memory_space<semaphore_mem>>
        %dma_start3A = arith.constant 0 : i32
        %dma_start3A_16 = arith.constant 0 : i32
        %dma_start3A_17 = tpu.memref_slice %arg5[%arg0, %dma_start3A, %dma_start3A_16] : memref<2x10000x128xf32, #tpu.memory_space<hbm>> -> memref<1x10000x128xf32, #tpu.memory_space<hbm>>
        %dma_start3A_18 = tpu.memref_squeeze %dma_start3A_17 : memref<1x10000x128xf32, #tpu.memory_space<hbm>> -> memref<10000x128xf32, #tpu.memory_space<hbm>>
        tpu.enqueue_dma source(%arg26 : memref<10000x128xf32, #tpu.memory_space<vmem_shared>>) target(%dma_start3A_18 : memref<10000x128xf32, #tpu.memory_space<hbm>>) target_semaphore(%run_scoped3A : memref<!tpu.dma_semaphore, #tpu.memory_space<semaphore_mem>>)
        %dma_wait3A = arith.constant 0 : i32
        %dma_wait3A_19 = arith.constant 0 : i32
        %dma_wait3A_20 = tpu.memref_slice %arg5[%arg0, %dma_wait3A, %dma_wait3A_19] : memref<2x10000x128xf32, #tpu.memory_space<hbm>> -> memref<1x10000x128xf32, #tpu.memory_space<hbm>>
        %dma_wait3A_21 = tpu.memref_squeeze %dma_wait3A_20 : memref<1x10000x128xf32, #tpu.memory_space<hbm>> -> memref<10000x128xf32, #tpu.memory_space<hbm>>
        tpu.wait_dma2 semaphore(%run_scoped3A : memref<!tpu.dma_semaphore, #tpu.memory_space<semaphore_mem>>) src(%arg26 : memref<10000x128xf32, #tpu.memory_space<vmem_shared>>) dst(%dma_wait3A_21 : memref<10000x128xf32, #tpu.memory_space<hbm>>)
        tpu.yield
      }) : () -> ()
    } else {
    }
    return
  }
}

#map = affine_map<(d0, d1) -> (0, 0)>
#map1 = affine_map<(d0, d1) -> (0, 0, 0)>
module attributes {stable_mosaic.version = 14 : i64} {
  func.func @_scatter_body(%arg0: i32, %arg1: i32, %arg2: memref<115200x128xf32, #tpu.memory_space<hbm>>, %arg3: memref<2880x40xi32, #tpu.memory_space<hbm>>, %arg4: memref<10000x128xf32, #tpu.memory_space<hbm>>, %arg5: memref<2x10000x128xf32, #tpu.memory_space<hbm>>, %arg6: memref<40xi32, #tpu.memory_space<vmem>>, %arg7: memref<40xi32, #tpu.memory_space<vmem>>, %arg8: memref<40xi32, #tpu.memory_space<vmem>>, %arg9: memref<40xi32, #tpu.memory_space<vmem>>, %arg10: memref<40xi32, #tpu.memory_space<vmem>>, %arg11: memref<40x128xf32, #tpu.memory_space<vmem>>, %arg12: memref<40x128xf32, #tpu.memory_space<vmem>>, %arg13: memref<40x128xf32, #tpu.memory_space<vmem>>, %arg14: memref<40x128xf32, #tpu.memory_space<vmem>>, %arg15: memref<40x128xf32, #tpu.memory_space<vmem>>, %arg16: memref<!tpu.dma_semaphore, #tpu.memory_space<semaphore_mem>>, %arg17: memref<!tpu.dma_semaphore, #tpu.memory_space<semaphore_mem>>, %arg18: memref<!tpu.dma_semaphore, #tpu.memory_space<semaphore_mem>>, %arg19: memref<!tpu.dma_semaphore, #tpu.memory_space<semaphore_mem>>, %arg20: memref<!tpu.dma_semaphore, #tpu.memory_space<semaphore_mem>>, %arg21: memref<!tpu.dma_semaphore, #tpu.memory_space<semaphore_mem>>, %arg22: memref<!tpu.dma_semaphore, #tpu.memory_space<semaphore_mem>>, %arg23: memref<!tpu.dma_semaphore, #tpu.memory_space<semaphore_mem>>, %arg24: memref<!tpu.dma_semaphore, #tpu.memory_space<semaphore_mem>>, %arg25: memref<!tpu.dma_semaphore, #tpu.memory_space<semaphore_mem>>, %arg26: memref<10000x128xf32, #tpu.memory_space<vmem_shared>>) attributes {dimension_semantics = [#tpu.dimension_semantics<core_parallel>, #tpu.dimension_semantics<subcore_parallel>], iteration_bounds = array<i64: 2, 16>, scalar_prefetch = 0 : i64, scratch_operands = 21 : i64, tpu.core_type = #tpu.core_type<sc_vector_subcore>, window_params = [{transform_indices = #map}, {transform_indices = #map}, {transform_indices = #map}, {transform_indices = #map1}]} {
    %mul3A = arith.constant 2 : i32
    %mul3A_0 = arith.muli %arg1, %mul3A : i32
    %add3A = arith.addi %mul3A_0, %arg0 : i32
    %mul3A_1 = arith.constant 3600 : i32
    %mul3A_2 = arith.muli %add3A, %mul3A_1 : i32
    %eq3A = arith.constant 0 : i32
    %eq3A_3 = arith.cmpi eq, %arg1, %eq3A : i32
    %convert_element_type3A = arith.extui %eq3A_3 : i1 to i32
    %cond3A = arith.constant 0 : i32
    %cond3A_4 = arith.cmpi ne, %convert_element_type3A, %cond3A : i32
    scf.if %cond3A_4 {
      "tpu.region"() ({
        %run_scoped3A = tpu.sem_alloc : memref<!tpu.dma_semaphore, #tpu.memory_space<semaphore_mem>>
        tpu.enqueue_dma source(%arg4 : memref<10000x128xf32, #tpu.memory_space<hbm>>) target(%arg26 : memref<10000x128xf32, #tpu.memory_space<vmem_shared>>) target_semaphore(%run_scoped3A : memref<!tpu.dma_semaphore, #tpu.memory_space<semaphore_mem>>)
        tpu.wait_dma2 semaphore(%run_scoped3A : memref<!tpu.dma_semaphore, #tpu.memory_space<semaphore_mem>>) src(%arg4 : memref<10000x128xf32, #tpu.memory_space<hbm>>) dst(%arg26 : memref<10000x128xf32, #tpu.memory_space<vmem_shared>>)
        tpu.yield
      }) : () -> ()
    } else {
    }
    %barrier3A = arith.constant 0 : index
    tpu.barrier barrier_id(%barrier3A)
    %scan3A = arith.constant 0 : i32
    %scan3A_5 = arith.constant 0 : i32
    %scan3A_6 = arith.constant 18 : i32
    %scan3A_7 = arith.addi %scan3A_5, %scan3A_6 : i32
    %scan3A_8 = arith.constant 1 : i32
    scf.for %scan3A_16 = %scan3A_5 to %scan3A_7 step %scan3A_8  : i32 {
      %mul3A_17 = arith.constant 5 : i32
      %mul3A_18 = arith.muli %scan3A_16, %mul3A_17 : i32
      %mul3A_19 = arith.constant 90 : i32
      %mul3A_20 = arith.muli %add3A, %mul3A_19 : i32
      %add3A_21 = arith.addi %mul3A_20, %mul3A_18 : i32
      %add3A_22 = arith.constant 0 : i32
      %add3A_23 = arith.addi %add3A_21, %add3A_22 : i32
      %dma_start3A = arith.constant 0 : i32
      %dma_start3A_24 = tpu.memref_slice %arg3[%add3A_23, %dma_start3A] : memref<2880x40xi32, #tpu.memory_space<hbm>> -> memref<1x40xi32, #tpu.memory_space<hbm>>
      %dma_start3A_25 = tpu.memref_squeeze %dma_start3A_24 : memref<1x40xi32, #tpu.memory_space<hbm>> -> memref<40xi32, #tpu.memory_space<hbm>>
      %dma_start3A_26 = arith.constant 0 : i32
      %dma_start3A_27 = tpu.memref_slice %arg3[%add3A_23, %dma_start3A_26] : memref<2880x40xi32, #tpu.memory_space<hbm>> -> memref<1x40xi32, #tpu.memory_space<hbm>>
      %dma_start3A_28 = tpu.memref_squeeze %dma_start3A_27 : memref<1x40xi32, #tpu.memory_space<hbm>> -> memref<40xi32, #tpu.memory_space<hbm>>
      tpu.enqueue_dma source(%dma_start3A_28 : memref<40xi32, #tpu.memory_space<hbm>>) target(%arg6 : memref<40xi32, #tpu.memory_space<vmem>>) target_semaphore(%arg16 : memref<!tpu.dma_semaphore, #tpu.memory_space<semaphore_mem>>)
      %add3A_29 = arith.constant 0 : i32
      %add3A_30 = arith.addi %mul3A_18, %add3A_29 : i32
      %mul3A_31 = arith.constant 40 : i32
      %mul3A_32 = arith.muli %add3A_30, %mul3A_31 : i32
      %add3A_33 = arith.addi %mul3A_2, %mul3A_32 : i32
      %dma_start3A_34 = arith.constant 0 : i32
      %dma_start3A_35 = tpu.memref_slice %arg2[%add3A_33, %dma_start3A_34] : memref<115200x128xf32, #tpu.memory_space<hbm>> -> memref<40x128xf32, #tpu.memory_space<hbm>>
      %dma_start3A_36 = arith.constant 0 : i32
      %dma_start3A_37 = tpu.memref_slice %arg2[%add3A_33, %dma_start3A_36] : memref<115200x128xf32, #tpu.memory_space<hbm>> -> memref<40x128xf32, #tpu.memory_space<hbm>>
      tpu.enqueue_dma source(%dma_start3A_37 : memref<40x128xf32, #tpu.memory_space<hbm>>) target(%arg11 : memref<40x128xf32, #tpu.memory_space<vmem>>) target_semaphore(%arg21 : memref<!tpu.dma_semaphore, #tpu.memory_space<semaphore_mem>>)
      %mul3A_38 = arith.constant 90 : i32
      %mul3A_39 = arith.muli %add3A, %mul3A_38 : i32
      %add3A_40 = arith.addi %mul3A_39, %mul3A_18 : i32
      %add3A_41 = arith.constant 1 : i32
      %add3A_42 = arith.addi %add3A_40, %add3A_41 : i32
      %dma_start3A_43 = arith.constant 0 : i32
      %dma_start3A_44 = tpu.memref_slice %arg3[%add3A_42, %dma_start3A_43] : memref<2880x40xi32, #tpu.memory_space<hbm>> -> memref<1x40xi32, #tpu.memory_space<hbm>>
      %dma_start3A_45 = tpu.memref_squeeze %dma_start3A_44 : memref<1x40xi32, #tpu.memory_space<hbm>> -> memref<40xi32, #tpu.memory_space<hbm>>
      %dma_start3A_46 = arith.constant 0 : i32
      %dma_start3A_47 = tpu.memref_slice %arg3[%add3A_42, %dma_start3A_46] : memref<2880x40xi32, #tpu.memory_space<hbm>> -> memref<1x40xi32, #tpu.memory_space<hbm>>
      %dma_start3A_48 = tpu.memref_squeeze %dma_start3A_47 : memref<1x40xi32, #tpu.memory_space<hbm>> -> memref<40xi32, #tpu.memory_space<hbm>>
      tpu.enqueue_dma source(%dma_start3A_48 : memref<40xi32, #tpu.memory_space<hbm>>) target(%arg7 : memref<40xi32, #tpu.memory_space<vmem>>) target_semaphore(%arg17 : memref<!tpu.dma_semaphore, #tpu.memory_space<semaphore_mem>>)
      %add3A_49 = arith.constant 1 : i32
      %add3A_50 = arith.addi %mul3A_18, %add3A_49 : i32
      %mul3A_51 = arith.constant 40 : i32
      %mul3A_52 = arith.muli %add3A_50, %mul3A_51 : i32
      %add3A_53 = arith.addi %mul3A_2, %mul3A_52 : i32
      %dma_start3A_54 = arith.constant 0 : i32
      %dma_start3A_55 = tpu.memref_slice %arg2[%add3A_53, %dma_start3A_54] : memref<115200x128xf32, #tpu.memory_space<hbm>> -> memref<40x128xf32, #tpu.memory_space<hbm>>
      %dma_start3A_56 = arith.constant 0 : i32
      %dma_start3A_57 = tpu.memref_slice %arg2[%add3A_53, %dma_start3A_56] : memref<115200x128xf32, #tpu.memory_space<hbm>> -> memref<40x128xf32, #tpu.memory_space<hbm>>
      tpu.enqueue_dma source(%dma_start3A_57 : memref<40x128xf32, #tpu.memory_space<hbm>>) target(%arg12 : memref<40x128xf32, #tpu.memory_space<vmem>>) target_semaphore(%arg22 : memref<!tpu.dma_semaphore, #tpu.memory_space<semaphore_mem>>)
      %mul3A_58 = arith.constant 90 : i32
      %mul3A_59 = arith.muli %add3A, %mul3A_58 : i32
      %add3A_60 = arith.addi %mul3A_59, %mul3A_18 : i32
      %add3A_61 = arith.constant 2 : i32
      %add3A_62 = arith.addi %add3A_60, %add3A_61 : i32
      %dma_start3A_63 = arith.constant 0 : i32
      %dma_start3A_64 = tpu.memref_slice %arg3[%add3A_62, %dma_start3A_63] : memref<2880x40xi32, #tpu.memory_space<hbm>> -> memref<1x40xi32, #tpu.memory_space<hbm>>
      %dma_start3A_65 = tpu.memref_squeeze %dma_start3A_64 : memref<1x40xi32, #tpu.memory_space<hbm>> -> memref<40xi32, #tpu.memory_space<hbm>>
      %dma_start3A_66 = arith.constant 0 : i32
      %dma_start3A_67 = tpu.memref_slice %arg3[%add3A_62, %dma_start3A_66] : memref<2880x40xi32, #tpu.memory_space<hbm>> -> memref<1x40xi32, #tpu.memory_space<hbm>>
      %dma_start3A_68 = tpu.memref_squeeze %dma_start3A_67 : memref<1x40xi32, #tpu.memory_space<hbm>> -> memref<40xi32, #tpu.memory_space<hbm>>
      tpu.enqueue_dma source(%dma_start3A_68 : memref<40xi32, #tpu.memory_space<hbm>>) target(%arg8 : memref<40xi32, #tpu.memory_space<vmem>>) target_semaphore(%arg18 : memref<!tpu.dma_semaphore, #tpu.memory_space<semaphore_mem>>)
      %add3A_69 = arith.constant 2 : i32
      %add3A_70 = arith.addi %mul3A_18, %add3A_69 : i32
      %mul3A_71 = arith.constant 40 : i32
      %mul3A_72 = arith.muli %add3A_70, %mul3A_71 : i32
      %add3A_73 = arith.addi %mul3A_2, %mul3A_72 : i32
      %dma_start3A_74 = arith.constant 0 : i32
      %dma_start3A_75 = tpu.memref_slice %arg2[%add3A_73, %dma_start3A_74] : memref<115200x128xf32, #tpu.memory_space<hbm>> -> memref<40x128xf32, #tpu.memory_space<hbm>>
      %dma_start3A_76 = arith.constant 0 : i32
      %dma_start3A_77 = tpu.memref_slice %arg2[%add3A_73, %dma_start3A_76] : memref<115200x128xf32, #tpu.memory_space<hbm>> -> memref<40x128xf32, #tpu.memory_space<hbm>>
      tpu.enqueue_dma source(%dma_start3A_77 : memref<40x128xf32, #tpu.memory_space<hbm>>) target(%arg13 : memref<40x128xf32, #tpu.memory_space<vmem>>) target_semaphore(%arg23 : memref<!tpu.dma_semaphore, #tpu.memory_space<semaphore_mem>>)
      %mul3A_78 = arith.constant 90 : i32
      %mul3A_79 = arith.muli %add3A, %mul3A_78 : i32
      %add3A_80 = arith.addi %mul3A_79, %mul3A_18 : i32
      %add3A_81 = arith.constant 3 : i32
      %add3A_82 = arith.addi %add3A_80, %add3A_81 : i32
      %dma_start3A_83 = arith.constant 0 : i32
      %dma_start3A_84 = tpu.memref_slice %arg3[%add3A_82, %dma_start3A_83] : memref<2880x40xi32, #tpu.memory_space<hbm>> -> memref<1x40xi32, #tpu.memory_space<hbm>>
      %dma_start3A_85 = tpu.memref_squeeze %dma_start3A_84 : memref<1x40xi32, #tpu.memory_space<hbm>> -> memref<40xi32, #tpu.memory_space<hbm>>
      %dma_start3A_86 = arith.constant 0 : i32
      %dma_start3A_87 = tpu.memref_slice %arg3[%add3A_82, %dma_start3A_86] : memref<2880x40xi32, #tpu.memory_space<hbm>> -> memref<1x40xi32, #tpu.memory_space<hbm>>
      %dma_start3A_88 = tpu.memref_squeeze %dma_start3A_87 : memref<1x40xi32, #tpu.memory_space<hbm>> -> memref<40xi32, #tpu.memory_space<hbm>>
      tpu.enqueue_dma source(%dma_start3A_88 : memref<40xi32, #tpu.memory_space<hbm>>) target(%arg9 : memref<40xi32, #tpu.memory_space<vmem>>) target_semaphore(%arg19 : memref<!tpu.dma_semaphore, #tpu.memory_space<semaphore_mem>>)
      %add3A_89 = arith.constant 3 : i32
      %add3A_90 = arith.addi %mul3A_18, %add3A_89 : i32
      %mul3A_91 = arith.constant 40 : i32
      %mul3A_92 = arith.muli %add3A_90, %mul3A_91 : i32
      %add3A_93 = arith.addi %mul3A_2, %mul3A_92 : i32
      %dma_start3A_94 = arith.constant 0 : i32
      %dma_start3A_95 = tpu.memref_slice %arg2[%add3A_93, %dma_start3A_94] : memref<115200x128xf32, #tpu.memory_space<hbm>> -> memref<40x128xf32, #tpu.memory_space<hbm>>
      %dma_start3A_96 = arith.constant 0 : i32
      %dma_start3A_97 = tpu.memref_slice %arg2[%add3A_93, %dma_start3A_96] : memref<115200x128xf32, #tpu.memory_space<hbm>> -> memref<40x128xf32, #tpu.memory_space<hbm>>
      tpu.enqueue_dma source(%dma_start3A_97 : memref<40x128xf32, #tpu.memory_space<hbm>>) target(%arg14 : memref<40x128xf32, #tpu.memory_space<vmem>>) target_semaphore(%arg24 : memref<!tpu.dma_semaphore, #tpu.memory_space<semaphore_mem>>)
      %mul3A_98 = arith.constant 90 : i32
      %mul3A_99 = arith.muli %add3A, %mul3A_98 : i32
      %add3A_100 = arith.addi %mul3A_99, %mul3A_18 : i32
      %add3A_101 = arith.constant 4 : i32
      %add3A_102 = arith.addi %add3A_100, %add3A_101 : i32
      %dma_start3A_103 = arith.constant 0 : i32
      %dma_start3A_104 = tpu.memref_slice %arg3[%add3A_102, %dma_start3A_103] : memref<2880x40xi32, #tpu.memory_space<hbm>> -> memref<1x40xi32, #tpu.memory_space<hbm>>
      %dma_start3A_105 = tpu.memref_squeeze %dma_start3A_104 : memref<1x40xi32, #tpu.memory_space<hbm>> -> memref<40xi32, #tpu.memory_space<hbm>>
      %dma_start3A_106 = arith.constant 0 : i32
      %dma_start3A_107 = tpu.memref_slice %arg3[%add3A_102, %dma_start3A_106] : memref<2880x40xi32, #tpu.memory_space<hbm>> -> memref<1x40xi32, #tpu.memory_space<hbm>>
      %dma_start3A_108 = tpu.memref_squeeze %dma_start3A_107 : memref<1x40xi32, #tpu.memory_space<hbm>> -> memref<40xi32, #tpu.memory_space<hbm>>
      tpu.enqueue_dma source(%dma_start3A_108 : memref<40xi32, #tpu.memory_space<hbm>>) target(%arg10 : memref<40xi32, #tpu.memory_space<vmem>>) target_semaphore(%arg20 : memref<!tpu.dma_semaphore, #tpu.memory_space<semaphore_mem>>)
      %add3A_109 = arith.constant 4 : i32
      %add3A_110 = arith.addi %mul3A_18, %add3A_109 : i32
      %mul3A_111 = arith.constant 40 : i32
      %mul3A_112 = arith.muli %add3A_110, %mul3A_111 : i32
      %add3A_113 = arith.addi %mul3A_2, %mul3A_112 : i32
      %dma_start3A_114 = arith.constant 0 : i32
      %dma_start3A_115 = tpu.memref_slice %arg2[%add3A_113, %dma_start3A_114] : memref<115200x128xf32, #tpu.memory_space<hbm>> -> memref<40x128xf32, #tpu.memory_space<hbm>>
      %dma_start3A_116 = arith.constant 0 : i32
      %dma_start3A_117 = tpu.memref_slice %arg2[%add3A_113, %dma_start3A_116] : memref<115200x128xf32, #tpu.memory_space<hbm>> -> memref<40x128xf32, #tpu.memory_space<hbm>>
      tpu.enqueue_dma source(%dma_start3A_117 : memref<40x128xf32, #tpu.memory_space<hbm>>) target(%arg15 : memref<40x128xf32, #tpu.memory_space<vmem>>) target_semaphore(%arg25 : memref<!tpu.dma_semaphore, #tpu.memory_space<semaphore_mem>>)
      %dma_wait3A = arith.constant 0 : i32
      %dma_wait3A_118 = tpu.memref_slice %arg3[%add3A_23, %dma_wait3A] : memref<2880x40xi32, #tpu.memory_space<hbm>> -> memref<1x40xi32, #tpu.memory_space<hbm>>
      %dma_wait3A_119 = tpu.memref_squeeze %dma_wait3A_118 : memref<1x40xi32, #tpu.memory_space<hbm>> -> memref<40xi32, #tpu.memory_space<hbm>>
      %dma_wait3A_120 = arith.constant 0 : i32
      %dma_wait3A_121 = tpu.memref_slice %arg3[%add3A_23, %dma_wait3A_120] : memref<2880x40xi32, #tpu.memory_space<hbm>> -> memref<1x40xi32, #tpu.memory_space<hbm>>
      %dma_wait3A_122 = tpu.memref_squeeze %dma_wait3A_121 : memref<1x40xi32, #tpu.memory_space<hbm>> -> memref<40xi32, #tpu.memory_space<hbm>>
      tpu.wait_dma2 semaphore(%arg16 : memref<!tpu.dma_semaphore, #tpu.memory_space<semaphore_mem>>) src(%dma_wait3A_122 : memref<40xi32, #tpu.memory_space<hbm>>) dst(%arg6 : memref<40xi32, #tpu.memory_space<vmem>>)
      %dma_wait3A_123 = arith.constant 0 : i32
      %dma_wait3A_124 = tpu.memref_slice %arg2[%add3A_33, %dma_wait3A_123] : memref<115200x128xf32, #tpu.memory_space<hbm>> -> memref<40x128xf32, #tpu.memory_space<hbm>>
      %dma_wait3A_125 = arith.constant 0 : i32
      %dma_wait3A_126 = tpu.memref_slice %arg2[%add3A_33, %dma_wait3A_125] : memref<115200x128xf32, #tpu.memory_space<hbm>> -> memref<40x128xf32, #tpu.memory_space<hbm>>
      tpu.wait_dma2 semaphore(%arg21 : memref<!tpu.dma_semaphore, #tpu.memory_space<semaphore_mem>>) src(%dma_wait3A_126 : memref<40x128xf32, #tpu.memory_space<hbm>>) dst(%arg11 : memref<40x128xf32, #tpu.memory_space<vmem>>)
      %dma_start3A_127 = arith.constant 0 : i32
      %dma_start3A_128 = arith.constant 0 : i32
      %dma_start3A_129 = tpu.memref_slice %arg26[%dma_start3A_127, %dma_start3A_128] : memref<10000x128xf32, #tpu.memory_space<vmem_shared>> -> memref<10000x128xf32, #tpu.memory_space<vmem_shared>>
      tpu.enqueue_indirect_dma source(%arg11 : memref<40x128xf32, #tpu.memory_space<vmem>>) target(%dma_start3A_129 : memref<10000x128xf32, #tpu.memory_space<vmem_shared>>) offsets(%arg6 : memref<40xi32, #tpu.memory_space<vmem>>) semaphore(%arg21 : memref<!tpu.dma_semaphore, #tpu.memory_space<semaphore_mem>>) {add = true}
      %dma_wait3A_130 = arith.constant 0 : i32
      %dma_wait3A_131 = tpu.memref_slice %arg3[%add3A_42, %dma_wait3A_130] : memref<2880x40xi32, #tpu.memory_space<hbm>> -> memref<1x40xi32, #tpu.memory_space<hbm>>
      %dma_wait3A_132 = tpu.memref_squeeze %dma_wait3A_131 : memref<1x40xi32, #tpu.memory_space<hbm>> -> memref<40xi32, #tpu.memory_space<hbm>>
      %dma_wait3A_133 = arith.constant 0 : i32
      %dma_wait3A_134 = tpu.memref_slice %arg3[%add3A_42, %dma_wait3A_133] : memref<2880x40xi32, #tpu.memory_space<hbm>> -> memref<1x40xi32, #tpu.memory_space<hbm>>
      %dma_wait3A_135 = tpu.memref_squeeze %dma_wait3A_134 : memref<1x40xi32, #tpu.memory_space<hbm>> -> memref<40xi32, #tpu.memory_space<hbm>>
      tpu.wait_dma2 semaphore(%arg17 : memref<!tpu.dma_semaphore, #tpu.memory_space<semaphore_mem>>) src(%dma_wait3A_135 : memref<40xi32, #tpu.memory_space<hbm>>) dst(%arg7 : memref<40xi32, #tpu.memory_space<vmem>>)
      %dma_wait3A_136 = arith.constant 0 : i32
      %dma_wait3A_137 = tpu.memref_slice %arg2[%add3A_53, %dma_wait3A_136] : memref<115200x128xf32, #tpu.memory_space<hbm>> -> memref<40x128xf32, #tpu.memory_space<hbm>>
      %dma_wait3A_138 = arith.constant 0 : i32
      %dma_wait3A_139 = tpu.memref_slice %arg2[%add3A_53, %dma_wait3A_138] : memref<115200x128xf32, #tpu.memory_space<hbm>> -> memref<40x128xf32, #tpu.memory_space<hbm>>
      tpu.wait_dma2 semaphore(%arg22 : memref<!tpu.dma_semaphore, #tpu.memory_space<semaphore_mem>>) src(%dma_wait3A_139 : memref<40x128xf32, #tpu.memory_space<hbm>>) dst(%arg12 : memref<40x128xf32, #tpu.memory_space<vmem>>)
      %dma_start3A_140 = arith.constant 0 : i32
      %dma_start3A_141 = arith.constant 0 : i32
      %dma_start3A_142 = tpu.memref_slice %arg26[%dma_start3A_140, %dma_start3A_141] : memref<10000x128xf32, #tpu.memory_space<vmem_shared>> -> memref<10000x128xf32, #tpu.memory_space<vmem_shared>>
      tpu.enqueue_indirect_dma source(%arg12 : memref<40x128xf32, #tpu.memory_space<vmem>>) target(%dma_start3A_142 : memref<10000x128xf32, #tpu.memory_space<vmem_shared>>) offsets(%arg7 : memref<40xi32, #tpu.memory_space<vmem>>) semaphore(%arg22 : memref<!tpu.dma_semaphore, #tpu.memory_space<semaphore_mem>>) {add = true}
      %dma_wait3A_143 = arith.constant 0 : i32
      %dma_wait3A_144 = tpu.memref_slice %arg3[%add3A_62, %dma_wait3A_143] : memref<2880x40xi32, #tpu.memory_space<hbm>> -> memref<1x40xi32, #tpu.memory_space<hbm>>
      %dma_wait3A_145 = tpu.memref_squeeze %dma_wait3A_144 : memref<1x40xi32, #tpu.memory_space<hbm>> -> memref<40xi32, #tpu.memory_space<hbm>>
      %dma_wait3A_146 = arith.constant 0 : i32
      %dma_wait3A_147 = tpu.memref_slice %arg3[%add3A_62, %dma_wait3A_146] : memref<2880x40xi32, #tpu.memory_space<hbm>> -> memref<1x40xi32, #tpu.memory_space<hbm>>
      %dma_wait3A_148 = tpu.memref_squeeze %dma_wait3A_147 : memref<1x40xi32, #tpu.memory_space<hbm>> -> memref<40xi32, #tpu.memory_space<hbm>>
      tpu.wait_dma2 semaphore(%arg18 : memref<!tpu.dma_semaphore, #tpu.memory_space<semaphore_mem>>) src(%dma_wait3A_148 : memref<40xi32, #tpu.memory_space<hbm>>) dst(%arg8 : memref<40xi32, #tpu.memory_space<vmem>>)
      %dma_wait3A_149 = arith.constant 0 : i32
      %dma_wait3A_150 = tpu.memref_slice %arg2[%add3A_73, %dma_wait3A_149] : memref<115200x128xf32, #tpu.memory_space<hbm>> -> memref<40x128xf32, #tpu.memory_space<hbm>>
      %dma_wait3A_151 = arith.constant 0 : i32
      %dma_wait3A_152 = tpu.memref_slice %arg2[%add3A_73, %dma_wait3A_151] : memref<115200x128xf32, #tpu.memory_space<hbm>> -> memref<40x128xf32, #tpu.memory_space<hbm>>
      tpu.wait_dma2 semaphore(%arg23 : memref<!tpu.dma_semaphore, #tpu.memory_space<semaphore_mem>>) src(%dma_wait3A_152 : memref<40x128xf32, #tpu.memory_space<hbm>>) dst(%arg13 : memref<40x128xf32, #tpu.memory_space<vmem>>)
      %dma_start3A_153 = arith.constant 0 : i32
      %dma_start3A_154 = arith.constant 0 : i32
      %dma_start3A_155 = tpu.memref_slice %arg26[%dma_start3A_153, %dma_start3A_154] : memref<10000x128xf32, #tpu.memory_space<vmem_shared>> -> memref<10000x128xf32, #tpu.memory_space<vmem_shared>>
      tpu.enqueue_indirect_dma source(%arg13 : memref<40x128xf32, #tpu.memory_space<vmem>>) target(%dma_start3A_155 : memref<10000x128xf32, #tpu.memory_space<vmem_shared>>) offsets(%arg8 : memref<40xi32, #tpu.memory_space<vmem>>) semaphore(%arg23 : memref<!tpu.dma_semaphore, #tpu.memory_space<semaphore_mem>>) {add = true}
      %dma_wait3A_156 = arith.constant 0 : i32
      %dma_wait3A_157 = tpu.memref_slice %arg3[%add3A_82, %dma_wait3A_156] : memref<2880x40xi32, #tpu.memory_space<hbm>> -> memref<1x40xi32, #tpu.memory_space<hbm>>
      %dma_wait3A_158 = tpu.memref_squeeze %dma_wait3A_157 : memref<1x40xi32, #tpu.memory_space<hbm>> -> memref<40xi32, #tpu.memory_space<hbm>>
      %dma_wait3A_159 = arith.constant 0 : i32
      %dma_wait3A_160 = tpu.memref_slice %arg3[%add3A_82, %dma_wait3A_159] : memref<2880x40xi32, #tpu.memory_space<hbm>> -> memref<1x40xi32, #tpu.memory_space<hbm>>
      %dma_wait3A_161 = tpu.memref_squeeze %dma_wait3A_160 : memref<1x40xi32, #tpu.memory_space<hbm>> -> memref<40xi32, #tpu.memory_space<hbm>>
      tpu.wait_dma2 semaphore(%arg19 : memref<!tpu.dma_semaphore, #tpu.memory_space<semaphore_mem>>) src(%dma_wait3A_161 : memref<40xi32, #tpu.memory_space<hbm>>) dst(%arg9 : memref<40xi32, #tpu.memory_space<vmem>>)
      %dma_wait3A_162 = arith.constant 0 : i32
      %dma_wait3A_163 = tpu.memref_slice %arg2[%add3A_93, %dma_wait3A_162] : memref<115200x128xf32, #tpu.memory_space<hbm>> -> memref<40x128xf32, #tpu.memory_space<hbm>>
      %dma_wait3A_164 = arith.constant 0 : i32
      %dma_wait3A_165 = tpu.memref_slice %arg2[%add3A_93, %dma_wait3A_164] : memref<115200x128xf32, #tpu.memory_space<hbm>> -> memref<40x128xf32, #tpu.memory_space<hbm>>
      tpu.wait_dma2 semaphore(%arg24 : memref<!tpu.dma_semaphore, #tpu.memory_space<semaphore_mem>>) src(%dma_wait3A_165 : memref<40x128xf32, #tpu.memory_space<hbm>>) dst(%arg14 : memref<40x128xf32, #tpu.memory_space<vmem>>)
      %dma_start3A_166 = arith.constant 0 : i32
      %dma_start3A_167 = arith.constant 0 : i32
      %dma_start3A_168 = tpu.memref_slice %arg26[%dma_start3A_166, %dma_start3A_167] : memref<10000x128xf32, #tpu.memory_space<vmem_shared>> -> memref<10000x128xf32, #tpu.memory_space<vmem_shared>>
      tpu.enqueue_indirect_dma source(%arg14 : memref<40x128xf32, #tpu.memory_space<vmem>>) target(%dma_start3A_168 : memref<10000x128xf32, #tpu.memory_space<vmem_shared>>) offsets(%arg9 : memref<40xi32, #tpu.memory_space<vmem>>) semaphore(%arg24 : memref<!tpu.dma_semaphore, #tpu.memory_space<semaphore_mem>>) {add = true}
      %dma_wait3A_169 = arith.constant 0 : i32
      %dma_wait3A_170 = tpu.memref_slice %arg3[%add3A_102, %dma_wait3A_169] : memref<2880x40xi32, #tpu.memory_space<hbm>> -> memref<1x40xi32, #tpu.memory_space<hbm>>
      %dma_wait3A_171 = tpu.memref_squeeze %dma_wait3A_170 : memref<1x40xi32, #tpu.memory_space<hbm>> -> memref<40xi32, #tpu.memory_space<hbm>>
      %dma_wait3A_172 = arith.constant 0 : i32
      %dma_wait3A_173 = tpu.memref_slice %arg3[%add3A_102, %dma_wait3A_172] : memref<2880x40xi32, #tpu.memory_space<hbm>> -> memref<1x40xi32, #tpu.memory_space<hbm>>
      %dma_wait3A_174 = tpu.memref_squeeze %dma_wait3A_173 : memref<1x40xi32, #tpu.memory_space<hbm>> -> memref<40xi32, #tpu.memory_space<hbm>>
      tpu.wait_dma2 semaphore(%arg20 : memref<!tpu.dma_semaphore, #tpu.memory_space<semaphore_mem>>) src(%dma_wait3A_174 : memref<40xi32, #tpu.memory_space<hbm>>) dst(%arg10 : memref<40xi32, #tpu.memory_space<vmem>>)
      %dma_wait3A_175 = arith.constant 0 : i32
      %dma_wait3A_176 = tpu.memref_slice %arg2[%add3A_113, %dma_wait3A_175] : memref<115200x128xf32, #tpu.memory_space<hbm>> -> memref<40x128xf32, #tpu.memory_space<hbm>>
      %dma_wait3A_177 = arith.constant 0 : i32
      %dma_wait3A_178 = tpu.memref_slice %arg2[%add3A_113, %dma_wait3A_177] : memref<115200x128xf32, #tpu.memory_space<hbm>> -> memref<40x128xf32, #tpu.memory_space<hbm>>
      tpu.wait_dma2 semaphore(%arg25 : memref<!tpu.dma_semaphore, #tpu.memory_space<semaphore_mem>>) src(%dma_wait3A_178 : memref<40x128xf32, #tpu.memory_space<hbm>>) dst(%arg15 : memref<40x128xf32, #tpu.memory_space<vmem>>)
      %dma_start3A_179 = arith.constant 0 : i32
      %dma_start3A_180 = arith.constant 0 : i32
      %dma_start3A_181 = tpu.memref_slice %arg26[%dma_start3A_179, %dma_start3A_180] : memref<10000x128xf32, #tpu.memory_space<vmem_shared>> -> memref<10000x128xf32, #tpu.memory_space<vmem_shared>>
      tpu.enqueue_indirect_dma source(%arg15 : memref<40x128xf32, #tpu.memory_space<vmem>>) target(%dma_start3A_181 : memref<10000x128xf32, #tpu.memory_space<vmem_shared>>) offsets(%arg10 : memref<40xi32, #tpu.memory_space<vmem>>) semaphore(%arg25 : memref<!tpu.dma_semaphore, #tpu.memory_space<semaphore_mem>>) {add = true}
      %dma_wait3A_182 = arith.constant 0 : i32
      %dma_wait3A_183 = arith.constant 0 : i32
      %dma_wait3A_184 = tpu.memref_slice %arg26[%dma_wait3A_182, %dma_wait3A_183] : memref<10000x128xf32, #tpu.memory_space<vmem_shared>> -> memref<10000x128xf32, #tpu.memory_space<vmem_shared>>
      tpu.wait_indirect_dma semaphore(%arg21 : memref<!tpu.dma_semaphore, #tpu.memory_space<semaphore_mem>>) src(%arg11 : memref<40x128xf32, #tpu.memory_space<vmem>>) dst(%dma_wait3A_184 : memref<10000x128xf32, #tpu.memory_space<vmem_shared>>)
      %dma_wait3A_185 = arith.constant 0 : i32
      %dma_wait3A_186 = arith.constant 0 : i32
      %dma_wait3A_187 = tpu.memref_slice %arg26[%dma_wait3A_185, %dma_wait3A_186] : memref<10000x128xf32, #tpu.memory_space<vmem_shared>> -> memref<10000x128xf32, #tpu.memory_space<vmem_shared>>
      tpu.wait_indirect_dma semaphore(%arg22 : memref<!tpu.dma_semaphore, #tpu.memory_space<semaphore_mem>>) src(%arg12 : memref<40x128xf32, #tpu.memory_space<vmem>>) dst(%dma_wait3A_187 : memref<10000x128xf32, #tpu.memory_space<vmem_shared>>)
      %dma_wait3A_188 = arith.constant 0 : i32
      %dma_wait3A_189 = arith.constant 0 : i32
      %dma_wait3A_190 = tpu.memref_slice %arg26[%dma_wait3A_188, %dma_wait3A_189] : memref<10000x128xf32, #tpu.memory_space<vmem_shared>> -> memref<10000x128xf32, #tpu.memory_space<vmem_shared>>
      tpu.wait_indirect_dma semaphore(%arg23 : memref<!tpu.dma_semaphore, #tpu.memory_space<semaphore_mem>>) src(%arg13 : memref<40x128xf32, #tpu.memory_space<vmem>>) dst(%dma_wait3A_190 : memref<10000x128xf32, #tpu.memory_space<vmem_shared>>)
      %dma_wait3A_191 = arith.constant 0 : i32
      %dma_wait3A_192 = arith.constant 0 : i32
      %dma_wait3A_193 = tpu.memref_slice %arg26[%dma_wait3A_191, %dma_wait3A_192] : memref<10000x128xf32, #tpu.memory_space<vmem_shared>> -> memref<10000x128xf32, #tpu.memory_space<vmem_shared>>
      tpu.wait_indirect_dma semaphore(%arg24 : memref<!tpu.dma_semaphore, #tpu.memory_space<semaphore_mem>>) src(%arg14 : memref<40x128xf32, #tpu.memory_space<vmem>>) dst(%dma_wait3A_193 : memref<10000x128xf32, #tpu.memory_space<vmem_shared>>)
      %dma_wait3A_194 = arith.constant 0 : i32
      %dma_wait3A_195 = arith.constant 0 : i32
      %dma_wait3A_196 = tpu.memref_slice %arg26[%dma_wait3A_194, %dma_wait3A_195] : memref<10000x128xf32, #tpu.memory_space<vmem_shared>> -> memref<10000x128xf32, #tpu.memory_space<vmem_shared>>
      tpu.wait_indirect_dma semaphore(%arg25 : memref<!tpu.dma_semaphore, #tpu.memory_space<semaphore_mem>>) src(%arg15 : memref<40x128xf32, #tpu.memory_space<vmem>>) dst(%dma_wait3A_196 : memref<10000x128xf32, #tpu.memory_space<vmem_shared>>)
    }
    %scan3A_9 = arith.constant 18 : i32
    %barrier3A_10 = arith.constant 0 : index
    tpu.barrier barrier_id(%barrier3A_10)
    %eq3A_11 = arith.constant 0 : i32
    %eq3A_12 = arith.cmpi eq, %arg1, %eq3A_11 : i32
    %convert_element_type3A_13 = arith.extui %eq3A_12 : i1 to i32
    %cond3A_14 = arith.constant 0 : i32
    %cond3A_15 = arith.cmpi ne, %convert_element_type3A_13, %cond3A_14 : i32
    scf.if %cond3A_15 {
      "tpu.region"() ({
        %run_scoped3A = tpu.sem_alloc : memref<!tpu.dma_semaphore, #tpu.memory_space<semaphore_mem>>
        %dma_start3A = arith.constant 0 : i32
        %dma_start3A_16 = arith.constant 0 : i32
        %dma_start3A_17 = tpu.memref_slice %arg5[%arg0, %dma_start3A, %dma_start3A_16] : memref<2x10000x128xf32, #tpu.memory_space<hbm>> -> memref<1x10000x128xf32, #tpu.memory_space<hbm>>
        %dma_start3A_18 = tpu.memref_squeeze %dma_start3A_17 : memref<1x10000x128xf32, #tpu.memory_space<hbm>> -> memref<10000x128xf32, #tpu.memory_space<hbm>>
        tpu.enqueue_dma source(%arg26 : memref<10000x128xf32, #tpu.memory_space<vmem_shared>>) target(%dma_start3A_18 : memref<10000x128xf32, #tpu.memory_space<hbm>>) target_semaphore(%run_scoped3A : memref<!tpu.dma_semaphore, #tpu.memory_space<semaphore_mem>>)
        %dma_wait3A = arith.constant 0 : i32
        %dma_wait3A_19 = arith.constant 0 : i32
        %dma_wait3A_20 = tpu.memref_slice %arg5[%arg0, %dma_wait3A, %dma_wait3A_19] : memref<2x10000x128xf32, #tpu.memory_space<hbm>> -> memref<1x10000x128xf32, #tpu.memory_space<hbm>>
        %dma_wait3A_21 = tpu.memref_squeeze %dma_wait3A_20 : memref<1x10000x128xf32, #tpu.memory_space<hbm>> -> memref<10000x128xf32, #tpu.memory_space<hbm>>
        tpu.wait_dma2 semaphore(%run_scoped3A : memref<!tpu.dma_semaphore, #tpu.memory_space<semaphore_mem>>) src(%arg26 : memref<10000x128xf32, #tpu.memory_space<vmem_shared>>) dst(%dma_wait3A_21 : memref<10000x128xf32, #tpu.memory_space<hbm>>)
        tpu.yield
      }) : () -> ()
    } else {
    }
    return
  }
}

module attributes {stable_mosaic.version = 14 : i64} {
  func.func @_prep_body(%arg0: memref<10000x128xf32, #tpu.memory_space<vmem>>, %arg1: memref<10000x64xf32, #tpu.memory_space<vmem>>, %arg2: memref<128x64xf32, #tpu.memory_space<vmem>>, %arg3: memref<128x64xf32, #tpu.memory_space<vmem>>, %arg4: memref<1x64xf32, #tpu.memory_space<vmem>>, %arg5: memref<10000x128xf32, #tpu.memory_space<vmem>>, %arg6: memref<10000x128xf32, #tpu.memory_space<vmem>>) attributes {dimension_semantics = [], scalar_prefetch = 0 : i64, scratch_operands = 0 : i64, tpu.core_type = #tpu.core_type<tc>} {
    %get3A = arith.constant 0 : index
    %get3A_0 = arith.constant 0 : index
    %get3A_1 = vector.load %arg0[%get3A, %get3A_0] : memref<10000x128xf32, #tpu.memory_space<vmem>>, vector<10000x128xf32>
    %get3A_2 = arith.constant 0 : index
    %get3A_3 = arith.constant 0 : index
    %get3A_4 = vector.load %arg2[%get3A_2, %get3A_3] : memref<128x64xf32, #tpu.memory_space<vmem>>, vector<128x64xf32>
    %dot_general3A = arith.constant dense<0.000000e+00> : vector<10000x64xf32>
    %dot_general3A_5 = tpu.matmul %get3A_1, %get3A_4, %dot_general3A {dimension_numbers = #tpu.dot_dimension_numbers<[1], [0], [0], [1], [0, 0, 1, 1], [], []>, transpose_lhs_hint = false} : vector<10000x128xf32>, vector<128x64xf32>, vector<10000x64xf32> -> vector<10000x64xf32>
    %get3A_6 = arith.constant 0 : index
    %get3A_7 = arith.constant 0 : index
    %get3A_8 = vector.load %arg4[%get3A_6, %get3A_7] : memref<1x64xf32, #tpu.memory_space<vmem>>, vector<1x64xf32>
    %add3A = vector.broadcast %get3A_8 : vector<1x64xf32> to vector<10000x64xf32>
    %add3A_9 = arith.addf %dot_general3A_5, %add3A : vector<10000x64xf32>
    %swap3A = arith.constant 0 : index
    %swap3A_10 = arith.constant 0 : index
    %swap3A_11 = vector.load %arg5[%swap3A, %swap3A_10] : memref<10000x128xf32, #tpu.memory_space<vmem>>, vector<10000x64xf32>
    tpu.vector_store %arg5[%swap3A, %swap3A_10], %add3A_9 {strides = array<i32>} : memref<10000x128xf32, #tpu.memory_space<vmem>>, vector<10000x64xf32>,
    %get3A_12 = arith.constant 0 : index
    %get3A_13 = arith.constant 0 : index
    %get3A_14 = vector.load %arg1[%get3A_12, %get3A_13] : memref<10000x64xf32, #tpu.memory_space<vmem>>, vector<10000x64xf32>
    %swap3A_15 = arith.constant 0 : index
    %swap3A_16 = arith.constant 64 : index
    %swap3A_17 = vector.load %arg5[%swap3A_15, %swap3A_16] : memref<10000x128xf32, #tpu.memory_space<vmem>>, vector<10000x64xf32>
    tpu.vector_store %arg5[%swap3A_15, %swap3A_16], %get3A_14 {strides = array<i32>} : memref<10000x128xf32, #tpu.memory_space<vmem>>, vector<10000x64xf32>,
    %get3A_18 = arith.constant 0 : index
    %get3A_19 = arith.constant 0 : index
    %get3A_20 = vector.load %arg3[%get3A_18, %get3A_19] : memref<128x64xf32, #tpu.memory_space<vmem>>, vector<128x64xf32>
    %dot_general3A_21 = arith.constant dense<0.000000e+00> : vector<10000x64xf32>
    %dot_general3A_22 = tpu.matmul %get3A_1, %get3A_20, %dot_general3A_21 {dimension_numbers = #tpu.dot_dimension_numbers<[1], [0], [0], [1], [0, 0, 1, 1], [], []>, transpose_lhs_hint = false} : vector<10000x128xf32>, vector<128x64xf32>, vector<10000x64xf32> -> vector<10000x64xf32>
    %swap3A_23 = arith.constant 0 : index
    %swap3A_24 = arith.constant 0 : index
    %swap3A_25 = vector.load %arg6[%swap3A_23, %swap3A_24] : memref<10000x128xf32, #tpu.memory_space<vmem>>, vector<10000x64xf32>
    tpu.vector_store %arg6[%swap3A_23, %swap3A_24], %dot_general3A_22 {strides = array<i32>} : memref<10000x128xf32, #tpu.memory_space<vmem>>, vector<10000x64xf32>,
    %get3A_26 = arith.constant 0 : index
    %get3A_27 = arith.constant 0 : index
    %get3A_28 = vector.load %arg1[%get3A_26, %get3A_27] : memref<10000x64xf32, #tpu.memory_space<vmem>>, vector<10000x64xf32>
    %neg3A = arith.constant 0.000000e+00 : f32
    %neg3A_29 = vector.broadcast %neg3A : f32 to vector<10000x64xf32>
    %neg3A_30 = arith.subf %neg3A_29, %get3A_28 : vector<10000x64xf32>
    %swap3A_31 = arith.constant 0 : index
    %swap3A_32 = arith.constant 64 : index
    %swap3A_33 = vector.load %arg6[%swap3A_31, %swap3A_32] : memref<10000x128xf32, #tpu.memory_space<vmem>>, vector<10000x64xf32>
    tpu.vector_store %arg6[%swap3A_31, %swap3A_32], %neg3A_30 {strides = array<i32>} : memref<10000x128xf32, #tpu.memory_space<vmem>>, vector<10000x64xf32>,
    return
  }
}

module attributes {stable_mosaic.version = 14 : i64} {
  func.func @_edge_body(%arg0: i32, %arg1: memref<3200x128xf32, #tpu.memory_space<vmem>>, %arg2: memref<1x64xf32, #tpu.memory_space<vmem>>, %arg3: memref<64x64xf32, #tpu.memory_space<vmem>>, %arg4: memref<1x64xf32, #tpu.memory_space<vmem>>, %arg5: memref<64x64xf32, #tpu.memory_space<vmem>>, %arg6: memref<1x64xf32, #tpu.memory_space<vmem>>, %arg7: memref<1x64xf32, #tpu.memory_space<vmem>>, %arg8: memref<1x1xf32, #tpu.memory_space<vmem>>, %arg9: memref<3200x128xf32, #tpu.memory_space<vmem>>) attributes {dimension_semantics = [#tpu.dimension_semantics<arbitrary>], iteration_bounds = array<i64: 32>, scalar_prefetch = 0 : i64, scratch_operands = 0 : i64, tpu.core_type = #tpu.core_type<tc>, window_params = [{transform_indices = @transform_0, window_bounds = array<i64: 3200, 128>}, {pipeline_mode = #tpu.pipeline_mode<synchronous>, transform_indices = @transform_1, window_bounds = array<i64: 1, 64>}, {pipeline_mode = #tpu.pipeline_mode<synchronous>, transform_indices = @transform_2, window_bounds = array<i64: 64, 64>}, {pipeline_mode = #tpu.pipeline_mode<synchronous>, transform_indices = @transform_3, window_bounds = array<i64: 1, 64>}, {pipeline_mode = #tpu.pipeline_mode<synchronous>, transform_indices = @transform_4, window_bounds = array<i64: 64, 64>}, {pipeline_mode = #tpu.pipeline_mode<synchronous>, transform_indices = @transform_5, window_bounds = array<i64: 1, 64>}, {pipeline_mode = #tpu.pipeline_mode<synchronous>, transform_indices = @transform_6, window_bounds = array<i64: 1, 64>}, {pipeline_mode = #tpu.pipeline_mode<synchronous>, transform_indices = @transform_7, window_bounds = array<i64: 1, 1>}, {transform_indices = @transform_8, window_bounds = array<i64: 3200, 128>}]} {
    %get3A = arith.constant 0 : index
    %get3A_0 = arith.constant 0 : index
    %get3A_1 = vector.load %arg1[%get3A, %get3A_0] : memref<3200x128xf32, #tpu.memory_space<vmem>>, vector<3200x64xf32>
    %get3A_2 = arith.constant 0 : index
    %get3A_3 = arith.constant 64 : index
    %get3A_4 = vector.load %arg1[%get3A_2, %get3A_3] : memref<3200x128xf32, #tpu.memory_space<vmem>>, vector<3200x64xf32>
    %mul3A = arith.mulf %get3A_4, %get3A_4 : vector<3200x64xf32>
    %reduce_sum3A = arith.constant dense<0.000000e+00> : vector<3200xf32>
    %reduce_sum3A_5 = vector.multi_reduction <add>, %mul3A, %reduce_sum3A [1] : vector<3200x64xf32> to vector<3200xf32>
    %broadcast_in_dim3A = vector.shape_cast %reduce_sum3A_5 : vector<3200xf32> to vector<3200x1xf32>
    %get3A_6 = arith.constant 0 : index
    %get3A_7 = arith.constant 0 : index
    %get3A_8 = vector.load %arg2[%get3A_6, %get3A_7] : memref<1x64xf32, #tpu.memory_space<vmem>>, vector<1x64xf32>
    %mul3A_9 = vector.broadcast %broadcast_in_dim3A : vector<3200x1xf32> to vector<3200x64xf32>
    %mul3A_10 = vector.broadcast %get3A_8 : vector<1x64xf32> to vector<3200x64xf32>
    %mul3A_11 = arith.mulf %mul3A_9, %mul3A_10 : vector<3200x64xf32>
    %add3A = arith.addf %get3A_1, %mul3A_11 : vector<3200x64xf32>
    %logistic3A = arith.negf %add3A : vector<3200x64xf32>
    %logistic3A_12 = math.exp %logistic3A : vector<3200x64xf32>
    %logistic3A_13 = arith.constant 1.000000e+00 : f32
    %logistic3A_14 = vector.broadcast %logistic3A_13 : f32 to vector<3200x64xf32>
    %logistic3A_15 = arith.addf %logistic3A_14, %logistic3A_12 : vector<3200x64xf32>
    %logistic3A_16 = arith.divf %logistic3A_14, %logistic3A_15 : vector<3200x64xf32>
    %mul3A_17 = arith.mulf %add3A, %logistic3A_16 : vector<3200x64xf32>
    %get3A_18 = arith.constant 0 : index
    %get3A_19 = arith.constant 0 : index
    %get3A_20 = vector.load %arg3[%get3A_18, %get3A_19] : memref<64x64xf32, #tpu.memory_space<vmem>>, vector<64x64xf32>
    %dot_general3A = arith.constant dense<0.000000e+00> : vector<3200x64xf32>
    %dot_general3A_21 = tpu.matmul %mul3A_17, %get3A_20, %dot_general3A {dimension_numbers = #tpu.dot_dimension_numbers<[1], [0], [0], [1], [0, 0, 1, 1], [], []>, transpose_lhs_hint = false} : vector<3200x64xf32>, vector<64x64xf32>, vector<3200x64xf32> -> vector<3200x64xf32>
    %get3A_22 = arith.constant 0 : index
    %get3A_23 = arith.constant 0 : index
    %get3A_24 = vector.load %arg4[%get3A_22, %get3A_23] : memref<1x64xf32, #tpu.memory_space<vmem>>, vector<1x64xf32>
    %add3A_25 = vector.broadcast %get3A_24 : vector<1x64xf32> to vector<3200x64xf32>
    %add3A_26 = arith.addf %dot_general3A_21, %add3A_25 : vector<3200x64xf32>
    %logistic3A_27 = arith.negf %add3A_26 : vector<3200x64xf32>
    %logistic3A_28 = math.exp %logistic3A_27 : vector<3200x64xf32>
    %logistic3A_29 = arith.constant 1.000000e+00 : f32
    %logistic3A_30 = vector.broadcast %logistic3A_29 : f32 to vector<3200x64xf32>
    %logistic3A_31 = arith.addf %logistic3A_30, %logistic3A_28 : vector<3200x64xf32>
    %logistic3A_32 = arith.divf %logistic3A_30, %logistic3A_31 : vector<3200x64xf32>
    %mul3A_33 = arith.mulf %add3A_26, %logistic3A_32 : vector<3200x64xf32>
    %get3A_34 = arith.constant 0 : index
    %get3A_35 = arith.constant 0 : index
    %get3A_36 = vector.load %arg5[%get3A_34, %get3A_35] : memref<64x64xf32, #tpu.memory_space<vmem>>, vector<64x64xf32>
    %dot_general3A_37 = arith.constant dense<0.000000e+00> : vector<3200x64xf32>
    %dot_general3A_38 = tpu.matmul %mul3A_33, %get3A_36, %dot_general3A_37 {dimension_numbers = #tpu.dot_dimension_numbers<[1], [0], [0], [1], [0, 0, 1, 1], [], []>, transpose_lhs_hint = false} : vector<3200x64xf32>, vector<64x64xf32>, vector<3200x64xf32> -> vector<3200x64xf32>
    %get3A_39 = arith.constant 0 : index
    %get3A_40 = arith.constant 0 : index
    %get3A_41 = vector.load %arg6[%get3A_39, %get3A_40] : memref<1x64xf32, #tpu.memory_space<vmem>>, vector<1x64xf32>
    %add3A_42 = vector.broadcast %get3A_41 : vector<1x64xf32> to vector<3200x64xf32>
    %add3A_43 = arith.addf %dot_general3A_38, %add3A_42 : vector<3200x64xf32>
    %logistic3A_44 = arith.negf %add3A_43 : vector<3200x64xf32>
    %logistic3A_45 = math.exp %logistic3A_44 : vector<3200x64xf32>
    %logistic3A_46 = arith.constant 1.000000e+00 : f32
    %logistic3A_47 = vector.broadcast %logistic3A_46 : f32 to vector<3200x64xf32>
    %logistic3A_48 = arith.addf %logistic3A_47, %logistic3A_45 : vector<3200x64xf32>
    %logistic3A_49 = arith.divf %logistic3A_47, %logistic3A_48 : vector<3200x64xf32>
    %mul3A_50 = arith.mulf %add3A_43, %logistic3A_49 : vector<3200x64xf32>
    %get3A_51 = arith.constant 0 : index
    %get3A_52 = arith.constant 0 : index
    %get3A_53 = vector.load %arg7[%get3A_51, %get3A_52] : memref<1x64xf32, #tpu.memory_space<vmem>>, vector<1x64xf32>
    %mul3A_54 = vector.broadcast %get3A_53 : vector<1x64xf32> to vector<3200x64xf32>
    %mul3A_55 = arith.mulf %mul3A_50, %mul3A_54 : vector<3200x64xf32>
    %reduce_sum3A_56 = arith.constant dense<0.000000e+00> : vector<3200xf32>
    %reduce_sum3A_57 = vector.multi_reduction <add>, %mul3A_55, %reduce_sum3A_56 [1] : vector<3200x64xf32> to vector<3200xf32>
    %broadcast_in_dim3A_58 = vector.shape_cast %reduce_sum3A_57 : vector<3200xf32> to vector<3200x1xf32>
    %get3A_59 = arith.constant 0 : index
    %get3A_60 = arith.constant 0 : index
    %get3A_61 = vector.load %arg8[%get3A_59, %get3A_60] : memref<1x1xf32, #tpu.memory_space<vmem>>, vector<1x1xf32>
    %add3A_62 = vector.broadcast %get3A_61 : vector<1x1xf32> to vector<3200x1xf32>
    %add3A_63 = arith.addf %broadcast_in_dim3A_58, %add3A_62 : vector<3200x1xf32>
    %swap3A = arith.constant 0 : index
    %swap3A_64 = arith.constant 0 : index
    %swap3A_65 = vector.load %arg9[%swap3A, %swap3A_64] : memref<3200x128xf32, #tpu.memory_space<vmem>>, vector<3200x64xf32>
    tpu.vector_store %arg9[%swap3A, %swap3A_64], %mul3A_33 {strides = array<i32>} : memref<3200x128xf32, #tpu.memory_space<vmem>>, vector<3200x64xf32>,
    %mul3A_66 = vector.broadcast %add3A_63 : vector<3200x1xf32> to vector<3200x64xf32>
    %mul3A_67 = arith.mulf %mul3A_66, %get3A_4 : vector<3200x64xf32>
    %swap3A_68 = arith.constant 0 : index
    %swap3A_69 = arith.constant 64 : index
    %swap3A_70 = vector.load %arg9[%swap3A_68, %swap3A_69] : memref<3200x128xf32, #tpu.memory_space<vmem>>, vector<3200x64xf32>
    tpu.vector_store %arg9[%swap3A_68, %swap3A_69], %mul3A_67 {strides = array<i32>} : memref<3200x128xf32, #tpu.memory_space<vmem>>, vector<3200x64xf32>,
    return
  }
  func.func @transform_0(%arg0: i32) -> (i32, i32) {
    %c0_i32 = arith.constant 0 : i32
    %c0_i32_0 = arith.constant 0 : i32
    return %arg0, %c0_i32 : i32, i32
  }
  func.func @transform_1(%arg0: i32) -> (i32, i32) {
    %c0_i32 = arith.constant 0 : i32
    %c0_i32_0 = arith.constant 0 : i32
    %c0_i32_1 = arith.constant 0 : i32
    return %c0_i32, %c0_i32_0 : i32, i32
  }
  func.func @transform_2(%arg0: i32) -> (i32, i32) {
    %c0_i32 = arith.constant 0 : i32
    %c0_i32_0 = arith.constant 0 : i32
    %c0_i32_1 = arith.constant 0 : i32
    return %c0_i32, %c0_i32_0 : i32, i32
  }
  func.func @transform_3(%arg0: i32) -> (i32, i32) {
    %c0_i32 = arith.constant 0 : i32
    %c0_i32_0 = arith.constant 0 : i32
    %c0_i32_1 = arith.constant 0 : i32
    return %c0_i32, %c0_i32_0 : i32, i32
  }
  func.func @transform_4(%arg0: i32) -> (i32, i32) {
    %c0_i32 = arith.constant 0 : i32
    %c0_i32_0 = arith.constant 0 : i32
    %c0_i32_1 = arith.constant 0 : i32
    return %c0_i32, %c0_i32_0 : i32, i32
  }
  func.func @transform_5(%arg0: i32) -> (i32, i32) {
    %c0_i32 = arith.constant 0 : i32
    %c0_i32_0 = arith.constant 0 : i32
    %c0_i32_1 = arith.constant 0 : i32
    return %c0_i32, %c0_i32_0 : i32, i32
  }
  func.func @transform_6(%arg0: i32) -> (i32, i32) {
    %c0_i32 = arith.constant 0 : i32
    %c0_i32_0 = arith.constant 0 : i32
    %c0_i32_1 = arith.constant 0 : i32
    return %c0_i32, %c0_i32_0 : i32, i32
  }
  func.func @transform_7(%arg0: i32) -> (i32, i32) {
    %c0_i32 = arith.constant 0 : i32
    %c0_i32_0 = arith.constant 0 : i32
    %c0_i32_1 = arith.constant 0 : i32
    return %c0_i32, %c0_i32_0 : i32, i32
  }
  func.func @transform_8(%arg0: i32) -> (i32, i32) {
    %c0_i32 = arith.constant 0 : i32
    %c0_i32_0 = arith.constant 0 : i32
    return %arg0, %c0_i32 : i32, i32
  }
}

module attributes {stable_mosaic.version = 14 : i64} {
  func.func @_edge_body(%arg0: i32, %arg1: memref<3200x128xf32, #tpu.memory_space<vmem>>, %arg2: memref<1x64xf32, #tpu.memory_space<vmem>>, %arg3: memref<64x64xf32, #tpu.memory_space<vmem>>, %arg4: memref<1x64xf32, #tpu.memory_space<vmem>>, %arg5: memref<64x64xf32, #tpu.memory_space<vmem>>, %arg6: memref<1x64xf32, #tpu.memory_space<vmem>>, %arg7: memref<1x64xf32, #tpu.memory_space<vmem>>, %arg8: memref<1x1xf32, #tpu.memory_space<vmem>>, %arg9: memref<3200x128xf32, #tpu.memory_space<vmem>>) attributes {dimension_semantics = [#tpu.dimension_semantics<arbitrary>], iteration_bounds = array<i64: 36>, scalar_prefetch = 0 : i64, scratch_operands = 0 : i64, tpu.core_type = #tpu.core_type<tc>, window_params = [{transform_indices = @transform_0, window_bounds = array<i64: 3200, 128>}, {pipeline_mode = #tpu.pipeline_mode<synchronous>, transform_indices = @transform_1, window_bounds = array<i64: 1, 64>}, {pipeline_mode = #tpu.pipeline_mode<synchronous>, transform_indices = @transform_2, window_bounds = array<i64: 64, 64>}, {pipeline_mode = #tpu.pipeline_mode<synchronous>, transform_indices = @transform_3, window_bounds = array<i64: 1, 64>}, {pipeline_mode = #tpu.pipeline_mode<synchronous>, transform_indices = @transform_4, window_bounds = array<i64: 64, 64>}, {pipeline_mode = #tpu.pipeline_mode<synchronous>, transform_indices = @transform_5, window_bounds = array<i64: 1, 64>}, {pipeline_mode = #tpu.pipeline_mode<synchronous>, transform_indices = @transform_6, window_bounds = array<i64: 1, 64>}, {pipeline_mode = #tpu.pipeline_mode<synchronous>, transform_indices = @transform_7, window_bounds = array<i64: 1, 1>}, {transform_indices = @transform_8, window_bounds = array<i64: 3200, 128>}]} {
    %get3A = arith.constant 0 : index
    %get3A_0 = arith.constant 0 : index
    %get3A_1 = vector.load %arg1[%get3A, %get3A_0] : memref<3200x128xf32, #tpu.memory_space<vmem>>, vector<3200x64xf32>
    %get3A_2 = arith.constant 0 : index
    %get3A_3 = arith.constant 64 : index
    %get3A_4 = vector.load %arg1[%get3A_2, %get3A_3] : memref<3200x128xf32, #tpu.memory_space<vmem>>, vector<3200x64xf32>
    %mul3A = arith.mulf %get3A_4, %get3A_4 : vector<3200x64xf32>
    %reduce_sum3A = arith.constant dense<0.000000e+00> : vector<3200xf32>
    %reduce_sum3A_5 = vector.multi_reduction <add>, %mul3A, %reduce_sum3A [1] : vector<3200x64xf32> to vector<3200xf32>
    %broadcast_in_dim3A = vector.shape_cast %reduce_sum3A_5 : vector<3200xf32> to vector<3200x1xf32>
    %get3A_6 = arith.constant 0 : index
    %get3A_7 = arith.constant 0 : index
    %get3A_8 = vector.load %arg2[%get3A_6, %get3A_7] : memref<1x64xf32, #tpu.memory_space<vmem>>, vector<1x64xf32>
    %mul3A_9 = vector.broadcast %broadcast_in_dim3A : vector<3200x1xf32> to vector<3200x64xf32>
    %mul3A_10 = vector.broadcast %get3A_8 : vector<1x64xf32> to vector<3200x64xf32>
    %mul3A_11 = arith.mulf %mul3A_9, %mul3A_10 : vector<3200x64xf32>
    %add3A = arith.addf %get3A_1, %mul3A_11 : vector<3200x64xf32>
    %logistic3A = arith.negf %add3A : vector<3200x64xf32>
    %logistic3A_12 = math.exp %logistic3A : vector<3200x64xf32>
    %logistic3A_13 = arith.constant 1.000000e+00 : f32
    %logistic3A_14 = vector.broadcast %logistic3A_13 : f32 to vector<3200x64xf32>
    %logistic3A_15 = arith.addf %logistic3A_14, %logistic3A_12 : vector<3200x64xf32>
    %logistic3A_16 = arith.divf %logistic3A_14, %logistic3A_15 : vector<3200x64xf32>
    %mul3A_17 = arith.mulf %add3A, %logistic3A_16 : vector<3200x64xf32>
    %get3A_18 = arith.constant 0 : index
    %get3A_19 = arith.constant 0 : index
    %get3A_20 = vector.load %arg3[%get3A_18, %get3A_19] : memref<64x64xf32, #tpu.memory_space<vmem>>, vector<64x64xf32>
    %dot_general3A = arith.constant dense<0.000000e+00> : vector<3200x64xf32>
    %dot_general3A_21 = tpu.matmul %mul3A_17, %get3A_20, %dot_general3A {dimension_numbers = #tpu.dot_dimension_numbers<[1], [0], [0], [1], [0, 0, 1, 1], [], []>, transpose_lhs_hint = false} : vector<3200x64xf32>, vector<64x64xf32>, vector<3200x64xf32> -> vector<3200x64xf32>
    %get3A_22 = arith.constant 0 : index
    %get3A_23 = arith.constant 0 : index
    %get3A_24 = vector.load %arg4[%get3A_22, %get3A_23] : memref<1x64xf32, #tpu.memory_space<vmem>>, vector<1x64xf32>
    %add3A_25 = vector.broadcast %get3A_24 : vector<1x64xf32> to vector<3200x64xf32>
    %add3A_26 = arith.addf %dot_general3A_21, %add3A_25 : vector<3200x64xf32>
    %logistic3A_27 = arith.negf %add3A_26 : vector<3200x64xf32>
    %logistic3A_28 = math.exp %logistic3A_27 : vector<3200x64xf32>
    %logistic3A_29 = arith.constant 1.000000e+00 : f32
    %logistic3A_30 = vector.broadcast %logistic3A_29 : f32 to vector<3200x64xf32>
    %logistic3A_31 = arith.addf %logistic3A_30, %logistic3A_28 : vector<3200x64xf32>
    %logistic3A_32 = arith.divf %logistic3A_30, %logistic3A_31 : vector<3200x64xf32>
    %mul3A_33 = arith.mulf %add3A_26, %logistic3A_32 : vector<3200x64xf32>
    %get3A_34 = arith.constant 0 : index
    %get3A_35 = arith.constant 0 : index
    %get3A_36 = vector.load %arg5[%get3A_34, %get3A_35] : memref<64x64xf32, #tpu.memory_space<vmem>>, vector<64x64xf32>
    %dot_general3A_37 = arith.constant dense<0.000000e+00> : vector<3200x64xf32>
    %dot_general3A_38 = tpu.matmul %mul3A_33, %get3A_36, %dot_general3A_37 {dimension_numbers = #tpu.dot_dimension_numbers<[1], [0], [0], [1], [0, 0, 1, 1], [], []>, transpose_lhs_hint = false} : vector<3200x64xf32>, vector<64x64xf32>, vector<3200x64xf32> -> vector<3200x64xf32>
    %get3A_39 = arith.constant 0 : index
    %get3A_40 = arith.constant 0 : index
    %get3A_41 = vector.load %arg6[%get3A_39, %get3A_40] : memref<1x64xf32, #tpu.memory_space<vmem>>, vector<1x64xf32>
    %add3A_42 = vector.broadcast %get3A_41 : vector<1x64xf32> to vector<3200x64xf32>
    %add3A_43 = arith.addf %dot_general3A_38, %add3A_42 : vector<3200x64xf32>
    %logistic3A_44 = arith.negf %add3A_43 : vector<3200x64xf32>
    %logistic3A_45 = math.exp %logistic3A_44 : vector<3200x64xf32>
    %logistic3A_46 = arith.constant 1.000000e+00 : f32
    %logistic3A_47 = vector.broadcast %logistic3A_46 : f32 to vector<3200x64xf32>
    %logistic3A_48 = arith.addf %logistic3A_47, %logistic3A_45 : vector<3200x64xf32>
    %logistic3A_49 = arith.divf %logistic3A_47, %logistic3A_48 : vector<3200x64xf32>
    %mul3A_50 = arith.mulf %add3A_43, %logistic3A_49 : vector<3200x64xf32>
    %get3A_51 = arith.constant 0 : index
    %get3A_52 = arith.constant 0 : index
    %get3A_53 = vector.load %arg7[%get3A_51, %get3A_52] : memref<1x64xf32, #tpu.memory_space<vmem>>, vector<1x64xf32>
    %mul3A_54 = vector.broadcast %get3A_53 : vector<1x64xf32> to vector<3200x64xf32>
    %mul3A_55 = arith.mulf %mul3A_50, %mul3A_54 : vector<3200x64xf32>
    %reduce_sum3A_56 = arith.constant dense<0.000000e+00> : vector<3200xf32>
    %reduce_sum3A_57 = vector.multi_reduction <add>, %mul3A_55, %reduce_sum3A_56 [1] : vector<3200x64xf32> to vector<3200xf32>
    %broadcast_in_dim3A_58 = vector.shape_cast %reduce_sum3A_57 : vector<3200xf32> to vector<3200x1xf32>
    %get3A_59 = arith.constant 0 : index
    %get3A_60 = arith.constant 0 : index
    %get3A_61 = vector.load %arg8[%get3A_59, %get3A_60] : memref<1x1xf32, #tpu.memory_space<vmem>>, vector<1x1xf32>
    %add3A_62 = vector.broadcast %get3A_61 : vector<1x1xf32> to vector<3200x1xf32>
    %add3A_63 = arith.addf %broadcast_in_dim3A_58, %add3A_62 : vector<3200x1xf32>
    %swap3A = arith.constant 0 : index
    %swap3A_64 = arith.constant 0 : index
    %swap3A_65 = vector.load %arg9[%swap3A, %swap3A_64] : memref<3200x128xf32, #tpu.memory_space<vmem>>, vector<3200x64xf32>
    tpu.vector_store %arg9[%swap3A, %swap3A_64], %mul3A_33 {strides = array<i32>} : memref<3200x128xf32, #tpu.memory_space<vmem>>, vector<3200x64xf32>,
    %mul3A_66 = vector.broadcast %add3A_63 : vector<3200x1xf32> to vector<3200x64xf32>
    %mul3A_67 = arith.mulf %mul3A_66, %get3A_4 : vector<3200x64xf32>
    %swap3A_68 = arith.constant 0 : index
    %swap3A_69 = arith.constant 64 : index
    %swap3A_70 = vector.load %arg9[%swap3A_68, %swap3A_69] : memref<3200x128xf32, #tpu.memory_space<vmem>>, vector<3200x64xf32>
    tpu.vector_store %arg9[%swap3A_68, %swap3A_69], %mul3A_67 {strides = array<i32>} : memref<3200x128xf32, #tpu.memory_space<vmem>>, vector<3200x64xf32>,
    return
  }
  func.func @transform_0(%arg0: i32) -> (i32, i32) {
    %c0_i32 = arith.constant 0 : i32
    %c0_i32_0 = arith.constant 0 : i32
    return %arg0, %c0_i32 : i32, i32
  }
  func.func @transform_1(%arg0: i32) -> (i32, i32) {
    %c0_i32 = arith.constant 0 : i32
    %c0_i32_0 = arith.constant 0 : i32
    %c0_i32_1 = arith.constant 0 : i32
    return %c0_i32, %c0_i32_0 : i32, i32
  }
  func.func @transform_2(%arg0: i32) -> (i32, i32) {
    %c0_i32 = arith.constant 0 : i32
    %c0_i32_0 = arith.constant 0 : i32
    %c0_i32_1 = arith.constant 0 : i32
    return %c0_i32, %c0_i32_0 : i32, i32
  }
  func.func @transform_3(%arg0: i32) -> (i32, i32) {
    %c0_i32 = arith.constant 0 : i32
    %c0_i32_0 = arith.constant 0 : i32
    %c0_i32_1 = arith.constant 0 : i32
    return %c0_i32, %c0_i32_0 : i32, i32
  }
  func.func @transform_4(%arg0: i32) -> (i32, i32) {
    %c0_i32 = arith.constant 0 : i32
    %c0_i32_0 = arith.constant 0 : i32
    %c0_i32_1 = arith.constant 0 : i32
    return %c0_i32, %c0_i32_0 : i32, i32
  }
  func.func @transform_5(%arg0: i32) -> (i32, i32) {
    %c0_i32 = arith.constant 0 : i32
    %c0_i32_0 = arith.constant 0 : i32
    %c0_i32_1 = arith.constant 0 : i32
    return %c0_i32, %c0_i32_0 : i32, i32
  }
  func.func @transform_6(%arg0: i32) -> (i32, i32) {
    %c0_i32 = arith.constant 0 : i32
    %c0_i32_0 = arith.constant 0 : i32
    %c0_i32_1 = arith.constant 0 : i32
    return %c0_i32, %c0_i32_0 : i32, i32
  }
  func.func @transform_7(%arg0: i32) -> (i32, i32) {
    %c0_i32 = arith.constant 0 : i32
    %c0_i32_0 = arith.constant 0 : i32
    %c0_i32_1 = arith.constant 0 : i32
    return %c0_i32, %c0_i32_0 : i32, i32
  }
  func.func @transform_8(%arg0: i32) -> (i32, i32) {
    %c0_i32 = arith.constant 0 : i32
    %c0_i32_0 = arith.constant 0 : i32
    return %arg0, %c0_i32 : i32, i32
  }
}

module attributes {stable_mosaic.version = 14 : i64} {
  func.func @_final_body(%arg0: i32, %arg1: memref<2000x128xf32, #tpu.memory_space<vmem>>, %arg2: memref<2000x64xf32, #tpu.memory_space<vmem>>, %arg3: memref<2x2000x128xf32, #tpu.memory_space<vmem>>, %arg4: memref<2x2000x128xf32, #tpu.memory_space<vmem>>, %arg5: memref<2x2000x128xf32, #tpu.memory_space<vmem>>, %arg6: memref<128x128xf32, #tpu.memory_space<vmem>>, %arg7: memref<64x128xf32, #tpu.memory_space<vmem>>, %arg8: memref<1x128xf32, #tpu.memory_space<vmem>>, %arg9: memref<2000x128xf32, #tpu.memory_space<vmem>>, %arg10: memref<2000x64xf32, #tpu.memory_space<vmem>>) attributes {dimension_semantics = [#tpu.dimension_semantics<arbitrary>], iteration_bounds = array<i64: 5>, scalar_prefetch = 0 : i64, scratch_operands = 0 : i64, tpu.core_type = #tpu.core_type<tc>, window_params = [{transform_indices = @transform_0, window_bounds = array<i64: 2000, 128>}, {transform_indices = @transform_1, window_bounds = array<i64: 2000, 64>}, {transform_indices = @transform_2, window_bounds = array<i64: 2, 2000, 128>}, {transform_indices = @transform_3, window_bounds = array<i64: 2, 2000, 128>}, {transform_indices = @transform_4, window_bounds = array<i64: 2, 2000, 128>}, {pipeline_mode = #tpu.pipeline_mode<synchronous>, transform_indices = @transform_5, window_bounds = array<i64: 128, 128>}, {pipeline_mode = #tpu.pipeline_mode<synchronous>, transform_indices = @transform_6, window_bounds = array<i64: 64, 128>}, {pipeline_mode = #tpu.pipeline_mode<synchronous>, transform_indices = @transform_7, window_bounds = array<i64: 1, 128>}, {transform_indices = @transform_8, window_bounds = array<i64: 2000, 128>}, {transform_indices = @transform_9, window_bounds = array<i64: 2000, 64>}]} {
    %get3A = arith.constant 0 : index
    %get3A_0 = arith.constant 0 : index
    %get3A_1 = vector.load %arg1[%get3A, %get3A_0] : memref<2000x128xf32, #tpu.memory_space<vmem>>, vector<2000x128xf32>
    %get3A_2 = arith.constant 0 : index
    %get3A_3 = arith.constant 0 : index
    %get3A_4 = arith.constant 0 : index
    %get3A_5 = vector.load %arg3[%get3A_2, %get3A_3, %get3A_4] : memref<2x2000x128xf32, #tpu.memory_space<vmem>>, vector<1x2000x64xf32>
    %get3A_6 = vector.shape_cast %get3A_5 : vector<1x2000x64xf32> to vector<2000x64xf32>
    %get3A_7 = arith.constant 1 : index
    %get3A_8 = arith.constant 0 : index
    %get3A_9 = arith.constant 0 : index
    %get3A_10 = vector.load %arg3[%get3A_7, %get3A_8, %get3A_9] : memref<2x2000x128xf32, #tpu.memory_space<vmem>>, vector<1x2000x64xf32>
    %get3A_11 = vector.shape_cast %get3A_10 : vector<1x2000x64xf32> to vector<2000x64xf32>
    %add3A = arith.addf %get3A_6, %get3A_11 : vector<2000x64xf32>
    %get3A_12 = arith.constant 0 : index
    %get3A_13 = arith.constant 0 : index
    %get3A_14 = arith.constant 64 : index
    %get3A_15 = vector.load %arg3[%get3A_12, %get3A_13, %get3A_14] : memref<2x2000x128xf32, #tpu.memory_space<vmem>>, vector<1x2000x64xf32>
    %get3A_16 = vector.shape_cast %get3A_15 : vector<1x2000x64xf32> to vector<2000x64xf32>
    %get3A_17 = arith.constant 1 : index
    %get3A_18 = arith.constant 0 : index
    %get3A_19 = arith.constant 64 : index
    %get3A_20 = vector.load %arg3[%get3A_17, %get3A_18, %get3A_19] : memref<2x2000x128xf32, #tpu.memory_space<vmem>>, vector<1x2000x64xf32>
    %get3A_21 = vector.shape_cast %get3A_20 : vector<1x2000x64xf32> to vector<2000x64xf32>
    %add3A_22 = arith.addf %get3A_16, %get3A_21 : vector<2000x64xf32>
    %get3A_23 = arith.constant 0 : index
    %get3A_24 = arith.constant 0 : index
    %get3A_25 = arith.constant 0 : index
    %get3A_26 = vector.load %arg4[%get3A_23, %get3A_24, %get3A_25] : memref<2x2000x128xf32, #tpu.memory_space<vmem>>, vector<1x2000x64xf32>
    %get3A_27 = vector.shape_cast %get3A_26 : vector<1x2000x64xf32> to vector<2000x64xf32>
    %add3A_28 = arith.addf %add3A, %get3A_27 : vector<2000x64xf32>
    %get3A_29 = arith.constant 1 : index
    %get3A_30 = arith.constant 0 : index
    %get3A_31 = arith.constant 0 : index
    %get3A_32 = vector.load %arg4[%get3A_29, %get3A_30, %get3A_31] : memref<2x2000x128xf32, #tpu.memory_space<vmem>>, vector<1x2000x64xf32>
    %get3A_33 = vector.shape_cast %get3A_32 : vector<1x2000x64xf32> to vector<2000x64xf32>
    %add3A_34 = arith.addf %add3A_28, %get3A_33 : vector<2000x64xf32>
    %get3A_35 = arith.constant 0 : index
    %get3A_36 = arith.constant 0 : index
    %get3A_37 = arith.constant 64 : index
    %get3A_38 = vector.load %arg4[%get3A_35, %get3A_36, %get3A_37] : memref<2x2000x128xf32, #tpu.memory_space<vmem>>, vector<1x2000x64xf32>
    %get3A_39 = vector.shape_cast %get3A_38 : vector<1x2000x64xf32> to vector<2000x64xf32>
    %add3A_40 = arith.addf %add3A_22, %get3A_39 : vector<2000x64xf32>
    %get3A_41 = arith.constant 1 : index
    %get3A_42 = arith.constant 0 : index
    %get3A_43 = arith.constant 64 : index
    %get3A_44 = vector.load %arg4[%get3A_41, %get3A_42, %get3A_43] : memref<2x2000x128xf32, #tpu.memory_space<vmem>>, vector<1x2000x64xf32>
    %get3A_45 = vector.shape_cast %get3A_44 : vector<1x2000x64xf32> to vector<2000x64xf32>
    %add3A_46 = arith.addf %add3A_40, %get3A_45 : vector<2000x64xf32>
    %get3A_47 = arith.constant 0 : index
    %get3A_48 = arith.constant 0 : index
    %get3A_49 = arith.constant 0 : index
    %get3A_50 = vector.load %arg5[%get3A_47, %get3A_48, %get3A_49] : memref<2x2000x128xf32, #tpu.memory_space<vmem>>, vector<1x2000x64xf32>
    %get3A_51 = vector.shape_cast %get3A_50 : vector<1x2000x64xf32> to vector<2000x64xf32>
    %add3A_52 = arith.addf %add3A_34, %get3A_51 : vector<2000x64xf32>
    %get3A_53 = arith.constant 1 : index
    %get3A_54 = arith.constant 0 : index
    %get3A_55 = arith.constant 0 : index
    %get3A_56 = vector.load %arg5[%get3A_53, %get3A_54, %get3A_55] : memref<2x2000x128xf32, #tpu.memory_space<vmem>>, vector<1x2000x64xf32>
    %get3A_57 = vector.shape_cast %get3A_56 : vector<1x2000x64xf32> to vector<2000x64xf32>
    %add3A_58 = arith.addf %add3A_52, %get3A_57 : vector<2000x64xf32>
    %get3A_59 = arith.constant 0 : index
    %get3A_60 = arith.constant 0 : index
    %get3A_61 = arith.constant 64 : index
    %get3A_62 = vector.load %arg5[%get3A_59, %get3A_60, %get3A_61] : memref<2x2000x128xf32, #tpu.memory_space<vmem>>, vector<1x2000x64xf32>
    %get3A_63 = vector.shape_cast %get3A_62 : vector<1x2000x64xf32> to vector<2000x64xf32>
    %add3A_64 = arith.addf %add3A_46, %get3A_63 : vector<2000x64xf32>
    %get3A_65 = arith.constant 1 : index
    %get3A_66 = arith.constant 0 : index
    %get3A_67 = arith.constant 64 : index
    %get3A_68 = vector.load %arg5[%get3A_65, %get3A_66, %get3A_67] : memref<2x2000x128xf32, #tpu.memory_space<vmem>>, vector<1x2000x64xf32>
    %get3A_69 = vector.shape_cast %get3A_68 : vector<1x2000x64xf32> to vector<2000x64xf32>
    %add3A_70 = arith.addf %add3A_64, %get3A_69 : vector<2000x64xf32>
    %get3A_71 = arith.constant 0 : index
    %get3A_72 = arith.constant 0 : index
    %get3A_73 = vector.load %arg6[%get3A_71, %get3A_72] : memref<128x128xf32, #tpu.memory_space<vmem>>, vector<128x128xf32>
    %dot_general3A = arith.constant dense<0.000000e+00> : vector<2000x128xf32>
    %dot_general3A_74 = tpu.matmul %get3A_1, %get3A_73, %dot_general3A {dimension_numbers = #tpu.dot_dimension_numbers<[1], [0], [0], [1], [0, 0, 1, 1], [], []>, transpose_lhs_hint = false} : vector<2000x128xf32>, vector<128x128xf32>, vector<2000x128xf32> -> vector<2000x128xf32>
    %get3A_75 = arith.constant 0 : index
    %get3A_76 = arith.constant 0 : index
    %get3A_77 = vector.load %arg7[%get3A_75, %get3A_76] : memref<64x128xf32, #tpu.memory_space<vmem>>, vector<64x128xf32>
    %dot_general3A_78 = arith.constant dense<0.000000e+00> : vector<2000x128xf32>
    %dot_general3A_79 = tpu.matmul %add3A_58, %get3A_77, %dot_general3A_78 {dimension_numbers = #tpu.dot_dimension_numbers<[1], [0], [0], [1], [0, 0, 1, 1], [], []>, transpose_lhs_hint = false} : vector<2000x64xf32>, vector<64x128xf32>, vector<2000x128xf32> -> vector<2000x128xf32>
    %add3A_80 = arith.addf %dot_general3A_74, %dot_general3A_79 : vector<2000x128xf32>
    %get3A_81 = arith.constant 0 : index
    %get3A_82 = arith.constant 0 : index
    %get3A_83 = vector.load %arg8[%get3A_81, %get3A_82] : memref<1x128xf32, #tpu.memory_space<vmem>>, vector<1x128xf32>
    %add3A_84 = vector.broadcast %get3A_83 : vector<1x128xf32> to vector<2000x128xf32>
    %add3A_85 = arith.addf %add3A_80, %add3A_84 : vector<2000x128xf32>
    %logistic3A = arith.negf %add3A_85 : vector<2000x128xf32>
    %logistic3A_86 = math.exp %logistic3A : vector<2000x128xf32>
    %logistic3A_87 = arith.constant 1.000000e+00 : f32
    %logistic3A_88 = vector.broadcast %logistic3A_87 : f32 to vector<2000x128xf32>
    %logistic3A_89 = arith.addf %logistic3A_88, %logistic3A_86 : vector<2000x128xf32>
    %logistic3A_90 = arith.divf %logistic3A_88, %logistic3A_89 : vector<2000x128xf32>
    %mul3A = arith.mulf %add3A_85, %logistic3A_90 : vector<2000x128xf32>
    %swap3A = arith.constant 0 : index
    %swap3A_91 = arith.constant 0 : index
    %swap3A_92 = vector.load %arg9[%swap3A, %swap3A_91] : memref<2000x128xf32, #tpu.memory_space<vmem>>, vector<2000x128xf32>
    tpu.vector_store %arg9[%swap3A, %swap3A_91], %mul3A {strides = array<i32>} : memref<2000x128xf32, #tpu.memory_space<vmem>>, vector<2000x128xf32>,
    %get3A_93 = arith.constant 0 : index
    %get3A_94 = arith.constant 0 : index
    %get3A_95 = vector.load %arg2[%get3A_93, %get3A_94] : memref<2000x64xf32, #tpu.memory_space<vmem>>, vector<2000x64xf32>
    %add3A_96 = arith.addf %get3A_95, %add3A_70 : vector<2000x64xf32>
    %swap3A_97 = arith.constant 0 : index
    %swap3A_98 = arith.constant 0 : index
    %swap3A_99 = vector.load %arg10[%swap3A_97, %swap3A_98] : memref<2000x64xf32, #tpu.memory_space<vmem>>, vector<2000x64xf32>
    tpu.vector_store %arg10[%swap3A_97, %swap3A_98], %add3A_96 {strides = array<i32>} : memref<2000x64xf32, #tpu.memory_space<vmem>>, vector<2000x64xf32>,
    return
  }
  func.func @transform_0(%arg0: i32) -> (i32, i32) {
    %c0_i32 = arith.constant 0 : i32
    %c0_i32_0 = arith.constant 0 : i32
    return %arg0, %c0_i32 : i32, i32
  }
  func.func @transform_1(%arg0: i32) -> (i32, i32) {
    %c0_i32 = arith.constant 0 : i32
    %c0_i32_0 = arith.constant 0 : i32
    return %arg0, %c0_i32 : i32, i32
  }
  func.func @transform_2(%arg0: i32) -> (i32, i32, i32) {
    %c0_i32 = arith.constant 0 : i32
    %c0_i32_0 = arith.constant 0 : i32
    %c0_i32_1 = arith.constant 0 : i32
    return %c0_i32, %arg0, %c0_i32_0 : i32, i32, i32
  }
  func.func @transform_3(%arg0: i32) -> (i32, i32, i32) {
    %c0_i32 = arith.constant 0 : i32
    %c0_i32_0 = arith.constant 0 : i32
    %c0_i32_1 = arith.constant 0 : i32
    return %c0_i32, %arg0, %c0_i32_0 : i32, i32, i32
  }
  func.func @transform_4(%arg0: i32) -> (i32, i32, i32) {
    %c0_i32 = arith.constant 0 : i32
    %c0_i32_0 = arith.constant 0 : i32
    %c0_i32_1 = arith.constant 0 : i32
    return %c0_i32, %arg0, %c0_i32_0 : i32, i32, i32
  }
  func.func @transform_5(%arg0: i32) -> (i32, i32) {
    %c0_i32 = arith.constant 0 : i32
    %c0_i32_0 = arith.constant 0 : i32
    %c0_i32_1 = arith.constant 0 : i32
    return %c0_i32, %c0_i32_0 : i32, i32
  }
  func.func @transform_6(%arg0: i32) -> (i32, i32) {
    %c0_i32 = arith.constant 0 : i32
    %c0_i32_0 = arith.constant 0 : i32
    %c0_i32_1 = arith.constant 0 : i32
    return %c0_i32, %c0_i32_0 : i32, i32
  }
  func.func @transform_7(%arg0: i32) -> (i32, i32) {
    %c0_i32 = arith.constant 0 : i32
    %c0_i32_0 = arith.constant 0 : i32
    %c0_i32_1 = arith.constant 0 : i32
    return %c0_i32, %c0_i32_0 : i32, i32
  }
  func.func @transform_8(%arg0: i32) -> (i32, i32) {
    %c0_i32 = arith.constant 0 : i32
    %c0_i32_0 = arith.constant 0 : i32
    return %arg0, %c0_i32 : i32, i32
  }
  func.func @transform_9(%arg0: i32) -> (i32, i32) {
    %c0_i32 = arith.constant 0 : i32
    %c0_i32_0 = arith.constant 0 : i32
    return %arg0, %c0_i32 : i32, i32
  }
}

</mosaic_0001>

<sc_bundles>
// kernel: kernel.13.cloned.1.call-start
scs
__scs_entry_jumppad:
0x0: {  	(pc) =	sbr.rel $0x88, $3  }
0x1: {  	(tag) =	ssettag $0x0;
	lr =	simm.s32 $0x1  }
0x2: {  	[smem:$0x3F94] =	sst lr;
	_ =	strace $0xD0000000  }
0x3: {  	_ = 	snop  }
0x4: {  	_ = 	snop  }
0x5: {  	_ = 	snop  }
0x6: {  	_ = 	snop  }
0x7: {  	_ = 	snop  }
__scs_overlays_trampoline_lowered:
0x8: {  	[smem:$0x3FA3] =	sst s0  }
0x9: {  	[smem:$0x3FA4] =	sst s1  }
0xa: {  	[smem:$0x3FA5] =	sst s2  }
0xb: {  	[smem:$0x3FA6] =	sst s3  }
0xc: {  	[smem:$0x3FA7] =	sst s4  }
0xd: {  	[smem:$0x3FA8] =	sst s5  }
0xe: {  	[smem:$0x3FA9] =	sst s6  }
0xf: {  	[smem:$0x3FAA] =	sst s7  }
0x10: {  	[smem:$0x3FAB] =	sst s8  }
0x11: {  	[smem:$0x3FAC] =	sst s9;
	s0 =	simm.s32 @!p0 $0x0  }
0x12: {  	s1 =	sld [smem:$0x3F92];
	s0 =	simm.s32 @p0 $0x1  }
0x13: {  	[smem:$0x3FAD] =	sst s0;
	s0 =	simm.s32 @!p1 $0x0  }
0x14: {  	s2 =	sld [smem:$0x3F91];
	s0 =	simm.s32 @p1 $0x1  }
0x15: {  	[smem:$0x3FAE] =	sst s0;
	s0 =	simm.s32 @!p2 $0x0  }
0x16: {  	s3 =	sld [smem:$0x3FDB];
	s0 =	simm.s32 @p2 $0x1  }
0x17: {  	s4 =	simm.s32 $0x1BF5;
	[smem:$0x3FB0] =	sst s0  }
0x18: {  	s0 =	sld [smem:$0x3F93];
	_ =	swait.ge [sflag:s4], $0x0  }
0x19: {  	s7 =	sld [smem:$0x3F94]  }
0x1a: {  	s8 =	sadd.s32 $0xFFFFE003, lr  }
0x1b: {  	s9 =	sadd.s32 $0xFFFFFEF7, lr;
	s5 =	simm.s32 $0xFFFFFFFF;
	p2 =	slt.u32 s8, $0xFFFFF086  }
0x1c: {  	p1 =	slt.u32 s9, $0xF7A;
	s5 =	simm.s32 @!p2 $0x0  }
0x1d: {  	s5 =	simm.s32 @p1 $0x1;
	p0 =	seq.s32 s7, s2  }
0x1e: {  	s7 =	smul.u32 @!p0 $0xF7A, s2;
	p2 =	seq.s32 @!p0 s5, $0x0  }
0x1f: {  	s9 =	smul.u32 $0xF7A, s1;
	s8 =	simm.s32 @!p0 $0x1BF5;
	p2 =	por !p2, p0  }
0x20: {  	[sflag:s8] =	ssyncset.s32 @!p0 $0xFFFFF086;
	s6 =	sadd.s32 @!p0 s3, s7;
	s7 =	simm.s32 @!p0 $0x108  }
0x21: {  	s3 =	sadd.s32 s3, s9;
	s6 =	sadd.s32 @!p0 $0x88, s6;
	s7 =	simm.s32 @p2 $0x1082  }
0x22: {  	[simem:s7], [sflag:s8] =	dma.local @!p0 [hbm:s6], $0xF7A  }
0x23: {  	s9 =	sor.u32 $0xD0000000, s2;
	s6 =	simm.s32 $0x108;
	_ =	swait.ge @!p0 [sflag:s8], $0x0  }
0x24: {  	s3 =	sadd.s32 $0x88, s3;
	s6 =	simm.s32 @!p1 $0x1082;
	[sflag:s4] =	ssyncset.s32 $0xFFFFF086  }
0x25: {  	[simem:s6], [sflag:s4] =	dma.local [hbm:s3], $0xF7A  }
0x26: {  	[smem:$0x3F94] =	sst s1;
	(tag) =	ssettag s2;
	_ =	strace s9  }
0x27: {  	s1 =	sld [smem:$0x3FA4]  }
0x28: {  	s2 =	sld [smem:$0x3FA5]  }
0x29: {  	s4 =	sld [smem:$0x3FA7]  }
0x2a: {  	p0 =	seq.s32 s5, $0x0;
	s5 =	sld [smem:$0x3FA8]  }
0x2b: {  	s6 =	sld [smem:$0x3FA9]  }
0x2c: {  	s7 =	sld [smem:$0x3FAA]  }
0x2d: {  	s3 =	simm.s32 $0x108;
	s8 =	sld [smem:$0x3FAB]  }
0x2e: {  	s3 =	simm.s32 @!p0 $0x1082;
	s9 =	sld [smem:$0x3FAC]  }
0x2f: {  	lr =	sadd.s32 s0, s3;
	s0 =	sld [smem:$0x3FA3]  }
0x30: {  	s3 =	sld [smem:$0x3FA6]  }
0x31: {  	[smem:$0x3FAF] =	sst s10  }
0x32: {  	s10 =	sld [smem:$0x3FAD];
	_ =	sdelay $0x3  }
0x33: {  	p0 =	seq.s32 s10, $0x1;
	s10 =	sld [smem:$0x3FAF];
	_ =	sdelay $0x3  }
0x34: {  	[smem:$0x3FAF] =	sst s10  }
0x35: {  	s10 =	sld [smem:$0x3FAE];
	_ =	sdelay $0x3  }
0x36: {  	p1 =	seq.s32 s10, $0x1;
	s10 =	sld [smem:$0x3FAF];
	_ =	sdelay $0x3  }
0x37: {  	[smem:$0x3FAF] =	sst s10  }
0x38: {  	s10 =	sld [smem:$0x3FB0]  }
0x39: {  	_ = 	snop;
	(pc) =	sbr.ind lr, $3  }
0x3a: {  	_ = 	snop  }
0x3b: {  	_ = 	snop  }
0x3c: {  	p2 =	seq.s32 s10, $0x1;
	s10 =	sld [smem:$0x3FAF]  }
0x3d: {  	_ =	shalt  }
0x3e: {  	_ =	shalt  }
0x3f: {  	_ =	shalt  }
0x40: {  	_ =	shalt  }
0x41: {  	_ =	shalt  }
0x42: {  	_ =	shalt  }
0x43: {  	_ =	shalt  }
0x44: {  	_ =	shalt  }
0x45: {  	_ =	shalt  }
0x46: {  	_ =	shalt  }
0x47: {  	_ =	shalt  }
0x48: {  	_ =	shalt  }
0x49: {  	_ =	shalt  }
0x4a: {  	_ =	shalt  }
0x4b: {  	_ =	shalt  }
0x4c: {  	_ =	shalt  }
0x4d: {  	_ =	shalt  }
0x4e: {  	_ =	shalt  }
0x4f: {  	_ =	shalt  }
0x50: {  	_ =	shalt  }
0x51: {  	_ =	shalt  }
0x52: {  	_ =	shalt  }
0x53: {  	_ =	shalt  }
0x54: {  	_ =	shalt  }
0x55: {  	_ =	shalt  }
0x56: {  	_ =	shalt  }
0x57: {  	_ =	shalt  }
0x58: {  	_ =	shalt  }
0x59: {  	_ =	shalt  }
0x5a: {  	_ =	shalt  }
0x5b: {  	_ =	shalt  }
0x5c: {  	_ =	shalt  }
0x5d: {  	_ =	shalt  }
0x5e: {  	_ =	shalt  }
0x5f: {  	_ =	shalt  }
0x60: {  	_ =	shalt  }
0x61: {  	_ =	shalt  }
0x62: {  	_ =	shalt  }
0x63: {  	_ =	shalt  }
0x64: {  	_ =	shalt  }
0x65: {  	_ =	shalt  }
0x66: {  	_ =	shalt  }
0x67: {  	_ =	shalt  }
0x68: {  	_ =	shalt  }
0x69: {  	_ =	shalt  }
0x6a: {  	_ =	shalt  }
0x6b: {  	_ =	shalt  }
0x6c: {  	_ =	shalt  }
0x6d: {  	_ =	shalt  }
0x6e: {  	_ =	shalt  }
0x6f: {  	_ =	shalt  }
0x70: {  	_ =	shalt  }
0x71: {  	_ =	shalt  }
0x72: {  	_ =	shalt  }
0x73: {  	_ =	shalt  }
0x74: {  	_ =	shalt  }
0x75: {  	_ =	shalt  }
0x76: {  	_ =	shalt  }
0x77: {  	_ =	shalt  }
0x78: {  	_ =	shalt  }
0x79: {  	_ =	shalt  }
0x7a: {  	_ =	shalt  }
0x7b: {  	_ =	shalt  }
0x7c: {  	_ =	shalt  }
0x7d: {  	_ =	shalt  }
0x7e: {  	_ =	shalt  }
0x7f: {  	_ =	shalt  }
0x80: {  	_ =	shalt  }
0x81: {  	_ =	shalt  }
0x82: {  	_ =	shalt  }
0x83: {  	_ =	shalt  }
0x84: {  	_ =	shalt  }
0x85: {  	_ =	shalt  }
0x86: {  	_ =	shalt  }
0x87: {  	_ =	shalt  }
.Lfunc_end0:
.L_simem_size_0:
called_computation_lowered:
.L_overlay_start_0:
0x88: {  	s2 =	sld [smem:$0x3FD9]  }
0x89: {  	s3 =	sld [smem:$0x3FFE];
	_ =	sdelay $0x1  }
0x8a: {  	s1 =	srdreg.scid  }
0x8b: {  	s0 =	sand.u32 $0x1, s1  }
0x8c: {  	s17 =	sshll.u32 s0, $0xA;
	s2 =	sadd.s32 s3, s2  }
0x8d: {  	s2 =	sadd.s32 s2, s17  }
0x8e: {  	[smem:$0x3FBB] =	sst s2  }
0x8f: {  	_ = 	snop  }
0x90: {  	(tm) =	ssettm $0x1  }
0x91: {  	s18 =	sld [smem:$0x3FFB];
	_ =	sdelay $0x3  }
0x92: {  	_ =	strace s18  }
0x93: {  	s2 =	sld [smem:$0x3FFC];
	_ =	sdelay $0x3  }
0x94: {  	_ =	strace s2  }
0x95: {  	s2 =	sld [smem:$0x3FFD];
	_ =	sdelay $0x3  }
0x96: {  	_ =	strace s2  }
0x97: {  	_ =	strace $0x8FFFFFFF  }
0x98: {  	s19 =	sld [smem:$0x3FDB];
	_ =	sdelay $0x1  }
0x99: {  	s20 =	simm.s32 $_scs_section_size  }
0x9a: {  	s4 =	simm.s32 $_size__tile_overlayer_lowered;
	s5 =	simm.s32 $_tile_overlayer_lowered  }
0x9b: {  	s6 =	simm.s32 $0x1BFF;
	s21 =	sshll.u32 s5, $0x1;
	s3 =	sadd.s32 s20, s19  }
0x9c: {  	s22 =	simm.s32 $0x0;
	s4 =	sshll.u32 s4, $0x1;
	s5 =	sadd.s32 s21, s3  }
0x9d: {  	[timem:s22], [sflag:s6] =	dma.local [hbm:s5], s4  }
0x9e: {  	_ =	swait.ge [sflag:s6], s4  }
0x9f: {  	s4 =	ssub.s32 $0x0, s4;
	[sflag:s6] =	ssyncset.done $0x0  }
0xa0: {  	[sflag:s6] =	ssyncadd.s32 s4;
	_ =	sdelay $0x1  }
0xa1: {  	s23 =	simm.s32 $0x1B8B  }
0xa2: {  	_ =	swait.ge [sflag:s23], $0x1  }
0xa3: {  	[sflag:s23] =	ssyncset.done $0x0  }
0xa4: {  	[sflag:s23] =	ssyncadd.s32 $0xFFFFFFFF  }
0xa5: {  	s4 =	sld [smem:$0x0]  }
0xa6: {  	s5 =	sand.u32 $0xFFFFFFFE, s1  }
0xa7: {  	p0 =	sne.s32 s1, s5  }
0xa8: {  	s5 =	sshll.u32 @p0 s5, $0xE  }
0xa9: {  	s5 =	sadd.s32 @p0 $0x11B8D, s5;
	s6 =	sshll.u32 @p0 s4, $0x11  }
0xaa: {  	s5 =	sor.u32 @p0 s6, s5  }
0xab: {  	[sflag:s5] =	ssyncadd.remote.s32 @p0 $0x1;
	_ =	sdelay $0x1  }
0xac: {  	s5 =	simm.s32 @p0 $0x1B8D  }
0xad: {  	_ =	swait.eq @p0 [sflag:s5], $0x1  }
0xae: {  	[sflag:s5] =	ssyncadd.s32 @p0 $0xFFFFFFFF  }
0xaf: {  	s6 =	sshll.u32 @!p0 s1, $0xE  }
0xb0: {  	s6 =	sor.u32 @!p0 $0x4000, s6;
	s5 =	simm.s32 @!p0 $0x1B8D  }
0xb1: {  	s4 =	sshll.u32 @!p0 s4, $0x11;
	s6 =	sadd.s32 @!p0 $0x11B8D, s6;
	_ =	swait.eq @!p0 [sflag:s5], $0x1  }
0xb2: {  	s4 =	sor.u32 @!p0 s4, s6;
	[sflag:s5] =	ssyncadd.s32 @!p0 $0xFFFFFFFF  }
0xb3: {  	s25 =	simm.s32 $0x1B8E;
	s24 =	sld [smem:$0x3FFE];
	[sflag:s4] =	ssyncadd.remote.s32 @!p0 $0x1  }
0xb4: {  	s26 =	simm.s32 $execute0_lowered;
	[smem:$0x3FD2] =	sst s25  }
0xb5: {  	s5 =	sshll.u32 s26, $0x1;
	_ =	strace $0x80000049;
	[dreg:$0x1] =	wrdreg $0xFFFFFFFF  }
0xb6: {  	s28 =	simm.s32 $_size_execute0_lowered;
	s3 =	sadd.s32 s3, s5;
	[dreg:$0x0] =	wrdreg $0x0  }
0xb7: {  	s5 =	sshll.u32 s28, $0x1;
	[dreg:$0x2] =	wrdreg s3  }
0xb8: {  	[dreg:$0x3] =	wrdreg s5  }
0xb9: {  	[dreg:$0x4] =	wrdreg $0xC0  }
0xba: {  	_ =	task [dreg:s22], $0x5FFFF  }
0xbb: {  	[dreg:$0x1] =	wrdreg $0xFFFFFFFF  }
0xbc: {  	[dreg:$0x0] =	wrdreg $0x60  }
0xbd: {  	[dreg:$0x2] =	wrdreg s24  }
0xbe: {  	[dreg:$0x3] =	wrdreg $0xB  }
0xbf: {  	_ =	task.clear_ibuf [dreg:s22], $0x4FFFF;
	_ =	strace $0x90000049  }
0xc0: {  	s29 =	simm.s32 $0xB;
	_ =	strace $0x8000004B  }
0xc1: {  	_ =	swait.ge [sflag:s29], $0x1  }
0xc2: {  	[sflag:s29] =	ssyncadd.s32 $0xFFFFFFFF  }
0xc3: {  	_ =	strace $0x9000004B  }
0xc4: {  	_ =	sfence  }
0xc5: {  	s30 =	sld [smem:$0x0];
	_ =	sdelay $0x2  }
0xc6: {  	s31 =	sshll.u32 s1, $0xD;
	s1 =	sshrl.u32 s1, $0x2  }
0xc7: {  	s4 =	sand.u32 $0x4000, s31;
	s1 =	sadd.s32 s1, s30  }
0xc8: {  	s0 =	sor.u32 s4, s0;
	s1 =	sshll.u32 s1, $0x11  }
0xc9: {  	s0 =	sor.u32 s1, s0  }
0xca: {  	s0 =	sadd.s32 $0x8F2B, s0  }
0xcb: {  	[sflag:s0] =	ssyncadd.remote.s32 $0x1  }
0xcc: {  	_ =	sfence.sel $0xFFFF  }
0xcd: {  	[dreg:$0x0] =	wrdreg $0xFFFFFFFF;
	(pc) =	sbr.abs _section_cstart, $3  }
0xce: {  	[dreg:$0x1] =	wrdreg $0xFFFFFFFF  }
0xcf: {  	_ =	task.clear_ibuf [dreg:s22], $0x2FFFF;
	_ =	strace $0x9FFFFFFF  }
0xd0: {  	(tm) =	ssettm $0x7FFFFFFF  }
0xd1: {  	_ =	shalt  }
tec
execute0_lowered:
.L_overlay_start_1:
0x0: {  	(tag) =	ssettag $0x1  }
0x1: {  	s1 =	srdreg.scid  }
0x2: {  	s0 =	stileid.u32;
	s5 =	rddreg [dreg:$0x0];
	s2 =	simm.s32 $0x0  }
0x3: {  	s10 =	simm.s32 $0x1400;
	s11 =	simm.s32 $0x50;
	s12 =	simm.s32 $0x2800  }
0x4: {  	s13 =	simm.s32 $0x5000;
	s14 =	simm.s32 $0x7800;
	s15 =	simm.s32 $0xA000  }
0x5: {  	s16 =	simm.s32 $0xC800;
	s17 =	simm.s32 $0x1;
	s18 =	simm.s32 $0x2  }
0x6: {  	s19 =	simm.s32 $0x3;
	s20 =	simm.s32 $0x4;
	s21 =	simm.s32 $0x5  }
0x7: {  	s22 =	simm.s32 $0x6;
	s23 =	simm.s32 $0x0;
	s6 =	sand.u32 $0x1, s1  }
0x8: {  	s3 =	sshll.u32 s0, $0x1;
	s1 =	rddreg [dreg:$0x1];
	s8 =	smul.u32 $0x19000, s0  }
0x9: {  	s3 =	sor.u32 s6, s3;
	s9 =	ssub.s32 $0x2, s6;
	s6 =	smul.u32 $0xC800, s6  }
0xa: {  	[smem:$0x7FF] =	sst s2;
	s4 =	sadd.s32 $0x4A800, s5;
	s7 =	smul.u32 $0x280, s3  }
0xb: {  	_ =	strace $0x8000004A;
	s3 =	sadd.s32 $0x23600, s5;
	s8 =	sadd.s32 s8, s5  }
0xc: {  	s31 =	sshrl.u32 s9, $0x1;
	s8 =	sadd.s32 s6, s8;
	s7 =	sadd.s32 s7, s5  }
0xd: {  	s9 =	ssub.s32 s9, s31;
	s8 =	sadd.s32 $0x201A00, s8;
	s5 =	sadd.s32 $0x1E600, s7  }
0xe: {  	s6 =	sadd.s32 $0x19600, s7;
	s7 =	smax.u32 s9, $0x1;
	s9 =	simm.s32 $0x7  }
.LBB2_1:
0xf: {  	[tilespmem:s2], [sflag:$0x7] =	stream.linear.gather [hbm4b:s5+s2], $0x1400, $0x38;
	[tilespmem:$0xF000] =	vst v63  }
0x10: {  	_ =	swait.ge [sflag:s9], $0x1400  }
0x11: {  	[sflag:s9] =	ssyncset.done $0x0  }
0x12: {  	[sflag:s9] =	ssyncadd.s32 $0xFFFFEC00  }
0x13: {  	[tilespmem:s10], [sflag:$0x7] =	stream.linear.gather [hbm4b:s6+s2], $0x1400, $0x38;
	[tilespmem:$0xF000] =	vst v63  }
0x14: {  	_ =	swait.ge [sflag:s9], $0x1400  }
0x15: {  	[sflag:s9] =	ssyncset.done $0x0  }
0x16: {  	s24 =	simm.s32 $0x0;
	[sflag:s9] =	ssyncadd.s32 $0xFFFFEC00  }
0x17: {  	[tilespmem:s12], [sflag:$0x1] =	stream.indirect.gather [hbm4b:s3+s11], $0x80, s24, s11, $0xb8;
	[tilespmem:$0xF000] =	vst v63  }
0x18: {  	s28 =	simm.s32 $0x80  }
0x19: {  	[tilespmem:s13], [sflag:$0x2] =	stream.indirect.gather [hbm4b:s3+s11], $0x80, s28, s11, $0xb8;
	[tilespmem:$0xF000] =	vst v63  }
0x1a: {  	s30 =	simm.s32 $0x100  }
0x1b: {  	[tilespmem:s14], [sflag:$0x3] =	stream.indirect.gather [hbm4b:s3+s11], $0x80, s30, s11, $0xb8;
	[tilespmem:$0xF000] =	vst v63  }
0x1c: {  	s31 =	simm.s32 $0x180  }
0x1d: {  	[tilespmem:s15], [sflag:$0x4] =	stream.indirect.gather [hbm4b:s3+s11], $0x80, s31, s11, $0xb8;
	[tilespmem:$0xF000] =	vst v63  }
0x1e: {  	s25 =	simm.s32 $0x200  }
0x1f: {  	[tilespmem:s16], [sflag:$0x5] =	stream.indirect.gather [hbm4b:s3+s11], $0x80, s25, s11, $0xb8;
	[tilespmem:$0xF000] =	vst v63  }
0x20: {  	_ =	swait.ge [sflag:s17], $0x2800  }
0x21: {  	[sflag:s17] =	ssyncset.done $0x0  }
0x22: {  	s26 =	simm.s32 $0x1400;
	[sflag:s17] =	ssyncadd.s32 $0xFFFFD800  }
0x23: {  	[tilespmem:s12], [sflag:$0x1] =	stream.indirect.gather.add.f32 [hbm:s4], $0x80, s26, s11, $0xb8;
	[tilespmem:$0xF000] =	vst v63  }
0x24: {  	_ =	swait.ge [sflag:s18], $0x2800  }
0x25: {  	[sflag:s18] =	ssyncset.done $0x0  }
0x26: {  	s28 =	simm.s32 $0x1480;
	[sflag:s18] =	ssyncadd.s32 $0xFFFFD800  }
0x27: {  	[tilespmem:s13], [sflag:$0x2] =	stream.indirect.gather.add.f32 [hbm:s4], $0x80, s28, s11, $0xb8;
	[tilespmem:$0xF000] =	vst v63  }
0x28: {  	_ =	swait.ge [sflag:s19], $0x2800  }
0x29: {  	[sflag:s19] =	ssyncset.done $0x0  }
0x2a: {  	s30 =	simm.s32 $0x1500;
	[sflag:s19] =	ssyncadd.s32 $0xFFFFD800  }
0x2b: {  	[tilespmem:s14], [sflag:$0x3] =	stream.indirect.gather.add.f32 [hbm:s4], $0x80, s30, s11, $0xb8;
	[tilespmem:$0xF000] =	vst v63  }
0x2c: {  	_ =	swait.ge [sflag:s20], $0x2800  }
0x2d: {  	[sflag:s20] =	ssyncset.done $0x0  }
0x2e: {  	s31 =	simm.s32 $0x1580;
	[sflag:s20] =	ssyncadd.s32 $0xFFFFD800  }
0x2f: {  	[tilespmem:s15], [sflag:$0x4] =	stream.indirect.gather.add.f32 [hbm:s4], $0x80, s31, s11, $0xb8;
	[tilespmem:$0xF000] =	vst v63  }
0x30: {  	_ =	swait.ge [sflag:s21], $0x2800  }
0x31: {  	[sflag:s21] =	ssyncset.done $0x0  }
0x32: {  	s25 =	simm.s32 $0x1600;
	[sflag:s21] =	ssyncadd.s32 $0xFFFFD800  }
0x33: {  	[tilespmem:s16], [sflag:$0x5] =	stream.indirect.gather.add.f32 [hbm:s4], $0x80, s25, s11, $0xb8;
	[tilespmem:$0xF000] =	vst v63  }
0x34: {  	_ =	swait.ge [sflag:s17], $0x2800  }
0x35: {  	[sflag:s17] =	ssyncset.done $0x0  }
0x36: {  	[sflag:s17] =	ssyncadd.s32 $0xFFFFD800  }
0x37: {  	[hbm4b:s8+s2] =	stream.linear.scatter [tilespmem:s12], [sflag:$0x6], $0x2800, $0x38;
	[tilespmem:$0xF000] =	vst v63  }
0x38: {  	_ =	swait.ge [sflag:s18], $0x2800  }
0x39: {  	[sflag:s18] =	ssyncset.done $0x0  }
0x3a: {  	s26 =	sadd.s32 $0x500, s8;
	[sflag:s18] =	ssyncadd.s32 $0xFFFFD800  }
0x3b: {  	[hbm4b:s26+s2] =	stream.linear.scatter [tilespmem:s13], [sflag:$0x6], $0x2800, $0x38;
	[tilespmem:$0xF000] =	vst v63  }
0x3c: {  	_ =	swait.ge [sflag:s19], $0x2800  }
0x3d: {  	[sflag:s19] =	ssyncset.done $0x0  }
0x3e: {  	s28 =	sadd.s32 $0xA00, s8;
	[sflag:s19] =	ssyncadd.s32 $0xFFFFD800  }
0x3f: {  	[hbm4b:s28+s2] =	stream.linear.scatter [tilespmem:s14], [sflag:$0x6], $0x2800, $0x38;
	[tilespmem:$0xF000] =	vst v63  }
0x40: {  	_ =	swait.ge [sflag:s20], $0x2800  }
0x41: {  	[sflag:s20] =	ssyncset.done $0x0  }
0x42: {  	s30 =	sadd.s32 $0xF00, s8;
	[sflag:s20] =	ssyncadd.s32 $0xFFFFD800  }
0x43: {  	[hbm4b:s30+s2] =	stream.linear.scatter [tilespmem:s15], [sflag:$0x6], $0x2800, $0x38;
	[tilespmem:$0xF000] =	vst v63  }
0x44: {  	_ =	swait.ge [sflag:s21], $0x2800  }
0x45: {  	[sflag:s21] =	ssyncset.done $0x0  }
0x46: {  	s31 =	sadd.s32 $0x1400, s8;
	[sflag:s21] =	ssyncadd.s32 $0xFFFFD800  }
0x47: {  	[hbm4b:s31+s2] =	stream.linear.scatter [tilespmem:s16], [sflag:$0x6], $0x2800, $0x38;
	[tilespmem:$0xF000] =	vst v63  }
0x48: {  	_ =	swait.ge [sflag:s22], $0x2800  }
0x49: {  	[sflag:s22] =	ssyncset.done $0x0  }
0x4a: {  	[sflag:s22] =	ssyncadd.s32 $0xFFFFD800  }
0x4b: {  	_ =	swait.ge [sflag:s22], $0x2800  }
0x4c: {  	[sflag:s22] =	ssyncset.done $0x0  }
0x4d: {  	[sflag:s22] =	ssyncadd.s32 $0xFFFFD800  }
0x4e: {  	_ =	swait.ge [sflag:s22], $0x2800  }
0x4f: {  	[sflag:s22] =	ssyncset.done $0x0  }
0x50: {  	[sflag:s22] =	ssyncadd.s32 $0xFFFFD800  }
0x51: {  	_ =	swait.ge [sflag:s22], $0x2800  }
0x52: {  	[sflag:s22] =	ssyncset.done $0x0  }
0x53: {  	[sflag:s22] =	ssyncadd.s32 $0xFFFFD800  }
0x54: {  	s29 =	simm.s32 $0x1400;
	_ =	swait.ge [sflag:s22], $0x2800  }
0x55: {  	s24 =	sadd.s32 $0x1900, s8;
	s25 =	simm.s32 $0xA00;
	[sflag:s22] =	ssyncset.done $0x0  }
.LBB2_2:
0x56: {  	s28 =	sshra.s32 s25, $0x2  }
0x57: {  	[sflag:s22] =	ssyncadd.s32 $0xFFFFD800;
	s25 =	smov.u32 s29;
	s26 =	sadd.s32 $0xA00, s29  }
0x58: {  	[tilespmem:s12], [sflag:$0x1] =	stream.indirect.gather [hbm4b:s3+s11], $0x80, s28, s11, $0xb8;
	[tilespmem:$0xF000] =	vst v63  }
0x59: {  	p0 =	sne.s32 s29, $0x4600;
	s29 =	sadd.s32 $0x80, s28  }
0x5a: {  	[tilespmem:s13], [sflag:$0x2] =	stream.indirect.gather [hbm4b:s3+s11], $0x80, s29, s11, $0xb8;
	[tilespmem:$0xF000] =	vst v63  }
0x5b: {  	s29 =	sadd.s32 $0x100, s28  }
0x5c: {  	[tilespmem:s14], [sflag:$0x3] =	stream.indirect.gather [hbm4b:s3+s11], $0x80, s29, s11, $0xb8;
	[tilespmem:$0xF000] =	vst v63  }
0x5d: {  	s29 =	sadd.s32 $0x180, s28  }
0x5e: {  	[tilespmem:s15], [sflag:$0x4] =	stream.indirect.gather [hbm4b:s3+s11], $0x80, s29, s11, $0xb8;
	[tilespmem:$0xF000] =	vst v63  }
0x5f: {  	s29 =	sadd.s32 $0x200, s28  }
0x60: {  	[tilespmem:s16], [sflag:$0x5] =	stream.indirect.gather [hbm4b:s3+s11], $0x80, s29, s11, $0xb8;
	[tilespmem:$0xF000] =	vst v63  }
0x61: {  	_ =	swait.ge [sflag:s17], $0x2800  }
0x62: {  	[sflag:s17] =	ssyncset.done $0x0  }
0x63: {  	s29 =	sadd.s32 $0x1400, s28;
	[sflag:s17] =	ssyncadd.s32 $0xFFFFD800  }
0x64: {  	[tilespmem:s12], [sflag:$0x1] =	stream.indirect.gather.add.f32 [hbm:s4], $0x80, s29, s11, $0xb8;
	[tilespmem:$0xF000] =	vst v63  }
0x65: {  	_ =	swait.ge [sflag:s18], $0x2800  }
0x66: {  	[sflag:s18] =	ssyncset.done $0x0  }
0x67: {  	s29 =	sadd.s32 $0x1480, s28;
	[sflag:s18] =	ssyncadd.s32 $0xFFFFD800  }
0x68: {  	[tilespmem:s13], [sflag:$0x2] =	stream.indirect.gather.add.f32 [hbm:s4], $0x80, s29, s11, $0xb8;
	[tilespmem:$0xF000] =	vst v63  }
0x69: {  	_ =	swait.ge [sflag:s19], $0x2800  }
0x6a: {  	[sflag:s19] =	ssyncset.done $0x0  }
0x6b: {  	s29 =	sadd.s32 $0x1500, s28;
	[sflag:s19] =	ssyncadd.s32 $0xFFFFD800  }
0x6c: {  	[tilespmem:s14], [sflag:$0x3] =	stream.indirect.gather.add.f32 [hbm:s4], $0x80, s29, s11, $0xb8;
	[tilespmem:$0xF000] =	vst v63  }
0x6d: {  	_ =	swait.ge [sflag:s20], $0x2800  }
0x6e: {  	[sflag:s20] =	ssyncset.done $0x0  }
0x6f: {  	s29 =	sadd.s32 $0x1580, s28;
	[sflag:s20] =	ssyncadd.s32 $0xFFFFD800  }
0x70: {  	[tilespmem:s15], [sflag:$0x4] =	stream.indirect.gather.add.f32 [hbm:s4], $0x80, s29, s11, $0xb8;
	[tilespmem:$0xF000] =	vst v63  }
0x71: {  	_ =	swait.ge [sflag:s21], $0x2800  }
0x72: {  	[sflag:s21] =	ssyncset.done $0x0  }
0x73: {  	s28 =	sadd.s32 $0x1600, s28;
	[sflag:s21] =	ssyncadd.s32 $0xFFFFD800  }
0x74: {  	[tilespmem:s16], [sflag:$0x5] =	stream.indirect.gather.add.f32 [hbm:s4], $0x80, s28, s11, $0xb8;
	[tilespmem:$0xF000] =	vst v63  }
0x75: {  	_ =	swait.ge [sflag:s17], $0x2800  }
0x76: {  	[sflag:s17] =	ssyncset.done $0x0  }
0x77: {  	[sflag:s17] =	ssyncadd.s32 $0xFFFFD800  }
0x78: {  	[hbm4b:s24+s2] =	stream.linear.scatter [tilespmem:s12], [sflag:$0x6], $0x2800, $0x38;
	[tilespmem:$0xF000] =	vst v63  }
0x79: {  	_ =	swait.ge [sflag:s18], $0x2800  }
0x7a: {  	[sflag:s18] =	ssyncset.done $0x0  }
0x7b: {  	s28 =	sadd.s32 $0x500, s24;
	[sflag:s18] =	ssyncadd.s32 $0xFFFFD800  }
0x7c: {  	[hbm4b:s28+s2] =	stream.linear.scatter [tilespmem:s13], [sflag:$0x6], $0x2800, $0x38;
	[tilespmem:$0xF000] =	vst v63  }
0x7d: {  	_ =	swait.ge [sflag:s19], $0x2800  }
0x7e: {  	[sflag:s19] =	ssyncset.done $0x0  }
0x7f: {  	s28 =	sadd.s32 $0xA00, s24;
	[sflag:s19] =	ssyncadd.s32 $0xFFFFD800  }
0x80: {  	[hbm4b:s28+s2] =	stream.linear.scatter [tilespmem:s14], [sflag:$0x6], $0x2800, $0x38;
	[tilespmem:$0xF000] =	vst v63  }
0x81: {  	_ =	swait.ge [sflag:s20], $0x2800  }
0x82: {  	[sflag:s20] =	ssyncset.done $0x0  }
0x83: {  	s28 =	sadd.s32 $0xF00, s24;
	[sflag:s20] =	ssyncadd.s32 $0xFFFFD800  }
0x84: {  	[hbm4b:s28+s2] =	stream.linear.scatter [tilespmem:s15], [sflag:$0x6], $0x2800, $0x38;
	[tilespmem:$0xF000] =	vst v63  }
0x85: {  	_ =	swait.ge [sflag:s21], $0x2800  }
0x86: {  	[sflag:s21] =	ssyncset.done $0x0  }
0x87: {  	s28 =	sadd.s32 $0x1400, s24;
	[sflag:s21] =	ssyncadd.s32 $0xFFFFD800  }
0x88: {  	[hbm4b:s28+s2] =	stream.linear.scatter [tilespmem:s16], [sflag:$0x6], $0x2800, $0x38;
	[tilespmem:$0xF000] =	vst v63  }
0x89: {  	_ =	swait.ge [sflag:s22], $0x2800  }
0x8a: {  	[sflag:s22] =	ssyncset.done $0x0  }
0x8b: {  	[sflag:s22] =	ssyncadd.s32 $0xFFFFD800  }
0x8c: {  	_ =	swait.ge [sflag:s22], $0x2800  }
0x8d: {  	[sflag:s22] =	ssyncset.done $0x0  }
0x8e: {  	[sflag:s22] =	ssyncadd.s32 $0xFFFFD800  }
0x8f: {  	_ =	swait.ge [sflag:s22], $0x2800  }
0x90: {  	[sflag:s22] =	ssyncset.done $0x0  }
0x91: {  	[sflag:s22] =	ssyncadd.s32 $0xFFFFD800  }
.Ltmp0:
0x92: {  	_ =	swait.ge [sflag:s22], $0x2800;
	(pc) =	sbr.rel @p0 .LBB2_2-.Ltmp0, $4  }
0x93: {  	[sflag:s22] =	ssyncset.done $0x0  }
0x94: {  	[sflag:s22] =	ssyncadd.s32 $0xFFFFD800  }
0x95: {  	_ =	swait.ge [sflag:s22], $0x2800  }
0x96: {  	s29 =	smov.u32 s26;
	s24 =	sadd.s32 $0x1900, s24;
	[sflag:s22] =	ssyncset.done $0x0  }
0x97: {  	s25 =	sshra.s32 s25, $0x2;
	[sflag:s22] =	ssyncadd.s32 $0xFFFFD800  }
0x98: {  	[tilespmem:s12], [sflag:$0x1] =	stream.indirect.gather [hbm4b:s3+s11], $0x80, s25, s11, $0xb8;
	[tilespmem:$0xF000] =	vst v63  }
0x99: {  	s26 =	sadd.s32 $0x80, s25  }
0x9a: {  	[tilespmem:s13], [sflag:$0x2] =	stream.indirect.gather [hbm4b:s3+s11], $0x80, s26, s11, $0xb8;
	[tilespmem:$0xF000] =	vst v63  }
0x9b: {  	s29 =	sadd.s32 $0x100, s25  }
0x9c: {  	[tilespmem:s14], [sflag:$0x3] =	stream.indirect.gather [hbm4b:s3+s11], $0x80, s29, s11, $0xb8;
	[tilespmem:$0xF000] =	vst v63  }
0x9d: {  	s30 =	sadd.s32 $0x180, s25  }
0x9e: {  	[tilespmem:s15], [sflag:$0x4] =	stream.indirect.gather [hbm4b:s3+s11], $0x80, s30, s11, $0xb8;
	[tilespmem:$0xF000] =	vst v63  }
0x9f: {  	s31 =	sadd.s32 $0x200, s25  }
0xa0: {  	[tilespmem:s16], [sflag:$0x5] =	stream.indirect.gather [hbm4b:s3+s11], $0x80, s31, s11, $0xb8;
	[tilespmem:$0xF000] =	vst v63  }
0xa1: {  	_ =	swait.ge [sflag:s17], $0x2800  }
0xa2: {  	[sflag:s17] =	ssyncset.done $0x0  }
0xa3: {  	s28 =	sadd.s32 $0x1400, s25;
	[sflag:s17] =	ssyncadd.s32 $0xFFFFD800  }
0xa4: {  	[tilespmem:s12], [sflag:$0x1] =	stream.indirect.gather.add.f32 [hbm:s4], $0x80, s28, s11, $0xb8;
	[tilespmem:$0xF000] =	vst v63  }
0xa5: {  	_ =	swait.ge [sflag:s18], $0x2800  }
0xa6: {  	[sflag:s18] =	ssyncset.done $0x0  }
0xa7: {  	s29 =	sadd.s32 $0x1480, s25;
	[sflag:s18] =	ssyncadd.s32 $0xFFFFD800  }
0xa8: {  	[tilespmem:s13], [sflag:$0x2] =	stream.indirect.gather.add.f32 [hbm:s4], $0x80, s29, s11, $0xb8;
	[tilespmem:$0xF000] =	vst v63  }
0xa9: {  	_ =	swait.ge [sflag:s19], $0x2800  }
0xaa: {  	[sflag:s19] =	ssyncset.done $0x0  }
0xab: {  	s30 =	sadd.s32 $0x1500, s25;
	[sflag:s19] =	ssyncadd.s32 $0xFFFFD800  }
0xac: {  	[tilespmem:s14], [sflag:$0x3] =	stream.indirect.gather.add.f32 [hbm:s4], $0x80, s30, s11, $0xb8;
	[tilespmem:$0xF000] =	vst v63  }
0xad: {  	_ =	swait.ge [sflag:s20], $0x2800  }
0xae: {  	[sflag:s20] =	ssyncset.done $0x0  }
0xaf: {  	s31 =	sadd.s32 $0x1580, s25;
	[sflag:s20] =	ssyncadd.s32 $0xFFFFD800  }
0xb0: {  	[tilespmem:s15], [sflag:$0x4] =	stream.indirect.gather.add.f32 [hbm:s4], $0x80, s31, s11, $0xb8;
	[tilespmem:$0xF000] =	vst v63  }
0xb1: {  	_ =	swait.ge [sflag:s21], $0x2800  }
0xb2: {  	[sflag:s21] =	ssyncset.done $0x0  }
0xb3: {  	s25 =	sadd.s32 $0x1600, s25;
	[sflag:s21] =	ssyncadd.s32 $0xFFFFD800  }
0xb4: {  	[tilespmem:s16], [sflag:$0x5] =	stream.indirect.gather.add.f32 [hbm:s4], $0x80, s25, s11, $0xb8;
	[tilespmem:$0xF000] =	vst v63  }
0xb5: {  	_ =	swait.ge [sflag:s17], $0x2800  }
0xb6: {  	[sflag:s17] =	ssyncset.done $0x0  }
0xb7: {  	[sflag:s17] =	ssyncadd.s32 $0xFFFFD800  }
0xb8: {  	[hbm4b:s24+s2] =	stream.linear.scatter [tilespmem:s12], [sflag:$0x6], $0x2800, $0x38;
	[tilespmem:$0xF000] =	vst v63  }
0xb9: {  	_ =	swait.ge [sflag:s18], $0x2800  }
0xba: {  	[sflag:s18] =	ssyncset.done $0x0  }
0xbb: {  	s28 =	sadd.s32 $0x500, s24;
	[sflag:s18] =	ssyncadd.s32 $0xFFFFD800  }
0xbc: {  	[hbm4b:s28+s2] =	stream.linear.scatter [tilespmem:s13], [sflag:$0x6], $0x2800, $0x38;
	[tilespmem:$0xF000] =	vst v63  }
0xbd: {  	_ =	swait.ge [sflag:s19], $0x2800  }
0xbe: {  	[sflag:s19] =	ssyncset.done $0x0  }
0xbf: {  	s29 =	sadd.s32 $0xA00, s24;
	[sflag:s19] =	ssyncadd.s32 $0xFFFFD800  }
0xc0: {  	[hbm4b:s29+s2] =	stream.linear.scatter [tilespmem:s14], [sflag:$0x6], $0x2800, $0x38;
	[tilespmem:$0xF000] =	vst v63  }
0xc1: {  	_ =	swait.ge [sflag:s20], $0x2800  }
0xc2: {  	[sflag:s20] =	ssyncset.done $0x0  }
0xc3: {  	s30 =	sadd.s32 $0xF00, s24;
	[sflag:s20] =	ssyncadd.s32 $0xFFFFD800  }
0xc4: {  	[hbm4b:s30+s2] =	stream.linear.scatter [tilespmem:s15], [sflag:$0x6], $0x2800, $0x38;
	[tilespmem:$0xF000] =	vst v63  }
0xc5: {  	_ =	swait.ge [sflag:s21], $0x2800  }
0xc6: {  	[sflag:s21] =	ssyncset.done $0x0  }
0xc7: {  	s31 =	sadd.s32 $0x1400, s24;
	[sflag:s21] =	ssyncadd.s32 $0xFFFFD800  }
0xc8: {  	[hbm4b:s31+s2] =	stream.linear.scatter [tilespmem:s16], [sflag:$0x6], $0x2800, $0x38;
	[tilespmem:$0xF000] =	vst v63  }
0xc9: {  	_ =	swait.ge [sflag:s22], $0x2800  }
0xca: {  	[sflag:s22] =	ssyncset.done $0x0  }
0xcb: {  	[sflag:s22] =	ssyncadd.s32 $0xFFFFD800  }
0xcc: {  	_ =	swait.ge [sflag:s22], $0x2800  }
0xcd: {  	[sflag:s22] =	ssyncset.done $0x0  }
0xce: {  	[sflag:s22] =	ssyncadd.s32 $0xFFFFD800  }
0xcf: {  	_ =	swait.ge [sflag:s22], $0x2800  }
0xd0: {  	[sflag:s22] =	ssyncset.done $0x0  }
0xd1: {  	s23 =	sadd.s32 $0x1, s23;
	[sflag:s22] =	ssyncadd.s32 $0xFFFFD800  }
0xd2: {  	p0 =	sne.s32 s23, s7;
	_ =	swait.ge [sflag:s22], $0x2800  }
.Ltmp1:
0xd3: {  	[sflag:s22] =	ssyncset.done $0x0;
	(pc) =	sbr.rel @p0 .LBB2_1-.Ltmp1, $4  }
0xd4: {  	[sflag:s22] =	ssyncadd.s32 $0xFFFFD800  }
0xd5: {  	_ =	swait.ge [sflag:s22], $0x2800  }
0xd6: {  	[sflag:s22] =	ssyncset.done $0x0  }
0xd7: {  	[sflag:s22] =	ssyncadd.s32 $0xFFFFD800  }
0xd8: {  	_ =	sfence.sel $0x180000  }
0xd9: {  	[bflag:$0x0] =	sbarrier.arrive $0xFFFF  }
0xda: {  	p0 =	sne.s32 s0, $0x0;
	_ =	strace $0x9000004A  }
0xdb: {  	s0 =	sadd.s32 @!p0 $0x100000, s1;
	[bflag:$0x2] =	sbarrier.arrive $0xFFFF  }
0xdc: {  	[sflag:s0] =	ssyncadd.tile.s32 @!p0 $0x1;
	_ =	shalt  }
.Lfunc_end2:
_tile_overlayer_lowered:
.L_overlay_start_2:
0xdd: {  	(tag) =	ssettag $0x2  }
0xde: {  	s0 =	rddreg [dreg:$0x0];
	s2 =	stileid.u32  }
0xdf: {  	s1 =	rddreg [dreg:$0x1];
	p0 =	sne.s32 s2, $0x0  }
0xe0: {  	s3 =	rddreg [dreg:$0x2];
	[bflag:$0x3] =	sbarrier.arrive $0xFFFF;
	s2 =	simm.s32 @!p0 $0x1C07  }
0xe1: {  	[timem:s3], [sflag:s2] =	dma.local @!p0 [hbm:s0], s1  }
0xe2: {  	s0 =	simm.s32 @!p0 $0x7  }
0xe3: {  	_ =	swait.ge @!p0 [sflag:s0], s1  }
0xe4: {  	s1 =	ssub.s32 @!p0 $0x0, s1;
	[sflag:s0] =	ssyncset.done @!p0 $0x0  }
0xe5: {  	[sflag:s0] =	ssyncadd.s32 @!p0 s1  }
0xe6: {  	[bflag:$0x3] =	sbarrier.arrive $0xFFFF  }
0xe7: {  	_ =	shalt  }

// kernel: kernel.16.cloned.1.call-start
scs
__scs_entry_jumppad:
0x0: {  	(pc) =	sbr.rel $0x88, $3  }
0x1: {  	(tag) =	ssettag $0x0;
	lr =	simm.s32 $0x1  }
0x2: {  	[smem:$0x3F94] =	sst lr;
	_ =	strace $0xD0000000  }
0x3: {  	_ = 	snop  }
0x4: {  	_ = 	snop  }
0x5: {  	_ = 	snop  }
0x6: {  	_ = 	snop  }
0x7: {  	_ = 	snop  }
__scs_overlays_trampoline_lowered:
0x8: {  	[smem:$0x3FA3] =	sst s0  }
0x9: {  	[smem:$0x3FA4] =	sst s1  }
0xa: {  	[smem:$0x3FA5] =	sst s2  }
0xb: {  	[smem:$0x3FA6] =	sst s3  }
0xc: {  	[smem:$0x3FA7] =	sst s4  }
0xd: {  	[smem:$0x3FA8] =	sst s5  }
0xe: {  	[smem:$0x3FA9] =	sst s6  }
0xf: {  	[smem:$0x3FAA] =	sst s7  }
0x10: {  	[smem:$0x3FAB] =	sst s8  }
0x11: {  	[smem:$0x3FAC] =	sst s9;
	s0 =	simm.s32 @!p0 $0x0  }
0x12: {  	s1 =	sld [smem:$0x3F92];
	s0 =	simm.s32 @p0 $0x1  }
0x13: {  	[smem:$0x3FAD] =	sst s0;
	s0 =	simm.s32 @!p1 $0x0  }
0x14: {  	s2 =	sld [smem:$0x3F91];
	s0 =	simm.s32 @p1 $0x1  }
0x15: {  	[smem:$0x3FAE] =	sst s0;
	s0 =	simm.s32 @!p2 $0x0  }
0x16: {  	s3 =	sld [smem:$0x3FDB];
	s0 =	simm.s32 @p2 $0x1  }
0x17: {  	s4 =	simm.s32 $0x1BF5;
	[smem:$0x3FB0] =	sst s0  }
0x18: {  	s0 =	sld [smem:$0x3F93];
	_ =	swait.ge [sflag:s4], $0x0  }
0x19: {  	s7 =	sld [smem:$0x3F94]  }
0x1a: {  	s8 =	sadd.s32 $0xFFFFE003, lr  }
0x1b: {  	s9 =	sadd.s32 $0xFFFFFEF7, lr;
	s5 =	simm.s32 $0xFFFFFFFF;
	p2 =	slt.u32 s8, $0xFFFFF086  }
0x1c: {  	p1 =	slt.u32 s9, $0xF7A;
	s5 =	simm.s32 @!p2 $0x0  }
0x1d: {  	s5 =	simm.s32 @p1 $0x1;
	p0 =	seq.s32 s7, s2  }
0x1e: {  	s7 =	smul.u32 @!p0 $0xF7A, s2;
	p2 =	seq.s32 @!p0 s5, $0x0  }
0x1f: {  	s9 =	smul.u32 $0xF7A, s1;
	s8 =	simm.s32 @!p0 $0x1BF5;
	p2 =	por !p2, p0  }
0x20: {  	[sflag:s8] =	ssyncset.s32 @!p0 $0xFFFFF086;
	s6 =	sadd.s32 @!p0 s3, s7;
	s7 =	simm.s32 @!p0 $0x108  }
0x21: {  	s3 =	sadd.s32 s3, s9;
	s6 =	sadd.s32 @!p0 $0x88, s6;
	s7 =	simm.s32 @p2 $0x1082  }
0x22: {  	[simem:s7], [sflag:s8] =	dma.local @!p0 [hbm:s6], $0xF7A  }
0x23: {  	s9 =	sor.u32 $0xD0000000, s2;
	s6 =	simm.s32 $0x108;
	_ =	swait.ge @!p0 [sflag:s8], $0x0  }
0x24: {  	s3 =	sadd.s32 $0x88, s3;
	s6 =	simm.s32 @!p1 $0x1082;
	[sflag:s4] =	ssyncset.s32 $0xFFFFF086  }
0x25: {  	[simem:s6], [sflag:s4] =	dma.local [hbm:s3], $0xF7A  }
0x26: {  	[smem:$0x3F94] =	sst s1;
	(tag) =	ssettag s2;
	_ =	strace s9  }
0x27: {  	s1 =	sld [smem:$0x3FA4]  }
0x28: {  	s2 =	sld [smem:$0x3FA5]  }
0x29: {  	s4 =	sld [smem:$0x3FA7]  }
0x2a: {  	p0 =	seq.s32 s5, $0x0;
	s5 =	sld [smem:$0x3FA8]  }
0x2b: {  	s6 =	sld [smem:$0x3FA9]  }
0x2c: {  	s7 =	sld [smem:$0x3FAA]  }
0x2d: {  	s3 =	simm.s32 $0x108;
	s8 =	sld [smem:$0x3FAB]  }
0x2e: {  	s3 =	simm.s32 @!p0 $0x1082;
	s9 =	sld [smem:$0x3FAC]  }
0x2f: {  	lr =	sadd.s32 s0, s3;
	s0 =	sld [smem:$0x3FA3]  }
0x30: {  	s3 =	sld [smem:$0x3FA6]  }
0x31: {  	[smem:$0x3FAF] =	sst s10  }
0x32: {  	s10 =	sld [smem:$0x3FAD];
	_ =	sdelay $0x3  }
0x33: {  	p0 =	seq.s32 s10, $0x1;
	s10 =	sld [smem:$0x3FAF];
	_ =	sdelay $0x3  }
0x34: {  	[smem:$0x3FAF] =	sst s10  }
0x35: {  	s10 =	sld [smem:$0x3FAE];
	_ =	sdelay $0x3  }
0x36: {  	p1 =	seq.s32 s10, $0x1;
	s10 =	sld [smem:$0x3FAF];
	_ =	sdelay $0x3  }
0x37: {  	[smem:$0x3FAF] =	sst s10  }
0x38: {  	s10 =	sld [smem:$0x3FB0]  }
0x39: {  	_ = 	snop;
	(pc) =	sbr.ind lr, $3  }
0x3a: {  	_ = 	snop  }
0x3b: {  	_ = 	snop  }
0x3c: {  	p2 =	seq.s32 s10, $0x1;
	s10 =	sld [smem:$0x3FAF]  }
0x3d: {  	_ =	shalt  }
0x3e: {  	_ =	shalt  }
0x3f: {  	_ =	shalt  }
0x40: {  	_ =	shalt  }
0x41: {  	_ =	shalt  }
0x42: {  	_ =	shalt  }
0x43: {  	_ =	shalt  }
0x44: {  	_ =	shalt  }
0x45: {  	_ =	shalt  }
0x46: {  	_ =	shalt  }
0x47: {  	_ =	shalt  }
0x48: {  	_ =	shalt  }
0x49: {  	_ =	shalt  }
0x4a: {  	_ =	shalt  }
0x4b: {  	_ =	shalt  }
0x4c: {  	_ =	shalt  }
0x4d: {  	_ =	shalt  }
0x4e: {  	_ =	shalt  }
0x4f: {  	_ =	shalt  }
0x50: {  	_ =	shalt  }
0x51: {  	_ =	shalt  }
0x52: {  	_ =	shalt  }
0x53: {  	_ =	shalt  }
0x54: {  	_ =	shalt  }
0x55: {  	_ =	shalt  }
0x56: {  	_ =	shalt  }
0x57: {  	_ =	shalt  }
0x58: {  	_ =	shalt  }
0x59: {  	_ =	shalt  }
0x5a: {  	_ =	shalt  }
0x5b: {  	_ =	shalt  }
0x5c: {  	_ =	shalt  }
0x5d: {  	_ =	shalt  }
0x5e: {  	_ =	shalt  }
0x5f: {  	_ =	shalt  }
0x60: {  	_ =	shalt  }
0x61: {  	_ =	shalt  }
0x62: {  	_ =	shalt  }
0x63: {  	_ =	shalt  }
0x64: {  	_ =	shalt  }
0x65: {  	_ =	shalt  }
0x66: {  	_ =	shalt  }
0x67: {  	_ =	shalt  }
0x68: {  	_ =	shalt  }
0x69: {  	_ =	shalt  }
0x6a: {  	_ =	shalt  }
0x6b: {  	_ =	shalt  }
0x6c: {  	_ =	shalt  }
0x6d: {  	_ =	shalt  }
0x6e: {  	_ =	shalt  }
0x6f: {  	_ =	shalt  }
0x70: {  	_ =	shalt  }
0x71: {  	_ =	shalt  }
0x72: {  	_ =	shalt  }
0x73: {  	_ =	shalt  }
0x74: {  	_ =	shalt  }
0x75: {  	_ =	shalt  }
0x76: {  	_ =	shalt  }
0x77: {  	_ =	shalt  }
0x78: {  	_ =	shalt  }
0x79: {  	_ =	shalt  }
0x7a: {  	_ =	shalt  }
0x7b: {  	_ =	shalt  }
0x7c: {  	_ =	shalt  }
0x7d: {  	_ =	shalt  }
0x7e: {  	_ =	shalt  }
0x7f: {  	_ =	shalt  }
0x80: {  	_ =	shalt  }
0x81: {  	_ =	shalt  }
0x82: {  	_ =	shalt  }
0x83: {  	_ =	shalt  }
0x84: {  	_ =	shalt  }
0x85: {  	_ =	shalt  }
0x86: {  	_ =	shalt  }
0x87: {  	_ =	shalt  }
.Lfunc_end0:
.L_simem_size_0:
called_computation.1_lowered:
.L_overlay_start_0:
0x88: {  	s2 =	sld [smem:$0x3FD9]  }
0x89: {  	s3 =	sld [smem:$0x3FFE];
	_ =	sdelay $0x1  }
0x8a: {  	s1 =	srdreg.scid  }
0x8b: {  	s0 =	sand.u32 $0x1, s1  }
0x8c: {  	s17 =	sshll.u32 s0, $0xA;
	s2 =	sadd.s32 s3, s2  }
0x8d: {  	s2 =	sadd.s32 s2, s17  }
0x8e: {  	[smem:$0x3FBB] =	sst s2  }
0x8f: {  	_ = 	snop  }
0x90: {  	(tm) =	ssettm $0x1  }
0x91: {  	s18 =	sld [smem:$0x3FFB];
	_ =	sdelay $0x3  }
0x92: {  	_ =	strace s18  }
0x93: {  	s2 =	sld [smem:$0x3FFC];
	_ =	sdelay $0x3  }
0x94: {  	_ =	strace s2  }
0x95: {  	s2 =	sld [smem:$0x3FFD];
	_ =	sdelay $0x3  }
0x96: {  	_ =	strace s2  }
0x97: {  	_ =	strace $0x8FFFFFFF  }
0x98: {  	s19 =	sld [smem:$0x3FDB];
	_ =	sdelay $0x1  }
0x99: {  	s20 =	simm.s32 $_scs_section_size  }
0x9a: {  	s4 =	simm.s32 $_size__tile_overlayer_lowered;
	s5 =	simm.s32 $_tile_overlayer_lowered  }
0x9b: {  	s6 =	simm.s32 $0x1BFF;
	s21 =	sshll.u32 s5, $0x1;
	s3 =	sadd.s32 s20, s19  }
0x9c: {  	s22 =	simm.s32 $0x0;
	s4 =	sshll.u32 s4, $0x1;
	s5 =	sadd.s32 s21, s3  }
0x9d: {  	[timem:s22], [sflag:s6] =	dma.local [hbm:s5], s4  }
0x9e: {  	_ =	swait.ge [sflag:s6], s4  }
0x9f: {  	s4 =	ssub.s32 $0x0, s4;
	[sflag:s6] =	ssyncset.done $0x0  }
0xa0: {  	[sflag:s6] =	ssyncadd.s32 s4;
	_ =	sdelay $0x1  }
0xa1: {  	s23 =	simm.s32 $0x1B8B  }
0xa2: {  	_ =	swait.ge [sflag:s23], $0x1  }
0xa3: {  	[sflag:s23] =	ssyncset.done $0x0  }
0xa4: {  	[sflag:s23] =	ssyncadd.s32 $0xFFFFFFFF  }
0xa5: {  	s4 =	sld [smem:$0x0]  }
0xa6: {  	s5 =	sand.u32 $0xFFFFFFFE, s1  }
0xa7: {  	p0 =	sne.s32 s1, s5  }
0xa8: {  	s5 =	sshll.u32 @p0 s5, $0xE  }
0xa9: {  	s5 =	sadd.s32 @p0 $0x11B8D, s5;
	s6 =	sshll.u32 @p0 s4, $0x11  }
0xaa: {  	s5 =	sor.u32 @p0 s6, s5  }
0xab: {  	[sflag:s5] =	ssyncadd.remote.s32 @p0 $0x1;
	_ =	sdelay $0x1  }
0xac: {  	s5 =	simm.s32 @p0 $0x1B8D  }
0xad: {  	_ =	swait.eq @p0 [sflag:s5], $0x1  }
0xae: {  	[sflag:s5] =	ssyncadd.s32 @p0 $0xFFFFFFFF  }
0xaf: {  	s6 =	sshll.u32 @!p0 s1, $0xE  }
0xb0: {  	s6 =	sor.u32 @!p0 $0x4000, s6;
	s5 =	simm.s32 @!p0 $0x1B8D  }
0xb1: {  	s4 =	sshll.u32 @!p0 s4, $0x11;
	s6 =	sadd.s32 @!p0 $0x11B8D, s6;
	_ =	swait.eq @!p0 [sflag:s5], $0x1  }
0xb2: {  	s4 =	sor.u32 @!p0 s4, s6;
	[sflag:s5] =	ssyncadd.s32 @!p0 $0xFFFFFFFF  }
0xb3: {  	s25 =	simm.s32 $0x1B8E;
	s24 =	sld [smem:$0x3FFE];
	[sflag:s4] =	ssyncadd.remote.s32 @!p0 $0x1  }
0xb4: {  	s26 =	simm.s32 $execute0_lowered;
	[smem:$0x3FD2] =	sst s25  }
0xb5: {  	s5 =	sshll.u32 s26, $0x1;
	_ =	strace $0x80000052;
	[dreg:$0x1] =	wrdreg $0xFFFFFFFF  }
0xb6: {  	s28 =	simm.s32 $_size_execute0_lowered;
	s3 =	sadd.s32 s3, s5;
	[dreg:$0x0] =	wrdreg $0x0  }
0xb7: {  	s5 =	sshll.u32 s28, $0x1;
	[dreg:$0x2] =	wrdreg s3  }
0xb8: {  	[dreg:$0x3] =	wrdreg s5  }
0xb9: {  	[dreg:$0x4] =	wrdreg $0xC0  }
0xba: {  	_ =	task [dreg:s22], $0x5FFFF  }
0xbb: {  	[dreg:$0x1] =	wrdreg $0xFFFFFFFF  }
0xbc: {  	[dreg:$0x0] =	wrdreg $0x60  }
0xbd: {  	[dreg:$0x2] =	wrdreg s24  }
0xbe: {  	[dreg:$0x3] =	wrdreg $0x66800  }
0xbf: {  	[dreg:$0x4] =	wrdreg $0xB  }
0xc0: {  	_ =	task.clear_ibuf [dreg:s22], $0x5FFFF;
	_ =	strace $0x90000052  }
0xc1: {  	s29 =	simm.s32 $0xB;
	_ =	strace $0x80000054  }
0xc2: {  	_ =	swait.ge [sflag:s29], $0x1  }
0xc3: {  	[sflag:s29] =	ssyncadd.s32 $0xFFFFFFFF  }
0xc4: {  	_ =	strace $0x90000054  }
0xc5: {  	_ =	sfence  }
0xc6: {  	s30 =	sld [smem:$0x0];
	_ =	sdelay $0x2  }
0xc7: {  	s31 =	sshll.u32 s1, $0xD;
	s1 =	sshrl.u32 s1, $0x2  }
0xc8: {  	s4 =	sand.u32 $0x4000, s31;
	s1 =	sadd.s32 s1, s30  }
0xc9: {  	s0 =	sor.u32 s4, s0;
	s1 =	sshll.u32 s1, $0x11  }
0xca: {  	s0 =	sor.u32 s1, s0  }
0xcb: {  	s0 =	sadd.s32 $0x8F2B, s0  }
0xcc: {  	[sflag:s0] =	ssyncadd.remote.s32 $0x1  }
0xcd: {  	_ =	sfence.sel $0xFFFF  }
0xce: {  	[dreg:$0x0] =	wrdreg $0xFFFFFFFF;
	(pc) =	sbr.abs _section_cstart, $3  }
0xcf: {  	[dreg:$0x1] =	wrdreg $0xFFFFFFFF  }
0xd0: {  	_ =	task.clear_ibuf [dreg:s22], $0x2FFFF;
	_ =	strace $0x9FFFFFFF  }
0xd1: {  	(tm) =	ssettm $0x7FFFFFFF  }
tec
execute0_lowered:
.L_overlay_start_1:
0x0: {  	(tag) =	ssettag $0x1  }
0x1: {  	s0 =	rddreg [dreg:$0x0]  }
0x2: {  	s1 =	rddreg [dreg:$0x1];
	s2 =	simm.s32 $0x0  }
0x3: {  	s4 =	stileid.u32;
	s3 =	srdreg.scid;
	s12 =	simm.s32 $0x100  }
0x4: {  	s13 =	simm.s32 $0x2A80;
	s14 =	simm.s32 $0x180;
	s15 =	simm.s32 $0x3E80  }
0x5: {  	s16 =	simm.s32 $0x200;
	s17 =	simm.s32 $0x5280;
	s18 =	simm.s32 $0x1  }
0x6: {  	s19 =	simm.s32 $0x6;
	s20 =	simm.s32 $0x28;
	s5 =	smul.u32 $0x19000, s4  }
0x7: {  	s28 =	simm.s32 $0x5;
	s29 =	simm.s32 $0xA;
	s10 =	smul.u32 $0xA00, s4  }
0x8: {  	s30 =	simm.s32 $0x0;
	s6 =	sand.u32 $0x1, s3;
	s23 =	smul.u32 $0x5000, s4  }
0x9: {  	[smem:$0x7FF] =	sst s2;
	s3 =	sadd.s32 $0x589A00, s0;
	s7 =	smul.u32 $0x27100, s6  }
0xa: {  	s9 =	sadd.s32 $0x71A00, s0;
	p0 =	sne.s32 s4, $0x0;
	s8 =	smul.u32 $0xC800, s6  }
0xb: {  	_ =	strace $0x80000053;
	[dreg:$0x5] =	wrdreg s9;
	s11 =	smul.u32 $0x500, s6  }
0xc: {  	s21 =	ssub.s32 $0x2, s6;
	s25 =	smul.u32 $0x2800, s6;
	s9 =	simm.s32 $0x280  }
0xd: {  	s5 =	sadd.s32 s5, s0;
	s22 =	sshrl.u32 s21, $0x1;
	s31 =	sadd.s32 s10, s3  }
0xe: {  	s10 =	simm.s32 $0x80;
	s0 =	sadd.s32 s7, s0;
	s7 =	ssub.s32 s21, s22  }
0xf: {  	s5 =	sadd.s32 s8, s5;
	s21 =	simm.s32 $0x2;
	s0 =	sadd.s32 $0xE6E00, s0  }
0x10: {  	s22 =	simm.s32 $0x7;
	s26 =	smax.u32 s7, $0x1;
	[dreg:$0x6] =	wrdreg s0  }
0x11: {  	s24 =	sadd.s32 $0x723A00, s5;
	s5 =	sadd.s32 s25, s23;
	[dreg:$0x7] =	wrdreg s26  }
0x12: {  	s23 =	simm.s32 $0x3;
	s25 =	simm.s32 $0x4;
	[dreg:$0x3] =	wrdreg s24  }
0x13: {  	s0 =	sadd.s32 s11, s31;
	[dreg:$0x4] =	wrdreg s5;
	s5 =	sshrl.u32 @!p0 s1, $0x3  }
0x14: {  	s11 =	simm.s32 $0x1680;
	s0 =	sadd.s32 $0x40, s0;
	[dreg:$0x9] =	wrdreg s5  }
0x15: {  	s24 =	simm.s32 $0x8;
	s26 =	simm.s32 $0x9;
	[dreg:$0x8] =	wrdreg s0  }
.LBB2_1:
0x16: {  	s4 =	simm.s32 @!p0 $0x1C0B;
	s0 =	rddreg [dreg:$0x5]  }
0x17: {  	[spmem:s5], [sflag:s4] =	dma.local @!p0 [hbm:s0], $0x27100  }
0x18: {  	s4 =	simm.s32 @!p0 $0xB  }
0x19: {  	_ =	swait.ge @!p0 [sflag:s4], $0x27100  }
0x1a: {  	[sflag:s4] =	ssyncset.done @!p0 $0x0  }
0x1b: {  	[sflag:s4] =	ssyncadd.s32 @!p0 $0xFFFD8F00  }
0x1c: {  	[bflag:$0x0] =	sbarrier.arrive $0xFFFF  }
0x1d: {  	s6 =	rddreg [dreg:$0x4]  }
0x1e: {  	s4 =	sadd.s32 $0x0, s6  }
0x1f: {  	s7 =	sand.u32 $0x380, s2;
	s4 =	sand.u32 $0x7FFFFC00, s4  }
0x20: {  	s4 =	sor.u32 s7, s4  }
0x21: {  	s4 =	sshrl.u32 s4, $0x3  }
0x22: {  	s8 =	rddreg [dreg:$0x3];
	s4 =	sadd.s32 s3, s4  }
0x23: {  	[tilespmem:s2], [sflag:$0x1] =	stream.linear.gather [hbm4b:s4+s2], $0x80, $0x38;
	[tilespmem:$0x19F00] =	vst v63  }
0x24: {  	s7 =	rddreg [dreg:$0x8];
	s4 =	sadd.s32 $0x0, s8  }
0x25: {  	[tilespmem:s9], [sflag:$0x6] =	stream.linear.gather [hbm4b:s4+s2], $0x1400, $0x38;
	[tilespmem:$0x19F00] =	vst v63  }
0x26: {  	s0 =	sadd.s32 $0xFFFFFFD0, s7  }
0x27: {  	[tilespmem:s10], [sflag:$0x2] =	stream.linear.gather [hbm4b:s0+s2], $0x80, $0x38;
	[tilespmem:$0x19F00] =	vst v63  }
0x28: {  	s6 =	sadd.s32 $0x280, s4  }
0x29: {  	[tilespmem:s11], [sflag:$0x7] =	stream.linear.gather [hbm4b:s6+s2], $0x1400, $0x38;
	[tilespmem:$0x19F00] =	vst v63  }
0x2a: {  	s8 =	sadd.s32 $0xFFFFFFE0, s7  }
0x2b: {  	[tilespmem:s12], [sflag:$0x3] =	stream.linear.gather [hbm4b:s8+s2], $0x80, $0x38;
	[tilespmem:$0x19F00] =	vst v63  }
0x2c: {  	s0 =	sadd.s32 $0x500, s4  }
0x2d: {  	[tilespmem:s13], [sflag:$0x8] =	stream.linear.gather [hbm4b:s0+s2], $0x1400, $0x38;
	[tilespmem:$0x19F00] =	vst v63  }
0x2e: {  	s6 =	sadd.s32 $0xFFFFFFF0, s7  }
0x2f: {  	[tilespmem:s14], [sflag:$0x4] =	stream.linear.gather [hbm4b:s6+s2], $0x80, $0x38;
	[tilespmem:$0x19F00] =	vst v63  }
0x30: {  	s8 =	sadd.s32 $0x780, s4  }
0x31: {  	[tilespmem:s15], [sflag:$0x9] =	stream.linear.gather [hbm4b:s8+s2], $0x1400, $0x38;
	[tilespmem:$0x19F00] =	vst v63  }
0x32: {  	_ = 	snop  }
0x33: {  	[tilespmem:s16], [sflag:$0x5] =	stream.linear.gather [hbm4b:s7+s2], $0x80, $0x38;
	[tilespmem:$0x19F00] =	vst v63  }
0x34: {  	s4 =	sadd.s32 $0xA00, s4  }
0x35: {  	[tilespmem:s17], [sflag:$0xA] =	stream.linear.gather [hbm4b:s4+s2], $0x1400, $0x38;
	[tilespmem:$0x19F00] =	vst v63  }
0x36: {  	_ =	swait.ge [sflag:s18], $0x80  }
0x37: {  	[sflag:s18] =	ssyncset.done $0x0  }
0x38: {  	[sflag:s18] =	ssyncadd.s32 $0xFFFFFF80  }
0x39: {  	_ =	swait.ge [sflag:s19], $0x1400  }
0x3a: {  	[sflag:s19] =	ssyncset.done $0x0  }
0x3b: {  	[sflag:s19] =	ssyncadd.s32 $0xFFFFEC00  }
0x3c: {  	[spmem:s1] =	stream.indirect.scatter.add.f32 [tilespmem:s9], [sflag:$0x6], $0x80, s2, s20, $0xb8;
	[tilespmem:$0x19F00] =	vst v63  }
0x3d: {  	_ =	swait.ge [sflag:s21], $0x80  }
0x3e: {  	[sflag:s21] =	ssyncset.done $0x0  }
0x3f: {  	[sflag:s21] =	ssyncadd.s32 $0xFFFFFF80  }
0x40: {  	_ =	swait.ge [sflag:s22], $0x1400  }
0x41: {  	[sflag:s22] =	ssyncset.done $0x0  }
0x42: {  	[sflag:s22] =	ssyncadd.s32 $0xFFFFEC00  }
0x43: {  	[spmem:s1] =	stream.indirect.scatter.add.f32 [tilespmem:s11], [sflag:$0x7], $0x80, s10, s20, $0xb8;
	[tilespmem:$0x19F00] =	vst v63  }
0x44: {  	_ =	swait.ge [sflag:s23], $0x80  }
0x45: {  	[sflag:s23] =	ssyncset.done $0x0  }
0x46: {  	[sflag:s23] =	ssyncadd.s32 $0xFFFFFF80  }
0x47: {  	_ =	swait.ge [sflag:s24], $0x1400  }
0x48: {  	[sflag:s24] =	ssyncset.done $0x0  }
0x49: {  	[sflag:s24] =	ssyncadd.s32 $0xFFFFEC00  }
0x4a: {  	[spmem:s1] =	stream.indirect.scatter.add.f32 [tilespmem:s13], [sflag:$0x8], $0x80, s12, s20, $0xb8;
	[tilespmem:$0x19F00] =	vst v63  }
0x4b: {  	_ =	swait.ge [sflag:s25], $0x80  }
0x4c: {  	[sflag:s25] =	ssyncset.done $0x0  }
0x4d: {  	[sflag:s25] =	ssyncadd.s32 $0xFFFFFF80  }
0x4e: {  	_ =	swait.ge [sflag:s26], $0x1400  }
0x4f: {  	[sflag:s26] =	ssyncset.done $0x0  }
0x50: {  	[sflag:s26] =	ssyncadd.s32 $0xFFFFEC00  }
0x51: {  	[spmem:s1] =	stream.indirect.scatter.add.f32 [tilespmem:s15], [sflag:$0x9], $0x80, s14, s20, $0xb8;
	[tilespmem:$0x19F00] =	vst v63  }
0x52: {  	_ =	swait.ge [sflag:s28], $0x80  }
0x53: {  	[sflag:s28] =	ssyncset.done $0x0  }
0x54: {  	[sflag:s28] =	ssyncadd.s32 $0xFFFFFF80  }
0x55: {  	_ =	swait.ge [sflag:s29], $0x1400  }
0x56: {  	[sflag:s29] =	ssyncset.done $0x0  }
0x57: {  	[sflag:s29] =	ssyncadd.s32 $0xFFFFEC00  }
0x58: {  	[spmem:s1] =	stream.indirect.scatter.add.f32 [tilespmem:s17], [sflag:$0xA], $0x80, s16, s20, $0xb8;
	[tilespmem:$0x19F00] =	vst v63  }
0x59: {  	_ =	swait.ge [sflag:s19], $0x1400  }
0x5a: {  	[sflag:s19] =	ssyncset.done $0x0  }
0x5b: {  	[sflag:s19] =	ssyncadd.s32 $0xFFFFEC00  }
0x5c: {  	_ =	swait.ge [sflag:s22], $0x1400  }
0x5d: {  	[sflag:s22] =	ssyncset.done $0x0  }
0x5e: {  	[sflag:s22] =	ssyncadd.s32 $0xFFFFEC00  }
0x5f: {  	_ =	swait.ge [sflag:s24], $0x1400  }
0x60: {  	[sflag:s24] =	ssyncset.done $0x0  }
0x61: {  	[sflag:s24] =	ssyncadd.s32 $0xFFFFEC00  }
0x62: {  	_ =	swait.ge [sflag:s26], $0x1400  }
0x63: {  	[sflag:s26] =	ssyncset.done $0x0  }
0x64: {  	[sflag:s26] =	ssyncadd.s32 $0xFFFFEC00  }
0x65: {  	s31 =	simm.s32 $0xC80;
	s5 =	simm.s32 $0x0;
	_ =	swait.ge [sflag:s29], $0x1400  }
0x66: {  	s4 =	simm.s32 $0x1900;
	s6 =	rddreg [dreg:$0x4];
	[sflag:s29] =	ssyncset.done $0x0  }
.LBB2_2:
0x67: {  	s5 =	sadd.s32 $0x280, s5  }
0x68: {  	s6 =	sadd.s32 s5, s6  }
0x69: {  	s0 =	sand.u32 $0x380, s5;
	s6 =	sand.u32 $0x7FFFFC00, s6  }
0x6a: {  	s0 =	sor.u32 s0, s6  }
0x6b: {  	s0 =	sshrl.u32 s0, $0x3  }
0x6c: {  	[sflag:s29] =	ssyncadd.s32 $0xFFFFEC00;
	s6 =	rddreg [dreg:$0x3];
	s0 =	sadd.s32 s3, s0  }
0x6d: {  	[tilespmem:s2], [sflag:$0x1] =	stream.linear.gather [hbm4b:s0+s2], $0x80, $0x38;
	[tilespmem:$0x19F00] =	vst v63  }
0x6e: {  	s7 =	sadd.s32 $0x50, s7;
	s8 =	smov.u32 s4;
	s0 =	sadd.s32 s31, s6  }
0x6f: {  	[tilespmem:s9], [sflag:$0x6] =	stream.linear.gather [hbm4b:s0+s2], $0x1400, $0x38;
	[tilespmem:$0x19F00] =	vst v63  }
0x70: {  	s31 =	smov.u32 s8;
	s8 =	sadd.s32 $0xFFFFFFD0, s7  }
0x71: {  	[tilespmem:s10], [sflag:$0x2] =	stream.linear.gather [hbm4b:s8+s2], $0x80, $0x38;
	[tilespmem:$0x19F00] =	vst v63  }
0x72: {  	s8 =	sadd.s32 $0x280, s0  }
0x73: {  	[tilespmem:s11], [sflag:$0x7] =	stream.linear.gather [hbm4b:s8+s2], $0x1400, $0x38;
	[tilespmem:$0x19F00] =	vst v63  }
0x74: {  	s8 =	sadd.s32 $0xFFFFFFE0, s7  }
0x75: {  	[tilespmem:s12], [sflag:$0x3] =	stream.linear.gather [hbm4b:s8+s2], $0x80, $0x38;
	[tilespmem:$0x19F00] =	vst v63  }
0x76: {  	s8 =	sadd.s32 $0x500, s0  }
0x77: {  	[tilespmem:s13], [sflag:$0x8] =	stream.linear.gather [hbm4b:s8+s2], $0x1400, $0x38;
	[tilespmem:$0x19F00] =	vst v63  }
0x78: {  	s8 =	sadd.s32 $0xFFFFFFF0, s7  }
0x79: {  	[tilespmem:s14], [sflag:$0x4] =	stream.linear.gather [hbm4b:s8+s2], $0x80, $0x38;
	[tilespmem:$0x19F00] =	vst v63  }
0x7a: {  	s8 =	sadd.s32 $0x780, s0  }
0x7b: {  	[tilespmem:s15], [sflag:$0x9] =	stream.linear.gather [hbm4b:s8+s2], $0x1400, $0x38;
	[tilespmem:$0x19F00] =	vst v63  }
0x7c: {  	_ = 	snop  }
0x7d: {  	[tilespmem:s16], [sflag:$0x5] =	stream.linear.gather [hbm4b:s7+s2], $0x80, $0x38;
	[tilespmem:$0x19F00] =	vst v63  }
0x7e: {  	s0 =	sadd.s32 $0xA00, s0  }
0x7f: {  	[tilespmem:s17], [sflag:$0xA] =	stream.linear.gather [hbm4b:s0+s2], $0x1400, $0x38;
	[tilespmem:$0x19F00] =	vst v63  }
0x80: {  	_ =	swait.ge [sflag:s18], $0x80  }
0x81: {  	[sflag:s18] =	ssyncset.done $0x0  }
0x82: {  	[sflag:s18] =	ssyncadd.s32 $0xFFFFFF80  }
0x83: {  	_ =	swait.ge [sflag:s19], $0x1400  }
0x84: {  	[sflag:s19] =	ssyncset.done $0x0  }
0x85: {  	[sflag:s19] =	ssyncadd.s32 $0xFFFFEC00  }
0x86: {  	[spmem:s1] =	stream.indirect.scatter.add.f32 [tilespmem:s9], [sflag:$0x6], $0x80, s2, s20, $0xb8;
	[tilespmem:$0x19F00] =	vst v63  }
0x87: {  	_ =	swait.ge [sflag:s21], $0x80  }
0x88: {  	[sflag:s21] =	ssyncset.done $0x0  }
0x89: {  	[sflag:s21] =	ssyncadd.s32 $0xFFFFFF80  }
0x8a: {  	_ =	swait.ge [sflag:s22], $0x1400  }
0x8b: {  	[sflag:s22] =	ssyncset.done $0x0  }
0x8c: {  	[sflag:s22] =	ssyncadd.s32 $0xFFFFEC00  }
0x8d: {  	[spmem:s1] =	stream.indirect.scatter.add.f32 [tilespmem:s11], [sflag:$0x7], $0x80, s10, s20, $0xb8;
	[tilespmem:$0x19F00] =	vst v63  }
0x8e: {  	_ =	swait.ge [sflag:s23], $0x80  }
0x8f: {  	[sflag:s23] =	ssyncset.done $0x0  }
0x90: {  	[sflag:s23] =	ssyncadd.s32 $0xFFFFFF80  }
0x91: {  	_ =	swait.ge [sflag:s24], $0x1400  }
0x92: {  	[sflag:s24] =	ssyncset.done $0x0  }
0x93: {  	[sflag:s24] =	ssyncadd.s32 $0xFFFFEC00  }
0x94: {  	[spmem:s1] =	stream.indirect.scatter.add.f32 [tilespmem:s13], [sflag:$0x8], $0x80, s12, s20, $0xb8;
	[tilespmem:$0x19F00] =	vst v63  }
0x95: {  	_ =	swait.ge [sflag:s25], $0x80  }
0x96: {  	[sflag:s25] =	ssyncset.done $0x0  }
0x97: {  	[sflag:s25] =	ssyncadd.s32 $0xFFFFFF80  }
0x98: {  	_ =	swait.ge [sflag:s26], $0x1400  }
0x99: {  	[sflag:s26] =	ssyncset.done $0x0  }
0x9a: {  	[sflag:s26] =	ssyncadd.s32 $0xFFFFEC00  }
0x9b: {  	[spmem:s1] =	stream.indirect.scatter.add.f32 [tilespmem:s15], [sflag:$0x9], $0x80, s14, s20, $0xb8;
	[tilespmem:$0x19F00] =	vst v63  }
0x9c: {  	_ =	swait.ge [sflag:s28], $0x80  }
0x9d: {  	[sflag:s28] =	ssyncset.done $0x0  }
0x9e: {  	[sflag:s28] =	ssyncadd.s32 $0xFFFFFF80  }
0x9f: {  	_ =	swait.ge [sflag:s29], $0x1400  }
0xa0: {  	[sflag:s29] =	ssyncset.done $0x0  }
0xa1: {  	[sflag:s29] =	ssyncadd.s32 $0xFFFFEC00  }
0xa2: {  	[spmem:s1] =	stream.indirect.scatter.add.f32 [tilespmem:s17], [sflag:$0xA], $0x80, s16, s20, $0xb8;
	[tilespmem:$0x19F00] =	vst v63  }
0xa3: {  	_ =	swait.ge [sflag:s19], $0x1400  }
0xa4: {  	[sflag:s19] =	ssyncset.done $0x0  }
0xa5: {  	[sflag:s19] =	ssyncadd.s32 $0xFFFFEC00  }
0xa6: {  	_ =	swait.ge [sflag:s22], $0x1400  }
0xa7: {  	[sflag:s22] =	ssyncset.done $0x0  }
0xa8: {  	[sflag:s22] =	ssyncadd.s32 $0xFFFFEC00  }
0xa9: {  	_ =	swait.ge [sflag:s24], $0x1400  }
0xaa: {  	[sflag:s24] =	ssyncset.done $0x0  }
0xab: {  	p1 =	sne.s32 s4, $0xBB80;
	[sflag:s24] =	ssyncadd.s32 $0xFFFFEC00  }
.Ltmp0:
0xac: {  	_ =	swait.ge [sflag:s26], $0x1400;
	(pc) =	sbr.rel @p1 .LBB2_2-.Ltmp0, $4  }
0xad: {  	[sflag:s26] =	ssyncset.done $0x0  }
0xae: {  	[sflag:s26] =	ssyncadd.s32 $0xFFFFEC00  }
0xaf: {  	_ =	swait.ge [sflag:s29], $0x1400  }
0xb0: {  	s4 =	sadd.s32 $0xC80, s4;
	s6 =	rddreg [dreg:$0x4];
	[sflag:s29] =	ssyncset.done $0x0  }
0xb1: {  	s0 =	sadd.s32 $0x280, s5  }
0xb2: {  	s4 =	sadd.s32 s0, s6  }
0xb3: {  	s0 =	sand.u32 $0x380, s0;
	s4 =	sand.u32 $0x7FFFFC00, s4  }
0xb4: {  	s0 =	sor.u32 s0, s4  }
0xb5: {  	s0 =	sshrl.u32 s0, $0x3  }
0xb6: {  	s5 =	rddreg [dreg:$0x3];
	[sflag:s29] =	ssyncadd.s32 $0xFFFFEC00;
	s0 =	sadd.s32 s3, s0  }
0xb7: {  	[tilespmem:s2], [sflag:$0x1] =	stream.linear.gather [hbm4b:s0+s2], $0x80, $0x38;
	[tilespmem:$0x19F00] =	vst v63  }
0xb8: {  	s4 =	sadd.s32 s31, s5;
	s0 =	sadd.s32 $0x50, s7  }
0xb9: {  	[tilespmem:s9], [sflag:$0x6] =	stream.linear.gather [hbm4b:s4+s2], $0x1400, $0x38;
	[tilespmem:$0x19F00] =	vst v63  }
0xba: {  	s6 =	sadd.s32 $0xFFFFFFD0, s0  }
0xbb: {  	[tilespmem:s10], [sflag:$0x2] =	stream.linear.gather [hbm4b:s6+s2], $0x80, $0x38;
	[tilespmem:$0x19F00] =	vst v63  }
0xbc: {  	s7 =	sadd.s32 $0x280, s4  }
0xbd: {  	[tilespmem:s11], [sflag:$0x7] =	stream.linear.gather [hbm4b:s7+s2], $0x1400, $0x38;
	[tilespmem:$0x19F00] =	vst v63  }
0xbe: {  	s8 =	sadd.s32 $0xFFFFFFE0, s0  }
0xbf: {  	[tilespmem:s12], [sflag:$0x3] =	stream.linear.gather [hbm4b:s8+s2], $0x80, $0x38;
	[tilespmem:$0x19F00] =	vst v63  }
0xc0: {  	s31 =	sadd.s32 $0x500, s4  }
0xc1: {  	[tilespmem:s13], [sflag:$0x8] =	stream.linear.gather [hbm4b:s31+s2], $0x1400, $0x38;
	[tilespmem:$0x19F00] =	vst v63  }
0xc2: {  	s6 =	sadd.s32 $0xFFFFFFF0, s0  }
0xc3: {  	[tilespmem:s14], [sflag:$0x4] =	stream.linear.gather [hbm4b:s6+s2], $0x80, $0x38;
	[tilespmem:$0x19F00] =	vst v63  }
0xc4: {  	s7 =	sadd.s32 $0x780, s4  }
0xc5: {  	[tilespmem:s15], [sflag:$0x9] =	stream.linear.gather [hbm4b:s7+s2], $0x1400, $0x38;
	[tilespmem:$0x19F00] =	vst v63  }
0xc6: {  	_ = 	snop  }
0xc7: {  	[tilespmem:s16], [sflag:$0x5] =	stream.linear.gather [hbm4b:s0+s2], $0x80, $0x38;
	[tilespmem:$0x19F00] =	vst v63  }
0xc8: {  	s8 =	sadd.s32 $0xA00, s4  }
0xc9: {  	[tilespmem:s17], [sflag:$0xA] =	stream.linear.gather [hbm4b:s8+s2], $0x1400, $0x38;
	[tilespmem:$0x19F00] =	vst v63  }
0xca: {  	_ =	swait.ge [sflag:s18], $0x80  }
0xcb: {  	[sflag:s18] =	ssyncset.done $0x0  }
0xcc: {  	[sflag:s18] =	ssyncadd.s32 $0xFFFFFF80  }
0xcd: {  	_ =	swait.ge [sflag:s19], $0x1400  }
0xce: {  	[sflag:s19] =	ssyncset.done $0x0  }
0xcf: {  	[sflag:s19] =	ssyncadd.s32 $0xFFFFEC00  }
0xd0: {  	[spmem:s1] =	stream.indirect.scatter.add.f32 [tilespmem:s9], [sflag:$0x6], $0x80, s2, s20, $0xb8;
	[tilespmem:$0x19F00] =	vst v63  }
0xd1: {  	_ =	swait.ge [sflag:s21], $0x80  }
0xd2: {  	[sflag:s21] =	ssyncset.done $0x0  }
0xd3: {  	[sflag:s21] =	ssyncadd.s32 $0xFFFFFF80  }
0xd4: {  	_ =	swait.ge [sflag:s22], $0x1400  }
0xd5: {  	[sflag:s22] =	ssyncset.done $0x0  }
0xd6: {  	[sflag:s22] =	ssyncadd.s32 $0xFFFFEC00  }
0xd7: {  	[spmem:s1] =	stream.indirect.scatter.add.f32 [tilespmem:s11], [sflag:$0x7], $0x80, s10, s20, $0xb8;
	[tilespmem:$0x19F00] =	vst v63  }
0xd8: {  	_ =	swait.ge [sflag:s23], $0x80  }
0xd9: {  	[sflag:s23] =	ssyncset.done $0x0  }
0xda: {  	[sflag:s23] =	ssyncadd.s32 $0xFFFFFF80  }
0xdb: {  	_ =	swait.ge [sflag:s24], $0x1400  }
0xdc: {  	[sflag:s24] =	ssyncset.done $0x0  }
0xdd: {  	[sflag:s24] =	ssyncadd.s32 $0xFFFFEC00  }
0xde: {  	[spmem:s1] =	stream.indirect.scatter.add.f32 [tilespmem:s13], [sflag:$0x8], $0x80, s12, s20, $0xb8;
	[tilespmem:$0x19F00] =	vst v63  }
0xdf: {  	_ =	swait.ge [sflag:s25], $0x80  }
0xe0: {  	[sflag:s25] =	ssyncset.done $0x0  }
0xe1: {  	[sflag:s25] =	ssyncadd.s32 $0xFFFFFF80  }
0xe2: {  	_ =	swait.ge [sflag:s26], $0x1400  }
0xe3: {  	[sflag:s26] =	ssyncset.done $0x0  }
0xe4: {  	[sflag:s26] =	ssyncadd.s32 $0xFFFFEC00  }
0xe5: {  	[spmem:s1] =	stream.indirect.scatter.add.f32 [tilespmem:s15], [sflag:$0x9], $0x80, s14, s20, $0xb8;
	[tilespmem:$0x19F00] =	vst v63  }
0xe6: {  	_ =	swait.ge [sflag:s28], $0x80  }
0xe7: {  	[sflag:s28] =	ssyncset.done $0x0  }
0xe8: {  	[sflag:s28] =	ssyncadd.s32 $0xFFFFFF80  }
0xe9: {  	_ =	swait.ge [sflag:s29], $0x1400  }
0xea: {  	[sflag:s29] =	ssyncset.done $0x0  }
0xeb: {  	[sflag:s29] =	ssyncadd.s32 $0xFFFFEC00  }
0xec: {  	[spmem:s1] =	stream.indirect.scatter.add.f32 [tilespmem:s17], [sflag:$0xA], $0x80, s16, s20, $0xb8;
	[tilespmem:$0x19F00] =	vst v63  }
0xed: {  	_ =	swait.ge [sflag:s19], $0x1400  }
0xee: {  	[sflag:s19] =	ssyncset.done $0x0  }
0xef: {  	[sflag:s19] =	ssyncadd.s32 $0xFFFFEC00  }
0xf0: {  	_ =	swait.ge [sflag:s22], $0x1400  }
0xf1: {  	[sflag:s22] =	ssyncset.done $0x0  }
0xf2: {  	[sflag:s22] =	ssyncadd.s32 $0xFFFFEC00  }
0xf3: {  	_ =	swait.ge [sflag:s24], $0x1400  }
0xf4: {  	[sflag:s24] =	ssyncset.done $0x0  }
0xf5: {  	[sflag:s24] =	ssyncadd.s32 $0xFFFFEC00  }
0xf6: {  	_ =	swait.ge [sflag:s26], $0x1400  }
0xf7: {  	[sflag:s26] =	ssyncset.done $0x0  }
0xf8: {  	[sflag:s26] =	ssyncadd.s32 $0xFFFFEC00  }
0xf9: {  	_ =	swait.ge [sflag:s29], $0x1400  }
0xfa: {  	[sflag:s29] =	ssyncset.done $0x0  }
0xfb: {  	[sflag:s29] =	ssyncadd.s32 $0xFFFFEC00  }
0xfc: {  	[bflag:$0x0] =	sbarrier.arrive $0xFFFF  }
0xfd: {  	s4 =	rddreg [dreg:$0x6]  }
0xfe: {  	s0 =	simm.s32 @!p0 $0x1C0B;
	s5 =	rddreg [dreg:$0x9]  }
0xff: {  	[hbm:s4], [sflag:s0] =	dma.local @!p0 [spmem:s5], $0x27100  }
0x100: {  	s0 =	simm.s32 @!p0 $0xB  }
0x101: {  	_ =	swait.ge @!p0 [sflag:s0], $0x27100  }
0x102: {  	s30 =	sadd.s32 $0x1, s30;
	s31 =	rddreg [dreg:$0x7]  }
0x103: {  	p1 =	sne.s32 s30, s31  }
.Ltmp1:
0x104: {  	_ = 	snop;
	(pc) =	sbr.rel @p1 .LBB2_1-.Ltmp1, $3  }
0x105: {  	_ =	sdelay $0x1  }
0x106: {  	[sflag:s0] =	ssyncset.done @!p0 $0x0  }
0x107: {  	[sflag:s0] =	ssyncadd.s32 @!p0 $0xFFFD8F00  }
0x108: {  	_ =	sfence.sel $0x180000  }
0x109: {  	[bflag:$0x0] =	sbarrier.arrive $0xFFFF  }
0x10a: {  	_ =	strace $0x90000053  }
0x10b: {  	[bflag:$0x2] =	sbarrier.arrive $0xFFFF  }
0x10c: {  	s0 =	rddreg [dreg:$0x2]  }
0x10d: {  	s0 =	sadd.s32 @!p0 $0x100000, s0  }
0x10e: {  	[sflag:s0] =	ssyncadd.tile.s32 @!p0 $0x1;
	_ =	shalt  }
.Lfunc_end2:
_tile_overlayer_lowered:
.L_overlay_start_2:
0x10f: {  	(tag) =	ssettag $0x2  }
0x110: {  	s0 =	rddreg [dreg:$0x0];
	s2 =	stileid.u32  }
0x111: {  	s1 =	rddreg [dreg:$0x1];
	p0 =	sne.s32 s2, $0x0  }
0x112: {  	s3 =	rddreg [dreg:$0x2];
	[bflag:$0x3] =	sbarrier.arrive $0xFFFF;
	s2 =	simm.s32 @!p0 $0x1C0B  }
0x113: {  	[timem:s3], [sflag:s2] =	dma.local @!p0 [hbm:s0], s1  }
0x114: {  	s0 =	simm.s32 @!p0 $0xB  }
0x115: {  	_ =	swait.ge @!p0 [sflag:s0], s1  }
0x116: {  	s1 =	ssub.s32 @!p0 $0x0, s1;
	[sflag:s0] =	ssyncset.done @!p0 $0x0  }
0x117: {  	[sflag:s0] =	ssyncadd.s32 @!p0 s1  }
0x118: {  	[bflag:$0x3] =	sbarrier.arrive $0xFFFF  }
0x119: {  	_ =	shalt  }

// kernel: kernel.19.cloned.1.call-start
scs
__scs_entry_jumppad:
0x0: {  	(pc) =	sbr.rel $0x88, $3  }
0x1: {  	(tag) =	ssettag $0x0;
	lr =	simm.s32 $0x1  }
0x2: {  	[smem:$0x3F94] =	sst lr;
	_ =	strace $0xD0000000  }
0x3: {  	_ = 	snop  }
0x4: {  	_ = 	snop  }
0x5: {  	_ = 	snop  }
0x6: {  	_ = 	snop  }
0x7: {  	_ = 	snop  }
__scs_overlays_trampoline_lowered:
0x8: {  	[smem:$0x3FA3] =	sst s0  }
0x9: {  	[smem:$0x3FA4] =	sst s1  }
0xa: {  	[smem:$0x3FA5] =	sst s2  }
0xb: {  	[smem:$0x3FA6] =	sst s3  }
0xc: {  	[smem:$0x3FA7] =	sst s4  }
0xd: {  	[smem:$0x3FA8] =	sst s5  }
0xe: {  	[smem:$0x3FA9] =	sst s6  }
0xf: {  	[smem:$0x3FAA] =	sst s7  }
0x10: {  	[smem:$0x3FAB] =	sst s8  }
0x11: {  	[smem:$0x3FAC] =	sst s9;
	s0 =	simm.s32 @!p0 $0x0  }
0x12: {  	s1 =	sld [smem:$0x3F92];
	s0 =	simm.s32 @p0 $0x1  }
0x13: {  	[smem:$0x3FAD] =	sst s0;
	s0 =	simm.s32 @!p1 $0x0  }
0x14: {  	s2 =	sld [smem:$0x3F91];
	s0 =	simm.s32 @p1 $0x1  }
0x15: {  	[smem:$0x3FAE] =	sst s0;
	s0 =	simm.s32 @!p2 $0x0  }
0x16: {  	s3 =	sld [smem:$0x3FDB];
	s0 =	simm.s32 @p2 $0x1  }
0x17: {  	s4 =	simm.s32 $0x1BF5;
	[smem:$0x3FB0] =	sst s0  }
0x18: {  	s0 =	sld [smem:$0x3F93];
	_ =	swait.ge [sflag:s4], $0x0  }
0x19: {  	s7 =	sld [smem:$0x3F94]  }
0x1a: {  	s8 =	sadd.s32 $0xFFFFE003, lr  }
0x1b: {  	s9 =	sadd.s32 $0xFFFFFEF7, lr;
	s5 =	simm.s32 $0xFFFFFFFF;
	p2 =	slt.u32 s8, $0xFFFFF086  }
0x1c: {  	p1 =	slt.u32 s9, $0xF7A;
	s5 =	simm.s32 @!p2 $0x0  }
0x1d: {  	s5 =	simm.s32 @p1 $0x1;
	p0 =	seq.s32 s7, s2  }
0x1e: {  	s7 =	smul.u32 @!p0 $0xF7A, s2;
	p2 =	seq.s32 @!p0 s5, $0x0  }
0x1f: {  	s9 =	smul.u32 $0xF7A, s1;
	s8 =	simm.s32 @!p0 $0x1BF5;
	p2 =	por !p2, p0  }
0x20: {  	[sflag:s8] =	ssyncset.s32 @!p0 $0xFFFFF086;
	s6 =	sadd.s32 @!p0 s3, s7;
	s7 =	simm.s32 @!p0 $0x108  }
0x21: {  	s3 =	sadd.s32 s3, s9;
	s6 =	sadd.s32 @!p0 $0x88, s6;
	s7 =	simm.s32 @p2 $0x1082  }
0x22: {  	[simem:s7], [sflag:s8] =	dma.local @!p0 [hbm:s6], $0xF7A  }
0x23: {  	s9 =	sor.u32 $0xD0000000, s2;
	s6 =	simm.s32 $0x108;
	_ =	swait.ge @!p0 [sflag:s8], $0x0  }
0x24: {  	s3 =	sadd.s32 $0x88, s3;
	s6 =	simm.s32 @!p1 $0x1082;
	[sflag:s4] =	ssyncset.s32 $0xFFFFF086  }
0x25: {  	[simem:s6], [sflag:s4] =	dma.local [hbm:s3], $0xF7A  }
0x26: {  	[smem:$0x3F94] =	sst s1;
	(tag) =	ssettag s2;
	_ =	strace s9  }
0x27: {  	s1 =	sld [smem:$0x3FA4]  }
0x28: {  	s2 =	sld [smem:$0x3FA5]  }
0x29: {  	s4 =	sld [smem:$0x3FA7]  }
0x2a: {  	p0 =	seq.s32 s5, $0x0;
	s5 =	sld [smem:$0x3FA8]  }
0x2b: {  	s6 =	sld [smem:$0x3FA9]  }
0x2c: {  	s7 =	sld [smem:$0x3FAA]  }
0x2d: {  	s3 =	simm.s32 $0x108;
	s8 =	sld [smem:$0x3FAB]  }
0x2e: {  	s3 =	simm.s32 @!p0 $0x1082;
	s9 =	sld [smem:$0x3FAC]  }
0x2f: {  	lr =	sadd.s32 s0, s3;
	s0 =	sld [smem:$0x3FA3]  }
0x30: {  	s3 =	sld [smem:$0x3FA6]  }
0x31: {  	[smem:$0x3FAF] =	sst s10  }
0x32: {  	s10 =	sld [smem:$0x3FAD];
	_ =	sdelay $0x3  }
0x33: {  	p0 =	seq.s32 s10, $0x1;
	s10 =	sld [smem:$0x3FAF];
	_ =	sdelay $0x3  }
0x34: {  	[smem:$0x3FAF] =	sst s10  }
0x35: {  	s10 =	sld [smem:$0x3FAE];
	_ =	sdelay $0x3  }
0x36: {  	p1 =	seq.s32 s10, $0x1;
	s10 =	sld [smem:$0x3FAF];
	_ =	sdelay $0x3  }
0x37: {  	[smem:$0x3FAF] =	sst s10  }
0x38: {  	s10 =	sld [smem:$0x3FB0]  }
0x39: {  	_ = 	snop;
	(pc) =	sbr.ind lr, $3  }
0x3a: {  	_ = 	snop  }
0x3b: {  	_ = 	snop  }
0x3c: {  	p2 =	seq.s32 s10, $0x1;
	s10 =	sld [smem:$0x3FAF]  }
0x3d: {  	_ =	shalt  }
0x3e: {  	_ =	shalt  }
0x3f: {  	_ =	shalt  }
0x40: {  	_ =	shalt  }
0x41: {  	_ =	shalt  }
0x42: {  	_ =	shalt  }
0x43: {  	_ =	shalt  }
0x44: {  	_ =	shalt  }
0x45: {  	_ =	shalt  }
0x46: {  	_ =	shalt  }
0x47: {  	_ =	shalt  }
0x48: {  	_ =	shalt  }
0x49: {  	_ =	shalt  }
0x4a: {  	_ =	shalt  }
0x4b: {  	_ =	shalt  }
0x4c: {  	_ =	shalt  }
0x4d: {  	_ =	shalt  }
0x4e: {  	_ =	shalt  }
0x4f: {  	_ =	shalt  }
0x50: {  	_ =	shalt  }
0x51: {  	_ =	shalt  }
0x52: {  	_ =	shalt  }
0x53: {  	_ =	shalt  }
0x54: {  	_ =	shalt  }
0x55: {  	_ =	shalt  }
0x56: {  	_ =	shalt  }
0x57: {  	_ =	shalt  }
0x58: {  	_ =	shalt  }
0x59: {  	_ =	shalt  }
0x5a: {  	_ =	shalt  }
0x5b: {  	_ =	shalt  }
0x5c: {  	_ =	shalt  }
0x5d: {  	_ =	shalt  }
0x5e: {  	_ =	shalt  }
0x5f: {  	_ =	shalt  }
0x60: {  	_ =	shalt  }
0x61: {  	_ =	shalt  }
0x62: {  	_ =	shalt  }
0x63: {  	_ =	shalt  }
0x64: {  	_ =	shalt  }
0x65: {  	_ =	shalt  }
0x66: {  	_ =	shalt  }
0x67: {  	_ =	shalt  }
0x68: {  	_ =	shalt  }
0x69: {  	_ =	shalt  }
0x6a: {  	_ =	shalt  }
0x6b: {  	_ =	shalt  }
0x6c: {  	_ =	shalt  }
0x6d: {  	_ =	shalt  }
0x6e: {  	_ =	shalt  }
0x6f: {  	_ =	shalt  }
0x70: {  	_ =	shalt  }
0x71: {  	_ =	shalt  }
0x72: {  	_ =	shalt  }
0x73: {  	_ =	shalt  }
0x74: {  	_ =	shalt  }
0x75: {  	_ =	shalt  }
0x76: {  	_ =	shalt  }
0x77: {  	_ =	shalt  }
0x78: {  	_ =	shalt  }
0x79: {  	_ =	shalt  }
0x7a: {  	_ =	shalt  }
0x7b: {  	_ =	shalt  }
0x7c: {  	_ =	shalt  }
0x7d: {  	_ =	shalt  }
0x7e: {  	_ =	shalt  }
0x7f: {  	_ =	shalt  }
0x80: {  	_ =	shalt  }
0x81: {  	_ =	shalt  }
0x82: {  	_ =	shalt  }
0x83: {  	_ =	shalt  }
0x84: {  	_ =	shalt  }
0x85: {  	_ =	shalt  }
0x86: {  	_ =	shalt  }
0x87: {  	_ =	shalt  }
.Lfunc_end0:
.L_simem_size_0:
called_computation.2_lowered:
.L_overlay_start_0:
0x88: {  	s2 =	sld [smem:$0x3FD9]  }
0x89: {  	s3 =	sld [smem:$0x3FFE];
	_ =	sdelay $0x1  }
0x8a: {  	s1 =	srdreg.scid  }
0x8b: {  	s0 =	sand.u32 $0x1, s1  }
0x8c: {  	s16 =	sshll.u32 s0, $0xA;
	s2 =	sadd.s32 s3, s2  }
0x8d: {  	s2 =	sadd.s32 s2, s16  }
0x8e: {  	[smem:$0x3FBB] =	sst s2  }
0x8f: {  	_ = 	snop  }
0x90: {  	(tm) =	ssettm $0x1  }
0x91: {  	s17 =	sld [smem:$0x3FFB];
	_ =	sdelay $0x3  }
0x92: {  	_ =	strace s17  }
0x93: {  	s2 =	sld [smem:$0x3FFC];
	_ =	sdelay $0x3  }
0x94: {  	_ =	strace s2  }
0x95: {  	s2 =	sld [smem:$0x3FFD];
	_ =	sdelay $0x3  }
0x96: {  	_ =	strace s2  }
0x97: {  	_ =	strace $0x8FFFFFFF  }
0x98: {  	s18 =	sld [smem:$0x3FDB];
	_ =	sdelay $0x1  }
0x99: {  	s19 =	simm.s32 $_scs_section_size  }
0x9a: {  	s4 =	simm.s32 $_size__tile_overlayer_lowered;
	s5 =	simm.s32 $_tile_overlayer_lowered  }
0x9b: {  	s22 =	simm.s32 $0x1BFF;
	s21 =	sshll.u32 s5, $0x1;
	s2 =	sadd.s32 s19, s18  }
0x9c: {  	s6 =	simm.s32 $0x0;
	s20 =	sshll.u32 s4, $0x1;
	s4 =	sadd.s32 s21, s2  }
0x9d: {  	[timem:s6], [sflag:s22] =	dma.local [hbm:s4], s20  }
0x9e: {  	_ =	swait.ge [sflag:s22], s20  }
0x9f: {  	s3 =	ssub.s32 $0x0, s20;
	[sflag:s22] =	ssyncset.done $0x0  }
0xa0: {  	[sflag:s22] =	ssyncadd.s32 s3;
	_ =	sdelay $0x1  }
0xa1: {  	s23 =	simm.s32 $0x1B8B  }
0xa2: {  	_ =	swait.ge [sflag:s23], $0x1  }
0xa3: {  	[sflag:s23] =	ssyncset.done $0x0  }
0xa4: {  	s25 =	simm.s32 $0x1B8E;
	s24 =	sld [smem:$0x3FFE];
	[sflag:s23] =	ssyncadd.s32 $0xFFFFFFFF  }
0xa5: {  	s26 =	simm.s32 $execute0_lowered;
	[smem:$0x3FD2] =	sst s25  }
0xa6: {  	s4 =	sshll.u32 s26, $0x1;
	_ =	strace $0x80000046;
	[dreg:$0x1] =	wrdreg $0xFFFFFFFF  }
0xa7: {  	s28 =	simm.s32 $_size_execute0_lowered;
	s2 =	sadd.s32 s2, s4;
	[dreg:$0x0] =	wrdreg $0x0  }
0xa8: {  	s4 =	sshll.u32 s28, $0x1;
	[dreg:$0x2] =	wrdreg s2  }
0xa9: {  	[dreg:$0x3] =	wrdreg s4  }
0xaa: {  	[dreg:$0x4] =	wrdreg $0xC0  }
0xab: {  	_ =	task [dreg:s6], $0x5FFFF  }
0xac: {  	[dreg:$0x1] =	wrdreg $0xFFFFFFFF  }
0xad: {  	[dreg:$0x0] =	wrdreg $0x60  }
0xae: {  	[dreg:$0x2] =	wrdreg s24  }
0xaf: {  	[dreg:$0x3] =	wrdreg $0x9  }
0xb0: {  	_ =	task.clear_ibuf [dreg:s6], $0x4FFFF;
	_ =	strace $0x90000046  }
0xb1: {  	s29 =	simm.s32 $0x9;
	_ =	strace $0x80000048  }
0xb2: {  	_ =	swait.ge [sflag:s29], $0x1  }
0xb3: {  	[sflag:s29] =	ssyncadd.s32 $0xFFFFFFFF  }
0xb4: {  	_ =	strace $0x90000048  }
0xb5: {  	_ =	sfence  }
0xb6: {  	s30 =	sld [smem:$0x0];
	_ =	sdelay $0x2  }
0xb7: {  	s31 =	sshll.u32 s1, $0xD;
	s1 =	sshrl.u32 s1, $0x2  }
0xb8: {  	s3 =	sand.u32 $0x4000, s31;
	s1 =	sadd.s32 s1, s30  }
0xb9: {  	s0 =	sor.u32 s3, s0;
	s1 =	sshll.u32 s1, $0x11  }
0xba: {  	s0 =	sor.u32 s1, s0  }
0xbb: {  	s0 =	sadd.s32 $0x8F2B, s0  }
0xbc: {  	[sflag:s0] =	ssyncadd.remote.s32 $0x1  }
0xbd: {  	_ =	sfence.sel $0xFFFF  }
0xbe: {  	[dreg:$0x0] =	wrdreg $0xFFFFFFFF;
	(pc) =	sbr.abs _section_cstart, $3  }
0xbf: {  	[dreg:$0x1] =	wrdreg $0xFFFFFFFF  }
0xc0: {  	_ =	task.clear_ibuf [dreg:s6], $0x2FFFF;
	_ =	strace $0x9FFFFFFF  }
0xc1: {  	(tm) =	ssettm $0x7FFFFFFF  }
tec
execute0_lowered:
.L_overlay_start_1:
0x0: {  	(tag) =	ssettag $0x1  }
0x1: {  	s1 =	srdreg.scid  }
0x2: {  	s0 =	stileid.u32;
	s5 =	rddreg [dreg:$0x0];
	s2 =	simm.s32 $0x0  }
0x3: {  	s10 =	simm.s32 $0x1400;
	s11 =	simm.s32 $0x50;
	s12 =	simm.s32 $0x2800  }
0x4: {  	s13 =	simm.s32 $0x5000;
	s14 =	simm.s32 $0x7800;
	s15 =	simm.s32 $0xA000  }
0x5: {  	s16 =	simm.s32 $0xC800;
	s17 =	simm.s32 $0x1;
	s18 =	simm.s32 $0x2  }
0x6: {  	s19 =	simm.s32 $0x3;
	s20 =	simm.s32 $0x4;
	s21 =	simm.s32 $0x5  }
0x7: {  	s22 =	simm.s32 $0x6;
	s23 =	simm.s32 $0x0;
	s6 =	sand.u32 $0x1, s1  }
0x8: {  	s3 =	sshll.u32 s0, $0x1;
	s1 =	rddreg [dreg:$0x1];
	s8 =	smul.u32 $0x19000, s0  }
0x9: {  	s3 =	sor.u32 s6, s3;
	s9 =	ssub.s32 $0x2, s6;
	s6 =	smul.u32 $0xC800, s6  }
0xa: {  	[smem:$0x7FF] =	sst s2;
	s4 =	sadd.s32 $0x4A800, s5;
	s7 =	smul.u32 $0x280, s3  }
0xb: {  	_ =	strace $0x80000047;
	s3 =	sadd.s32 $0x23600, s5;
	s8 =	sadd.s32 s8, s5  }
0xc: {  	s31 =	sshrl.u32 s9, $0x1;
	s8 =	sadd.s32 s6, s8;
	s7 =	sadd.s32 s7, s5  }
0xd: {  	s9 =	ssub.s32 s9, s31;
	s8 =	sadd.s32 $0x71A00, s8;
	s5 =	sadd.s32 $0x14600, s7  }
0xe: {  	s6 =	sadd.s32 $0xF600, s7;
	s7 =	smax.u32 s9, $0x1;
	s9 =	simm.s32 $0x7  }
.LBB2_1:
0xf: {  	[tilespmem:s2], [sflag:$0x7] =	stream.linear.gather [hbm4b:s5+s2], $0x1400, $0x38;
	[tilespmem:$0xF000] =	vst v63  }
0x10: {  	_ =	swait.ge [sflag:s9], $0x1400  }
0x11: {  	[sflag:s9] =	ssyncset.done $0x0  }
0x12: {  	[sflag:s9] =	ssyncadd.s32 $0xFFFFEC00  }
0x13: {  	[tilespmem:s10], [sflag:$0x7] =	stream.linear.gather [hbm4b:s6+s2], $0x1400, $0x38;
	[tilespmem:$0xF000] =	vst v63  }
0x14: {  	_ =	swait.ge [sflag:s9], $0x1400  }
0x15: {  	[sflag:s9] =	ssyncset.done $0x0  }
0x16: {  	s24 =	simm.s32 $0x0;
	[sflag:s9] =	ssyncadd.s32 $0xFFFFEC00  }
0x17: {  	[tilespmem:s12], [sflag:$0x1] =	stream.indirect.gather [hbm4b:s3+s11], $0x80, s24, s11, $0xb8;
	[tilespmem:$0xF000] =	vst v63  }
0x18: {  	s28 =	simm.s32 $0x80  }
0x19: {  	[tilespmem:s13], [sflag:$0x2] =	stream.indirect.gather [hbm4b:s3+s11], $0x80, s28, s11, $0xb8;
	[tilespmem:$0xF000] =	vst v63  }
0x1a: {  	s30 =	simm.s32 $0x100  }
0x1b: {  	[tilespmem:s14], [sflag:$0x3] =	stream.indirect.gather [hbm4b:s3+s11], $0x80, s30, s11, $0xb8;
	[tilespmem:$0xF000] =	vst v63  }
0x1c: {  	s31 =	simm.s32 $0x180  }
0x1d: {  	[tilespmem:s15], [sflag:$0x4] =	stream.indirect.gather [hbm4b:s3+s11], $0x80, s31, s11, $0xb8;
	[tilespmem:$0xF000] =	vst v63  }
0x1e: {  	s25 =	simm.s32 $0x200  }
0x1f: {  	[tilespmem:s16], [sflag:$0x5] =	stream.indirect.gather [hbm4b:s3+s11], $0x80, s25, s11, $0xb8;
	[tilespmem:$0xF000] =	vst v63  }
0x20: {  	_ =	swait.ge [sflag:s17], $0x2800  }
0x21: {  	[sflag:s17] =	ssyncset.done $0x0  }
0x22: {  	s26 =	simm.s32 $0x1400;
	[sflag:s17] =	ssyncadd.s32 $0xFFFFD800  }
0x23: {  	[tilespmem:s12], [sflag:$0x1] =	stream.indirect.gather.add.f32 [hbm:s4], $0x80, s26, s11, $0xb8;
	[tilespmem:$0xF000] =	vst v63  }
0x24: {  	_ =	swait.ge [sflag:s18], $0x2800  }
0x25: {  	[sflag:s18] =	ssyncset.done $0x0  }
0x26: {  	s28 =	simm.s32 $0x1480;
	[sflag:s18] =	ssyncadd.s32 $0xFFFFD800  }
0x27: {  	[tilespmem:s13], [sflag:$0x2] =	stream.indirect.gather.add.f32 [hbm:s4], $0x80, s28, s11, $0xb8;
	[tilespmem:$0xF000] =	vst v63  }
0x28: {  	_ =	swait.ge [sflag:s19], $0x2800  }
0x29: {  	[sflag:s19] =	ssyncset.done $0x0  }
0x2a: {  	s30 =	simm.s32 $0x1500;
	[sflag:s19] =	ssyncadd.s32 $0xFFFFD800  }
0x2b: {  	[tilespmem:s14], [sflag:$0x3] =	stream.indirect.gather.add.f32 [hbm:s4], $0x80, s30, s11, $0xb8;
	[tilespmem:$0xF000] =	vst v63  }
0x2c: {  	_ =	swait.ge [sflag:s20], $0x2800  }
0x2d: {  	[sflag:s20] =	ssyncset.done $0x0  }
0x2e: {  	s31 =	simm.s32 $0x1580;
	[sflag:s20] =	ssyncadd.s32 $0xFFFFD800  }
0x2f: {  	[tilespmem:s15], [sflag:$0x4] =	stream.indirect.gather.add.f32 [hbm:s4], $0x80, s31, s11, $0xb8;
	[tilespmem:$0xF000] =	vst v63  }
0x30: {  	_ =	swait.ge [sflag:s21], $0x2800  }
0x31: {  	[sflag:s21] =	ssyncset.done $0x0  }
0x32: {  	s25 =	simm.s32 $0x1600;
	[sflag:s21] =	ssyncadd.s32 $0xFFFFD800  }
0x33: {  	[tilespmem:s16], [sflag:$0x5] =	stream.indirect.gather.add.f32 [hbm:s4], $0x80, s25, s11, $0xb8;
	[tilespmem:$0xF000] =	vst v63  }
0x34: {  	_ =	swait.ge [sflag:s17], $0x2800  }
0x35: {  	[sflag:s17] =	ssyncset.done $0x0  }
0x36: {  	[sflag:s17] =	ssyncadd.s32 $0xFFFFD800  }
0x37: {  	[hbm4b:s8+s2] =	stream.linear.scatter [tilespmem:s12], [sflag:$0x6], $0x2800, $0x38;
	[tilespmem:$0xF000] =	vst v63  }
0x38: {  	_ =	swait.ge [sflag:s18], $0x2800  }
0x39: {  	[sflag:s18] =	ssyncset.done $0x0  }
0x3a: {  	s26 =	sadd.s32 $0x500, s8;
	[sflag:s18] =	ssyncadd.s32 $0xFFFFD800  }
0x3b: {  	[hbm4b:s26+s2] =	stream.linear.scatter [tilespmem:s13], [sflag:$0x6], $0x2800, $0x38;
	[tilespmem:$0xF000] =	vst v63  }
0x3c: {  	_ =	swait.ge [sflag:s19], $0x2800  }
0x3d: {  	[sflag:s19] =	ssyncset.done $0x0  }
0x3e: {  	s28 =	sadd.s32 $0xA00, s8;
	[sflag:s19] =	ssyncadd.s32 $0xFFFFD800  }
0x3f: {  	[hbm4b:s28+s2] =	stream.linear.scatter [tilespmem:s14], [sflag:$0x6], $0x2800, $0x38;
	[tilespmem:$0xF000] =	vst v63  }
0x40: {  	_ =	swait.ge [sflag:s20], $0x2800  }
0x41: {  	[sflag:s20] =	ssyncset.done $0x0  }
0x42: {  	s30 =	sadd.s32 $0xF00, s8;
	[sflag:s20] =	ssyncadd.s32 $0xFFFFD800  }
0x43: {  	[hbm4b:s30+s2] =	stream.linear.scatter [tilespmem:s15], [sflag:$0x6], $0x2800, $0x38;
	[tilespmem:$0xF000] =	vst v63  }
0x44: {  	_ =	swait.ge [sflag:s21], $0x2800  }
0x45: {  	[sflag:s21] =	ssyncset.done $0x0  }
0x46: {  	s31 =	sadd.s32 $0x1400, s8;
	[sflag:s21] =	ssyncadd.s32 $0xFFFFD800  }
0x47: {  	[hbm4b:s31+s2] =	stream.linear.scatter [tilespmem:s16], [sflag:$0x6], $0x2800, $0x38;
	[tilespmem:$0xF000] =	vst v63  }
0x48: {  	_ =	swait.ge [sflag:s22], $0x2800  }
0x49: {  	[sflag:s22] =	ssyncset.done $0x0  }
0x4a: {  	[sflag:s22] =	ssyncadd.s32 $0xFFFFD800  }
0x4b: {  	_ =	swait.ge [sflag:s22], $0x2800  }
0x4c: {  	[sflag:s22] =	ssyncset.done $0x0  }
0x4d: {  	[sflag:s22] =	ssyncadd.s32 $0xFFFFD800  }
0x4e: {  	_ =	swait.ge [sflag:s22], $0x2800  }
0x4f: {  	[sflag:s22] =	ssyncset.done $0x0  }
0x50: {  	[sflag:s22] =	ssyncadd.s32 $0xFFFFD800  }
0x51: {  	_ =	swait.ge [sflag:s22], $0x2800  }
0x52: {  	[sflag:s22] =	ssyncset.done $0x0  }
0x53: {  	[sflag:s22] =	ssyncadd.s32 $0xFFFFD800  }
0x54: {  	s29 =	simm.s32 $0x1400;
	_ =	swait.ge [sflag:s22], $0x2800  }
0x55: {  	s24 =	sadd.s32 $0x1900, s8;
	s25 =	simm.s32 $0xA00;
	[sflag:s22] =	ssyncset.done $0x0  }
.LBB2_2:
0x56: {  	s28 =	sshra.s32 s25, $0x2  }
0x57: {  	[sflag:s22] =	ssyncadd.s32 $0xFFFFD800;
	s25 =	smov.u32 s29;
	s26 =	sadd.s32 $0xA00, s29  }
0x58: {  	[tilespmem:s12], [sflag:$0x1] =	stream.indirect.gather [hbm4b:s3+s11], $0x80, s28, s11, $0xb8;
	[tilespmem:$0xF000] =	vst v63  }
0x59: {  	p0 =	sne.s32 s29, $0x4600;
	s29 =	sadd.s32 $0x80, s28  }
0x5a: {  	[tilespmem:s13], [sflag:$0x2] =	stream.indirect.gather [hbm4b:s3+s11], $0x80, s29, s11, $0xb8;
	[tilespmem:$0xF000] =	vst v63  }
0x5b: {  	s29 =	sadd.s32 $0x100, s28  }
0x5c: {  	[tilespmem:s14], [sflag:$0x3] =	stream.indirect.gather [hbm4b:s3+s11], $0x80, s29, s11, $0xb8;
	[tilespmem:$0xF000] =	vst v63  }
0x5d: {  	s29 =	sadd.s32 $0x180, s28  }
0x5e: {  	[tilespmem:s15], [sflag:$0x4] =	stream.indirect.gather [hbm4b:s3+s11], $0x80, s29, s11, $0xb8;
	[tilespmem:$0xF000] =	vst v63  }
0x5f: {  	s29 =	sadd.s32 $0x200, s28  }
0x60: {  	[tilespmem:s16], [sflag:$0x5] =	stream.indirect.gather [hbm4b:s3+s11], $0x80, s29, s11, $0xb8;
	[tilespmem:$0xF000] =	vst v63  }
0x61: {  	_ =	swait.ge [sflag:s17], $0x2800  }
0x62: {  	[sflag:s17] =	ssyncset.done $0x0  }
0x63: {  	s29 =	sadd.s32 $0x1400, s28;
	[sflag:s17] =	ssyncadd.s32 $0xFFFFD800  }
0x64: {  	[tilespmem:s12], [sflag:$0x1] =	stream.indirect.gather.add.f32 [hbm:s4], $0x80, s29, s11, $0xb8;
	[tilespmem:$0xF000] =	vst v63  }
0x65: {  	_ =	swait.ge [sflag:s18], $0x2800  }
0x66: {  	[sflag:s18] =	ssyncset.done $0x0  }
0x67: {  	s29 =	sadd.s32 $0x1480, s28;
	[sflag:s18] =	ssyncadd.s32 $0xFFFFD800  }
0x68: {  	[tilespmem:s13], [sflag:$0x2] =	stream.indirect.gather.add.f32 [hbm:s4], $0x80, s29, s11, $0xb8;
	[tilespmem:$0xF000] =	vst v63  }
0x69: {  	_ =	swait.ge [sflag:s19], $0x2800  }
0x6a: {  	[sflag:s19] =	ssyncset.done $0x0  }
0x6b: {  	s29 =	sadd.s32 $0x1500, s28;
	[sflag:s19] =	ssyncadd.s32 $0xFFFFD800  }
0x6c: {  	[tilespmem:s14], [sflag:$0x3] =	stream.indirect.gather.add.f32 [hbm:s4], $0x80, s29, s11, $0xb8;
	[tilespmem:$0xF000] =	vst v63  }
0x6d: {  	_ =	swait.ge [sflag:s20], $0x2800  }
0x6e: {  	[sflag:s20] =	ssyncset.done $0x0  }
0x6f: {  	s29 =	sadd.s32 $0x1580, s28;
	[sflag:s20] =	ssyncadd.s32 $0xFFFFD800  }
0x70: {  	[tilespmem:s15], [sflag:$0x4] =	stream.indirect.gather.add.f32 [hbm:s4], $0x80, s29, s11, $0xb8;
	[tilespmem:$0xF000] =	vst v63  }
0x71: {  	_ =	swait.ge [sflag:s21], $0x2800  }
0x72: {  	[sflag:s21] =	ssyncset.done $0x0  }
0x73: {  	s28 =	sadd.s32 $0x1600, s28;
	[sflag:s21] =	ssyncadd.s32 $0xFFFFD800  }
0x74: {  	[tilespmem:s16], [sflag:$0x5] =	stream.indirect.gather.add.f32 [hbm:s4], $0x80, s28, s11, $0xb8;
	[tilespmem:$0xF000] =	vst v63  }
0x75: {  	_ =	swait.ge [sflag:s17], $0x2800  }
0x76: {  	[sflag:s17] =	ssyncset.done $0x0  }
0x77: {  	[sflag:s17] =	ssyncadd.s32 $0xFFFFD800  }
0x78: {  	[hbm4b:s24+s2] =	stream.linear.scatter [tilespmem:s12], [sflag:$0x6], $0x2800, $0x38;
	[tilespmem:$0xF000] =	vst v63  }
0x79: {  	_ =	swait.ge [sflag:s18], $0x2800  }
0x7a: {  	[sflag:s18] =	ssyncset.done $0x0  }
0x7b: {  	s28 =	sadd.s32 $0x500, s24;
	[sflag:s18] =	ssyncadd.s32 $0xFFFFD800  }
0x7c: {  	[hbm4b:s28+s2] =	stream.linear.scatter [tilespmem:s13], [sflag:$0x6], $0x2800, $0x38;
	[tilespmem:$0xF000] =	vst v63  }
0x7d: {  	_ =	swait.ge [sflag:s19], $0x2800  }
0x7e: {  	[sflag:s19] =	ssyncset.done $0x0  }
0x7f: {  	s28 =	sadd.s32 $0xA00, s24;
	[sflag:s19] =	ssyncadd.s32 $0xFFFFD800  }
0x80: {  	[hbm4b:s28+s2] =	stream.linear.scatter [tilespmem:s14], [sflag:$0x6], $0x2800, $0x38;
	[tilespmem:$0xF000] =	vst v63  }
0x81: {  	_ =	swait.ge [sflag:s20], $0x2800  }
0x82: {  	[sflag:s20] =	ssyncset.done $0x0  }
0x83: {  	s28 =	sadd.s32 $0xF00, s24;
	[sflag:s20] =	ssyncadd.s32 $0xFFFFD800  }
0x84: {  	[hbm4b:s28+s2] =	stream.linear.scatter [tilespmem:s15], [sflag:$0x6], $0x2800, $0x38;
	[tilespmem:$0xF000] =	vst v63  }
0x85: {  	_ =	swait.ge [sflag:s21], $0x2800  }
0x86: {  	[sflag:s21] =	ssyncset.done $0x0  }
0x87: {  	s28 =	sadd.s32 $0x1400, s24;
	[sflag:s21] =	ssyncadd.s32 $0xFFFFD800  }
0x88: {  	[hbm4b:s28+s2] =	stream.linear.scatter [tilespmem:s16], [sflag:$0x6], $0x2800, $0x38;
	[tilespmem:$0xF000] =	vst v63  }
0x89: {  	_ =	swait.ge [sflag:s22], $0x2800  }
0x8a: {  	[sflag:s22] =	ssyncset.done $0x0  }
0x8b: {  	[sflag:s22] =	ssyncadd.s32 $0xFFFFD800  }
0x8c: {  	_ =	swait.ge [sflag:s22], $0x2800  }
0x8d: {  	[sflag:s22] =	ssyncset.done $0x0  }
0x8e: {  	[sflag:s22] =	ssyncadd.s32 $0xFFFFD800  }
0x8f: {  	_ =	swait.ge [sflag:s22], $0x2800  }
0x90: {  	[sflag:s22] =	ssyncset.done $0x0  }
0x91: {  	[sflag:s22] =	ssyncadd.s32 $0xFFFFD800  }
.Ltmp0:
0x92: {  	_ =	swait.ge [sflag:s22], $0x2800;
	(pc) =	sbr.rel @p0 .LBB2_2-.Ltmp0, $4  }
0x93: {  	[sflag:s22] =	ssyncset.done $0x0  }
0x94: {  	[sflag:s22] =	ssyncadd.s32 $0xFFFFD800  }
0x95: {  	_ =	swait.ge [sflag:s22], $0x2800  }
0x96: {  	s29 =	smov.u32 s26;
	s24 =	sadd.s32 $0x1900, s24;
	[sflag:s22] =	ssyncset.done $0x0  }
0x97: {  	s25 =	sshra.s32 s25, $0x2;
	[sflag:s22] =	ssyncadd.s32 $0xFFFFD800  }
0x98: {  	[tilespmem:s12], [sflag:$0x1] =	stream.indirect.gather [hbm4b:s3+s11], $0x80, s25, s11, $0xb8;
	[tilespmem:$0xF000] =	vst v63  }
0x99: {  	s26 =	sadd.s32 $0x80, s25  }
0x9a: {  	[tilespmem:s13], [sflag:$0x2] =	stream.indirect.gather [hbm4b:s3+s11], $0x80, s26, s11, $0xb8;
	[tilespmem:$0xF000] =	vst v63  }
0x9b: {  	s29 =	sadd.s32 $0x100, s25  }
0x9c: {  	[tilespmem:s14], [sflag:$0x3] =	stream.indirect.gather [hbm4b:s3+s11], $0x80, s29, s11, $0xb8;
	[tilespmem:$0xF000] =	vst v63  }
0x9d: {  	s30 =	sadd.s32 $0x180, s25  }
0x9e: {  	[tilespmem:s15], [sflag:$0x4] =	stream.indirect.gather [hbm4b:s3+s11], $0x80, s30, s11, $0xb8;
	[tilespmem:$0xF000] =	vst v63  }
0x9f: {  	s31 =	sadd.s32 $0x200, s25  }
0xa0: {  	[tilespmem:s16], [sflag:$0x5] =	stream.indirect.gather [hbm4b:s3+s11], $0x80, s31, s11, $0xb8;
	[tilespmem:$0xF000] =	vst v63  }
0xa1: {  	_ =	swait.ge [sflag:s17], $0x2800  }
0xa2: {  	[sflag:s17] =	ssyncset.done $0x0  }
0xa3: {  	s28 =	sadd.s32 $0x1400, s25;
	[sflag:s17] =	ssyncadd.s32 $0xFFFFD800  }
0xa4: {  	[tilespmem:s12], [sflag:$0x1] =	stream.indirect.gather.add.f32 [hbm:s4], $0x80, s28, s11, $0xb8;
	[tilespmem:$0xF000] =	vst v63  }
0xa5: {  	_ =	swait.ge [sflag:s18], $0x2800  }
0xa6: {  	[sflag:s18] =	ssyncset.done $0x0  }
0xa7: {  	s29 =	sadd.s32 $0x1480, s25;
	[sflag:s18] =	ssyncadd.s32 $0xFFFFD800  }
0xa8: {  	[tilespmem:s13], [sflag:$0x2] =	stream.indirect.gather.add.f32 [hbm:s4], $0x80, s29, s11, $0xb8;
	[tilespmem:$0xF000] =	vst v63  }
0xa9: {  	_ =	swait.ge [sflag:s19], $0x2800  }
0xaa: {  	[sflag:s19] =	ssyncset.done $0x0  }
0xab: {  	s30 =	sadd.s32 $0x1500, s25;
	[sflag:s19] =	ssyncadd.s32 $0xFFFFD800  }
0xac: {  	[tilespmem:s14], [sflag:$0x3] =	stream.indirect.gather.add.f32 [hbm:s4], $0x80, s30, s11, $0xb8;
	[tilespmem:$0xF000] =	vst v63  }
0xad: {  	_ =	swait.ge [sflag:s20], $0x2800  }
0xae: {  	[sflag:s20] =	ssyncset.done $0x0  }
0xaf: {  	s31 =	sadd.s32 $0x1580, s25;
	[sflag:s20] =	ssyncadd.s32 $0xFFFFD800  }
0xb0: {  	[tilespmem:s15], [sflag:$0x4] =	stream.indirect.gather.add.f32 [hbm:s4], $0x80, s31, s11, $0xb8;
	[tilespmem:$0xF000] =	vst v63  }
0xb1: {  	_ =	swait.ge [sflag:s21], $0x2800  }
0xb2: {  	[sflag:s21] =	ssyncset.done $0x0  }
0xb3: {  	s25 =	sadd.s32 $0x1600, s25;
	[sflag:s21] =	ssyncadd.s32 $0xFFFFD800  }
0xb4: {  	[tilespmem:s16], [sflag:$0x5] =	stream.indirect.gather.add.f32 [hbm:s4], $0x80, s25, s11, $0xb8;
	[tilespmem:$0xF000] =	vst v63  }
0xb5: {  	_ =	swait.ge [sflag:s17], $0x2800  }
0xb6: {  	[sflag:s17] =	ssyncset.done $0x0  }
0xb7: {  	[sflag:s17] =	ssyncadd.s32 $0xFFFFD800  }
0xb8: {  	[hbm4b:s24+s2] =	stream.linear.scatter [tilespmem:s12], [sflag:$0x6], $0x2800, $0x38;
	[tilespmem:$0xF000] =	vst v63  }
0xb9: {  	_ =	swait.ge [sflag:s18], $0x2800  }
0xba: {  	[sflag:s18] =	ssyncset.done $0x0  }
0xbb: {  	s28 =	sadd.s32 $0x500, s24;
	[sflag:s18] =	ssyncadd.s32 $0xFFFFD800  }
0xbc: {  	[hbm4b:s28+s2] =	stream.linear.scatter [tilespmem:s13], [sflag:$0x6], $0x2800, $0x38;
	[tilespmem:$0xF000] =	vst v63  }
0xbd: {  	_ =	swait.ge [sflag:s19], $0x2800  }
0xbe: {  	[sflag:s19] =	ssyncset.done $0x0  }
0xbf: {  	s29 =	sadd.s32 $0xA00, s24;
	[sflag:s19] =	ssyncadd.s32 $0xFFFFD800  }
0xc0: {  	[hbm4b:s29+s2] =	stream.linear.scatter [tilespmem:s14], [sflag:$0x6], $0x2800, $0x38;
	[tilespmem:$0xF000] =	vst v63  }
0xc1: {  	_ =	swait.ge [sflag:s20], $0x2800  }
0xc2: {  	[sflag:s20] =	ssyncset.done $0x0  }
0xc3: {  	s30 =	sadd.s32 $0xF00, s24;
	[sflag:s20] =	ssyncadd.s32 $0xFFFFD800  }
0xc4: {  	[hbm4b:s30+s2] =	stream.linear.scatter [tilespmem:s15], [sflag:$0x6], $0x2800, $0x38;
	[tilespmem:$0xF000] =	vst v63  }
0xc5: {  	_ =	swait.ge [sflag:s21], $0x2800  }
0xc6: {  	[sflag:s21] =	ssyncset.done $0x0  }
0xc7: {  	s31 =	sadd.s32 $0x1400, s24;
	[sflag:s21] =	ssyncadd.s32 $0xFFFFD800  }
0xc8: {  	[hbm4b:s31+s2] =	stream.linear.scatter [tilespmem:s16], [sflag:$0x6], $0x2800, $0x38;
	[tilespmem:$0xF000] =	vst v63  }
0xc9: {  	_ =	swait.ge [sflag:s22], $0x2800  }
0xca: {  	[sflag:s22] =	ssyncset.done $0x0  }
0xcb: {  	[sflag:s22] =	ssyncadd.s32 $0xFFFFD800  }
0xcc: {  	_ =	swait.ge [sflag:s22], $0x2800  }
0xcd: {  	[sflag:s22] =	ssyncset.done $0x0  }
0xce: {  	[sflag:s22] =	ssyncadd.s32 $0xFFFFD800  }
0xcf: {  	_ =	swait.ge [sflag:s22], $0x2800  }
0xd0: {  	[sflag:s22] =	ssyncset.done $0x0  }
0xd1: {  	s23 =	sadd.s32 $0x1, s23;
	[sflag:s22] =	ssyncadd.s32 $0xFFFFD800  }
0xd2: {  	p0 =	sne.s32 s23, s7;
	_ =	swait.ge [sflag:s22], $0x2800  }
.Ltmp1:
0xd3: {  	[sflag:s22] =	ssyncset.done $0x0;
	(pc) =	sbr.rel @p0 .LBB2_1-.Ltmp1, $4  }
0xd4: {  	[sflag:s22] =	ssyncadd.s32 $0xFFFFD800  }
0xd5: {  	_ =	swait.ge [sflag:s22], $0x2800  }
0xd6: {  	[sflag:s22] =	ssyncset.done $0x0  }
0xd7: {  	[sflag:s22] =	ssyncadd.s32 $0xFFFFD800  }
0xd8: {  	_ =	sfence.sel $0x180000  }
0xd9: {  	[bflag:$0x0] =	sbarrier.arrive $0xFFFF  }
0xda: {  	p0 =	sne.s32 s0, $0x0;
	_ =	strace $0x90000047  }
0xdb: {  	s0 =	sadd.s32 @!p0 $0x100000, s1;
	[bflag:$0x2] =	sbarrier.arrive $0xFFFF  }
0xdc: {  	[sflag:s0] =	ssyncadd.tile.s32 @!p0 $0x1;
	_ =	shalt  }
.Lfunc_end2:
_tile_overlayer_lowered:
.L_overlay_start_2:
0xdd: {  	(tag) =	ssettag $0x2  }
0xde: {  	s0 =	rddreg [dreg:$0x0];
	s2 =	stileid.u32  }
0xdf: {  	s1 =	rddreg [dreg:$0x1];
	p0 =	sne.s32 s2, $0x0  }
0xe0: {  	s3 =	rddreg [dreg:$0x2];
	[bflag:$0x3] =	sbarrier.arrive $0xFFFF;
	s2 =	simm.s32 @!p0 $0x1C07  }
0xe1: {  	[timem:s3], [sflag:s2] =	dma.local @!p0 [hbm:s0], s1  }
0xe2: {  	s0 =	simm.s32 @!p0 $0x7  }
0xe3: {  	_ =	swait.ge @!p0 [sflag:s0], s1  }
0xe4: {  	s1 =	ssub.s32 @!p0 $0x0, s1;
	[sflag:s0] =	ssyncset.done @!p0 $0x0  }
0xe5: {  	[sflag:s0] =	ssyncadd.s32 @!p0 s1  }
0xe6: {  	[bflag:$0x3] =	sbarrier.arrive $0xFFFF  }
0xe7: {  	_ =	shalt  }

// kernel: kernel.22.cloned.1.call-start
scs
__scs_entry_jumppad:
0x0: {  	(pc) =	sbr.rel $0x88, $3  }
0x1: {  	(tag) =	ssettag $0x0;
	lr =	simm.s32 $0x1  }
0x2: {  	[smem:$0x3F94] =	sst lr;
	_ =	strace $0xD0000000  }
0x3: {  	_ = 	snop  }
0x4: {  	_ = 	snop  }
0x5: {  	_ = 	snop  }
0x6: {  	_ = 	snop  }
0x7: {  	_ = 	snop  }
__scs_overlays_trampoline_lowered:
0x8: {  	[smem:$0x3FA3] =	sst s0  }
0x9: {  	[smem:$0x3FA4] =	sst s1  }
0xa: {  	[smem:$0x3FA5] =	sst s2  }
0xb: {  	[smem:$0x3FA6] =	sst s3  }
0xc: {  	[smem:$0x3FA7] =	sst s4  }
0xd: {  	[smem:$0x3FA8] =	sst s5  }
0xe: {  	[smem:$0x3FA9] =	sst s6  }
0xf: {  	[smem:$0x3FAA] =	sst s7  }
0x10: {  	[smem:$0x3FAB] =	sst s8  }
0x11: {  	[smem:$0x3FAC] =	sst s9;
	s0 =	simm.s32 @!p0 $0x0  }
0x12: {  	s1 =	sld [smem:$0x3F92];
	s0 =	simm.s32 @p0 $0x1  }
0x13: {  	[smem:$0x3FAD] =	sst s0;
	s0 =	simm.s32 @!p1 $0x0  }
0x14: {  	s2 =	sld [smem:$0x3F91];
	s0 =	simm.s32 @p1 $0x1  }
0x15: {  	[smem:$0x3FAE] =	sst s0;
	s0 =	simm.s32 @!p2 $0x0  }
0x16: {  	s3 =	sld [smem:$0x3FDB];
	s0 =	simm.s32 @p2 $0x1  }
0x17: {  	s4 =	simm.s32 $0x1BF5;
	[smem:$0x3FB0] =	sst s0  }
0x18: {  	s0 =	sld [smem:$0x3F93];
	_ =	swait.ge [sflag:s4], $0x0  }
0x19: {  	s7 =	sld [smem:$0x3F94]  }
0x1a: {  	s8 =	sadd.s32 $0xFFFFE003, lr  }
0x1b: {  	s9 =	sadd.s32 $0xFFFFFEF7, lr;
	s5 =	simm.s32 $0xFFFFFFFF;
	p2 =	slt.u32 s8, $0xFFFFF086  }
0x1c: {  	p1 =	slt.u32 s9, $0xF7A;
	s5 =	simm.s32 @!p2 $0x0  }
0x1d: {  	s5 =	simm.s32 @p1 $0x1;
	p0 =	seq.s32 s7, s2  }
0x1e: {  	s7 =	smul.u32 @!p0 $0xF7A, s2;
	p2 =	seq.s32 @!p0 s5, $0x0  }
0x1f: {  	s9 =	smul.u32 $0xF7A, s1;
	s8 =	simm.s32 @!p0 $0x1BF5;
	p2 =	por !p2, p0  }
0x20: {  	[sflag:s8] =	ssyncset.s32 @!p0 $0xFFFFF086;
	s6 =	sadd.s32 @!p0 s3, s7;
	s7 =	simm.s32 @!p0 $0x108  }
0x21: {  	s3 =	sadd.s32 s3, s9;
	s6 =	sadd.s32 @!p0 $0x88, s6;
	s7 =	simm.s32 @p2 $0x1082  }
0x22: {  	[simem:s7], [sflag:s8] =	dma.local @!p0 [hbm:s6], $0xF7A  }
0x23: {  	s9 =	sor.u32 $0xD0000000, s2;
	s6 =	simm.s32 $0x108;
	_ =	swait.ge @!p0 [sflag:s8], $0x0  }
0x24: {  	s3 =	sadd.s32 $0x88, s3;
	s6 =	simm.s32 @!p1 $0x1082;
	[sflag:s4] =	ssyncset.s32 $0xFFFFF086  }
0x25: {  	[simem:s6], [sflag:s4] =	dma.local [hbm:s3], $0xF7A  }
0x26: {  	[smem:$0x3F94] =	sst s1;
	(tag) =	ssettag s2;
	_ =	strace s9  }
0x27: {  	s1 =	sld [smem:$0x3FA4]  }
0x28: {  	s2 =	sld [smem:$0x3FA5]  }
0x29: {  	s4 =	sld [smem:$0x3FA7]  }
0x2a: {  	p0 =	seq.s32 s5, $0x0;
	s5 =	sld [smem:$0x3FA8]  }
0x2b: {  	s6 =	sld [smem:$0x3FA9]  }
0x2c: {  	s7 =	sld [smem:$0x3FAA]  }
0x2d: {  	s3 =	simm.s32 $0x108;
	s8 =	sld [smem:$0x3FAB]  }
0x2e: {  	s3 =	simm.s32 @!p0 $0x1082;
	s9 =	sld [smem:$0x3FAC]  }
0x2f: {  	lr =	sadd.s32 s0, s3;
	s0 =	sld [smem:$0x3FA3]  }
0x30: {  	s3 =	sld [smem:$0x3FA6]  }
0x31: {  	[smem:$0x3FAF] =	sst s10  }
0x32: {  	s10 =	sld [smem:$0x3FAD];
	_ =	sdelay $0x3  }
0x33: {  	p0 =	seq.s32 s10, $0x1;
	s10 =	sld [smem:$0x3FAF];
	_ =	sdelay $0x3  }
0x34: {  	[smem:$0x3FAF] =	sst s10  }
0x35: {  	s10 =	sld [smem:$0x3FAE];
	_ =	sdelay $0x3  }
0x36: {  	p1 =	seq.s32 s10, $0x1;
	s10 =	sld [smem:$0x3FAF];
	_ =	sdelay $0x3  }
0x37: {  	[smem:$0x3FAF] =	sst s10  }
0x38: {  	s10 =	sld [smem:$0x3FB0]  }
0x39: {  	_ = 	snop;
	(pc) =	sbr.ind lr, $3  }
0x3a: {  	_ = 	snop  }
0x3b: {  	_ = 	snop  }
0x3c: {  	p2 =	seq.s32 s10, $0x1;
	s10 =	sld [smem:$0x3FAF]  }
0x3d: {  	_ =	shalt  }
0x3e: {  	_ =	shalt  }
0x3f: {  	_ =	shalt  }
0x40: {  	_ =	shalt  }
0x41: {  	_ =	shalt  }
0x42: {  	_ =	shalt  }
0x43: {  	_ =	shalt  }
0x44: {  	_ =	shalt  }
0x45: {  	_ =	shalt  }
0x46: {  	_ =	shalt  }
0x47: {  	_ =	shalt  }
0x48: {  	_ =	shalt  }
0x49: {  	_ =	shalt  }
0x4a: {  	_ =	shalt  }
0x4b: {  	_ =	shalt  }
0x4c: {  	_ =	shalt  }
0x4d: {  	_ =	shalt  }
0x4e: {  	_ =	shalt  }
0x4f: {  	_ =	shalt  }
0x50: {  	_ =	shalt  }
0x51: {  	_ =	shalt  }
0x52: {  	_ =	shalt  }
0x53: {  	_ =	shalt  }
0x54: {  	_ =	shalt  }
0x55: {  	_ =	shalt  }
0x56: {  	_ =	shalt  }
0x57: {  	_ =	shalt  }
0x58: {  	_ =	shalt  }
0x59: {  	_ =	shalt  }
0x5a: {  	_ =	shalt  }
0x5b: {  	_ =	shalt  }
0x5c: {  	_ =	shalt  }
0x5d: {  	_ =	shalt  }
0x5e: {  	_ =	shalt  }
0x5f: {  	_ =	shalt  }
0x60: {  	_ =	shalt  }
0x61: {  	_ =	shalt  }
0x62: {  	_ =	shalt  }
0x63: {  	_ =	shalt  }
0x64: {  	_ =	shalt  }
0x65: {  	_ =	shalt  }
0x66: {  	_ =	shalt  }
0x67: {  	_ =	shalt  }
0x68: {  	_ =	shalt  }
0x69: {  	_ =	shalt  }
0x6a: {  	_ =	shalt  }
0x6b: {  	_ =	shalt  }
0x6c: {  	_ =	shalt  }
0x6d: {  	_ =	shalt  }
0x6e: {  	_ =	shalt  }
0x6f: {  	_ =	shalt  }
0x70: {  	_ =	shalt  }
0x71: {  	_ =	shalt  }
0x72: {  	_ =	shalt  }
0x73: {  	_ =	shalt  }
0x74: {  	_ =	shalt  }
0x75: {  	_ =	shalt  }
0x76: {  	_ =	shalt  }
0x77: {  	_ =	shalt  }
0x78: {  	_ =	shalt  }
0x79: {  	_ =	shalt  }
0x7a: {  	_ =	shalt  }
0x7b: {  	_ =	shalt  }
0x7c: {  	_ =	shalt  }
0x7d: {  	_ =	shalt  }
0x7e: {  	_ =	shalt  }
0x7f: {  	_ =	shalt  }
0x80: {  	_ =	shalt  }
0x81: {  	_ =	shalt  }
0x82: {  	_ =	shalt  }
0x83: {  	_ =	shalt  }
0x84: {  	_ =	shalt  }
0x85: {  	_ =	shalt  }
0x86: {  	_ =	shalt  }
0x87: {  	_ =	shalt  }
.Lfunc_end0:
.L_simem_size_0:
called_computation.3_lowered:
.L_overlay_start_0:
0x88: {  	s2 =	sld [smem:$0x3FD9]  }
0x89: {  	s3 =	sld [smem:$0x3FFE];
	_ =	sdelay $0x1  }
0x8a: {  	s1 =	srdreg.scid  }
0x8b: {  	s0 =	sand.u32 $0x1, s1  }
0x8c: {  	s17 =	sshll.u32 s0, $0xA;
	s2 =	sadd.s32 s3, s2  }
0x8d: {  	s2 =	sadd.s32 s2, s17  }
0x8e: {  	[smem:$0x3FBB] =	sst s2  }
0x8f: {  	_ = 	snop  }
0x90: {  	(tm) =	ssettm $0x1  }
0x91: {  	s18 =	sld [smem:$0x3FFB];
	_ =	sdelay $0x3  }
0x92: {  	_ =	strace s18  }
0x93: {  	s2 =	sld [smem:$0x3FFC];
	_ =	sdelay $0x3  }
0x94: {  	_ =	strace s2  }
0x95: {  	s2 =	sld [smem:$0x3FFD];
	_ =	sdelay $0x3  }
0x96: {  	_ =	strace s2  }
0x97: {  	_ =	strace $0x8FFFFFFF  }
0x98: {  	s19 =	sld [smem:$0x3FDB];
	_ =	sdelay $0x1  }
0x99: {  	s20 =	simm.s32 $_scs_section_size  }
0x9a: {  	s4 =	simm.s32 $_size__tile_overlayer_lowered;
	s5 =	simm.s32 $_tile_overlayer_lowered  }
0x9b: {  	s6 =	simm.s32 $0x1BFF;
	s21 =	sshll.u32 s5, $0x1;
	s3 =	sadd.s32 s20, s19  }
0x9c: {  	s22 =	simm.s32 $0x0;
	s4 =	sshll.u32 s4, $0x1;
	s5 =	sadd.s32 s21, s3  }
0x9d: {  	[timem:s22], [sflag:s6] =	dma.local [hbm:s5], s4  }
0x9e: {  	_ =	swait.ge [sflag:s6], s4  }
0x9f: {  	s4 =	ssub.s32 $0x0, s4;
	[sflag:s6] =	ssyncset.done $0x0  }
0xa0: {  	[sflag:s6] =	ssyncadd.s32 s4;
	_ =	sdelay $0x1  }
0xa1: {  	s23 =	simm.s32 $0x1B8B  }
0xa2: {  	_ =	swait.ge [sflag:s23], $0x1  }
0xa3: {  	[sflag:s23] =	ssyncset.done $0x0  }
0xa4: {  	[sflag:s23] =	ssyncadd.s32 $0xFFFFFFFF  }
0xa5: {  	s4 =	sld [smem:$0x0]  }
0xa6: {  	s5 =	sand.u32 $0xFFFFFFFE, s1  }
0xa7: {  	p0 =	sne.s32 s1, s5  }
0xa8: {  	s5 =	sshll.u32 @p0 s5, $0xE  }
0xa9: {  	s5 =	sadd.s32 @p0 $0x11B8D, s5;
	s6 =	sshll.u32 @p0 s4, $0x11  }
0xaa: {  	s5 =	sor.u32 @p0 s6, s5  }
0xab: {  	[sflag:s5] =	ssyncadd.remote.s32 @p0 $0x1;
	_ =	sdelay $0x1  }
0xac: {  	s5 =	simm.s32 @p0 $0x1B8D  }
0xad: {  	_ =	swait.eq @p0 [sflag:s5], $0x1  }
0xae: {  	[sflag:s5] =	ssyncadd.s32 @p0 $0xFFFFFFFF  }
0xaf: {  	s6 =	sshll.u32 @!p0 s1, $0xE  }
0xb0: {  	s6 =	sor.u32 @!p0 $0x4000, s6;
	s5 =	simm.s32 @!p0 $0x1B8D  }
0xb1: {  	s4 =	sshll.u32 @!p0 s4, $0x11;
	s6 =	sadd.s32 @!p0 $0x11B8D, s6;
	_ =	swait.eq @!p0 [sflag:s5], $0x1  }
0xb2: {  	s4 =	sor.u32 @!p0 s4, s6;
	[sflag:s5] =	ssyncadd.s32 @!p0 $0xFFFFFFFF  }
0xb3: {  	s25 =	simm.s32 $0x1B8E;
	s24 =	sld [smem:$0x3FFE];
	[sflag:s4] =	ssyncadd.remote.s32 @!p0 $0x1  }
0xb4: {  	s26 =	simm.s32 $execute0_lowered;
	[smem:$0x3FD2] =	sst s25  }
0xb5: {  	s5 =	sshll.u32 s26, $0x1;
	_ =	strace $0x8000004F;
	[dreg:$0x1] =	wrdreg $0xFFFFFFFF  }
0xb6: {  	s28 =	simm.s32 $_size_execute0_lowered;
	s3 =	sadd.s32 s3, s5;
	[dreg:$0x0] =	wrdreg $0x0  }
0xb7: {  	s5 =	sshll.u32 s28, $0x1;
	[dreg:$0x2] =	wrdreg s3  }
0xb8: {  	[dreg:$0x3] =	wrdreg s5  }
0xb9: {  	[dreg:$0x4] =	wrdreg $0xC0  }
0xba: {  	_ =	task [dreg:s22], $0x5FFFF  }
0xbb: {  	[dreg:$0x1] =	wrdreg $0xFFFFFFFF  }
0xbc: {  	[dreg:$0x0] =	wrdreg $0x60  }
0xbd: {  	[dreg:$0x2] =	wrdreg s24  }
0xbe: {  	[dreg:$0x3] =	wrdreg $0x66800  }
0xbf: {  	[dreg:$0x4] =	wrdreg $0x9  }
0xc0: {  	_ =	task.clear_ibuf [dreg:s22], $0x5FFFF;
	_ =	strace $0x9000004F  }
0xc1: {  	s29 =	simm.s32 $0x9;
	_ =	strace $0x80000051  }
0xc2: {  	_ =	swait.ge [sflag:s29], $0x1  }
0xc3: {  	[sflag:s29] =	ssyncadd.s32 $0xFFFFFFFF  }
0xc4: {  	_ =	strace $0x90000051  }
0xc5: {  	_ =	sfence  }
0xc6: {  	s30 =	sld [smem:$0x0];
	_ =	sdelay $0x2  }
0xc7: {  	s31 =	sshll.u32 s1, $0xD;
	s1 =	sshrl.u32 s1, $0x2  }
0xc8: {  	s4 =	sand.u32 $0x4000, s31;
	s1 =	sadd.s32 s1, s30  }
0xc9: {  	s0 =	sor.u32 s4, s0;
	s1 =	sshll.u32 s1, $0x11  }
0xca: {  	s0 =	sor.u32 s1, s0  }
0xcb: {  	s0 =	sadd.s32 $0x8F2B, s0  }
0xcc: {  	[sflag:s0] =	ssyncadd.remote.s32 $0x1  }
0xcd: {  	_ =	sfence.sel $0xFFFF  }
0xce: {  	[dreg:$0x0] =	wrdreg $0xFFFFFFFF;
	(pc) =	sbr.abs _section_cstart, $3  }
0xcf: {  	[dreg:$0x1] =	wrdreg $0xFFFFFFFF  }
0xd0: {  	_ =	task.clear_ibuf [dreg:s22], $0x2FFFF;
	_ =	strace $0x9FFFFFFF  }
0xd1: {  	(tm) =	ssettm $0x7FFFFFFF  }
tec
execute0_lowered:
.L_overlay_start_1:
0x0: {  	(tag) =	ssettag $0x1  }
0x1: {  	s0 =	rddreg [dreg:$0x0]  }
0x2: {  	s1 =	rddreg [dreg:$0x1];
	s2 =	simm.s32 $0x0  }
0x3: {  	s4 =	stileid.u32;
	s3 =	srdreg.scid;
	s12 =	simm.s32 $0x100  }
0x4: {  	s13 =	simm.s32 $0x2A80;
	s14 =	simm.s32 $0x180;
	s15 =	simm.s32 $0x3E80  }
0x5: {  	s16 =	simm.s32 $0x200;
	s17 =	simm.s32 $0x5280;
	s18 =	simm.s32 $0x1  }
0x6: {  	s19 =	simm.s32 $0x6;
	s20 =	simm.s32 $0x28;
	s5 =	smul.u32 $0x19000, s4  }
0x7: {  	s28 =	simm.s32 $0x5;
	s29 =	simm.s32 $0xA;
	s10 =	smul.u32 $0xA00, s4  }
0x8: {  	s30 =	simm.s32 $0x0;
	s6 =	sand.u32 $0x1, s3;
	s23 =	smul.u32 $0x5000, s4  }
0x9: {  	[smem:$0x7FF] =	sst s2;
	s3 =	sadd.s32 $0x57FA00, s0;
	s7 =	smul.u32 $0x27100, s6  }
0xa: {  	s9 =	sadd.s32 $0x71A00, s0;
	p0 =	sne.s32 s4, $0x0;
	s8 =	smul.u32 $0xC800, s6  }
0xb: {  	_ =	strace $0x80000050;
	[dreg:$0x5] =	wrdreg s9;
	s11 =	smul.u32 $0x500, s6  }
0xc: {  	s21 =	ssub.s32 $0x2, s6;
	s25 =	smul.u32 $0x2800, s6;
	s9 =	simm.s32 $0x280  }
0xd: {  	s5 =	sadd.s32 s5, s0;
	s22 =	sshrl.u32 s21, $0x1;
	s31 =	sadd.s32 s10, s3  }
0xe: {  	s10 =	simm.s32 $0x80;
	s0 =	sadd.s32 s7, s0;
	s7 =	ssub.s32 s21, s22  }
0xf: {  	s5 =	sadd.s32 s8, s5;
	s21 =	simm.s32 $0x2;
	s0 =	sadd.s32 $0x98C00, s0  }
0x10: {  	s22 =	simm.s32 $0x7;
	s26 =	smax.u32 s7, $0x1;
	[dreg:$0x6] =	wrdreg s0  }
0x11: {  	s24 =	sadd.s32 $0x593A00, s5;
	s5 =	sadd.s32 s25, s23;
	[dreg:$0x7] =	wrdreg s26  }
0x12: {  	s23 =	simm.s32 $0x3;
	s25 =	simm.s32 $0x4;
	[dreg:$0x3] =	wrdreg s24  }
0x13: {  	s0 =	sadd.s32 s11, s31;
	[dreg:$0x4] =	wrdreg s5;
	s5 =	sshrl.u32 @!p0 s1, $0x3  }
0x14: {  	s11 =	simm.s32 $0x1680;
	s0 =	sadd.s32 $0x40, s0;
	[dreg:$0x9] =	wrdreg s5  }
0x15: {  	s24 =	simm.s32 $0x8;
	s26 =	simm.s32 $0x9;
	[dreg:$0x8] =	wrdreg s0  }
.LBB2_1:
0x16: {  	s4 =	simm.s32 @!p0 $0x1C0B;
	s0 =	rddreg [dreg:$0x5]  }
0x17: {  	[spmem:s5], [sflag:s4] =	dma.local @!p0 [hbm:s0], $0x27100  }
0x18: {  	s4 =	simm.s32 @!p0 $0xB  }
0x19: {  	_ =	swait.ge @!p0 [sflag:s4], $0x27100  }
0x1a: {  	[sflag:s4] =	ssyncset.done @!p0 $0x0  }
0x1b: {  	[sflag:s4] =	ssyncadd.s32 @!p0 $0xFFFD8F00  }
0x1c: {  	[bflag:$0x0] =	sbarrier.arrive $0xFFFF  }
0x1d: {  	s6 =	rddreg [dreg:$0x4]  }
0x1e: {  	s4 =	sadd.s32 $0x0, s6  }
0x1f: {  	s7 =	sand.u32 $0x380, s2;
	s4 =	sand.u32 $0x7FFFFC00, s4  }
0x20: {  	s4 =	sor.u32 s7, s4  }
0x21: {  	s4 =	sshrl.u32 s4, $0x3  }
0x22: {  	s8 =	rddreg [dreg:$0x3];
	s4 =	sadd.s32 s3, s4  }
0x23: {  	[tilespmem:s2], [sflag:$0x1] =	stream.linear.gather [hbm4b:s4+s2], $0x80, $0x38;
	[tilespmem:$0x19F00] =	vst v63  }
0x24: {  	s7 =	rddreg [dreg:$0x8];
	s4 =	sadd.s32 $0x0, s8  }
0x25: {  	[tilespmem:s9], [sflag:$0x6] =	stream.linear.gather [hbm4b:s4+s2], $0x1400, $0x38;
	[tilespmem:$0x19F00] =	vst v63  }
0x26: {  	s0 =	sadd.s32 $0xFFFFFFD0, s7  }
0x27: {  	[tilespmem:s10], [sflag:$0x2] =	stream.linear.gather [hbm4b:s0+s2], $0x80, $0x38;
	[tilespmem:$0x19F00] =	vst v63  }
0x28: {  	s6 =	sadd.s32 $0x280, s4  }
0x29: {  	[tilespmem:s11], [sflag:$0x7] =	stream.linear.gather [hbm4b:s6+s2], $0x1400, $0x38;
	[tilespmem:$0x19F00] =	vst v63  }
0x2a: {  	s8 =	sadd.s32 $0xFFFFFFE0, s7  }
0x2b: {  	[tilespmem:s12], [sflag:$0x3] =	stream.linear.gather [hbm4b:s8+s2], $0x80, $0x38;
	[tilespmem:$0x19F00] =	vst v63  }
0x2c: {  	s0 =	sadd.s32 $0x500, s4  }
0x2d: {  	[tilespmem:s13], [sflag:$0x8] =	stream.linear.gather [hbm4b:s0+s2], $0x1400, $0x38;
	[tilespmem:$0x19F00] =	vst v63  }
0x2e: {  	s6 =	sadd.s32 $0xFFFFFFF0, s7  }
0x2f: {  	[tilespmem:s14], [sflag:$0x4] =	stream.linear.gather [hbm4b:s6+s2], $0x80, $0x38;
	[tilespmem:$0x19F00] =	vst v63  }
0x30: {  	s8 =	sadd.s32 $0x780, s4  }
0x31: {  	[tilespmem:s15], [sflag:$0x9] =	stream.linear.gather [hbm4b:s8+s2], $0x1400, $0x38;
	[tilespmem:$0x19F00] =	vst v63  }
0x32: {  	_ = 	snop  }
0x33: {  	[tilespmem:s16], [sflag:$0x5] =	stream.linear.gather [hbm4b:s7+s2], $0x80, $0x38;
	[tilespmem:$0x19F00] =	vst v63  }
0x34: {  	s4 =	sadd.s32 $0xA00, s4  }
0x35: {  	[tilespmem:s17], [sflag:$0xA] =	stream.linear.gather [hbm4b:s4+s2], $0x1400, $0x38;
	[tilespmem:$0x19F00] =	vst v63  }
0x36: {  	_ =	swait.ge [sflag:s18], $0x80  }
0x37: {  	[sflag:s18] =	ssyncset.done $0x0  }
0x38: {  	[sflag:s18] =	ssyncadd.s32 $0xFFFFFF80  }
0x39: {  	_ =	swait.ge [sflag:s19], $0x1400  }
0x3a: {  	[sflag:s19] =	ssyncset.done $0x0  }
0x3b: {  	[sflag:s19] =	ssyncadd.s32 $0xFFFFEC00  }
0x3c: {  	[spmem:s1] =	stream.indirect.scatter.add.f32 [tilespmem:s9], [sflag:$0x6], $0x80, s2, s20, $0xb8;
	[tilespmem:$0x19F00] =	vst v63  }
0x3d: {  	_ =	swait.ge [sflag:s21], $0x80  }
0x3e: {  	[sflag:s21] =	ssyncset.done $0x0  }
0x3f: {  	[sflag:s21] =	ssyncadd.s32 $0xFFFFFF80  }
0x40: {  	_ =	swait.ge [sflag:s22], $0x1400  }
0x41: {  	[sflag:s22] =	ssyncset.done $0x0  }
0x42: {  	[sflag:s22] =	ssyncadd.s32 $0xFFFFEC00  }
0x43: {  	[spmem:s1] =	stream.indirect.scatter.add.f32 [tilespmem:s11], [sflag:$0x7], $0x80, s10, s20, $0xb8;
	[tilespmem:$0x19F00] =	vst v63  }
0x44: {  	_ =	swait.ge [sflag:s23], $0x80  }
0x45: {  	[sflag:s23] =	ssyncset.done $0x0  }
0x46: {  	[sflag:s23] =	ssyncadd.s32 $0xFFFFFF80  }
0x47: {  	_ =	swait.ge [sflag:s24], $0x1400  }
0x48: {  	[sflag:s24] =	ssyncset.done $0x0  }
0x49: {  	[sflag:s24] =	ssyncadd.s32 $0xFFFFEC00  }
0x4a: {  	[spmem:s1] =	stream.indirect.scatter.add.f32 [tilespmem:s13], [sflag:$0x8], $0x80, s12, s20, $0xb8;
	[tilespmem:$0x19F00] =	vst v63  }
0x4b: {  	_ =	swait.ge [sflag:s25], $0x80  }
0x4c: {  	[sflag:s25] =	ssyncset.done $0x0  }
0x4d: {  	[sflag:s25] =	ssyncadd.s32 $0xFFFFFF80  }
0x4e: {  	_ =	swait.ge [sflag:s26], $0x1400  }
0x4f: {  	[sflag:s26] =	ssyncset.done $0x0  }
0x50: {  	[sflag:s26] =	ssyncadd.s32 $0xFFFFEC00  }
0x51: {  	[spmem:s1] =	stream.indirect.scatter.add.f32 [tilespmem:s15], [sflag:$0x9], $0x80, s14, s20, $0xb8;
	[tilespmem:$0x19F00] =	vst v63  }
0x52: {  	_ =	swait.ge [sflag:s28], $0x80  }
0x53: {  	[sflag:s28] =	ssyncset.done $0x0  }
0x54: {  	[sflag:s28] =	ssyncadd.s32 $0xFFFFFF80  }
0x55: {  	_ =	swait.ge [sflag:s29], $0x1400  }
0x56: {  	[sflag:s29] =	ssyncset.done $0x0  }
0x57: {  	[sflag:s29] =	ssyncadd.s32 $0xFFFFEC00  }
0x58: {  	[spmem:s1] =	stream.indirect.scatter.add.f32 [tilespmem:s17], [sflag:$0xA], $0x80, s16, s20, $0xb8;
	[tilespmem:$0x19F00] =	vst v63  }
0x59: {  	_ =	swait.ge [sflag:s19], $0x1400  }
0x5a: {  	[sflag:s19] =	ssyncset.done $0x0  }
0x5b: {  	[sflag:s19] =	ssyncadd.s32 $0xFFFFEC00  }
0x5c: {  	_ =	swait.ge [sflag:s22], $0x1400  }
0x5d: {  	[sflag:s22] =	ssyncset.done $0x0  }
0x5e: {  	[sflag:s22] =	ssyncadd.s32 $0xFFFFEC00  }
0x5f: {  	_ =	swait.ge [sflag:s24], $0x1400  }
0x60: {  	[sflag:s24] =	ssyncset.done $0x0  }
0x61: {  	[sflag:s24] =	ssyncadd.s32 $0xFFFFEC00  }
0x62: {  	_ =	swait.ge [sflag:s26], $0x1400  }
0x63: {  	[sflag:s26] =	ssyncset.done $0x0  }
0x64: {  	[sflag:s26] =	ssyncadd.s32 $0xFFFFEC00  }
0x65: {  	s31 =	simm.s32 $0xC80;
	s5 =	simm.s32 $0x0;
	_ =	swait.ge [sflag:s29], $0x1400  }
0x66: {  	s4 =	simm.s32 $0x1900;
	s6 =	rddreg [dreg:$0x4];
	[sflag:s29] =	ssyncset.done $0x0  }
.LBB2_2:
0x67: {  	s5 =	sadd.s32 $0x280, s5  }
0x68: {  	s6 =	sadd.s32 s5, s6  }
0x69: {  	s0 =	sand.u32 $0x380, s5;
	s6 =	sand.u32 $0x7FFFFC00, s6  }
0x6a: {  	s0 =	sor.u32 s0, s6  }
0x6b: {  	s0 =	sshrl.u32 s0, $0x3  }
0x6c: {  	[sflag:s29] =	ssyncadd.s32 $0xFFFFEC00;
	s6 =	rddreg [dreg:$0x3];
	s0 =	sadd.s32 s3, s0  }
0x6d: {  	[tilespmem:s2], [sflag:$0x1] =	stream.linear.gather [hbm4b:s0+s2], $0x80, $0x38;
	[tilespmem:$0x19F00] =	vst v63  }
0x6e: {  	s7 =	sadd.s32 $0x50, s7;
	s8 =	smov.u32 s4;
	s0 =	sadd.s32 s31, s6  }
0x6f: {  	[tilespmem:s9], [sflag:$0x6] =	stream.linear.gather [hbm4b:s0+s2], $0x1400, $0x38;
	[tilespmem:$0x19F00] =	vst v63  }
0x70: {  	s31 =	smov.u32 s8;
	s8 =	sadd.s32 $0xFFFFFFD0, s7  }
0x71: {  	[tilespmem:s10], [sflag:$0x2] =	stream.linear.gather [hbm4b:s8+s2], $0x80, $0x38;
	[tilespmem:$0x19F00] =	vst v63  }
0x72: {  	s8 =	sadd.s32 $0x280, s0  }
0x73: {  	[tilespmem:s11], [sflag:$0x7] =	stream.linear.gather [hbm4b:s8+s2], $0x1400, $0x38;
	[tilespmem:$0x19F00] =	vst v63  }
0x74: {  	s8 =	sadd.s32 $0xFFFFFFE0, s7  }
0x75: {  	[tilespmem:s12], [sflag:$0x3] =	stream.linear.gather [hbm4b:s8+s2], $0x80, $0x38;
	[tilespmem:$0x19F00] =	vst v63  }
0x76: {  	s8 =	sadd.s32 $0x500, s0  }
0x77: {  	[tilespmem:s13], [sflag:$0x8] =	stream.linear.gather [hbm4b:s8+s2], $0x1400, $0x38;
	[tilespmem:$0x19F00] =	vst v63  }
0x78: {  	s8 =	sadd.s32 $0xFFFFFFF0, s7  }
0x79: {  	[tilespmem:s14], [sflag:$0x4] =	stream.linear.gather [hbm4b:s8+s2], $0x80, $0x38;
	[tilespmem:$0x19F00] =	vst v63  }
0x7a: {  	s8 =	sadd.s32 $0x780, s0  }
0x7b: {  	[tilespmem:s15], [sflag:$0x9] =	stream.linear.gather [hbm4b:s8+s2], $0x1400, $0x38;
	[tilespmem:$0x19F00] =	vst v63  }
0x7c: {  	_ = 	snop  }
0x7d: {  	[tilespmem:s16], [sflag:$0x5] =	stream.linear.gather [hbm4b:s7+s2], $0x80, $0x38;
	[tilespmem:$0x19F00] =	vst v63  }
0x7e: {  	s0 =	sadd.s32 $0xA00, s0  }
0x7f: {  	[tilespmem:s17], [sflag:$0xA] =	stream.linear.gather [hbm4b:s0+s2], $0x1400, $0x38;
	[tilespmem:$0x19F00] =	vst v63  }
0x80: {  	_ =	swait.ge [sflag:s18], $0x80  }
0x81: {  	[sflag:s18] =	ssyncset.done $0x0  }
0x82: {  	[sflag:s18] =	ssyncadd.s32 $0xFFFFFF80  }
0x83: {  	_ =	swait.ge [sflag:s19], $0x1400  }
0x84: {  	[sflag:s19] =	ssyncset.done $0x0  }
0x85: {  	[sflag:s19] =	ssyncadd.s32 $0xFFFFEC00  }
0x86: {  	[spmem:s1] =	stream.indirect.scatter.add.f32 [tilespmem:s9], [sflag:$0x6], $0x80, s2, s20, $0xb8;
	[tilespmem:$0x19F00] =	vst v63  }
0x87: {  	_ =	swait.ge [sflag:s21], $0x80  }
0x88: {  	[sflag:s21] =	ssyncset.done $0x0  }
0x89: {  	[sflag:s21] =	ssyncadd.s32 $0xFFFFFF80  }
0x8a: {  	_ =	swait.ge [sflag:s22], $0x1400  }
0x8b: {  	[sflag:s22] =	ssyncset.done $0x0  }
0x8c: {  	[sflag:s22] =	ssyncadd.s32 $0xFFFFEC00  }
0x8d: {  	[spmem:s1] =	stream.indirect.scatter.add.f32 [tilespmem:s11], [sflag:$0x7], $0x80, s10, s20, $0xb8;
	[tilespmem:$0x19F00] =	vst v63  }
0x8e: {  	_ =	swait.ge [sflag:s23], $0x80  }
0x8f: {  	[sflag:s23] =	ssyncset.done $0x0  }
0x90: {  	[sflag:s23] =	ssyncadd.s32 $0xFFFFFF80  }
0x91: {  	_ =	swait.ge [sflag:s24], $0x1400  }
0x92: {  	[sflag:s24] =	ssyncset.done $0x0  }
0x93: {  	[sflag:s24] =	ssyncadd.s32 $0xFFFFEC00  }
0x94: {  	[spmem:s1] =	stream.indirect.scatter.add.f32 [tilespmem:s13], [sflag:$0x8], $0x80, s12, s20, $0xb8;
	[tilespmem:$0x19F00] =	vst v63  }
0x95: {  	_ =	swait.ge [sflag:s25], $0x80  }
0x96: {  	[sflag:s25] =	ssyncset.done $0x0  }
0x97: {  	[sflag:s25] =	ssyncadd.s32 $0xFFFFFF80  }
0x98: {  	_ =	swait.ge [sflag:s26], $0x1400  }
0x99: {  	[sflag:s26] =	ssyncset.done $0x0  }
0x9a: {  	[sflag:s26] =	ssyncadd.s32 $0xFFFFEC00  }
0x9b: {  	[spmem:s1] =	stream.indirect.scatter.add.f32 [tilespmem:s15], [sflag:$0x9], $0x80, s14, s20, $0xb8;
	[tilespmem:$0x19F00] =	vst v63  }
0x9c: {  	_ =	swait.ge [sflag:s28], $0x80  }
0x9d: {  	[sflag:s28] =	ssyncset.done $0x0  }
0x9e: {  	[sflag:s28] =	ssyncadd.s32 $0xFFFFFF80  }
0x9f: {  	_ =	swait.ge [sflag:s29], $0x1400  }
0xa0: {  	[sflag:s29] =	ssyncset.done $0x0  }
0xa1: {  	[sflag:s29] =	ssyncadd.s32 $0xFFFFEC00  }
0xa2: {  	[spmem:s1] =	stream.indirect.scatter.add.f32 [tilespmem:s17], [sflag:$0xA], $0x80, s16, s20, $0xb8;
	[tilespmem:$0x19F00] =	vst v63  }
0xa3: {  	_ =	swait.ge [sflag:s19], $0x1400  }
0xa4: {  	[sflag:s19] =	ssyncset.done $0x0  }
0xa5: {  	[sflag:s19] =	ssyncadd.s32 $0xFFFFEC00  }
0xa6: {  	_ =	swait.ge [sflag:s22], $0x1400  }
0xa7: {  	[sflag:s22] =	ssyncset.done $0x0  }
0xa8: {  	[sflag:s22] =	ssyncadd.s32 $0xFFFFEC00  }
0xa9: {  	_ =	swait.ge [sflag:s24], $0x1400  }
0xaa: {  	[sflag:s24] =	ssyncset.done $0x0  }
0xab: {  	p1 =	sne.s32 s4, $0xBB80;
	[sflag:s24] =	ssyncadd.s32 $0xFFFFEC00  }
.Ltmp0:
0xac: {  	_ =	swait.ge [sflag:s26], $0x1400;
	(pc) =	sbr.rel @p1 .LBB2_2-.Ltmp0, $4  }
0xad: {  	[sflag:s26] =	ssyncset.done $0x0  }
0xae: {  	[sflag:s26] =	ssyncadd.s32 $0xFFFFEC00  }
0xaf: {  	_ =	swait.ge [sflag:s29], $0x1400  }
0xb0: {  	s4 =	sadd.s32 $0xC80, s4;
	s6 =	rddreg [dreg:$0x4];
	[sflag:s29] =	ssyncset.done $0x0  }
0xb1: {  	s0 =	sadd.s32 $0x280, s5  }
0xb2: {  	s4 =	sadd.s32 s0, s6  }
0xb3: {  	s0 =	sand.u32 $0x380, s0;
	s4 =	sand.u32 $0x7FFFFC00, s4  }
0xb4: {  	s0 =	sor.u32 s0, s4  }
0xb5: {  	s0 =	sshrl.u32 s0, $0x3  }
0xb6: {  	s5 =	rddreg [dreg:$0x3];
	[sflag:s29] =	ssyncadd.s32 $0xFFFFEC00;
	s0 =	sadd.s32 s3, s0  }
0xb7: {  	[tilespmem:s2], [sflag:$0x1] =	stream.linear.gather [hbm4b:s0+s2], $0x80, $0x38;
	[tilespmem:$0x19F00] =	vst v63  }
0xb8: {  	s4 =	sadd.s32 s31, s5;
	s0 =	sadd.s32 $0x50, s7  }
0xb9: {  	[tilespmem:s9], [sflag:$0x6] =	stream.linear.gather [hbm4b:s4+s2], $0x1400, $0x38;
	[tilespmem:$0x19F00] =	vst v63  }
0xba: {  	s6 =	sadd.s32 $0xFFFFFFD0, s0  }
0xbb: {  	[tilespmem:s10], [sflag:$0x2] =	stream.linear.gather [hbm4b:s6+s2], $0x80, $0x38;
	[tilespmem:$0x19F00] =	vst v63  }
0xbc: {  	s7 =	sadd.s32 $0x280, s4  }
0xbd: {  	[tilespmem:s11], [sflag:$0x7] =	stream.linear.gather [hbm4b:s7+s2], $0x1400, $0x38;
	[tilespmem:$0x19F00] =	vst v63  }
0xbe: {  	s8 =	sadd.s32 $0xFFFFFFE0, s0  }
0xbf: {  	[tilespmem:s12], [sflag:$0x3] =	stream.linear.gather [hbm4b:s8+s2], $0x80, $0x38;
	[tilespmem:$0x19F00] =	vst v63  }
0xc0: {  	s31 =	sadd.s32 $0x500, s4  }
0xc1: {  	[tilespmem:s13], [sflag:$0x8] =	stream.linear.gather [hbm4b:s31+s2], $0x1400, $0x38;
	[tilespmem:$0x19F00] =	vst v63  }
0xc2: {  	s6 =	sadd.s32 $0xFFFFFFF0, s0  }
0xc3: {  	[tilespmem:s14], [sflag:$0x4] =	stream.linear.gather [hbm4b:s6+s2], $0x80, $0x38;
	[tilespmem:$0x19F00] =	vst v63  }
0xc4: {  	s7 =	sadd.s32 $0x780, s4  }
0xc5: {  	[tilespmem:s15], [sflag:$0x9] =	stream.linear.gather [hbm4b:s7+s2], $0x1400, $0x38;
	[tilespmem:$0x19F00] =	vst v63  }
0xc6: {  	_ = 	snop  }
0xc7: {  	[tilespmem:s16], [sflag:$0x5] =	stream.linear.gather [hbm4b:s0+s2], $0x80, $0x38;
	[tilespmem:$0x19F00] =	vst v63  }
0xc8: {  	s8 =	sadd.s32 $0xA00, s4  }
0xc9: {  	[tilespmem:s17], [sflag:$0xA] =	stream.linear.gather [hbm4b:s8+s2], $0x1400, $0x38;
	[tilespmem:$0x19F00] =	vst v63  }
0xca: {  	_ =	swait.ge [sflag:s18], $0x80  }
0xcb: {  	[sflag:s18] =	ssyncset.done $0x0  }
0xcc: {  	[sflag:s18] =	ssyncadd.s32 $0xFFFFFF80  }
0xcd: {  	_ =	swait.ge [sflag:s19], $0x1400  }
0xce: {  	[sflag:s19] =	ssyncset.done $0x0  }
0xcf: {  	[sflag:s19] =	ssyncadd.s32 $0xFFFFEC00  }
0xd0: {  	[spmem:s1] =	stream.indirect.scatter.add.f32 [tilespmem:s9], [sflag:$0x6], $0x80, s2, s20, $0xb8;
	[tilespmem:$0x19F00] =	vst v63  }
0xd1: {  	_ =	swait.ge [sflag:s21], $0x80  }
0xd2: {  	[sflag:s21] =	ssyncset.done $0x0  }
0xd3: {  	[sflag:s21] =	ssyncadd.s32 $0xFFFFFF80  }
0xd4: {  	_ =	swait.ge [sflag:s22], $0x1400  }
0xd5: {  	[sflag:s22] =	ssyncset.done $0x0  }
0xd6: {  	[sflag:s22] =	ssyncadd.s32 $0xFFFFEC00  }
0xd7: {  	[spmem:s1] =	stream.indirect.scatter.add.f32 [tilespmem:s11], [sflag:$0x7], $0x80, s10, s20, $0xb8;
	[tilespmem:$0x19F00] =	vst v63  }
0xd8: {  	_ =	swait.ge [sflag:s23], $0x80  }
0xd9: {  	[sflag:s23] =	ssyncset.done $0x0  }
0xda: {  	[sflag:s23] =	ssyncadd.s32 $0xFFFFFF80  }
0xdb: {  	_ =	swait.ge [sflag:s24], $0x1400  }
0xdc: {  	[sflag:s24] =	ssyncset.done $0x0  }
0xdd: {  	[sflag:s24] =	ssyncadd.s32 $0xFFFFEC00  }
0xde: {  	[spmem:s1] =	stream.indirect.scatter.add.f32 [tilespmem:s13], [sflag:$0x8], $0x80, s12, s20, $0xb8;
	[tilespmem:$0x19F00] =	vst v63  }
0xdf: {  	_ =	swait.ge [sflag:s25], $0x80  }
0xe0: {  	[sflag:s25] =	ssyncset.done $0x0  }
0xe1: {  	[sflag:s25] =	ssyncadd.s32 $0xFFFFFF80  }
0xe2: {  	_ =	swait.ge [sflag:s26], $0x1400  }
0xe3: {  	[sflag:s26] =	ssyncset.done $0x0  }
0xe4: {  	[sflag:s26] =	ssyncadd.s32 $0xFFFFEC00  }
0xe5: {  	[spmem:s1] =	stream.indirect.scatter.add.f32 [tilespmem:s15], [sflag:$0x9], $0x80, s14, s20, $0xb8;
	[tilespmem:$0x19F00] =	vst v63  }
0xe6: {  	_ =	swait.ge [sflag:s28], $0x80  }
0xe7: {  	[sflag:s28] =	ssyncset.done $0x0  }
0xe8: {  	[sflag:s28] =	ssyncadd.s32 $0xFFFFFF80  }
0xe9: {  	_ =	swait.ge [sflag:s29], $0x1400  }
0xea: {  	[sflag:s29] =	ssyncset.done $0x0  }
0xeb: {  	[sflag:s29] =	ssyncadd.s32 $0xFFFFEC00  }
0xec: {  	[spmem:s1] =	stream.indirect.scatter.add.f32 [tilespmem:s17], [sflag:$0xA], $0x80, s16, s20, $0xb8;
	[tilespmem:$0x19F00] =	vst v63  }
0xed: {  	_ =	swait.ge [sflag:s19], $0x1400  }
0xee: {  	[sflag:s19] =	ssyncset.done $0x0  }
0xef: {  	[sflag:s19] =	ssyncadd.s32 $0xFFFFEC00  }
0xf0: {  	_ =	swait.ge [sflag:s22], $0x1400  }
0xf1: {  	[sflag:s22] =	ssyncset.done $0x0  }
0xf2: {  	[sflag:s22] =	ssyncadd.s32 $0xFFFFEC00  }
0xf3: {  	_ =	swait.ge [sflag:s24], $0x1400  }
0xf4: {  	[sflag:s24] =	ssyncset.done $0x0  }
0xf5: {  	[sflag:s24] =	ssyncadd.s32 $0xFFFFEC00  }
0xf6: {  	_ =	swait.ge [sflag:s26], $0x1400  }
0xf7: {  	[sflag:s26] =	ssyncset.done $0x0  }
0xf8: {  	[sflag:s26] =	ssyncadd.s32 $0xFFFFEC00  }
0xf9: {  	_ =	swait.ge [sflag:s29], $0x1400  }
0xfa: {  	[sflag:s29] =	ssyncset.done $0x0  }
0xfb: {  	[sflag:s29] =	ssyncadd.s32 $0xFFFFEC00  }
0xfc: {  	[bflag:$0x0] =	sbarrier.arrive $0xFFFF  }
0xfd: {  	s4 =	rddreg [dreg:$0x6]  }
0xfe: {  	s0 =	simm.s32 @!p0 $0x1C0B;
	s5 =	rddreg [dreg:$0x9]  }
0xff: {  	[hbm:s4], [sflag:s0] =	dma.local @!p0 [spmem:s5], $0x27100  }
0x100: {  	s0 =	simm.s32 @!p0 $0xB  }
0x101: {  	_ =	swait.ge @!p0 [sflag:s0], $0x27100  }
0x102: {  	s30 =	sadd.s32 $0x1, s30;
	s31 =	rddreg [dreg:$0x7]  }
0x103: {  	p1 =	sne.s32 s30, s31  }
.Ltmp1:
0x104: {  	_ = 	snop;
	(pc) =	sbr.rel @p1 .LBB2_1-.Ltmp1, $3  }
0x105: {  	_ =	sdelay $0x1  }
0x106: {  	[sflag:s0] =	ssyncset.done @!p0 $0x0  }
0x107: {  	[sflag:s0] =	ssyncadd.s32 @!p0 $0xFFFD8F00  }
0x108: {  	_ =	sfence.sel $0x180000  }
0x109: {  	[bflag:$0x0] =	sbarrier.arrive $0xFFFF  }
0x10a: {  	_ =	strace $0x90000050  }
0x10b: {  	[bflag:$0x2] =	sbarrier.arrive $0xFFFF  }
0x10c: {  	s0 =	rddreg [dreg:$0x2]  }
0x10d: {  	s0 =	sadd.s32 @!p0 $0x100000, s0  }
0x10e: {  	[sflag:s0] =	ssyncadd.tile.s32 @!p0 $0x1;
	_ =	shalt  }
.Lfunc_end2:
_tile_overlayer_lowered:
.L_overlay_start_2:
0x10f: {  	(tag) =	ssettag $0x2  }
0x110: {  	s0 =	rddreg [dreg:$0x0];
	s2 =	stileid.u32  }
0x111: {  	s1 =	rddreg [dreg:$0x1];
	p0 =	sne.s32 s2, $0x0  }
0x112: {  	s3 =	rddreg [dreg:$0x2];
	[bflag:$0x3] =	sbarrier.arrive $0xFFFF;
	s2 =	simm.s32 @!p0 $0x1C0B  }
0x113: {  	[timem:s3], [sflag:s2] =	dma.local @!p0 [hbm:s0], s1  }
0x114: {  	s0 =	simm.s32 @!p0 $0xB  }
0x115: {  	_ =	swait.ge @!p0 [sflag:s0], s1  }
0x116: {  	s1 =	ssub.s32 @!p0 $0x0, s1;
	[sflag:s0] =	ssyncset.done @!p0 $0x0  }
0x117: {  	[sflag:s0] =	ssyncadd.s32 @!p0 s1  }
0x118: {  	[bflag:$0x3] =	sbarrier.arrive $0xFFFF  }
0x119: {  	_ =	shalt  }

// kernel: kernel.25.cloned.1.call-start
scs
__scs_entry_jumppad:
0x0: {  	(pc) =	sbr.rel $0x88, $3  }
0x1: {  	(tag) =	ssettag $0x0;
	lr =	simm.s32 $0x1  }
0x2: {  	[smem:$0x3F94] =	sst lr;
	_ =	strace $0xD0000000  }
0x3: {  	_ = 	snop  }
0x4: {  	_ = 	snop  }
0x5: {  	_ = 	snop  }
0x6: {  	_ = 	snop  }
0x7: {  	_ = 	snop  }
__scs_overlays_trampoline_lowered:
0x8: {  	[smem:$0x3FA3] =	sst s0  }
0x9: {  	[smem:$0x3FA4] =	sst s1  }
0xa: {  	[smem:$0x3FA5] =	sst s2  }
0xb: {  	[smem:$0x3FA6] =	sst s3  }
0xc: {  	[smem:$0x3FA7] =	sst s4  }
0xd: {  	[smem:$0x3FA8] =	sst s5  }
0xe: {  	[smem:$0x3FA9] =	sst s6  }
0xf: {  	[smem:$0x3FAA] =	sst s7  }
0x10: {  	[smem:$0x3FAB] =	sst s8  }
0x11: {  	[smem:$0x3FAC] =	sst s9;
	s0 =	simm.s32 @!p0 $0x0  }
0x12: {  	s1 =	sld [smem:$0x3F92];
	s0 =	simm.s32 @p0 $0x1  }
0x13: {  	[smem:$0x3FAD] =	sst s0;
	s0 =	simm.s32 @!p1 $0x0  }
0x14: {  	s2 =	sld [smem:$0x3F91];
	s0 =	simm.s32 @p1 $0x1  }
0x15: {  	[smem:$0x3FAE] =	sst s0;
	s0 =	simm.s32 @!p2 $0x0  }
0x16: {  	s3 =	sld [smem:$0x3FDB];
	s0 =	simm.s32 @p2 $0x1  }
0x17: {  	s4 =	simm.s32 $0x1BF5;
	[smem:$0x3FB0] =	sst s0  }
0x18: {  	s0 =	sld [smem:$0x3F93];
	_ =	swait.ge [sflag:s4], $0x0  }
0x19: {  	s7 =	sld [smem:$0x3F94]  }
0x1a: {  	s8 =	sadd.s32 $0xFFFFE003, lr  }
0x1b: {  	s9 =	sadd.s32 $0xFFFFFEF7, lr;
	s5 =	simm.s32 $0xFFFFFFFF;
	p2 =	slt.u32 s8, $0xFFFFF086  }
0x1c: {  	p1 =	slt.u32 s9, $0xF7A;
	s5 =	simm.s32 @!p2 $0x0  }
0x1d: {  	s5 =	simm.s32 @p1 $0x1;
	p0 =	seq.s32 s7, s2  }
0x1e: {  	s7 =	smul.u32 @!p0 $0xF7A, s2;
	p2 =	seq.s32 @!p0 s5, $0x0  }
0x1f: {  	s9 =	smul.u32 $0xF7A, s1;
	s8 =	simm.s32 @!p0 $0x1BF5;
	p2 =	por !p2, p0  }
0x20: {  	[sflag:s8] =	ssyncset.s32 @!p0 $0xFFFFF086;
	s6 =	sadd.s32 @!p0 s3, s7;
	s7 =	simm.s32 @!p0 $0x108  }
0x21: {  	s3 =	sadd.s32 s3, s9;
	s6 =	sadd.s32 @!p0 $0x88, s6;
	s7 =	simm.s32 @p2 $0x1082  }
0x22: {  	[simem:s7], [sflag:s8] =	dma.local @!p0 [hbm:s6], $0xF7A  }
0x23: {  	s9 =	sor.u32 $0xD0000000, s2;
	s6 =	simm.s32 $0x108;
	_ =	swait.ge @!p0 [sflag:s8], $0x0  }
0x24: {  	s3 =	sadd.s32 $0x88, s3;
	s6 =	simm.s32 @!p1 $0x1082;
	[sflag:s4] =	ssyncset.s32 $0xFFFFF086  }
0x25: {  	[simem:s6], [sflag:s4] =	dma.local [hbm:s3], $0xF7A  }
0x26: {  	[smem:$0x3F94] =	sst s1;
	(tag) =	ssettag s2;
	_ =	strace s9  }
0x27: {  	s1 =	sld [smem:$0x3FA4]  }
0x28: {  	s2 =	sld [smem:$0x3FA5]  }
0x29: {  	s4 =	sld [smem:$0x3FA7]  }
0x2a: {  	p0 =	seq.s32 s5, $0x0;
	s5 =	sld [smem:$0x3FA8]  }
0x2b: {  	s6 =	sld [smem:$0x3FA9]  }
0x2c: {  	s7 =	sld [smem:$0x3FAA]  }
0x2d: {  	s3 =	simm.s32 $0x108;
	s8 =	sld [smem:$0x3FAB]  }
0x2e: {  	s3 =	simm.s32 @!p0 $0x1082;
	s9 =	sld [smem:$0x3FAC]  }
0x2f: {  	lr =	sadd.s32 s0, s3;
	s0 =	sld [smem:$0x3FA3]  }
0x30: {  	s3 =	sld [smem:$0x3FA6]  }
0x31: {  	[smem:$0x3FAF] =	sst s10  }
0x32: {  	s10 =	sld [smem:$0x3FAD];
	_ =	sdelay $0x3  }
0x33: {  	p0 =	seq.s32 s10, $0x1;
	s10 =	sld [smem:$0x3FAF];
	_ =	sdelay $0x3  }
0x34: {  	[smem:$0x3FAF] =	sst s10  }
0x35: {  	s10 =	sld [smem:$0x3FAE];
	_ =	sdelay $0x3  }
0x36: {  	p1 =	seq.s32 s10, $0x1;
	s10 =	sld [smem:$0x3FAF];
	_ =	sdelay $0x3  }
0x37: {  	[smem:$0x3FAF] =	sst s10  }
0x38: {  	s10 =	sld [smem:$0x3FB0]  }
0x39: {  	_ = 	snop;
	(pc) =	sbr.ind lr, $3  }
0x3a: {  	_ = 	snop  }
0x3b: {  	_ = 	snop  }
0x3c: {  	p2 =	seq.s32 s10, $0x1;
	s10 =	sld [smem:$0x3FAF]  }
0x3d: {  	_ =	shalt  }
0x3e: {  	_ =	shalt  }
0x3f: {  	_ =	shalt  }
0x40: {  	_ =	shalt  }
0x41: {  	_ =	shalt  }
0x42: {  	_ =	shalt  }
0x43: {  	_ =	shalt  }
0x44: {  	_ =	shalt  }
0x45: {  	_ =	shalt  }
0x46: {  	_ =	shalt  }
0x47: {  	_ =	shalt  }
0x48: {  	_ =	shalt  }
0x49: {  	_ =	shalt  }
0x4a: {  	_ =	shalt  }
0x4b: {  	_ =	shalt  }
0x4c: {  	_ =	shalt  }
0x4d: {  	_ =	shalt  }
0x4e: {  	_ =	shalt  }
0x4f: {  	_ =	shalt  }
0x50: {  	_ =	shalt  }
0x51: {  	_ =	shalt  }
0x52: {  	_ =	shalt  }
0x53: {  	_ =	shalt  }
0x54: {  	_ =	shalt  }
0x55: {  	_ =	shalt  }
0x56: {  	_ =	shalt  }
0x57: {  	_ =	shalt  }
0x58: {  	_ =	shalt  }
0x59: {  	_ =	shalt  }
0x5a: {  	_ =	shalt  }
0x5b: {  	_ =	shalt  }
0x5c: {  	_ =	shalt  }
0x5d: {  	_ =	shalt  }
0x5e: {  	_ =	shalt  }
0x5f: {  	_ =	shalt  }
0x60: {  	_ =	shalt  }
0x61: {  	_ =	shalt  }
0x62: {  	_ =	shalt  }
0x63: {  	_ =	shalt  }
0x64: {  	_ =	shalt  }
0x65: {  	_ =	shalt  }
0x66: {  	_ =	shalt  }
0x67: {  	_ =	shalt  }
0x68: {  	_ =	shalt  }
0x69: {  	_ =	shalt  }
0x6a: {  	_ =	shalt  }
0x6b: {  	_ =	shalt  }
0x6c: {  	_ =	shalt  }
0x6d: {  	_ =	shalt  }
0x6e: {  	_ =	shalt  }
0x6f: {  	_ =	shalt  }
0x70: {  	_ =	shalt  }
0x71: {  	_ =	shalt  }
0x72: {  	_ =	shalt  }
0x73: {  	_ =	shalt  }
0x74: {  	_ =	shalt  }
0x75: {  	_ =	shalt  }
0x76: {  	_ =	shalt  }
0x77: {  	_ =	shalt  }
0x78: {  	_ =	shalt  }
0x79: {  	_ =	shalt  }
0x7a: {  	_ =	shalt  }
0x7b: {  	_ =	shalt  }
0x7c: {  	_ =	shalt  }
0x7d: {  	_ =	shalt  }
0x7e: {  	_ =	shalt  }
0x7f: {  	_ =	shalt  }
0x80: {  	_ =	shalt  }
0x81: {  	_ =	shalt  }
0x82: {  	_ =	shalt  }
0x83: {  	_ =	shalt  }
0x84: {  	_ =	shalt  }
0x85: {  	_ =	shalt  }
0x86: {  	_ =	shalt  }
0x87: {  	_ =	shalt  }
.Lfunc_end0:
.L_simem_size_0:
called_computation.4_lowered:
.L_overlay_start_0:
0x88: {  	s2 =	sld [smem:$0x3FD9]  }
0x89: {  	s3 =	sld [smem:$0x3FFE];
	_ =	sdelay $0x1  }
0x8a: {  	s1 =	srdreg.scid  }
0x8b: {  	s0 =	sand.u32 $0x1, s1  }
0x8c: {  	s17 =	sshll.u32 s0, $0xA;
	s2 =	sadd.s32 s3, s2  }
0x8d: {  	s2 =	sadd.s32 s2, s17  }
0x8e: {  	[smem:$0x3FBB] =	sst s2  }
0x8f: {  	_ = 	snop  }
0x90: {  	(tm) =	ssettm $0x1  }
0x91: {  	s18 =	sld [smem:$0x3FFB];
	_ =	sdelay $0x3  }
0x92: {  	_ =	strace s18  }
0x93: {  	s2 =	sld [smem:$0x3FFC];
	_ =	sdelay $0x3  }
0x94: {  	_ =	strace s2  }
0x95: {  	s2 =	sld [smem:$0x3FFD];
	_ =	sdelay $0x3  }
0x96: {  	_ =	strace s2  }
0x97: {  	_ =	strace $0x8FFFFFFF  }
0x98: {  	s19 =	sld [smem:$0x3FDB];
	_ =	sdelay $0x1  }
0x99: {  	s20 =	simm.s32 $_scs_section_size  }
0x9a: {  	s4 =	simm.s32 $_size__tile_overlayer_lowered;
	s5 =	simm.s32 $_tile_overlayer_lowered  }
0x9b: {  	s6 =	simm.s32 $0x1BFF;
	s21 =	sshll.u32 s5, $0x1;
	s3 =	sadd.s32 s20, s19  }
0x9c: {  	s22 =	simm.s32 $0x0;
	s4 =	sshll.u32 s4, $0x1;
	s5 =	sadd.s32 s21, s3  }
0x9d: {  	[timem:s22], [sflag:s6] =	dma.local [hbm:s5], s4  }
0x9e: {  	_ =	swait.ge [sflag:s6], s4  }
0x9f: {  	s4 =	ssub.s32 $0x0, s4;
	[sflag:s6] =	ssyncset.done $0x0  }
0xa0: {  	[sflag:s6] =	ssyncadd.s32 s4;
	_ =	sdelay $0x1  }
0xa1: {  	s23 =	simm.s32 $0x1B8B  }
0xa2: {  	_ =	swait.ge [sflag:s23], $0x1  }
0xa3: {  	[sflag:s23] =	ssyncset.done $0x0  }
0xa4: {  	[sflag:s23] =	ssyncadd.s32 $0xFFFFFFFF  }
0xa5: {  	s4 =	sld [smem:$0x0]  }
0xa6: {  	s5 =	sand.u32 $0xFFFFFFFE, s1  }
0xa7: {  	p0 =	sne.s32 s1, s5  }
0xa8: {  	s5 =	sshll.u32 @p0 s5, $0xE  }
0xa9: {  	s5 =	sadd.s32 @p0 $0x11B8D, s5;
	s6 =	sshll.u32 @p0 s4, $0x11  }
0xaa: {  	s5 =	sor.u32 @p0 s6, s5  }
0xab: {  	[sflag:s5] =	ssyncadd.remote.s32 @p0 $0x1;
	_ =	sdelay $0x1  }
0xac: {  	s5 =	simm.s32 @p0 $0x1B8D  }
0xad: {  	_ =	swait.eq @p0 [sflag:s5], $0x1  }
0xae: {  	[sflag:s5] =	ssyncadd.s32 @p0 $0xFFFFFFFF  }
0xaf: {  	s6 =	sshll.u32 @!p0 s1, $0xE  }
0xb0: {  	s6 =	sor.u32 @!p0 $0x4000, s6;
	s5 =	simm.s32 @!p0 $0x1B8D  }
0xb1: {  	s4 =	sshll.u32 @!p0 s4, $0x11;
	s6 =	sadd.s32 @!p0 $0x11B8D, s6;
	_ =	swait.eq @!p0 [sflag:s5], $0x1  }
0xb2: {  	s4 =	sor.u32 @!p0 s4, s6;
	[sflag:s5] =	ssyncadd.s32 @!p0 $0xFFFFFFFF  }
0xb3: {  	s25 =	simm.s32 $0x1B8E;
	s24 =	sld [smem:$0x3FFE];
	[sflag:s4] =	ssyncadd.remote.s32 @!p0 $0x1  }
0xb4: {  	s26 =	simm.s32 $execute0_lowered;
	[smem:$0x3FD2] =	sst s25  }
0xb5: {  	s5 =	sshll.u32 s26, $0x1;
	_ =	strace $0x8000004C;
	[dreg:$0x1] =	wrdreg $0xFFFFFFFF  }
0xb6: {  	s28 =	simm.s32 $_size_execute0_lowered;
	s3 =	sadd.s32 s3, s5;
	[dreg:$0x0] =	wrdreg $0x0  }
0xb7: {  	s5 =	sshll.u32 s28, $0x1;
	[dreg:$0x2] =	wrdreg s3  }
0xb8: {  	[dreg:$0x3] =	wrdreg s5  }
0xb9: {  	[dreg:$0x4] =	wrdreg $0xC0  }
0xba: {  	_ =	task [dreg:s22], $0x5FFFF  }
0xbb: {  	[dreg:$0x1] =	wrdreg $0xFFFFFFFF  }
0xbc: {  	[dreg:$0x0] =	wrdreg $0x60  }
0xbd: {  	[dreg:$0x2] =	wrdreg s24  }
0xbe: {  	[dreg:$0x3] =	wrdreg $0xA  }
0xbf: {  	_ =	task.clear_ibuf [dreg:s22], $0x4FFFF;
	_ =	strace $0x9000004C  }
0xc0: {  	s29 =	simm.s32 $0xA;
	_ =	strace $0x8000004E  }
0xc1: {  	_ =	swait.ge [sflag:s29], $0x1  }
0xc2: {  	[sflag:s29] =	ssyncadd.s32 $0xFFFFFFFF  }
0xc3: {  	_ =	strace $0x9000004E  }
0xc4: {  	_ =	sfence  }
0xc5: {  	s30 =	sld [smem:$0x0];
	_ =	sdelay $0x2  }
0xc6: {  	s31 =	sshll.u32 s1, $0xD;
	s1 =	sshrl.u32 s1, $0x2  }
0xc7: {  	s4 =	sand.u32 $0x4000, s31;
	s1 =	sadd.s32 s1, s30  }
0xc8: {  	s0 =	sor.u32 s4, s0;
	s1 =	sshll.u32 s1, $0x11  }
0xc9: {  	s0 =	sor.u32 s1, s0  }
0xca: {  	s0 =	sadd.s32 $0x8F2B, s0  }
0xcb: {  	[sflag:s0] =	ssyncadd.remote.s32 $0x1  }
0xcc: {  	_ =	sfence.sel $0xFFFF  }
0xcd: {  	[dreg:$0x0] =	wrdreg $0xFFFFFFFF;
	(pc) =	sbr.abs _section_cstart, $3  }
0xce: {  	[dreg:$0x1] =	wrdreg $0xFFFFFFFF  }
0xcf: {  	_ =	task.clear_ibuf [dreg:s22], $0x2FFFF;
	_ =	strace $0x9FFFFFFF  }
0xd0: {  	(tm) =	ssettm $0x7FFFFFFF  }
0xd1: {  	_ =	shalt  }
tec
execute0_lowered:
.L_overlay_start_1:
0x0: {  	(tag) =	ssettag $0x1  }
0x1: {  	s1 =	srdreg.scid  }
0x2: {  	s0 =	stileid.u32;
	s5 =	rddreg [dreg:$0x0];
	s2 =	simm.s32 $0x0  }
0x3: {  	s10 =	simm.s32 $0x1800;
	s11 =	simm.s32 $0x50;
	s12 =	simm.s32 $0x3000  }
0x4: {  	s13 =	simm.s32 $0x5800;
	s14 =	simm.s32 $0x8000;
	s15 =	simm.s32 $0xA800  }
0x5: {  	s16 =	simm.s32 $0xD000;
	s17 =	simm.s32 $0x1;
	s18 =	simm.s32 $0x2  }
0x6: {  	s19 =	simm.s32 $0x3;
	s20 =	simm.s32 $0x4;
	s21 =	simm.s32 $0x5  }
0x7: {  	s22 =	simm.s32 $0x6;
	s23 =	simm.s32 $0x0;
	s6 =	sand.u32 $0x1, s1  }
0x8: {  	s3 =	sshll.u32 s0, $0x1;
	s1 =	rddreg [dreg:$0x1];
	s8 =	smul.u32 $0x1C200, s0  }
0x9: {  	s3 =	sor.u32 s6, s3;
	s9 =	ssub.s32 $0x2, s6;
	s6 =	smul.u32 $0xE100, s6  }
0xa: {  	[smem:$0x7FF] =	sst s2;
	s4 =	sadd.s32 $0x4A800, s5;
	s7 =	smul.u32 $0x300, s3  }
0xb: {  	_ =	strace $0x8000004D;
	s3 =	sadd.s32 $0x23600, s5;
	s8 =	sadd.s32 s8, s5  }
0xc: {  	s31 =	sshrl.u32 s9, $0x1;
	s8 =	sadd.s32 s6, s8;
	s7 =	sadd.s32 s7, s5  }
0xd: {  	s9 =	ssub.s32 s9, s31;
	s8 =	sadd.s32 $0x39DA00, s8;
	s5 =	sadd.s32 $0x397A00, s7  }
0xe: {  	s6 =	sadd.s32 $0x391A00, s7;
	s7 =	smax.u32 s9, $0x1;
	s9 =	simm.s32 $0x7  }
.LBB2_1:
0xf: {  	[tilespmem:s2], [sflag:$0x7] =	stream.linear.gather [hbm4b:s5+s2], $0x1680, $0x38;
	[tilespmem:$0xF800] =	vst v63  }
0x10: {  	_ =	swait.ge [sflag:s9], $0x1680  }
0x11: {  	[sflag:s9] =	ssyncset.done $0x0  }
0x12: {  	[sflag:s9] =	ssyncadd.s32 $0xFFFFE980  }
0x13: {  	[tilespmem:s10], [sflag:$0x7] =	stream.linear.gather [hbm4b:s6+s2], $0x1680, $0x38;
	[tilespmem:$0xF800] =	vst v63  }
0x14: {  	_ =	swait.ge [sflag:s9], $0x1680  }
0x15: {  	[sflag:s9] =	ssyncset.done $0x0  }
0x16: {  	s24 =	simm.s32 $0x0;
	[sflag:s9] =	ssyncadd.s32 $0xFFFFE980  }
0x17: {  	[tilespmem:s12], [sflag:$0x1] =	stream.indirect.gather [hbm4b:s3+s11], $0x80, s24, s11, $0xb8;
	[tilespmem:$0xF800] =	vst v63  }
0x18: {  	s28 =	simm.s32 $0x80  }
0x19: {  	[tilespmem:s13], [sflag:$0x2] =	stream.indirect.gather [hbm4b:s3+s11], $0x80, s28, s11, $0xb8;
	[tilespmem:$0xF800] =	vst v63  }
0x1a: {  	s30 =	simm.s32 $0x100  }
0x1b: {  	[tilespmem:s14], [sflag:$0x3] =	stream.indirect.gather [hbm4b:s3+s11], $0x80, s30, s11, $0xb8;
	[tilespmem:$0xF800] =	vst v63  }
0x1c: {  	s31 =	simm.s32 $0x180  }
0x1d: {  	[tilespmem:s15], [sflag:$0x4] =	stream.indirect.gather [hbm4b:s3+s11], $0x80, s31, s11, $0xb8;
	[tilespmem:$0xF800] =	vst v63  }
0x1e: {  	s25 =	simm.s32 $0x200  }
0x1f: {  	[tilespmem:s16], [sflag:$0x5] =	stream.indirect.gather [hbm4b:s3+s11], $0x80, s25, s11, $0xb8;
	[tilespmem:$0xF800] =	vst v63  }
0x20: {  	_ =	swait.ge [sflag:s17], $0x2800  }
0x21: {  	[sflag:s17] =	ssyncset.done $0x0  }
0x22: {  	s26 =	simm.s32 $0x1800;
	[sflag:s17] =	ssyncadd.s32 $0xFFFFD800  }
0x23: {  	[tilespmem:s12], [sflag:$0x1] =	stream.indirect.gather.add.f32 [hbm:s4], $0x80, s26, s11, $0xb8;
	[tilespmem:$0xF800] =	vst v63  }
0x24: {  	_ =	swait.ge [sflag:s18], $0x2800  }
0x25: {  	[sflag:s18] =	ssyncset.done $0x0  }
0x26: {  	s28 =	simm.s32 $0x1880;
	[sflag:s18] =	ssyncadd.s32 $0xFFFFD800  }
0x27: {  	[tilespmem:s13], [sflag:$0x2] =	stream.indirect.gather.add.f32 [hbm:s4], $0x80, s28, s11, $0xb8;
	[tilespmem:$0xF800] =	vst v63  }
0x28: {  	_ =	swait.ge [sflag:s19], $0x2800  }
0x29: {  	[sflag:s19] =	ssyncset.done $0x0  }
0x2a: {  	s30 =	simm.s32 $0x1900;
	[sflag:s19] =	ssyncadd.s32 $0xFFFFD800  }
0x2b: {  	[tilespmem:s14], [sflag:$0x3] =	stream.indirect.gather.add.f32 [hbm:s4], $0x80, s30, s11, $0xb8;
	[tilespmem:$0xF800] =	vst v63  }
0x2c: {  	_ =	swait.ge [sflag:s20], $0x2800  }
0x2d: {  	[sflag:s20] =	ssyncset.done $0x0  }
0x2e: {  	s31 =	simm.s32 $0x1980;
	[sflag:s20] =	ssyncadd.s32 $0xFFFFD800  }
0x2f: {  	[tilespmem:s15], [sflag:$0x4] =	stream.indirect.gather.add.f32 [hbm:s4], $0x80, s31, s11, $0xb8;
	[tilespmem:$0xF800] =	vst v63  }
0x30: {  	_ =	swait.ge [sflag:s21], $0x2800  }
0x31: {  	[sflag:s21] =	ssyncset.done $0x0  }
0x32: {  	s25 =	simm.s32 $0x1A00;
	[sflag:s21] =	ssyncadd.s32 $0xFFFFD800  }
0x33: {  	[tilespmem:s16], [sflag:$0x5] =	stream.indirect.gather.add.f32 [hbm:s4], $0x80, s25, s11, $0xb8;
	[tilespmem:$0xF800] =	vst v63  }
0x34: {  	_ =	swait.ge [sflag:s17], $0x2800  }
0x35: {  	[sflag:s17] =	ssyncset.done $0x0  }
0x36: {  	[sflag:s17] =	ssyncadd.s32 $0xFFFFD800  }
0x37: {  	[hbm4b:s8+s2] =	stream.linear.scatter [tilespmem:s12], [sflag:$0x6], $0x2800, $0x38;
	[tilespmem:$0xF800] =	vst v63  }
0x38: {  	_ =	swait.ge [sflag:s18], $0x2800  }
0x39: {  	[sflag:s18] =	ssyncset.done $0x0  }
0x3a: {  	s26 =	sadd.s32 $0x500, s8;
	[sflag:s18] =	ssyncadd.s32 $0xFFFFD800  }
0x3b: {  	[hbm4b:s26+s2] =	stream.linear.scatter [tilespmem:s13], [sflag:$0x6], $0x2800, $0x38;
	[tilespmem:$0xF800] =	vst v63  }
0x3c: {  	_ =	swait.ge [sflag:s19], $0x2800  }
0x3d: {  	[sflag:s19] =	ssyncset.done $0x0  }
0x3e: {  	s28 =	sadd.s32 $0xA00, s8;
	[sflag:s19] =	ssyncadd.s32 $0xFFFFD800  }
0x3f: {  	[hbm4b:s28+s2] =	stream.linear.scatter [tilespmem:s14], [sflag:$0x6], $0x2800, $0x38;
	[tilespmem:$0xF800] =	vst v63  }
0x40: {  	_ =	swait.ge [sflag:s20], $0x2800  }
0x41: {  	[sflag:s20] =	ssyncset.done $0x0  }
0x42: {  	s30 =	sadd.s32 $0xF00, s8;
	[sflag:s20] =	ssyncadd.s32 $0xFFFFD800  }
0x43: {  	[hbm4b:s30+s2] =	stream.linear.scatter [tilespmem:s15], [sflag:$0x6], $0x2800, $0x38;
	[tilespmem:$0xF800] =	vst v63  }
0x44: {  	_ =	swait.ge [sflag:s21], $0x2800  }
0x45: {  	[sflag:s21] =	ssyncset.done $0x0  }
0x46: {  	s31 =	sadd.s32 $0x1400, s8;
	[sflag:s21] =	ssyncadd.s32 $0xFFFFD800  }
0x47: {  	[hbm4b:s31+s2] =	stream.linear.scatter [tilespmem:s16], [sflag:$0x6], $0x2800, $0x38;
	[tilespmem:$0xF800] =	vst v63  }
0x48: {  	_ =	swait.ge [sflag:s22], $0x2800  }
0x49: {  	[sflag:s22] =	ssyncset.done $0x0  }
0x4a: {  	[sflag:s22] =	ssyncadd.s32 $0xFFFFD800  }
0x4b: {  	_ =	swait.ge [sflag:s22], $0x2800  }
0x4c: {  	[sflag:s22] =	ssyncset.done $0x0  }
0x4d: {  	[sflag:s22] =	ssyncadd.s32 $0xFFFFD800  }
0x4e: {  	_ =	swait.ge [sflag:s22], $0x2800  }
0x4f: {  	[sflag:s22] =	ssyncset.done $0x0  }
0x50: {  	[sflag:s22] =	ssyncadd.s32 $0xFFFFD800  }
0x51: {  	_ =	swait.ge [sflag:s22], $0x2800  }
0x52: {  	[sflag:s22] =	ssyncset.done $0x0  }
0x53: {  	[sflag:s22] =	ssyncadd.s32 $0xFFFFD800  }
0x54: {  	s29 =	simm.s32 $0x1400;
	_ =	swait.ge [sflag:s22], $0x2800  }
0x55: {  	s24 =	sadd.s32 $0x1900, s8;
	s25 =	simm.s32 $0xA00;
	[sflag:s22] =	ssyncset.done $0x0  }
.LBB2_2:
0x56: {  	s28 =	sshra.s32 s25, $0x2  }
0x57: {  	[sflag:s22] =	ssyncadd.s32 $0xFFFFD800;
	s25 =	smov.u32 s29;
	s26 =	sadd.s32 $0xA00, s29  }
0x58: {  	[tilespmem:s12], [sflag:$0x1] =	stream.indirect.gather [hbm4b:s3+s11], $0x80, s28, s11, $0xb8;
	[tilespmem:$0xF800] =	vst v63  }
0x59: {  	p0 =	sne.s32 s29, $0x5000;
	s29 =	sadd.s32 $0x80, s28  }
0x5a: {  	[tilespmem:s13], [sflag:$0x2] =	stream.indirect.gather [hbm4b:s3+s11], $0x80, s29, s11, $0xb8;
	[tilespmem:$0xF800] =	vst v63  }
0x5b: {  	s29 =	sadd.s32 $0x100, s28  }
0x5c: {  	[tilespmem:s14], [sflag:$0x3] =	stream.indirect.gather [hbm4b:s3+s11], $0x80, s29, s11, $0xb8;
	[tilespmem:$0xF800] =	vst v63  }
0x5d: {  	s29 =	sadd.s32 $0x180, s28  }
0x5e: {  	[tilespmem:s15], [sflag:$0x4] =	stream.indirect.gather [hbm4b:s3+s11], $0x80, s29, s11, $0xb8;
	[tilespmem:$0xF800] =	vst v63  }
0x5f: {  	s29 =	sadd.s32 $0x200, s28  }
0x60: {  	[tilespmem:s16], [sflag:$0x5] =	stream.indirect.gather [hbm4b:s3+s11], $0x80, s29, s11, $0xb8;
	[tilespmem:$0xF800] =	vst v63  }
0x61: {  	_ =	swait.ge [sflag:s17], $0x2800  }
0x62: {  	[sflag:s17] =	ssyncset.done $0x0  }
0x63: {  	s29 =	sadd.s32 $0x1800, s28;
	[sflag:s17] =	ssyncadd.s32 $0xFFFFD800  }
0x64: {  	[tilespmem:s12], [sflag:$0x1] =	stream.indirect.gather.add.f32 [hbm:s4], $0x80, s29, s11, $0xb8;
	[tilespmem:$0xF800] =	vst v63  }
0x65: {  	_ =	swait.ge [sflag:s18], $0x2800  }
0x66: {  	[sflag:s18] =	ssyncset.done $0x0  }
0x67: {  	s29 =	sadd.s32 $0x1880, s28;
	[sflag:s18] =	ssyncadd.s32 $0xFFFFD800  }
0x68: {  	[tilespmem:s13], [sflag:$0x2] =	stream.indirect.gather.add.f32 [hbm:s4], $0x80, s29, s11, $0xb8;
	[tilespmem:$0xF800] =	vst v63  }
0x69: {  	_ =	swait.ge [sflag:s19], $0x2800  }
0x6a: {  	[sflag:s19] =	ssyncset.done $0x0  }
0x6b: {  	s29 =	sadd.s32 $0x1900, s28;
	[sflag:s19] =	ssyncadd.s32 $0xFFFFD800  }
0x6c: {  	[tilespmem:s14], [sflag:$0x3] =	stream.indirect.gather.add.f32 [hbm:s4], $0x80, s29, s11, $0xb8;
	[tilespmem:$0xF800] =	vst v63  }
0x6d: {  	_ =	swait.ge [sflag:s20], $0x2800  }
0x6e: {  	[sflag:s20] =	ssyncset.done $0x0  }
0x6f: {  	s29 =	sadd.s32 $0x1980, s28;
	[sflag:s20] =	ssyncadd.s32 $0xFFFFD800  }
0x70: {  	[tilespmem:s15], [sflag:$0x4] =	stream.indirect.gather.add.f32 [hbm:s4], $0x80, s29, s11, $0xb8;
	[tilespmem:$0xF800] =	vst v63  }
0x71: {  	_ =	swait.ge [sflag:s21], $0x2800  }
0x72: {  	[sflag:s21] =	ssyncset.done $0x0  }
0x73: {  	s28 =	sadd.s32 $0x1A00, s28;
	[sflag:s21] =	ssyncadd.s32 $0xFFFFD800  }
0x74: {  	[tilespmem:s16], [sflag:$0x5] =	stream.indirect.gather.add.f32 [hbm:s4], $0x80, s28, s11, $0xb8;
	[tilespmem:$0xF800] =	vst v63  }
0x75: {  	_ =	swait.ge [sflag:s17], $0x2800  }
0x76: {  	[sflag:s17] =	ssyncset.done $0x0  }
0x77: {  	[sflag:s17] =	ssyncadd.s32 $0xFFFFD800  }
0x78: {  	[hbm4b:s24+s2] =	stream.linear.scatter [tilespmem:s12], [sflag:$0x6], $0x2800, $0x38;
	[tilespmem:$0xF800] =	vst v63  }
0x79: {  	_ =	swait.ge [sflag:s18], $0x2800  }
0x7a: {  	[sflag:s18] =	ssyncset.done $0x0  }
0x7b: {  	s28 =	sadd.s32 $0x500, s24;
	[sflag:s18] =	ssyncadd.s32 $0xFFFFD800  }
0x7c: {  	[hbm4b:s28+s2] =	stream.linear.scatter [tilespmem:s13], [sflag:$0x6], $0x2800, $0x38;
	[tilespmem:$0xF800] =	vst v63  }
0x7d: {  	_ =	swait.ge [sflag:s19], $0x2800  }
0x7e: {  	[sflag:s19] =	ssyncset.done $0x0  }
0x7f: {  	s28 =	sadd.s32 $0xA00, s24;
	[sflag:s19] =	ssyncadd.s32 $0xFFFFD800  }
0x80: {  	[hbm4b:s28+s2] =	stream.linear.scatter [tilespmem:s14], [sflag:$0x6], $0x2800, $0x38;
	[tilespmem:$0xF800] =	vst v63  }
0x81: {  	_ =	swait.ge [sflag:s20], $0x2800  }
0x82: {  	[sflag:s20] =	ssyncset.done $0x0  }
0x83: {  	s28 =	sadd.s32 $0xF00, s24;
	[sflag:s20] =	ssyncadd.s32 $0xFFFFD800  }
0x84: {  	[hbm4b:s28+s2] =	stream.linear.scatter [tilespmem:s15], [sflag:$0x6], $0x2800, $0x38;
	[tilespmem:$0xF800] =	vst v63  }
0x85: {  	_ =	swait.ge [sflag:s21], $0x2800  }
0x86: {  	[sflag:s21] =	ssyncset.done $0x0  }
0x87: {  	s28 =	sadd.s32 $0x1400, s24;
	[sflag:s21] =	ssyncadd.s32 $0xFFFFD800  }
0x88: {  	[hbm4b:s28+s2] =	stream.linear.scatter [tilespmem:s16], [sflag:$0x6], $0x2800, $0x38;
	[tilespmem:$0xF800] =	vst v63  }
0x89: {  	_ =	swait.ge [sflag:s22], $0x2800  }
0x8a: {  	[sflag:s22] =	ssyncset.done $0x0  }
0x8b: {  	[sflag:s22] =	ssyncadd.s32 $0xFFFFD800  }
0x8c: {  	_ =	swait.ge [sflag:s22], $0x2800  }
0x8d: {  	[sflag:s22] =	ssyncset.done $0x0  }
0x8e: {  	[sflag:s22] =	ssyncadd.s32 $0xFFFFD800  }
0x8f: {  	_ =	swait.ge [sflag:s22], $0x2800  }
0x90: {  	[sflag:s22] =	ssyncset.done $0x0  }
0x91: {  	[sflag:s22] =	ssyncadd.s32 $0xFFFFD800  }
.Ltmp0:
0x92: {  	_ =	swait.ge [sflag:s22], $0x2800;
	(pc) =	sbr.rel @p0 .LBB2_2-.Ltmp0, $4  }
0x93: {  	[sflag:s22] =	ssyncset.done $0x0  }
0x94: {  	[sflag:s22] =	ssyncadd.s32 $0xFFFFD800  }
0x95: {  	_ =	swait.ge [sflag:s22], $0x2800  }
0x96: {  	s29 =	smov.u32 s26;
	s24 =	sadd.s32 $0x1900, s24;
	[sflag:s22] =	ssyncset.done $0x0  }
0x97: {  	s25 =	sshra.s32 s25, $0x2;
	[sflag:s22] =	ssyncadd.s32 $0xFFFFD800  }
0x98: {  	[tilespmem:s12], [sflag:$0x1] =	stream.indirect.gather [hbm4b:s3+s11], $0x80, s25, s11, $0xb8;
	[tilespmem:$0xF800] =	vst v63  }
0x99: {  	s26 =	sadd.s32 $0x80, s25  }
0x9a: {  	[tilespmem:s13], [sflag:$0x2] =	stream.indirect.gather [hbm4b:s3+s11], $0x80, s26, s11, $0xb8;
	[tilespmem:$0xF800] =	vst v63  }
0x9b: {  	s29 =	sadd.s32 $0x100, s25  }
0x9c: {  	[tilespmem:s14], [sflag:$0x3] =	stream.indirect.gather [hbm4b:s3+s11], $0x80, s29, s11, $0xb8;
	[tilespmem:$0xF800] =	vst v63  }
0x9d: {  	s30 =	sadd.s32 $0x180, s25  }
0x9e: {  	[tilespmem:s15], [sflag:$0x4] =	stream.indirect.gather [hbm4b:s3+s11], $0x80, s30, s11, $0xb8;
	[tilespmem:$0xF800] =	vst v63  }
0x9f: {  	s31 =	sadd.s32 $0x200, s25  }
0xa0: {  	[tilespmem:s16], [sflag:$0x5] =	stream.indirect.gather [hbm4b:s3+s11], $0x80, s31, s11, $0xb8;
	[tilespmem:$0xF800] =	vst v63  }
0xa1: {  	_ =	swait.ge [sflag:s17], $0x2800  }
0xa2: {  	[sflag:s17] =	ssyncset.done $0x0  }
0xa3: {  	s28 =	sadd.s32 $0x1800, s25;
	[sflag:s17] =	ssyncadd.s32 $0xFFFFD800  }
0xa4: {  	[tilespmem:s12], [sflag:$0x1] =	stream.indirect.gather.add.f32 [hbm:s4], $0x80, s28, s11, $0xb8;
	[tilespmem:$0xF800] =	vst v63  }
0xa5: {  	_ =	swait.ge [sflag:s18], $0x2800  }
0xa6: {  	[sflag:s18] =	ssyncset.done $0x0  }
0xa7: {  	s29 =	sadd.s32 $0x1880, s25;
	[sflag:s18] =	ssyncadd.s32 $0xFFFFD800  }
0xa8: {  	[tilespmem:s13], [sflag:$0x2] =	stream.indirect.gather.add.f32 [hbm:s4], $0x80, s29, s11, $0xb8;
	[tilespmem:$0xF800] =	vst v63  }
0xa9: {  	_ =	swait.ge [sflag:s19], $0x2800  }
0xaa: {  	[sflag:s19] =	ssyncset.done $0x0  }
0xab: {  	s30 =	sadd.s32 $0x1900, s25;
	[sflag:s19] =	ssyncadd.s32 $0xFFFFD800  }
0xac: {  	[tilespmem:s14], [sflag:$0x3] =	stream.indirect.gather.add.f32 [hbm:s4], $0x80, s30, s11, $0xb8;
	[tilespmem:$0xF800] =	vst v63  }
0xad: {  	_ =	swait.ge [sflag:s20], $0x2800  }
0xae: {  	[sflag:s20] =	ssyncset.done $0x0  }
0xaf: {  	s31 =	sadd.s32 $0x1980, s25;
	[sflag:s20] =	ssyncadd.s32 $0xFFFFD800  }
0xb0: {  	[tilespmem:s15], [sflag:$0x4] =	stream.indirect.gather.add.f32 [hbm:s4], $0x80, s31, s11, $0xb8;
	[tilespmem:$0xF800] =	vst v63  }
0xb1: {  	_ =	swait.ge [sflag:s21], $0x2800  }
0xb2: {  	[sflag:s21] =	ssyncset.done $0x0  }
0xb3: {  	s25 =	sadd.s32 $0x1A00, s25;
	[sflag:s21] =	ssyncadd.s32 $0xFFFFD800  }
0xb4: {  	[tilespmem:s16], [sflag:$0x5] =	stream.indirect.gather.add.f32 [hbm:s4], $0x80, s25, s11, $0xb8;
	[tilespmem:$0xF800] =	vst v63  }
0xb5: {  	_ =	swait.ge [sflag:s17], $0x2800  }
0xb6: {  	[sflag:s17] =	ssyncset.done $0x0  }
0xb7: {  	[sflag:s17] =	ssyncadd.s32 $0xFFFFD800  }
0xb8: {  	[hbm4b:s24+s2] =	stream.linear.scatter [tilespmem:s12], [sflag:$0x6], $0x2800, $0x38;
	[tilespmem:$0xF800] =	vst v63  }
0xb9: {  	_ =	swait.ge [sflag:s18], $0x2800  }
0xba: {  	[sflag:s18] =	ssyncset.done $0x0  }
0xbb: {  	s28 =	sadd.s32 $0x500, s24;
	[sflag:s18] =	ssyncadd.s32 $0xFFFFD800  }
0xbc: {  	[hbm4b:s28+s2] =	stream.linear.scatter [tilespmem:s13], [sflag:$0x6], $0x2800, $0x38;
	[tilespmem:$0xF800] =	vst v63  }
0xbd: {  	_ =	swait.ge [sflag:s19], $0x2800  }
0xbe: {  	[sflag:s19] =	ssyncset.done $0x0  }
0xbf: {  	s29 =	sadd.s32 $0xA00, s24;
	[sflag:s19] =	ssyncadd.s32 $0xFFFFD800  }
0xc0: {  	[hbm4b:s29+s2] =	stream.linear.scatter [tilespmem:s14], [sflag:$0x6], $0x2800, $0x38;
	[tilespmem:$0xF800] =	vst v63  }
0xc1: {  	_ =	swait.ge [sflag:s20], $0x2800  }
0xc2: {  	[sflag:s20] =	ssyncset.done $0x0  }
0xc3: {  	s30 =	sadd.s32 $0xF00, s24;
	[sflag:s20] =	ssyncadd.s32 $0xFFFFD800  }
0xc4: {  	[hbm4b:s30+s2] =	stream.linear.scatter [tilespmem:s15], [sflag:$0x6], $0x2800, $0x38;
	[tilespmem:$0xF800] =	vst v63  }
0xc5: {  	_ =	swait.ge [sflag:s21], $0x2800  }
0xc6: {  	[sflag:s21] =	ssyncset.done $0x0  }
0xc7: {  	s31 =	sadd.s32 $0x1400, s24;
	[sflag:s21] =	ssyncadd.s32 $0xFFFFD800  }
0xc8: {  	[hbm4b:s31+s2] =	stream.linear.scatter [tilespmem:s16], [sflag:$0x6], $0x2800, $0x38;
	[tilespmem:$0xF800] =	vst v63  }
0xc9: {  	_ =	swait.ge [sflag:s22], $0x2800  }
0xca: {  	[sflag:s22] =	ssyncset.done $0x0  }
0xcb: {  	[sflag:s22] =	ssyncadd.s32 $0xFFFFD800  }
0xcc: {  	_ =	swait.ge [sflag:s22], $0x2800  }
0xcd: {  	[sflag:s22] =	ssyncset.done $0x0  }
0xce: {  	[sflag:s22] =	ssyncadd.s32 $0xFFFFD800  }
0xcf: {  	_ =	swait.ge [sflag:s22], $0x2800  }
0xd0: {  	[sflag:s22] =	ssyncset.done $0x0  }
0xd1: {  	s23 =	sadd.s32 $0x1, s23;
	[sflag:s22] =	ssyncadd.s32 $0xFFFFD800  }
0xd2: {  	p0 =	sne.s32 s23, s7;
	_ =	swait.ge [sflag:s22], $0x2800  }
.Ltmp1:
0xd3: {  	[sflag:s22] =	ssyncset.done $0x0;
	(pc) =	sbr.rel @p0 .LBB2_1-.Ltmp1, $4  }
0xd4: {  	[sflag:s22] =	ssyncadd.s32 $0xFFFFD800  }
0xd5: {  	_ =	swait.ge [sflag:s22], $0x2800  }
0xd6: {  	[sflag:s22] =	ssyncset.done $0x0  }
0xd7: {  	[sflag:s22] =	ssyncadd.s32 $0xFFFFD800  }
0xd8: {  	_ =	sfence.sel $0x180000  }
0xd9: {  	[bflag:$0x0] =	sbarrier.arrive $0xFFFF  }
0xda: {  	p0 =	sne.s32 s0, $0x0;
	_ =	strace $0x9000004D  }
0xdb: {  	s0 =	sadd.s32 @!p0 $0x100000, s1;
	[bflag:$0x2] =	sbarrier.arrive $0xFFFF  }
0xdc: {  	[sflag:s0] =	ssyncadd.tile.s32 @!p0 $0x1;
	_ =	shalt  }
.Lfunc_end2:
_tile_overlayer_lowered:
.L_overlay_start_2:
0xdd: {  	(tag) =	ssettag $0x2  }
0xde: {  	s0 =	rddreg [dreg:$0x0];
	s2 =	stileid.u32  }
0xdf: {  	s1 =	rddreg [dreg:$0x1];
	p0 =	sne.s32 s2, $0x0  }
0xe0: {  	s3 =	rddreg [dreg:$0x2];
	[bflag:$0x3] =	sbarrier.arrive $0xFFFF;
	s2 =	simm.s32 @!p0 $0x1C07  }
0xe1: {  	[timem:s3], [sflag:s2] =	dma.local @!p0 [hbm:s0], s1  }
0xe2: {  	s0 =	simm.s32 @!p0 $0x7  }
0xe3: {  	_ =	swait.ge @!p0 [sflag:s0], s1  }
0xe4: {  	s1 =	ssub.s32 @!p0 $0x0, s1;
	[sflag:s0] =	ssyncset.done @!p0 $0x0  }
0xe5: {  	[sflag:s0] =	ssyncadd.s32 @!p0 s1  }
0xe6: {  	[bflag:$0x3] =	sbarrier.arrive $0xFFFF  }
0xe7: {  	_ =	shalt  }

// kernel: kernel.28.cloned.1.call-start
scs
__scs_entry_jumppad:
0x0: {  	(pc) =	sbr.rel $0x88, $3  }
0x1: {  	(tag) =	ssettag $0x0;
	lr =	simm.s32 $0x1  }
0x2: {  	[smem:$0x3F94] =	sst lr;
	_ =	strace $0xD0000000  }
0x3: {  	_ = 	snop  }
0x4: {  	_ = 	snop  }
0x5: {  	_ = 	snop  }
0x6: {  	_ = 	snop  }
0x7: {  	_ = 	snop  }
__scs_overlays_trampoline_lowered:
0x8: {  	[smem:$0x3FA3] =	sst s0  }
0x9: {  	[smem:$0x3FA4] =	sst s1  }
0xa: {  	[smem:$0x3FA5] =	sst s2  }
0xb: {  	[smem:$0x3FA6] =	sst s3  }
0xc: {  	[smem:$0x3FA7] =	sst s4  }
0xd: {  	[smem:$0x3FA8] =	sst s5  }
0xe: {  	[smem:$0x3FA9] =	sst s6  }
0xf: {  	[smem:$0x3FAA] =	sst s7  }
0x10: {  	[smem:$0x3FAB] =	sst s8  }
0x11: {  	[smem:$0x3FAC] =	sst s9;
	s0 =	simm.s32 @!p0 $0x0  }
0x12: {  	s1 =	sld [smem:$0x3F92];
	s0 =	simm.s32 @p0 $0x1  }
0x13: {  	[smem:$0x3FAD] =	sst s0;
	s0 =	simm.s32 @!p1 $0x0  }
0x14: {  	s2 =	sld [smem:$0x3F91];
	s0 =	simm.s32 @p1 $0x1  }
0x15: {  	[smem:$0x3FAE] =	sst s0;
	s0 =	simm.s32 @!p2 $0x0  }
0x16: {  	s3 =	sld [smem:$0x3FDB];
	s0 =	simm.s32 @p2 $0x1  }
0x17: {  	s4 =	simm.s32 $0x1BF5;
	[smem:$0x3FB0] =	sst s0  }
0x18: {  	s0 =	sld [smem:$0x3F93];
	_ =	swait.ge [sflag:s4], $0x0  }
0x19: {  	s7 =	sld [smem:$0x3F94]  }
0x1a: {  	s8 =	sadd.s32 $0xFFFFE003, lr  }
0x1b: {  	s9 =	sadd.s32 $0xFFFFFEF7, lr;
	s5 =	simm.s32 $0xFFFFFFFF;
	p2 =	slt.u32 s8, $0xFFFFF086  }
0x1c: {  	p1 =	slt.u32 s9, $0xF7A;
	s5 =	simm.s32 @!p2 $0x0  }
0x1d: {  	s5 =	simm.s32 @p1 $0x1;
	p0 =	seq.s32 s7, s2  }
0x1e: {  	s7 =	smul.u32 @!p0 $0xF7A, s2;
	p2 =	seq.s32 @!p0 s5, $0x0  }
0x1f: {  	s9 =	smul.u32 $0xF7A, s1;
	s8 =	simm.s32 @!p0 $0x1BF5;
	p2 =	por !p2, p0  }
0x20: {  	[sflag:s8] =	ssyncset.s32 @!p0 $0xFFFFF086;
	s6 =	sadd.s32 @!p0 s3, s7;
	s7 =	simm.s32 @!p0 $0x108  }
0x21: {  	s3 =	sadd.s32 s3, s9;
	s6 =	sadd.s32 @!p0 $0x88, s6;
	s7 =	simm.s32 @p2 $0x1082  }
0x22: {  	[simem:s7], [sflag:s8] =	dma.local @!p0 [hbm:s6], $0xF7A  }
0x23: {  	s9 =	sor.u32 $0xD0000000, s2;
	s6 =	simm.s32 $0x108;
	_ =	swait.ge @!p0 [sflag:s8], $0x0  }
0x24: {  	s3 =	sadd.s32 $0x88, s3;
	s6 =	simm.s32 @!p1 $0x1082;
	[sflag:s4] =	ssyncset.s32 $0xFFFFF086  }
0x25: {  	[simem:s6], [sflag:s4] =	dma.local [hbm:s3], $0xF7A  }
0x26: {  	[smem:$0x3F94] =	sst s1;
	(tag) =	ssettag s2;
	_ =	strace s9  }
0x27: {  	s1 =	sld [smem:$0x3FA4]  }
0x28: {  	s2 =	sld [smem:$0x3FA5]  }
0x29: {  	s4 =	sld [smem:$0x3FA7]  }
0x2a: {  	p0 =	seq.s32 s5, $0x0;
	s5 =	sld [smem:$0x3FA8]  }
0x2b: {  	s6 =	sld [smem:$0x3FA9]  }
0x2c: {  	s7 =	sld [smem:$0x3FAA]  }
0x2d: {  	s3 =	simm.s32 $0x108;
	s8 =	sld [smem:$0x3FAB]  }
0x2e: {  	s3 =	simm.s32 @!p0 $0x1082;
	s9 =	sld [smem:$0x3FAC]  }
0x2f: {  	lr =	sadd.s32 s0, s3;
	s0 =	sld [smem:$0x3FA3]  }
0x30: {  	s3 =	sld [smem:$0x3FA6]  }
0x31: {  	[smem:$0x3FAF] =	sst s10  }
0x32: {  	s10 =	sld [smem:$0x3FAD];
	_ =	sdelay $0x3  }
0x33: {  	p0 =	seq.s32 s10, $0x1;
	s10 =	sld [smem:$0x3FAF];
	_ =	sdelay $0x3  }
0x34: {  	[smem:$0x3FAF] =	sst s10  }
0x35: {  	s10 =	sld [smem:$0x3FAE];
	_ =	sdelay $0x3  }
0x36: {  	p1 =	seq.s32 s10, $0x1;
	s10 =	sld [smem:$0x3FAF];
	_ =	sdelay $0x3  }
0x37: {  	[smem:$0x3FAF] =	sst s10  }
0x38: {  	s10 =	sld [smem:$0x3FB0]  }
0x39: {  	_ = 	snop;
	(pc) =	sbr.ind lr, $3  }
0x3a: {  	_ = 	snop  }
0x3b: {  	_ = 	snop  }
0x3c: {  	p2 =	seq.s32 s10, $0x1;
	s10 =	sld [smem:$0x3FAF]  }
0x3d: {  	_ =	shalt  }
0x3e: {  	_ =	shalt  }
0x3f: {  	_ =	shalt  }
0x40: {  	_ =	shalt  }
0x41: {  	_ =	shalt  }
0x42: {  	_ =	shalt  }
0x43: {  	_ =	shalt  }
0x44: {  	_ =	shalt  }
0x45: {  	_ =	shalt  }
0x46: {  	_ =	shalt  }
0x47: {  	_ =	shalt  }
0x48: {  	_ =	shalt  }
0x49: {  	_ =	shalt  }
0x4a: {  	_ =	shalt  }
0x4b: {  	_ =	shalt  }
0x4c: {  	_ =	shalt  }
0x4d: {  	_ =	shalt  }
0x4e: {  	_ =	shalt  }
0x4f: {  	_ =	shalt  }
0x50: {  	_ =	shalt  }
0x51: {  	_ =	shalt  }
0x52: {  	_ =	shalt  }
0x53: {  	_ =	shalt  }
0x54: {  	_ =	shalt  }
0x55: {  	_ =	shalt  }
0x56: {  	_ =	shalt  }
0x57: {  	_ =	shalt  }
0x58: {  	_ =	shalt  }
0x59: {  	_ =	shalt  }
0x5a: {  	_ =	shalt  }
0x5b: {  	_ =	shalt  }
0x5c: {  	_ =	shalt  }
0x5d: {  	_ =	shalt  }
0x5e: {  	_ =	shalt  }
0x5f: {  	_ =	shalt  }
0x60: {  	_ =	shalt  }
0x61: {  	_ =	shalt  }
0x62: {  	_ =	shalt  }
0x63: {  	_ =	shalt  }
0x64: {  	_ =	shalt  }
0x65: {  	_ =	shalt  }
0x66: {  	_ =	shalt  }
0x67: {  	_ =	shalt  }
0x68: {  	_ =	shalt  }
0x69: {  	_ =	shalt  }
0x6a: {  	_ =	shalt  }
0x6b: {  	_ =	shalt  }
0x6c: {  	_ =	shalt  }
0x6d: {  	_ =	shalt  }
0x6e: {  	_ =	shalt  }
0x6f: {  	_ =	shalt  }
0x70: {  	_ =	shalt  }
0x71: {  	_ =	shalt  }
0x72: {  	_ =	shalt  }
0x73: {  	_ =	shalt  }
0x74: {  	_ =	shalt  }
0x75: {  	_ =	shalt  }
0x76: {  	_ =	shalt  }
0x77: {  	_ =	shalt  }
0x78: {  	_ =	shalt  }
0x79: {  	_ =	shalt  }
0x7a: {  	_ =	shalt  }
0x7b: {  	_ =	shalt  }
0x7c: {  	_ =	shalt  }
0x7d: {  	_ =	shalt  }
0x7e: {  	_ =	shalt  }
0x7f: {  	_ =	shalt  }
0x80: {  	_ =	shalt  }
0x81: {  	_ =	shalt  }
0x82: {  	_ =	shalt  }
0x83: {  	_ =	shalt  }
0x84: {  	_ =	shalt  }
0x85: {  	_ =	shalt  }
0x86: {  	_ =	shalt  }
0x87: {  	_ =	shalt  }
.Lfunc_end0:
.L_simem_size_0:
called_computation.5_lowered:
.L_overlay_start_0:
0x88: {  	s2 =	sld [smem:$0x3FD9]  }
0x89: {  	s3 =	sld [smem:$0x3FFE];
	_ =	sdelay $0x1  }
0x8a: {  	s1 =	srdreg.scid  }
0x8b: {  	s0 =	sand.u32 $0x1, s1  }
0x8c: {  	s17 =	sshll.u32 s0, $0xA;
	s2 =	sadd.s32 s3, s2  }
0x8d: {  	s2 =	sadd.s32 s2, s17  }
0x8e: {  	[smem:$0x3FBB] =	sst s2  }
0x8f: {  	_ = 	snop  }
0x90: {  	(tm) =	ssettm $0x1  }
0x91: {  	s18 =	sld [smem:$0x3FFB];
	_ =	sdelay $0x3  }
0x92: {  	_ =	strace s18  }
0x93: {  	s2 =	sld [smem:$0x3FFC];
	_ =	sdelay $0x3  }
0x94: {  	_ =	strace s2  }
0x95: {  	s2 =	sld [smem:$0x3FFD];
	_ =	sdelay $0x3  }
0x96: {  	_ =	strace s2  }
0x97: {  	_ =	strace $0x8FFFFFFF  }
0x98: {  	s19 =	sld [smem:$0x3FDB];
	_ =	sdelay $0x1  }
0x99: {  	s20 =	simm.s32 $_scs_section_size  }
0x9a: {  	s4 =	simm.s32 $_size__tile_overlayer_lowered;
	s5 =	simm.s32 $_tile_overlayer_lowered  }
0x9b: {  	s6 =	simm.s32 $0x1BFF;
	s21 =	sshll.u32 s5, $0x1;
	s3 =	sadd.s32 s20, s19  }
0x9c: {  	s22 =	simm.s32 $0x0;
	s4 =	sshll.u32 s4, $0x1;
	s5 =	sadd.s32 s21, s3  }
0x9d: {  	[timem:s22], [sflag:s6] =	dma.local [hbm:s5], s4  }
0x9e: {  	_ =	swait.ge [sflag:s6], s4  }
0x9f: {  	s4 =	ssub.s32 $0x0, s4;
	[sflag:s6] =	ssyncset.done $0x0  }
0xa0: {  	[sflag:s6] =	ssyncadd.s32 s4;
	_ =	sdelay $0x1  }
0xa1: {  	s23 =	simm.s32 $0x1B8B  }
0xa2: {  	_ =	swait.ge [sflag:s23], $0x1  }
0xa3: {  	[sflag:s23] =	ssyncset.done $0x0  }
0xa4: {  	[sflag:s23] =	ssyncadd.s32 $0xFFFFFFFF  }
0xa5: {  	s4 =	sld [smem:$0x0]  }
0xa6: {  	s5 =	sand.u32 $0xFFFFFFFE, s1  }
0xa7: {  	p0 =	sne.s32 s1, s5  }
0xa8: {  	s5 =	sshll.u32 @p0 s5, $0xE  }
0xa9: {  	s5 =	sadd.s32 @p0 $0x11B8D, s5;
	s6 =	sshll.u32 @p0 s4, $0x11  }
0xaa: {  	s5 =	sor.u32 @p0 s6, s5  }
0xab: {  	[sflag:s5] =	ssyncadd.remote.s32 @p0 $0x1;
	_ =	sdelay $0x1  }
0xac: {  	s5 =	simm.s32 @p0 $0x1B8D  }
0xad: {  	_ =	swait.eq @p0 [sflag:s5], $0x1  }
0xae: {  	[sflag:s5] =	ssyncadd.s32 @p0 $0xFFFFFFFF  }
0xaf: {  	s6 =	sshll.u32 @!p0 s1, $0xE  }
0xb0: {  	s6 =	sor.u32 @!p0 $0x4000, s6;
	s5 =	simm.s32 @!p0 $0x1B8D  }
0xb1: {  	s4 =	sshll.u32 @!p0 s4, $0x11;
	s6 =	sadd.s32 @!p0 $0x11B8D, s6;
	_ =	swait.eq @!p0 [sflag:s5], $0x1  }
0xb2: {  	s4 =	sor.u32 @!p0 s4, s6;
	[sflag:s5] =	ssyncadd.s32 @!p0 $0xFFFFFFFF  }
0xb3: {  	s25 =	simm.s32 $0x1B8E;
	s24 =	sld [smem:$0x3FFE];
	[sflag:s4] =	ssyncadd.remote.s32 @!p0 $0x1  }
0xb4: {  	s26 =	simm.s32 $execute0_lowered;
	[smem:$0x3FD2] =	sst s25  }
0xb5: {  	s5 =	sshll.u32 s26, $0x1;
	_ =	strace $0x80000055;
	[dreg:$0x1] =	wrdreg $0xFFFFFFFF  }
0xb6: {  	s28 =	simm.s32 $_size_execute0_lowered;
	s3 =	sadd.s32 s3, s5;
	[dreg:$0x0] =	wrdreg $0x0  }
0xb7: {  	s5 =	sshll.u32 s28, $0x1;
	[dreg:$0x2] =	wrdreg s3  }
0xb8: {  	[dreg:$0x3] =	wrdreg s5  }
0xb9: {  	[dreg:$0x4] =	wrdreg $0xC0  }
0xba: {  	_ =	task [dreg:s22], $0x5FFFF  }
0xbb: {  	[dreg:$0x1] =	wrdreg $0xFFFFFFFF  }
0xbc: {  	[dreg:$0x0] =	wrdreg $0x60  }
0xbd: {  	[dreg:$0x2] =	wrdreg s24  }
0xbe: {  	[dreg:$0x3] =	wrdreg $0x66800  }
0xbf: {  	[dreg:$0x4] =	wrdreg $0xA  }
0xc0: {  	_ =	task.clear_ibuf [dreg:s22], $0x5FFFF;
	_ =	strace $0x90000055  }
0xc1: {  	s29 =	simm.s32 $0xA;
	_ =	strace $0x80000057  }
0xc2: {  	_ =	swait.ge [sflag:s29], $0x1  }
0xc3: {  	[sflag:s29] =	ssyncadd.s32 $0xFFFFFFFF  }
0xc4: {  	_ =	strace $0x90000057  }
0xc5: {  	_ =	sfence  }
0xc6: {  	s30 =	sld [smem:$0x0];
	_ =	sdelay $0x2  }
0xc7: {  	s31 =	sshll.u32 s1, $0xD;
	s1 =	sshrl.u32 s1, $0x2  }
0xc8: {  	s4 =	sand.u32 $0x4000, s31;
	s1 =	sadd.s32 s1, s30  }
0xc9: {  	s0 =	sor.u32 s4, s0;
	s1 =	sshll.u32 s1, $0x11  }
0xca: {  	s0 =	sor.u32 s1, s0  }
0xcb: {  	s0 =	sadd.s32 $0x8F2B, s0  }
0xcc: {  	[sflag:s0] =	ssyncadd.remote.s32 $0x1  }
0xcd: {  	_ =	sfence.sel $0xFFFF  }
0xce: {  	[dreg:$0x0] =	wrdreg $0xFFFFFFFF;
	(pc) =	sbr.abs _section_cstart, $3  }
0xcf: {  	[dreg:$0x1] =	wrdreg $0xFFFFFFFF  }
0xd0: {  	_ =	task.clear_ibuf [dreg:s22], $0x2FFFF;
	_ =	strace $0x9FFFFFFF  }
0xd1: {  	(tm) =	ssettm $0x7FFFFFFF  }
tec
execute0_lowered:
.L_overlay_start_1:
0x0: {  	(tag) =	ssettag $0x1  }
0x1: {  	s0 =	rddreg [dreg:$0x0]  }
0x2: {  	s1 =	rddreg [dreg:$0x1];
	s2 =	simm.s32 $0x0;
	s3 =	stileid.u32  }
0x3: {  	s6 =	srdreg.scid;
	s11 =	simm.s32 $0x100;
	s12 =	simm.s32 $0x2A80  }
0x4: {  	s13 =	simm.s32 $0x180;
	s14 =	simm.s32 $0x3E80;
	s15 =	simm.s32 $0x200  }
0x5: {  	s16 =	simm.s32 $0x5280;
	s17 =	simm.s32 $0x1;
	s18 =	simm.s32 $0x6  }
0x6: {  	s19 =	simm.s32 $0x28;
	s20 =	simm.s32 $0x2;
	s21 =	simm.s32 $0x7  }
0x7: {  	s22 =	simm.s32 $0x3;
	s28 =	simm.s32 $0xA;
	s4 =	smul.u32 $0x1C200, s3  }
0x8: {  	s29 =	simm.s32 $0x0;
	s5 =	smul.u32 $0xB40, s3;
	s6 =	sand.u32 $0x1, s6  }
0x9: {  	[smem:$0x7FF] =	sst s2;
	s9 =	sadd.s32 $0x71A00, s0;
	s7 =	smul.u32 $0x27100, s6  }
0xa: {  	p0 =	sne.s32 s3, $0x0;
	_ =	strace $0x80000056;
	s10 =	smul.u32 $0xE100, s6  }
0xb: {  	s8 =	ssub.s32 $0x2, s6;
	[dreg:$0x4] =	wrdreg s9;
	s6 =	smul.u32 $0x5A0, s6  }
0xc: {  	s9 =	simm.s32 $0x80;
	s4 =	sadd.s32 s4, s0;
	s23 =	sshrl.u32 s8, $0x1  }
0xd: {  	s5 =	sadd.s32 s5, s0;
	s0 =	sadd.s32 s7, s0;
	s24 =	ssub.s32 s8, s23  }
0xe: {  	s26 =	sadd.s32 s10, s4;
	s30 =	sadd.s32 s6, s5;
	s4 =	sshrl.u32 @!p0 s1, $0x3  }
0xf: {  	s8 =	simm.s32 $0x280;
	s0 =	sadd.s32 $0x10C00, s0;
	[dreg:$0x8] =	wrdreg s4  }
0x10: {  	s10 =	simm.s32 $0x1680;
	s25 =	smax.u32 s24, $0x1;
	[dreg:$0x5] =	wrdreg s0  }
0x11: {  	s23 =	simm.s32 $0x8;
	s31 =	sadd.s32 $0x5840, s30;
	[dreg:$0x6] =	wrdreg s25  }
0x12: {  	s24 =	simm.s32 $0x4;
	s0 =	sadd.s32 $0x135000, s26;
	[dreg:$0x7] =	wrdreg s31  }
0x13: {  	s25 =	simm.s32 $0x9;
	s26 =	simm.s32 $0x5;
	[dreg:$0x3] =	wrdreg s0  }
.LBB2_1:
0x14: {  	s0 =	simm.s32 @!p0 $0x1C0B;
	s3 =	rddreg [dreg:$0x4]  }
0x15: {  	[spmem:s4], [sflag:s0] =	dma.local @!p0 [hbm:s3], $0x27100  }
0x16: {  	s0 =	simm.s32 @!p0 $0xB  }
0x17: {  	_ =	swait.ge @!p0 [sflag:s0], $0x27100  }
0x18: {  	[sflag:s0] =	ssyncset.done @!p0 $0x0  }
0x19: {  	[sflag:s0] =	ssyncadd.s32 @!p0 $0xFFFD8F00  }
0x1a: {  	[bflag:$0x0] =	sbarrier.arrive $0xFFFF  }
0x1b: {  	s4 =	rddreg [dreg:$0x7]  }
0x1c: {  	s6 =	rddreg [dreg:$0x3];
	s7 =	sadd.s32 $0xFFFFFFC0, s4  }
0x1d: {  	[tilespmem:s2], [sflag:$0x1] =	stream.linear.gather [hbm4b:s7+s2], $0x80, $0x38;
	[tilespmem:$0x19F00] =	vst v63  }
0x1e: {  	s0 =	sadd.s32 $0x0, s6  }
0x1f: {  	[tilespmem:s8], [sflag:$0x6] =	stream.linear.gather [hbm4b:s0+s2], $0x1400, $0x38;
	[tilespmem:$0x19F00] =	vst v63  }
0x20: {  	s5 =	sadd.s32 $0xFFFFFFD0, s4  }
0x21: {  	[tilespmem:s9], [sflag:$0x2] =	stream.linear.gather [hbm4b:s5+s2], $0x80, $0x38;
	[tilespmem:$0x19F00] =	vst v63  }
0x22: {  	s6 =	sadd.s32 $0x280, s0  }
0x23: {  	[tilespmem:s10], [sflag:$0x7] =	stream.linear.gather [hbm4b:s6+s2], $0x1400, $0x38;
	[tilespmem:$0x19F00] =	vst v63  }
0x24: {  	s7 =	sadd.s32 $0xFFFFFFE0, s4  }
0x25: {  	[tilespmem:s11], [sflag:$0x3] =	stream.linear.gather [hbm4b:s7+s2], $0x80, $0x38;
	[tilespmem:$0x19F00] =	vst v63  }
0x26: {  	s5 =	sadd.s32 $0x500, s0  }
0x27: {  	[tilespmem:s12], [sflag:$0x8] =	stream.linear.gather [hbm4b:s5+s2], $0x1400, $0x38;
	[tilespmem:$0x19F00] =	vst v63  }
0x28: {  	s6 =	sadd.s32 $0xFFFFFFF0, s4  }
0x29: {  	[tilespmem:s13], [sflag:$0x4] =	stream.linear.gather [hbm4b:s6+s2], $0x80, $0x38;
	[tilespmem:$0x19F00] =	vst v63  }
0x2a: {  	s7 =	sadd.s32 $0x780, s0  }
0x2b: {  	[tilespmem:s14], [sflag:$0x9] =	stream.linear.gather [hbm4b:s7+s2], $0x1400, $0x38;
	[tilespmem:$0x19F00] =	vst v63  }
0x2c: {  	_ = 	snop  }
0x2d: {  	[tilespmem:s15], [sflag:$0x5] =	stream.linear.gather [hbm4b:s4+s2], $0x80, $0x38;
	[tilespmem:$0x19F00] =	vst v63  }
0x2e: {  	s0 =	sadd.s32 $0xA00, s0  }
0x2f: {  	[tilespmem:s16], [sflag:$0xA] =	stream.linear.gather [hbm4b:s0+s2], $0x1400, $0x38;
	[tilespmem:$0x19F00] =	vst v63  }
0x30: {  	_ =	swait.ge [sflag:s17], $0x80  }
0x31: {  	[sflag:s17] =	ssyncset.done $0x0  }
0x32: {  	[sflag:s17] =	ssyncadd.s32 $0xFFFFFF80  }
0x33: {  	_ =	swait.ge [sflag:s18], $0x1400  }
0x34: {  	[sflag:s18] =	ssyncset.done $0x0  }
0x35: {  	[sflag:s18] =	ssyncadd.s32 $0xFFFFEC00  }
0x36: {  	[spmem:s1] =	stream.indirect.scatter.add.f32 [tilespmem:s8], [sflag:$0x6], $0x80, s2, s19, $0xb8;
	[tilespmem:$0x19F00] =	vst v63  }
0x37: {  	_ =	swait.ge [sflag:s20], $0x80  }
0x38: {  	[sflag:s20] =	ssyncset.done $0x0  }
0x39: {  	[sflag:s20] =	ssyncadd.s32 $0xFFFFFF80  }
0x3a: {  	_ =	swait.ge [sflag:s21], $0x1400  }
0x3b: {  	[sflag:s21] =	ssyncset.done $0x0  }
0x3c: {  	[sflag:s21] =	ssyncadd.s32 $0xFFFFEC00  }
0x3d: {  	[spmem:s1] =	stream.indirect.scatter.add.f32 [tilespmem:s10], [sflag:$0x7], $0x80, s9, s19, $0xb8;
	[tilespmem:$0x19F00] =	vst v63  }
0x3e: {  	_ =	swait.ge [sflag:s22], $0x80  }
0x3f: {  	[sflag:s22] =	ssyncset.done $0x0  }
0x40: {  	[sflag:s22] =	ssyncadd.s32 $0xFFFFFF80  }
0x41: {  	_ =	swait.ge [sflag:s23], $0x1400  }
0x42: {  	[sflag:s23] =	ssyncset.done $0x0  }
0x43: {  	[sflag:s23] =	ssyncadd.s32 $0xFFFFEC00  }
0x44: {  	[spmem:s1] =	stream.indirect.scatter.add.f32 [tilespmem:s12], [sflag:$0x8], $0x80, s11, s19, $0xb8;
	[tilespmem:$0x19F00] =	vst v63  }
0x45: {  	_ =	swait.ge [sflag:s24], $0x80  }
0x46: {  	[sflag:s24] =	ssyncset.done $0x0  }
0x47: {  	[sflag:s24] =	ssyncadd.s32 $0xFFFFFF80  }
0x48: {  	_ =	swait.ge [sflag:s25], $0x1400  }
0x49: {  	[sflag:s25] =	ssyncset.done $0x0  }
0x4a: {  	[sflag:s25] =	ssyncadd.s32 $0xFFFFEC00  }
0x4b: {  	[spmem:s1] =	stream.indirect.scatter.add.f32 [tilespmem:s14], [sflag:$0x9], $0x80, s13, s19, $0xb8;
	[tilespmem:$0x19F00] =	vst v63  }
0x4c: {  	_ =	swait.ge [sflag:s26], $0x80  }
0x4d: {  	[sflag:s26] =	ssyncset.done $0x0  }
0x4e: {  	[sflag:s26] =	ssyncadd.s32 $0xFFFFFF80  }
0x4f: {  	_ =	swait.ge [sflag:s28], $0x1400  }
0x50: {  	[sflag:s28] =	ssyncset.done $0x0  }
0x51: {  	[sflag:s28] =	ssyncadd.s32 $0xFFFFEC00  }
0x52: {  	[spmem:s1] =	stream.indirect.scatter.add.f32 [tilespmem:s16], [sflag:$0xA], $0x80, s15, s19, $0xb8;
	[tilespmem:$0x19F00] =	vst v63  }
0x53: {  	_ =	swait.ge [sflag:s18], $0x1400  }
0x54: {  	[sflag:s18] =	ssyncset.done $0x0  }
0x55: {  	[sflag:s18] =	ssyncadd.s32 $0xFFFFEC00  }
0x56: {  	_ =	swait.ge [sflag:s21], $0x1400  }
0x57: {  	[sflag:s21] =	ssyncset.done $0x0  }
0x58: {  	[sflag:s21] =	ssyncadd.s32 $0xFFFFEC00  }
0x59: {  	_ =	swait.ge [sflag:s23], $0x1400  }
0x5a: {  	[sflag:s23] =	ssyncset.done $0x0  }
0x5b: {  	[sflag:s23] =	ssyncadd.s32 $0xFFFFEC00  }
0x5c: {  	_ =	swait.ge [sflag:s25], $0x1400  }
0x5d: {  	[sflag:s25] =	ssyncset.done $0x0  }
0x5e: {  	s31 =	simm.s32 $0xC80;
	s30 =	sadd.s32 $0x50, s4;
	[sflag:s25] =	ssyncadd.s32 $0xFFFFEC00  }
0x5f: {  	s3 =	sadd.s32 $0xFFFFFFC0, s30;
	s4 =	sadd.s32 $0x50, s30;
	_ =	swait.ge [sflag:s28], $0x1400  }
0x60: {  	s0 =	simm.s32 $0x1900;
	s5 =	rddreg [dreg:$0x3];
	[sflag:s28] =	ssyncset.done $0x0  }
.LBB2_2:
0x61: {  	[sflag:s28] =	ssyncadd.s32 $0xFFFFEC00  }
0x62: {  	[tilespmem:s2], [sflag:$0x1] =	stream.linear.gather [hbm4b:s3+s2], $0x80, $0x38;
	[tilespmem:$0x19F00] =	vst v63  }
0x63: {  	s7 =	sadd.s32 $0xFFFFFFC0, s4;
	s5 =	sadd.s32 s31, s5  }
0x64: {  	[tilespmem:s8], [sflag:$0x6] =	stream.linear.gather [hbm4b:s5+s2], $0x1400, $0x38;
	[tilespmem:$0x19F00] =	vst v63  }
0x65: {  	s3 =	smov.u32 s7;
	s7 =	sadd.s32 $0xFFFFFFD0, s30  }
0x66: {  	[tilespmem:s9], [sflag:$0x2] =	stream.linear.gather [hbm4b:s7+s2], $0x80, $0x38;
	[tilespmem:$0x19F00] =	vst v63  }
0x67: {  	s7 =	sadd.s32 $0x280, s5  }
0x68: {  	[tilespmem:s10], [sflag:$0x7] =	stream.linear.gather [hbm4b:s7+s2], $0x1400, $0x38;
	[tilespmem:$0x19F00] =	vst v63  }
0x69: {  	s7 =	sadd.s32 $0xFFFFFFE0, s30  }
0x6a: {  	[tilespmem:s11], [sflag:$0x3] =	stream.linear.gather [hbm4b:s7+s2], $0x80, $0x38;
	[tilespmem:$0x19F00] =	vst v63  }
0x6b: {  	s7 =	sadd.s32 $0x500, s5  }
0x6c: {  	[tilespmem:s12], [sflag:$0x8] =	stream.linear.gather [hbm4b:s7+s2], $0x1400, $0x38;
	[tilespmem:$0x19F00] =	vst v63  }
0x6d: {  	s7 =	sadd.s32 $0xFFFFFFF0, s30  }
0x6e: {  	[tilespmem:s13], [sflag:$0x4] =	stream.linear.gather [hbm4b:s7+s2], $0x80, $0x38;
	[tilespmem:$0x19F00] =	vst v63  }
0x6f: {  	s7 =	sadd.s32 $0x780, s5  }
0x70: {  	[tilespmem:s14], [sflag:$0x9] =	stream.linear.gather [hbm4b:s7+s2], $0x1400, $0x38;
	[tilespmem:$0x19F00] =	vst v63  }
0x71: {  	_ = 	snop  }
0x72: {  	[tilespmem:s15], [sflag:$0x5] =	stream.linear.gather [hbm4b:s30+s2], $0x80, $0x38;
	[tilespmem:$0x19F00] =	vst v63  }
0x73: {  	s5 =	sadd.s32 $0xA00, s5  }
0x74: {  	[tilespmem:s16], [sflag:$0xA] =	stream.linear.gather [hbm4b:s5+s2], $0x1400, $0x38;
	[tilespmem:$0x19F00] =	vst v63  }
0x75: {  	_ =	swait.ge [sflag:s17], $0x80  }
0x76: {  	[sflag:s17] =	ssyncset.done $0x0  }
0x77: {  	[sflag:s17] =	ssyncadd.s32 $0xFFFFFF80  }
0x78: {  	_ =	swait.ge [sflag:s18], $0x1400  }
0x79: {  	[sflag:s18] =	ssyncset.done $0x0  }
0x7a: {  	[sflag:s18] =	ssyncadd.s32 $0xFFFFEC00  }
0x7b: {  	[spmem:s1] =	stream.indirect.scatter.add.f32 [tilespmem:s8], [sflag:$0x6], $0x80, s2, s19, $0xb8;
	[tilespmem:$0x19F00] =	vst v63  }
0x7c: {  	_ =	swait.ge [sflag:s20], $0x80  }
0x7d: {  	[sflag:s20] =	ssyncset.done $0x0  }
0x7e: {  	[sflag:s20] =	ssyncadd.s32 $0xFFFFFF80  }
0x7f: {  	_ =	swait.ge [sflag:s21], $0x1400  }
0x80: {  	[sflag:s21] =	ssyncset.done $0x0  }
0x81: {  	[sflag:s21] =	ssyncadd.s32 $0xFFFFEC00  }
0x82: {  	[spmem:s1] =	stream.indirect.scatter.add.f32 [tilespmem:s10], [sflag:$0x7], $0x80, s9, s19, $0xb8;
	[tilespmem:$0x19F00] =	vst v63  }
0x83: {  	_ =	swait.ge [sflag:s22], $0x80  }
0x84: {  	[sflag:s22] =	ssyncset.done $0x0  }
0x85: {  	[sflag:s22] =	ssyncadd.s32 $0xFFFFFF80  }
0x86: {  	_ =	swait.ge [sflag:s23], $0x1400  }
0x87: {  	[sflag:s23] =	ssyncset.done $0x0  }
0x88: {  	[sflag:s23] =	ssyncadd.s32 $0xFFFFEC00  }
0x89: {  	[spmem:s1] =	stream.indirect.scatter.add.f32 [tilespmem:s12], [sflag:$0x8], $0x80, s11, s19, $0xb8;
	[tilespmem:$0x19F00] =	vst v63  }
0x8a: {  	_ =	swait.ge [sflag:s24], $0x80  }
0x8b: {  	[sflag:s24] =	ssyncset.done $0x0  }
0x8c: {  	[sflag:s24] =	ssyncadd.s32 $0xFFFFFF80  }
0x8d: {  	_ =	swait.ge [sflag:s25], $0x1400  }
0x8e: {  	[sflag:s25] =	ssyncset.done $0x0  }
0x8f: {  	[sflag:s25] =	ssyncadd.s32 $0xFFFFEC00  }
0x90: {  	[spmem:s1] =	stream.indirect.scatter.add.f32 [tilespmem:s14], [sflag:$0x9], $0x80, s13, s19, $0xb8;
	[tilespmem:$0x19F00] =	vst v63  }
0x91: {  	_ =	swait.ge [sflag:s26], $0x80  }
0x92: {  	[sflag:s26] =	ssyncset.done $0x0  }
0x93: {  	[sflag:s26] =	ssyncadd.s32 $0xFFFFFF80  }
0x94: {  	_ =	swait.ge [sflag:s28], $0x1400  }
0x95: {  	[sflag:s28] =	ssyncset.done $0x0  }
0x96: {  	[sflag:s28] =	ssyncadd.s32 $0xFFFFEC00  }
0x97: {  	[spmem:s1] =	stream.indirect.scatter.add.f32 [tilespmem:s16], [sflag:$0xA], $0x80, s15, s19, $0xb8;
	[tilespmem:$0x19F00] =	vst v63  }
0x98: {  	_ =	swait.ge [sflag:s18], $0x1400  }
0x99: {  	[sflag:s18] =	ssyncset.done $0x0  }
0x9a: {  	[sflag:s18] =	ssyncadd.s32 $0xFFFFEC00  }
0x9b: {  	_ =	swait.ge [sflag:s21], $0x1400  }
0x9c: {  	[sflag:s21] =	ssyncset.done $0x0  }
0x9d: {  	[sflag:s21] =	ssyncadd.s32 $0xFFFFEC00  }
0x9e: {  	_ =	swait.ge [sflag:s23], $0x1400  }
0x9f: {  	[sflag:s23] =	ssyncset.done $0x0  }
0xa0: {  	p1 =	sne.s32 s0, $0xD480;
	[sflag:s23] =	ssyncadd.s32 $0xFFFFEC00  }
.Ltmp0:
0xa1: {  	_ =	swait.ge [sflag:s25], $0x1400;
	(pc) =	sbr.rel @p1 .LBB2_2-.Ltmp0, $4  }
0xa2: {  	[sflag:s25] =	ssyncset.done $0x0  }
0xa3: {  	s6 =	smov.u32 s0;
	s0 =	sadd.s32 $0xC80, s0;
	[sflag:s25] =	ssyncadd.s32 $0xFFFFEC00  }
0xa4: {  	s31 =	smov.u32 s6;
	s30 =	smov.u32 s4;
	_ =	swait.ge [sflag:s28], $0x1400  }
0xa5: {  	s4 =	sadd.s32 $0x50, s4;
	s5 =	rddreg [dreg:$0x3];
	[sflag:s28] =	ssyncset.done $0x0  }
0xa6: {  	[sflag:s28] =	ssyncadd.s32 $0xFFFFEC00  }
0xa7: {  	[tilespmem:s2], [sflag:$0x1] =	stream.linear.gather [hbm4b:s3+s2], $0x80, $0x38;
	[tilespmem:$0x19F00] =	vst v63  }
0xa8: {  	s0 =	sadd.s32 s31, s5  }
0xa9: {  	[tilespmem:s8], [sflag:$0x6] =	stream.linear.gather [hbm4b:s0+s2], $0x1400, $0x38;
	[tilespmem:$0x19F00] =	vst v63  }
0xaa: {  	s7 =	sadd.s32 $0xFFFFFFD0, s30  }
0xab: {  	[tilespmem:s9], [sflag:$0x2] =	stream.linear.gather [hbm4b:s7+s2], $0x80, $0x38;
	[tilespmem:$0x19F00] =	vst v63  }
0xac: {  	s31 =	sadd.s32 $0x280, s0  }
0xad: {  	[tilespmem:s10], [sflag:$0x7] =	stream.linear.gather [hbm4b:s31+s2], $0x1400, $0x38;
	[tilespmem:$0x19F00] =	vst v63  }
0xae: {  	s4 =	sadd.s32 $0xFFFFFFE0, s30  }
0xaf: {  	[tilespmem:s11], [sflag:$0x3] =	stream.linear.gather [hbm4b:s4+s2], $0x80, $0x38;
	[tilespmem:$0x19F00] =	vst v63  }
0xb0: {  	s5 =	sadd.s32 $0x500, s0  }
0xb1: {  	[tilespmem:s12], [sflag:$0x8] =	stream.linear.gather [hbm4b:s5+s2], $0x1400, $0x38;
	[tilespmem:$0x19F00] =	vst v63  }
0xb2: {  	s6 =	sadd.s32 $0xFFFFFFF0, s30  }
0xb3: {  	[tilespmem:s13], [sflag:$0x4] =	stream.linear.gather [hbm4b:s6+s2], $0x80, $0x38;
	[tilespmem:$0x19F00] =	vst v63  }
0xb4: {  	s7 =	sadd.s32 $0x780, s0  }
0xb5: {  	[tilespmem:s14], [sflag:$0x9] =	stream.linear.gather [hbm4b:s7+s2], $0x1400, $0x38;
	[tilespmem:$0x19F00] =	vst v63  }
0xb6: {  	_ = 	snop  }
0xb7: {  	[tilespmem:s15], [sflag:$0x5] =	stream.linear.gather [hbm4b:s30+s2], $0x80, $0x38;
	[tilespmem:$0x19F00] =	vst v63  }
0xb8: {  	s0 =	sadd.s32 $0xA00, s0  }
0xb9: {  	[tilespmem:s16], [sflag:$0xA] =	stream.linear.gather [hbm4b:s0+s2], $0x1400, $0x38;
	[tilespmem:$0x19F00] =	vst v63  }
0xba: {  	_ =	swait.ge [sflag:s17], $0x80  }
0xbb: {  	[sflag:s17] =	ssyncset.done $0x0  }
0xbc: {  	[sflag:s17] =	ssyncadd.s32 $0xFFFFFF80  }
0xbd: {  	_ =	swait.ge [sflag:s18], $0x1400  }
0xbe: {  	[sflag:s18] =	ssyncset.done $0x0  }
0xbf: {  	[sflag:s18] =	ssyncadd.s32 $0xFFFFEC00  }
0xc0: {  	[spmem:s1] =	stream.indirect.scatter.add.f32 [tilespmem:s8], [sflag:$0x6], $0x80, s2, s19, $0xb8;
	[tilespmem:$0x19F00] =	vst v63  }
0xc1: {  	_ =	swait.ge [sflag:s20], $0x80  }
0xc2: {  	[sflag:s20] =	ssyncset.done $0x0  }
0xc3: {  	[sflag:s20] =	ssyncadd.s32 $0xFFFFFF80  }
0xc4: {  	_ =	swait.ge [sflag:s21], $0x1400  }
0xc5: {  	[sflag:s21] =	ssyncset.done $0x0  }
0xc6: {  	[sflag:s21] =	ssyncadd.s32 $0xFFFFEC00  }
0xc7: {  	[spmem:s1] =	stream.indirect.scatter.add.f32 [tilespmem:s10], [sflag:$0x7], $0x80, s9, s19, $0xb8;
	[tilespmem:$0x19F00] =	vst v63  }
0xc8: {  	_ =	swait.ge [sflag:s22], $0x80  }
0xc9: {  	[sflag:s22] =	ssyncset.done $0x0  }
0xca: {  	[sflag:s22] =	ssyncadd.s32 $0xFFFFFF80  }
0xcb: {  	_ =	swait.ge [sflag:s23], $0x1400  }
0xcc: {  	[sflag:s23] =	ssyncset.done $0x0  }
0xcd: {  	[sflag:s23] =	ssyncadd.s32 $0xFFFFEC00  }
0xce: {  	[spmem:s1] =	stream.indirect.scatter.add.f32 [tilespmem:s12], [sflag:$0x8], $0x80, s11, s19, $0xb8;
	[tilespmem:$0x19F00] =	vst v63  }
0xcf: {  	_ =	swait.ge [sflag:s24], $0x80  }
0xd0: {  	[sflag:s24] =	ssyncset.done $0x0  }
0xd1: {  	[sflag:s24] =	ssyncadd.s32 $0xFFFFFF80  }
0xd2: {  	_ =	swait.ge [sflag:s25], $0x1400  }
0xd3: {  	[sflag:s25] =	ssyncset.done $0x0  }
0xd4: {  	[sflag:s25] =	ssyncadd.s32 $0xFFFFEC00  }
0xd5: {  	[spmem:s1] =	stream.indirect.scatter.add.f32 [tilespmem:s14], [sflag:$0x9], $0x80, s13, s19, $0xb8;
	[tilespmem:$0x19F00] =	vst v63  }
0xd6: {  	_ =	swait.ge [sflag:s26], $0x80  }
0xd7: {  	[sflag:s26] =	ssyncset.done $0x0  }
0xd8: {  	[sflag:s26] =	ssyncadd.s32 $0xFFFFFF80  }
0xd9: {  	_ =	swait.ge [sflag:s28], $0x1400  }
0xda: {  	[sflag:s28] =	ssyncset.done $0x0  }
0xdb: {  	[sflag:s28] =	ssyncadd.s32 $0xFFFFEC00  }
0xdc: {  	[spmem:s1] =	stream.indirect.scatter.add.f32 [tilespmem:s16], [sflag:$0xA], $0x80, s15, s19, $0xb8;
	[tilespmem:$0x19F00] =	vst v63  }
0xdd: {  	_ =	swait.ge [sflag:s18], $0x1400  }
0xde: {  	[sflag:s18] =	ssyncset.done $0x0  }
0xdf: {  	[sflag:s18] =	ssyncadd.s32 $0xFFFFEC00  }
0xe0: {  	_ =	swait.ge [sflag:s21], $0x1400  }
0xe1: {  	[sflag:s21] =	ssyncset.done $0x0  }
0xe2: {  	[sflag:s21] =	ssyncadd.s32 $0xFFFFEC00  }
0xe3: {  	_ =	swait.ge [sflag:s23], $0x1400  }
0xe4: {  	[sflag:s23] =	ssyncset.done $0x0  }
0xe5: {  	[sflag:s23] =	ssyncadd.s32 $0xFFFFEC00  }
0xe6: {  	_ =	swait.ge [sflag:s25], $0x1400  }
0xe7: {  	[sflag:s25] =	ssyncset.done $0x0  }
0xe8: {  	[sflag:s25] =	ssyncadd.s32 $0xFFFFEC00  }
0xe9: {  	_ =	swait.ge [sflag:s28], $0x1400  }
0xea: {  	[sflag:s28] =	ssyncset.done $0x0  }
0xeb: {  	[sflag:s28] =	ssyncadd.s32 $0xFFFFEC00  }
0xec: {  	[bflag:$0x0] =	sbarrier.arrive $0xFFFF  }
0xed: {  	s3 =	rddreg [dreg:$0x5]  }
0xee: {  	s0 =	simm.s32 @!p0 $0x1C0B;
	s4 =	rddreg [dreg:$0x8]  }
0xef: {  	[hbm:s3], [sflag:s0] =	dma.local @!p0 [spmem:s4], $0x27100  }
0xf0: {  	s0 =	simm.s32 @!p0 $0xB  }
0xf1: {  	_ =	swait.ge @!p0 [sflag:s0], $0x27100  }
0xf2: {  	s29 =	sadd.s32 $0x1, s29;
	s31 =	rddreg [dreg:$0x6]  }
0xf3: {  	p1 =	sne.s32 s29, s31  }
.Ltmp1:
0xf4: {  	_ = 	snop;
	(pc) =	sbr.rel @p1 .LBB2_1-.Ltmp1, $3  }
0xf5: {  	_ =	sdelay $0x1  }
0xf6: {  	[sflag:s0] =	ssyncset.done @!p0 $0x0  }
0xf7: {  	[sflag:s0] =	ssyncadd.s32 @!p0 $0xFFFD8F00  }
0xf8: {  	_ =	sfence.sel $0x180000  }
0xf9: {  	[bflag:$0x0] =	sbarrier.arrive $0xFFFF  }
0xfa: {  	_ =	strace $0x90000056  }
0xfb: {  	[bflag:$0x2] =	sbarrier.arrive $0xFFFF  }
0xfc: {  	s0 =	rddreg [dreg:$0x2]  }
0xfd: {  	s0 =	sadd.s32 @!p0 $0x100000, s0  }
0xfe: {  	[sflag:s0] =	ssyncadd.tile.s32 @!p0 $0x1;
	_ =	shalt  }
.Lfunc_end2:
_tile_overlayer_lowered:
.L_overlay_start_2:
0xff: {  	(tag) =	ssettag $0x2  }
0x100: {  	s0 =	rddreg [dreg:$0x0];
	s2 =	stileid.u32  }
0x101: {  	s1 =	rddreg [dreg:$0x1];
	p0 =	sne.s32 s2, $0x0  }
0x102: {  	s3 =	rddreg [dreg:$0x2];
	[bflag:$0x3] =	sbarrier.arrive $0xFFFF;
	s2 =	simm.s32 @!p0 $0x1C0B  }
0x103: {  	[timem:s3], [sflag:s2] =	dma.local @!p0 [hbm:s0], s1  }
0x104: {  	s0 =	simm.s32 @!p0 $0xB  }
0x105: {  	_ =	swait.ge @!p0 [sflag:s0], s1  }
0x106: {  	s1 =	ssub.s32 @!p0 $0x0, s1;
	[sflag:s0] =	ssyncset.done @!p0 $0x0  }
0x107: {  	[sflag:s0] =	ssyncadd.s32 @!p0 s1  }
0x108: {  	[bflag:$0x3] =	sbarrier.arrive $0xFFFF  }
0x109: {  	_ =	shalt  }

</sc_bundles>
